<compile_context>
chip_gen: v7x
topology: tpu7x:2x2x1
jax: 0.10.2.dev20260603
libtpu: 0.0.44.dev20260713+nightly
codegen_flags: <defaults>
</compile_context>

<pallas_src>
import functools

import jax
import jax.numpy as jnp
from jax import lax
from jax.experimental import pallas as pl
from jax.experimental.pallas import tpu as pltpu
from jax.experimental.pallas import tpu_sc as plsc

N_NODES = 10000
N_EDGES = 320000
D = 128
N_LAYERS = 8

NC = 2
NS = 16
NW = NC * NS
K = 128
NB = 79
EPT = N_EDGES // NW
EPT_PAD = NB * K
TPAD = EPT_PAD - EPT
ACC_ROWS = 10240
ROWS_PER_TILE = ACC_ROWS // NS
PAD_SPAN = ACC_ROWS - N_NODES


@functools.cache
def _make_sc_scatter():
    return functools.partial(
        pl.kernel,
        mesh=plsc.VectorSubcoreMesh(core_axis_name="c", subcore_axis_name="s"),
        out_type=jax.ShapeDtypeStruct((NW, ROWS_PER_TILE, D), jnp.float32),
        scratch_types=[
            pltpu.VMEM((NB, K), jnp.int32),
            pltpu.VMEM((NB, K), jnp.int32),
            pltpu.VMEM((K, D), jnp.float32),
            pltpu.VMEM_SHARED((ACC_ROWS, D), jnp.float32),
        ],
    )(_sc_scatter_body)


def _sc_scatter_body(g_hbm, srcp_hbm, dstp_hbm, out_hbm,
                     src_v, dst_v, buf, acc_sh):
    c = lax.axis_index("c")
    s = lax.axis_index("s")
    w = c * NS + s

    zeros16 = jnp.zeros((16,), jnp.float32)

    def zbody(i, _):
        buf[i // 8, pl.ds((i % 8) * 16, 16)] = zeros16
        return _

    lax.fori_loop(0, K * 8, zbody, None)
    base = s * ROWS_PER_TILE
    for kc in range(ROWS_PER_TILE // K):
        pltpu.sync_copy(buf, acc_sh.at[pl.ds(base + kc * K, K)])
    if ROWS_PER_TILE % K:
        pltpu.sync_copy(buf, acc_sh.at[pl.ds(base + ROWS_PER_TILE - K, K)])
    plsc.subcore_barrier()

    pltpu.sync_copy(srcp_hbm.at[w], src_v)
    pltpu.sync_copy(dstp_hbm.at[w], dst_v)
    plsc.subcore_barrier()

    def body(j, _):
        pltpu.sync_copy(g_hbm.at[src_v.at[j]], buf)
        pltpu.sync_copy(buf, acc_sh.at[dst_v.at[j]], add=True)
        return _

    lax.fori_loop(0, NB, body, None)
    plsc.subcore_barrier()

    pltpu.sync_copy(acc_sh.at[pl.ds(base, ROWS_PER_TILE)], out_hbm.at[w])


@functools.cache
def _make_sc_degree():
    return functools.partial(
        pl.kernel,
        mesh=plsc.VectorSubcoreMesh(core_axis_name="c", subcore_axis_name="s"),
        out_type=jax.ShapeDtypeStruct((NC, NS, ROWS_PER_TILE, 16), jnp.float32),
        scratch_types=[
            pltpu.VMEM((NB, K), jnp.int32),
            pltpu.VMEM((K, 16), jnp.float32),
            pltpu.VMEM_SHARED((ACC_ROWS, 16), jnp.float32),
        ],
    )(_sc_degree_body)


def _sc_degree_body(dstp_hbm, out_hbm, dst_v, buf, deg_sh):
    c = lax.axis_index("c")
    s = lax.axis_index("s")
    w = c * NS + s

    zeros16 = jnp.zeros((16,), jnp.float32)

    def zbody(i, _):
        buf[i, :] = zeros16
        return _

    lax.fori_loop(0, K, zbody, None)
    base = s * ROWS_PER_TILE
    for kc in range(ROWS_PER_TILE // K):
        pltpu.sync_copy(buf, deg_sh.at[pl.ds(base + kc * K, K)])
    if ROWS_PER_TILE % K:
        pltpu.sync_copy(buf, deg_sh.at[pl.ds(base + ROWS_PER_TILE - K, K)])
    plsc.subcore_barrier()

    ones16 = jnp.ones((16,), jnp.float32)

    def obody(i, _):
        buf[i, :] = ones16
        return _

    lax.fori_loop(0, K, obody, None)

    pltpu.sync_copy(dstp_hbm.at[w], dst_v)
    plsc.subcore_barrier()

    def body(j, _):
        pltpu.sync_copy(buf, deg_sh.at[dst_v.at[j]], add=True)
        return _

    lax.fori_loop(0, NB, body, None)
    plsc.subcore_barrier()

    pltpu.sync_copy(deg_sh.at[pl.ds(base, ROWS_PER_TILE)], out_hbm.at[c, s])



_RB = 1000


def _tc_first_body(x_ref, w_ref, d0_ref, d1_ref, g_ref, dis_ref):
    dis = lax.rsqrt(d0_ref[...] + d1_ref[...] + 1.0)
    dis_ref[...] = dis
    g_ref[...] = jnp.dot(x_ref[...], w_ref[...],
                         preferred_element_type=jnp.float32) * dis


def _tc_first(x, W0, d0, d1):
    return pl.pallas_call(
        _tc_first_body,
        grid=(N_NODES // _RB,),
        in_specs=[
            pl.BlockSpec((_RB, D), lambda i: (i, 0)),
            pl.BlockSpec((D, D), lambda i: (0, 0)),
            pl.BlockSpec((_RB, 1), lambda i: (i, 0)),
            pl.BlockSpec((_RB, 1), lambda i: (i, 0)),
        ],
        out_specs=[
            pl.BlockSpec((_RB, D), lambda i: (i, 0)),
            pl.BlockSpec((_RB, 1), lambda i: (i, 0)),
        ],
        out_shape=[
            jax.ShapeDtypeStruct((N_NODES, D), jnp.float32),
            jax.ShapeDtypeStruct((N_NODES, 1), jnp.float32),
        ],
    )(x, W0, d0, d1)


def _tc_advance_body(a0_ref, a1_ref, g_ref, dis_ref, b_ref, w_ref, out_ref):
    dis = dis_ref[...]
    h = dis * (a0_ref[...] + a1_ref[...] + g_ref[...]) + b_ref[...]
    h = jnp.where(h >= 0, h, 0.1 * h)
    out_ref[...] = jnp.dot(h, w_ref[...],
                           preferred_element_type=jnp.float32) * dis


def _tc_advance(a0, a1, g, dis, b, W):
    return pl.pallas_call(
        _tc_advance_body,
        grid=(N_NODES // _RB,),
        in_specs=[
            pl.BlockSpec((_RB, D), lambda i: (i, 0)),
            pl.BlockSpec((_RB, D), lambda i: (i, 0)),
            pl.BlockSpec((_RB, D), lambda i: (i, 0)),
            pl.BlockSpec((_RB, 1), lambda i: (i, 0)),
            pl.BlockSpec((1, D), lambda i: (0, 0)),
            pl.BlockSpec((D, D), lambda i: (0, 0)),
        ],
        out_specs=pl.BlockSpec((_RB, D), lambda i: (i, 0)),
        out_shape=jax.ShapeDtypeStruct((N_NODES, D), jnp.float32),
    )(a0, a1, g, dis, b, W)


def _tc_final_body(a0_ref, a1_ref, u_ref, dis_ref, w_ref, out_ref):
    t = a0_ref[...] + a1_ref[...] + u_ref[...]
    out_ref[...] = jnp.dot(t, w_ref[...],
                           preferred_element_type=jnp.float32) * dis_ref[...]


def _tc_final(a0, a1, u, dis, Wp):
    return pl.pallas_call(
        _tc_final_body,
        grid=(N_NODES // _RB,),
        in_specs=[
            pl.BlockSpec((_RB, D), lambda i: (i, 0)),
            pl.BlockSpec((_RB, D), lambda i: (i, 0)),
            pl.BlockSpec((_RB, D), lambda i: (i, 0)),
            pl.BlockSpec((_RB, 1), lambda i: (i, 0)),
            pl.BlockSpec((D, D), lambda i: (0, 0)),
        ],
        out_specs=pl.BlockSpec((_RB, D), lambda i: (i, 0)),
        out_shape=jax.ShapeDtypeStruct((N_NODES, D), jnp.float32),
    )(a0, a1, u, dis, Wp)



def _acc_halves(a):
    a = a.reshape(NC, ACC_ROWS, D)
    return a[0, :N_NODES], a[1, :N_NODES]


def kernel(x, edge_index, Ws, bs, W_out, b_out):
    src = edge_index[0].astype(jnp.int32)
    dst = edge_index[1].astype(jnp.int32)
    npad = NB * K * NW - N_EDGES
    srcp = jnp.concatenate([src, jnp.zeros((npad,), jnp.int32)])
    dstp = jnp.concatenate(
        [dst, N_NODES + (jnp.arange(npad, dtype=jnp.int32) % PAD_SPAN)])
    srcp = srcp.reshape(NW, NB, K)
    dstp = dstp.reshape(NW, NB, K)

    scatter = _make_sc_scatter()

    degs = _make_sc_degree()(dstp).reshape(NC, ACC_ROWS, 16)
    d0 = degs[0, :N_NODES, 0:1]
    d1 = degs[1, :N_NODES, 0:1]

    g, dis = _tc_first(x, Ws[0], d0, d1)

    eye = jnp.eye(D, dtype=jnp.float32)
    for i in range(1, N_LAYERS + 1):
        a0, a1 = _acc_halves(scatter(g, srcp, dstp))
        W = Ws[i] if i < N_LAYERS else eye
        g = _tc_advance(a0, a1, g, dis, bs[i - 1][None, :], W)

    a0, a1 = _acc_halves(scatter(g, srcp, dstp))
    Wp = jnp.pad(W_out, ((0, 0), (0, D - 1)))
    o = _tc_final(a0, a1, g, dis, Wp)
    return o[:, 0] + b_out[0]

# --- scband reference (transcript-rebuilt; emitter-appended) ---
"""Pipeline reference for scband-gnnmodel-43860206027181 (READ-ONLY COPY).

The authoritative reference and input builder live on the scoring server;
editing this copy changes nothing except your own understanding.
"""

import jax, jax.numpy as jnp
import numpy as np

N_NODES = 10000
N_EDGES = 320000
D_IN = 128
D_HID = 128
N_LAYERS = 8


def gcn_conv(x, src, dst, W, b, num_nodes):
    # GCNConv (torch_geometric semantics): linear transform, add self-loops,
    # symmetric degree normalization, scatter-add aggregation, then bias.
    h = x @ W
    loop = jnp.arange(num_nodes, dtype=src.dtype)
    s = jnp.concatenate([src, loop])
    d = jnp.concatenate([dst, loop])
    deg = jnp.zeros((num_nodes,), dtype=h.dtype).at[d].add(1.0)
    dis = jnp.where(deg > 0, deg ** -0.5, 0.0)
    norm = dis[s] * dis[d]
    msg = h[s] * norm[:, None]
    out = jnp.zeros((num_nodes, h.shape[1]), dtype=h.dtype).at[d].add(msg)
    return out + b


def setup_inputs(seed: int = 0) -> dict:
    key = jax.random.key(seed)
    ks = jax.random.split(key, 8)
    x = jax.random.normal(ks[0], (N_NODES, D_IN), dtype=jnp.float32)
    edge_index = jax.random.randint(ks[1], (2, N_EDGES), 0, N_NODES, dtype=jnp.int64)
    # Stacked weights for the 8 hidden GCN layers (in_dim == hidden_dim == 128)
    Ws = jax.random.normal(ks[2], (N_LAYERS, D_HID, D_HID), dtype=jnp.float32) * (1.0 / np.sqrt(D_HID))
    bs = jnp.zeros((N_LAYERS, D_HID), dtype=jnp.float32)
    W_out = jax.random.normal(ks[3], (D_HID, 1), dtype=jnp.float32) * (1.0 / np.sqrt(D_HID))
    b_out = jnp.zeros((1,), dtype=jnp.float32)
    return {"x": x, "edge_index": edge_index, "Ws": Ws, "bs": bs, "W_out": W_out, "b_out": b_out}


def reference(x, edge_index, Ws, bs, W_out, b_out):
    num_nodes = x.shape[0]
    src = edge_index[0]
    dst = edge_index[1]
    h = x
    for i in range(N_LAYERS):
        h = gcn_conv(h, src, dst, Ws[i], bs[i], num_nodes)
        h = jax.nn.leaky_relu(h, negative_slope=0.1)
        # dropout(p=0.1) is identity in eval/reference mode
    out = gcn_conv(h, src, dst, W_out, b_out, num_nodes)
    return out.squeeze(-1)

if __name__ == "__main__":
    import jax
    _d = setup_inputs()
    print(jax.jit(kernel)(*tuple(_d.values())))

</pallas_src>

<mosaic_0001>
#map = affine_map<(d0, d1) -> (0, 0)>
#map1 = affine_map<(d0, d1) -> (0, 0, 0)>
module attributes {stable_mosaic.version = 14 : i64} {
  func.func @_sc_scatter_body(%arg0: i32, %arg1: i32, %arg2: memref<10000x128xf32, #tpu.memory_space<hbm>>, %arg3: memref<32x79x128xi32, #tpu.memory_space<hbm>>, %arg4: memref<32x79x128xi32, #tpu.memory_space<hbm>>, %arg5: memref<32x640x128xf32, #tpu.memory_space<hbm>>, %arg6: memref<79x128xi32, #tpu.memory_space<vmem>>, %arg7: memref<79x128xi32, #tpu.memory_space<vmem>>, %arg8: memref<128x128xf32, #tpu.memory_space<vmem>>, %arg9: memref<10240x128xf32, #tpu.memory_space<vmem_shared>>) attributes {dimension_semantics = [#tpu.dimension_semantics<core_parallel>, #tpu.dimension_semantics<subcore_parallel>], iteration_bounds = array<i64: 2, 16>, scalar_prefetch = 0 : i64, scratch_operands = 4 : i64, tpu.core_type = #tpu.core_type<sc_vector_subcore>, window_params = [{transform_indices = #map}, {transform_indices = #map1}, {transform_indices = #map1}, {transform_indices = #map1}]} {
    %mul3A = arith.constant 16 : i32
    %mul3A_0 = arith.muli %arg0, %mul3A : i32
    %add3A = arith.addi %mul3A_0, %arg1 : i32
    %broadcast_in_dim3A = arith.constant 0.000000e+00 : f32
    %broadcast_in_dim3A_1 = vector.broadcast %broadcast_in_dim3A : f32 to vector<16xf32>
    %scan3A = arith.constant 0 : i32
    %scan3A_2 = arith.constant 1024 : i32
    %scan3A_3 = arith.addi %scan3A, %scan3A_2 : i32
    %scan3A_4 = arith.constant 1 : i32
    scf.for %scan3A_25 = %scan3A to %scan3A_3 step %scan3A_4  : i32 {
      %jit3A = arith.constant 8 : i32
      %div3A = arith.divsi %scan3A_25, %jit3A : i32
      %sign3A = arith.constant 0 : i32
      %sign3A_26 = arith.cmpi sgt, %scan3A_25, %sign3A : i32
      %sign3A_27 = arith.extui %sign3A_26 : i1 to i32
      %sign3A_28 = arith.constant 0 : i32
      %sign3A_29 = arith.cmpi slt, %scan3A_25, %sign3A_28 : i32
      %sign3A_30 = arith.extui %sign3A_29 : i1 to i32
      %sign3A_31 = arith.subi %sign3A_27, %sign3A_30 : i32
      %sign3A_32 = arith.constant 0 : i32
      %sign3A_33 = arith.cmpi sgt, %jit3A, %sign3A_32 : i32
      %sign3A_34 = arith.extui %sign3A_33 : i1 to i32
      %sign3A_35 = arith.constant 0 : i32
      %sign3A_36 = arith.cmpi slt, %jit3A, %sign3A_35 : i32
      %sign3A_37 = arith.extui %sign3A_36 : i1 to i32
      %sign3A_38 = arith.subi %sign3A_34, %sign3A_37 : i32
      %ne3A = arith.cmpi ne, %sign3A_31, %sign3A_38 : i32
      %rem3A = arith.remsi %scan3A_25, %jit3A : i32
      %ne3A_39 = arith.constant 0 : i32
      %ne3A_40 = arith.cmpi ne, %rem3A, %ne3A_39 : i32
      %and3A = arith.andi %ne3A, %ne3A_40 : i1
      %sub3A = arith.constant 1 : i32
      %sub3A_41 = arith.subi %div3A, %sub3A : i32
      %select_n3A = arith.select %and3A, %sub3A_41, %div3A : i32
      %jit3A_42 = arith.constant 8 : i32
      %eq3A = arith.constant 0 : i32
      %eq3A_43 = arith.cmpi eq, %jit3A_42, %eq3A : i32
      %jit3A_44 = arith.constant 1 : i32
      %select_n3A_45 = arith.select %eq3A_43, %jit3A_44, %jit3A_42 : i32
      %rem3A_46 = arith.remsi %scan3A_25, %select_n3A_45 : i32
      %ne3A_47 = arith.constant 0 : i32
      %ne3A_48 = arith.cmpi ne, %rem3A_46, %ne3A_47 : i32
      %lt3A = arith.constant 0 : i32
      %lt3A_49 = arith.cmpi slt, %rem3A_46, %lt3A : i32
      %lt3A_50 = arith.constant 0 : i32
      %lt3A_51 = arith.cmpi slt, %select_n3A_45, %lt3A_50 : i32
      %ne3A_52 = arith.xori %lt3A_49, %lt3A_51 : i1
      %and3A_53 = arith.andi %ne3A_52, %ne3A_48 : i1
      %add3A_54 = arith.addi %rem3A_46, %select_n3A_45 : i32
      %select_n3A_55 = arith.select %and3A_53, %add3A_54, %rem3A_46 : i32
      %mul3A_56 = arith.constant 16 : i32
      %mul3A_57 = arith.muli %select_n3A_55, %mul3A_56 : i32
      %swap3A = arith.index_cast %select_n3A : i32 to index
      %swap3A_58 = arith.index_cast %mul3A_57 : i32 to index
      %swap3A_59 = tpu.vector_load %arg8[%swap3A, %swap3A_58] {strides = array<i32>} : memref<128x128xf32, #tpu.memory_space<vmem>>, vector<1x16xf32>,
      %swap3A_60 = vector.shape_cast %swap3A_59 : vector<1x16xf32> to vector<16xf32>
      %swap3A_61 = vector.shape_cast %broadcast_in_dim3A_1 : vector<16xf32> to vector<1x16xf32>
      tpu.vector_store %arg8[%swap3A, %swap3A_58], %swap3A_61 {strides = array<i32>} : memref<128x128xf32, #tpu.memory_space<vmem>>, vector<1x16xf32>,
    }
    %scan3A_5 = arith.constant 1024 : i32
    %mul3A_6 = arith.constant 640 : i32
    %mul3A_7 = arith.muli %arg1, %mul3A_6 : i32
    %add3A_8 = arith.constant 0 : i32
    %add3A_9 = arith.addi %mul3A_7, %add3A_8 : i32
    "tpu.region"() ({
      %run_scoped3A = tpu.sem_alloc : memref<!tpu.dma_semaphore, #tpu.memory_space<semaphore_mem>>
      %dma_start3A = arith.constant 0 : i32
      %dma_start3A_25 = tpu.memref_slice %arg9[%add3A_9, %dma_start3A] : memref<10240x128xf32, #tpu.memory_space<vmem_shared>> -> memref<128x128xf32, #tpu.memory_space<vmem_shared>>
      %dma_start3A_26 = arith.constant 0 : i32
      %dma_start3A_27 = tpu.memref_slice %arg9[%add3A_9, %dma_start3A_26] : memref<10240x128xf32, #tpu.memory_space<vmem_shared>> -> memref<128x128xf32, #tpu.memory_space<vmem_shared>>
      tpu.enqueue_dma source(%arg8 : memref<128x128xf32, #tpu.memory_space<vmem>>) target(%dma_start3A_27 : memref<128x128xf32, #tpu.memory_space<vmem_shared>>) target_semaphore(%run_scoped3A : memref<!tpu.dma_semaphore, #tpu.memory_space<semaphore_mem>>)
      %dma_wait3A = arith.constant 0 : i32
      %dma_wait3A_28 = tpu.memref_slice %arg9[%add3A_9, %dma_wait3A] : memref<10240x128xf32, #tpu.memory_space<vmem_shared>> -> memref<128x128xf32, #tpu.memory_space<vmem_shared>>
      %dma_wait3A_29 = arith.constant 0 : i32
      %dma_wait3A_30 = tpu.memref_slice %arg9[%add3A_9, %dma_wait3A_29] : memref<10240x128xf32, #tpu.memory_space<vmem_shared>> -> memref<128x128xf32, #tpu.memory_space<vmem_shared>>
      tpu.wait_dma2 semaphore(%run_scoped3A : memref<!tpu.dma_semaphore, #tpu.memory_space<semaphore_mem>>) src(%arg8 : memref<128x128xf32, #tpu.memory_space<vmem>>) dst(%dma_wait3A_30 : memref<128x128xf32, #tpu.memory_space<vmem_shared>>)
      tpu.yield
    }) : () -> ()
    %add3A_10 = arith.constant 128 : i32
    %add3A_11 = arith.addi %mul3A_7, %add3A_10 : i32
    "tpu.region"() ({
      %run_scoped3A = tpu.sem_alloc : memref<!tpu.dma_semaphore, #tpu.memory_space<semaphore_mem>>
      %dma_start3A = arith.constant 0 : i32
      %dma_start3A_25 = tpu.memref_slice %arg9[%add3A_11, %dma_start3A] : memref<10240x128xf32, #tpu.memory_space<vmem_shared>> -> memref<128x128xf32, #tpu.memory_space<vmem_shared>>
      %dma_start3A_26 = arith.constant 0 : i32
      %dma_start3A_27 = tpu.memref_slice %arg9[%add3A_11, %dma_start3A_26] : memref<10240x128xf32, #tpu.memory_space<vmem_shared>> -> memref<128x128xf32, #tpu.memory_space<vmem_shared>>
      tpu.enqueue_dma source(%arg8 : memref<128x128xf32, #tpu.memory_space<vmem>>) target(%dma_start3A_27 : memref<128x128xf32, #tpu.memory_space<vmem_shared>>) target_semaphore(%run_scoped3A : memref<!tpu.dma_semaphore, #tpu.memory_space<semaphore_mem>>)
      %dma_wait3A = arith.constant 0 : i32
      %dma_wait3A_28 = tpu.memref_slice %arg9[%add3A_11, %dma_wait3A] : memref<10240x128xf32, #tpu.memory_space<vmem_shared>> -> memref<128x128xf32, #tpu.memory_space<vmem_shared>>
      %dma_wait3A_29 = arith.constant 0 : i32
      %dma_wait3A_30 = tpu.memref_slice %arg9[%add3A_11, %dma_wait3A_29] : memref<10240x128xf32, #tpu.memory_space<vmem_shared>> -> memref<128x128xf32, #tpu.memory_space<vmem_shared>>
      tpu.wait_dma2 semaphore(%run_scoped3A : memref<!tpu.dma_semaphore, #tpu.memory_space<semaphore_mem>>) src(%arg8 : memref<128x128xf32, #tpu.memory_space<vmem>>) dst(%dma_wait3A_30 : memref<128x128xf32, #tpu.memory_space<vmem_shared>>)
      tpu.yield
    }) : () -> ()
    %add3A_12 = arith.constant 256 : i32
    %add3A_13 = arith.addi %mul3A_7, %add3A_12 : i32
    "tpu.region"() ({
      %run_scoped3A = tpu.sem_alloc : memref<!tpu.dma_semaphore, #tpu.memory_space<semaphore_mem>>
      %dma_start3A = arith.constant 0 : i32
      %dma_start3A_25 = tpu.memref_slice %arg9[%add3A_13, %dma_start3A] : memref<10240x128xf32, #tpu.memory_space<vmem_shared>> -> memref<128x128xf32, #tpu.memory_space<vmem_shared>>
      %dma_start3A_26 = arith.constant 0 : i32
      %dma_start3A_27 = tpu.memref_slice %arg9[%add3A_13, %dma_start3A_26] : memref<10240x128xf32, #tpu.memory_space<vmem_shared>> -> memref<128x128xf32, #tpu.memory_space<vmem_shared>>
      tpu.enqueue_dma source(%arg8 : memref<128x128xf32, #tpu.memory_space<vmem>>) target(%dma_start3A_27 : memref<128x128xf32, #tpu.memory_space<vmem_shared>>) target_semaphore(%run_scoped3A : memref<!tpu.dma_semaphore, #tpu.memory_space<semaphore_mem>>)
      %dma_wait3A = arith.constant 0 : i32
      %dma_wait3A_28 = tpu.memref_slice %arg9[%add3A_13, %dma_wait3A] : memref<10240x128xf32, #tpu.memory_space<vmem_shared>> -> memref<128x128xf32, #tpu.memory_space<vmem_shared>>
      %dma_wait3A_29 = arith.constant 0 : i32
      %dma_wait3A_30 = tpu.memref_slice %arg9[%add3A_13, %dma_wait3A_29] : memref<10240x128xf32, #tpu.memory_space<vmem_shared>> -> memref<128x128xf32, #tpu.memory_space<vmem_shared>>
      tpu.wait_dma2 semaphore(%run_scoped3A : memref<!tpu.dma_semaphore, #tpu.memory_space<semaphore_mem>>) src(%arg8 : memref<128x128xf32, #tpu.memory_space<vmem>>) dst(%dma_wait3A_30 : memref<128x128xf32, #tpu.memory_space<vmem_shared>>)
      tpu.yield
    }) : () -> ()
    %add3A_14 = arith.constant 384 : i32
    %add3A_15 = arith.addi %mul3A_7, %add3A_14 : i32
    "tpu.region"() ({
      %run_scoped3A = tpu.sem_alloc : memref<!tpu.dma_semaphore, #tpu.memory_space<semaphore_mem>>
      %dma_start3A = arith.constant 0 : i32
      %dma_start3A_25 = tpu.memref_slice %arg9[%add3A_15, %dma_start3A] : memref<10240x128xf32, #tpu.memory_space<vmem_shared>> -> memref<128x128xf32, #tpu.memory_space<vmem_shared>>
      %dma_start3A_26 = arith.constant 0 : i32
      %dma_start3A_27 = tpu.memref_slice %arg9[%add3A_15, %dma_start3A_26] : memref<10240x128xf32, #tpu.memory_space<vmem_shared>> -> memref<128x128xf32, #tpu.memory_space<vmem_shared>>
      tpu.enqueue_dma source(%arg8 : memref<128x128xf32, #tpu.memory_space<vmem>>) target(%dma_start3A_27 : memref<128x128xf32, #tpu.memory_space<vmem_shared>>) target_semaphore(%run_scoped3A : memref<!tpu.dma_semaphore, #tpu.memory_space<semaphore_mem>>)
      %dma_wait3A = arith.constant 0 : i32
      %dma_wait3A_28 = tpu.memref_slice %arg9[%add3A_15, %dma_wait3A] : memref<10240x128xf32, #tpu.memory_space<vmem_shared>> -> memref<128x128xf32, #tpu.memory_space<vmem_shared>>
      %dma_wait3A_29 = arith.constant 0 : i32
      %dma_wait3A_30 = tpu.memref_slice %arg9[%add3A_15, %dma_wait3A_29] : memref<10240x128xf32, #tpu.memory_space<vmem_shared>> -> memref<128x128xf32, #tpu.memory_space<vmem_shared>>
      tpu.wait_dma2 semaphore(%run_scoped3A : memref<!tpu.dma_semaphore, #tpu.memory_space<semaphore_mem>>) src(%arg8 : memref<128x128xf32, #tpu.memory_space<vmem>>) dst(%dma_wait3A_30 : memref<128x128xf32, #tpu.memory_space<vmem_shared>>)
      tpu.yield
    }) : () -> ()
    %add3A_16 = arith.constant 512 : i32
    %add3A_17 = arith.addi %mul3A_7, %add3A_16 : i32
    "tpu.region"() ({
      %run_scoped3A = tpu.sem_alloc : memref<!tpu.dma_semaphore, #tpu.memory_space<semaphore_mem>>
      %dma_start3A = arith.constant 0 : i32
      %dma_start3A_25 = tpu.memref_slice %arg9[%add3A_17, %dma_start3A] : memref<10240x128xf32, #tpu.memory_space<vmem_shared>> -> memref<128x128xf32, #tpu.memory_space<vmem_shared>>
      %dma_start3A_26 = arith.constant 0 : i32
      %dma_start3A_27 = tpu.memref_slice %arg9[%add3A_17, %dma_start3A_26] : memref<10240x128xf32, #tpu.memory_space<vmem_shared>> -> memref<128x128xf32, #tpu.memory_space<vmem_shared>>
      tpu.enqueue_dma source(%arg8 : memref<128x128xf32, #tpu.memory_space<vmem>>) target(%dma_start3A_27 : memref<128x128xf32, #tpu.memory_space<vmem_shared>>) target_semaphore(%run_scoped3A : memref<!tpu.dma_semaphore, #tpu.memory_space<semaphore_mem>>)
      %dma_wait3A = arith.constant 0 : i32
      %dma_wait3A_28 = tpu.memref_slice %arg9[%add3A_17, %dma_wait3A] : memref<10240x128xf32, #tpu.memory_space<vmem_shared>> -> memref<128x128xf32, #tpu.memory_space<vmem_shared>>
      %dma_wait3A_29 = arith.constant 0 : i32
      %dma_wait3A_30 = tpu.memref_slice %arg9[%add3A_17, %dma_wait3A_29] : memref<10240x128xf32, #tpu.memory_space<vmem_shared>> -> memref<128x128xf32, #tpu.memory_space<vmem_shared>>
      tpu.wait_dma2 semaphore(%run_scoped3A : memref<!tpu.dma_semaphore, #tpu.memory_space<semaphore_mem>>) src(%arg8 : memref<128x128xf32, #tpu.memory_space<vmem>>) dst(%dma_wait3A_30 : memref<128x128xf32, #tpu.memory_space<vmem_shared>>)
      tpu.yield
    }) : () -> ()
    %barrier3A = arith.constant 0 : index
    tpu.barrier barrier_id(%barrier3A)
    "tpu.region"() ({
      %run_scoped3A = tpu.sem_alloc : memref<!tpu.dma_semaphore, #tpu.memory_space<semaphore_mem>>
      %dma_start3A = arith.constant 0 : i32
      %dma_start3A_25 = arith.constant 0 : i32
      %dma_start3A_26 = tpu.memref_slice %arg3[%add3A, %dma_start3A, %dma_start3A_25] : memref<32x79x128xi32, #tpu.memory_space<hbm>> -> memref<1x79x128xi32, #tpu.memory_space<hbm>>
      %dma_start3A_27 = tpu.memref_squeeze %dma_start3A_26 : memref<1x79x128xi32, #tpu.memory_space<hbm>> -> memref<79x128xi32, #tpu.memory_space<hbm>>
      %dma_start3A_28 = arith.constant 0 : i32
      %dma_start3A_29 = arith.constant 0 : i32
      %dma_start3A_30 = tpu.memref_slice %arg3[%add3A, %dma_start3A_28, %dma_start3A_29] : memref<32x79x128xi32, #tpu.memory_space<hbm>> -> memref<1x79x128xi32, #tpu.memory_space<hbm>>
      %dma_start3A_31 = tpu.memref_squeeze %dma_start3A_30 : memref<1x79x128xi32, #tpu.memory_space<hbm>> -> memref<79x128xi32, #tpu.memory_space<hbm>>
      tpu.enqueue_dma source(%dma_start3A_31 : memref<79x128xi32, #tpu.memory_space<hbm>>) target(%arg6 : memref<79x128xi32, #tpu.memory_space<vmem>>) target_semaphore(%run_scoped3A : memref<!tpu.dma_semaphore, #tpu.memory_space<semaphore_mem>>)
      %dma_wait3A = arith.constant 0 : i32
      %dma_wait3A_32 = arith.constant 0 : i32
      %dma_wait3A_33 = tpu.memref_slice %arg3[%add3A, %dma_wait3A, %dma_wait3A_32] : memref<32x79x128xi32, #tpu.memory_space<hbm>> -> memref<1x79x128xi32, #tpu.memory_space<hbm>>
      %dma_wait3A_34 = tpu.memref_squeeze %dma_wait3A_33 : memref<1x79x128xi32, #tpu.memory_space<hbm>> -> memref<79x128xi32, #tpu.memory_space<hbm>>
      %dma_wait3A_35 = arith.constant 0 : i32
      %dma_wait3A_36 = arith.constant 0 : i32
      %dma_wait3A_37 = tpu.memref_slice %arg3[%add3A, %dma_wait3A_35, %dma_wait3A_36] : memref<32x79x128xi32, #tpu.memory_space<hbm>> -> memref<1x79x128xi32, #tpu.memory_space<hbm>>
      %dma_wait3A_38 = tpu.memref_squeeze %dma_wait3A_37 : memref<1x79x128xi32, #tpu.memory_space<hbm>> -> memref<79x128xi32, #tpu.memory_space<hbm>>
      tpu.wait_dma2 semaphore(%run_scoped3A : memref<!tpu.dma_semaphore, #tpu.memory_space<semaphore_mem>>) src(%dma_wait3A_38 : memref<79x128xi32, #tpu.memory_space<hbm>>) dst(%arg6 : memref<79x128xi32, #tpu.memory_space<vmem>>)
      tpu.yield
    }) : () -> ()
    "tpu.region"() ({
      %run_scoped3A = tpu.sem_alloc : memref<!tpu.dma_semaphore, #tpu.memory_space<semaphore_mem>>
      %dma_start3A = arith.constant 0 : i32
      %dma_start3A_25 = arith.constant 0 : i32
      %dma_start3A_26 = tpu.memref_slice %arg4[%add3A, %dma_start3A, %dma_start3A_25] : memref<32x79x128xi32, #tpu.memory_space<hbm>> -> memref<1x79x128xi32, #tpu.memory_space<hbm>>
      %dma_start3A_27 = tpu.memref_squeeze %dma_start3A_26 : memref<1x79x128xi32, #tpu.memory_space<hbm>> -> memref<79x128xi32, #tpu.memory_space<hbm>>
      %dma_start3A_28 = arith.constant 0 : i32
      %dma_start3A_29 = arith.constant 0 : i32
      %dma_start3A_30 = tpu.memref_slice %arg4[%add3A, %dma_start3A_28, %dma_start3A_29] : memref<32x79x128xi32, #tpu.memory_space<hbm>> -> memref<1x79x128xi32, #tpu.memory_space<hbm>>
      %dma_start3A_31 = tpu.memref_squeeze %dma_start3A_30 : memref<1x79x128xi32, #tpu.memory_space<hbm>> -> memref<79x128xi32, #tpu.memory_space<hbm>>
      tpu.enqueue_dma source(%dma_start3A_31 : memref<79x128xi32, #tpu.memory_space<hbm>>) target(%arg7 : memref<79x128xi32, #tpu.memory_space<vmem>>) target_semaphore(%run_scoped3A : memref<!tpu.dma_semaphore, #tpu.memory_space<semaphore_mem>>)
      %dma_wait3A = arith.constant 0 : i32
      %dma_wait3A_32 = arith.constant 0 : i32
      %dma_wait3A_33 = tpu.memref_slice %arg4[%add3A, %dma_wait3A, %dma_wait3A_32] : memref<32x79x128xi32, #tpu.memory_space<hbm>> -> memref<1x79x128xi32, #tpu.memory_space<hbm>>
      %dma_wait3A_34 = tpu.memref_squeeze %dma_wait3A_33 : memref<1x79x128xi32, #tpu.memory_space<hbm>> -> memref<79x128xi32, #tpu.memory_space<hbm>>
      %dma_wait3A_35 = arith.constant 0 : i32
      %dma_wait3A_36 = arith.constant 0 : i32
      %dma_wait3A_37 = tpu.memref_slice %arg4[%add3A, %dma_wait3A_35, %dma_wait3A_36] : memref<32x79x128xi32, #tpu.memory_space<hbm>> -> memref<1x79x128xi32, #tpu.memory_space<hbm>>
      %dma_wait3A_38 = tpu.memref_squeeze %dma_wait3A_37 : memref<1x79x128xi32, #tpu.memory_space<hbm>> -> memref<79x128xi32, #tpu.memory_space<hbm>>
      tpu.wait_dma2 semaphore(%run_scoped3A : memref<!tpu.dma_semaphore, #tpu.memory_space<semaphore_mem>>) src(%dma_wait3A_38 : memref<79x128xi32, #tpu.memory_space<hbm>>) dst(%arg7 : memref<79x128xi32, #tpu.memory_space<vmem>>)
      tpu.yield
    }) : () -> ()
    %barrier3A_18 = arith.constant 0 : index
    tpu.barrier barrier_id(%barrier3A_18)
    %scan3A_19 = arith.constant 0 : i32
    %scan3A_20 = arith.constant 79 : i32
    %scan3A_21 = arith.addi %scan3A_19, %scan3A_20 : i32
    %scan3A_22 = arith.constant 1 : i32
    scf.for %scan3A_25 = %scan3A_19 to %scan3A_21 step %scan3A_22  : i32 {
      "tpu.region"() ({
        %run_scoped3A = tpu.sem_alloc : memref<!tpu.dma_semaphore, #tpu.memory_space<semaphore_mem>>
        %dma_start3A = arith.constant 0 : i32
        %dma_start3A_26 = tpu.memref_slice %arg6[%scan3A_25, %dma_start3A] : memref<79x128xi32, #tpu.memory_space<vmem>> -> memref<1x128xi32, #tpu.memory_space<vmem>>
        %dma_start3A_27 = tpu.memref_squeeze %dma_start3A_26 : memref<1x128xi32, #tpu.memory_space<vmem>> -> memref<128xi32, #tpu.memory_space<vmem>>
        %dma_start3A_28 = arith.constant 0 : i32
        %dma_start3A_29 = arith.constant 0 : i32
        %dma_start3A_30 = tpu.memref_slice %arg2[%dma_start3A_28, %dma_start3A_29] : memref<10000x128xf32, #tpu.memory_space<hbm>> -> memref<10000x128xf32, #tpu.memory_space<hbm>>
        tpu.enqueue_indirect_dma source(%dma_start3A_30 : memref<10000x128xf32, #tpu.memory_space<hbm>>) target(%arg8 : memref<128x128xf32, #tpu.memory_space<vmem>>) offsets(%dma_start3A_27 : memref<128xi32, #tpu.memory_space<vmem>>) semaphore(%run_scoped3A : memref<!tpu.dma_semaphore, #tpu.memory_space<semaphore_mem>>)
        %dma_wait3A = arith.constant 0 : i32
        %dma_wait3A_31 = tpu.memref_slice %arg6[%scan3A_25, %dma_wait3A] : memref<79x128xi32, #tpu.memory_space<vmem>> -> memref<1x128xi32, #tpu.memory_space<vmem>>
        %dma_wait3A_32 = tpu.memref_squeeze %dma_wait3A_31 : memref<1x128xi32, #tpu.memory_space<vmem>> -> memref<128xi32, #tpu.memory_space<vmem>>
        %dma_wait3A_33 = arith.constant 0 : i32
        %dma_wait3A_34 = arith.constant 0 : i32
        %dma_wait3A_35 = tpu.memref_slice %arg2[%dma_wait3A_33, %dma_wait3A_34] : memref<10000x128xf32, #tpu.memory_space<hbm>> -> memref<10000x128xf32, #tpu.memory_space<hbm>>
        tpu.wait_indirect_dma semaphore(%run_scoped3A : memref<!tpu.dma_semaphore, #tpu.memory_space<semaphore_mem>>) src(%dma_wait3A_35 : memref<10000x128xf32, #tpu.memory_space<hbm>>) dst(%arg8 : memref<128x128xf32, #tpu.memory_space<vmem>>)
        tpu.yield
      }) : () -> ()
      "tpu.region"() ({
        %run_scoped3A = tpu.sem_alloc : memref<!tpu.dma_semaphore, #tpu.memory_space<semaphore_mem>>
        %dma_start3A = arith.constant 0 : i32
        %dma_start3A_26 = tpu.memref_slice %arg7[%scan3A_25, %dma_start3A] : memref<79x128xi32, #tpu.memory_space<vmem>> -> memref<1x128xi32, #tpu.memory_space<vmem>>
        %dma_start3A_27 = tpu.memref_squeeze %dma_start3A_26 : memref<1x128xi32, #tpu.memory_space<vmem>> -> memref<128xi32, #tpu.memory_space<vmem>>
        %dma_start3A_28 = arith.constant 0 : i32
        %dma_start3A_29 = arith.constant 0 : i32
        %dma_start3A_30 = tpu.memref_slice %arg9[%dma_start3A_28, %dma_start3A_29] : memref<10240x128xf32, #tpu.memory_space<vmem_shared>> -> memref<10240x128xf32, #tpu.memory_space<vmem_shared>>
        tpu.enqueue_indirect_dma source(%arg8 : memref<128x128xf32, #tpu.memory_space<vmem>>) target(%dma_start3A_30 : memref<10240x128xf32, #tpu.memory_space<vmem_shared>>) offsets(%dma_start3A_27 : memref<128xi32, #tpu.memory_space<vmem>>) semaphore(%run_scoped3A : memref<!tpu.dma_semaphore, #tpu.memory_space<semaphore_mem>>) {add = true}
        %dma_wait3A = arith.constant 0 : i32
        %dma_wait3A_31 = tpu.memref_slice %arg7[%scan3A_25, %dma_wait3A] : memref<79x128xi32, #tpu.memory_space<vmem>> -> memref<1x128xi32, #tpu.memory_space<vmem>>
        %dma_wait3A_32 = tpu.memref_squeeze %dma_wait3A_31 : memref<1x128xi32, #tpu.memory_space<vmem>> -> memref<128xi32, #tpu.memory_space<vmem>>
        %dma_wait3A_33 = arith.constant 0 : i32
        %dma_wait3A_34 = arith.constant 0 : i32
        %dma_wait3A_35 = tpu.memref_slice %arg9[%dma_wait3A_33, %dma_wait3A_34] : memref<10240x128xf32, #tpu.memory_space<vmem_shared>> -> memref<10240x128xf32, #tpu.memory_space<vmem_shared>>
        tpu.wait_indirect_dma semaphore(%run_scoped3A : memref<!tpu.dma_semaphore, #tpu.memory_space<semaphore_mem>>) src(%arg8 : memref<128x128xf32, #tpu.memory_space<vmem>>) dst(%dma_wait3A_35 : memref<10240x128xf32, #tpu.memory_space<vmem_shared>>)
        tpu.yield
      }) : () -> ()
    }
    %scan3A_23 = arith.constant 79 : i32
    %barrier3A_24 = arith.constant 0 : index
    tpu.barrier barrier_id(%barrier3A_24)
    "tpu.region"() ({
      %run_scoped3A = tpu.sem_alloc : memref<!tpu.dma_semaphore, #tpu.memory_space<semaphore_mem>>
      %dma_start3A = arith.constant 0 : i32
      %dma_start3A_25 = arith.constant 0 : i32
      %dma_start3A_26 = tpu.memref_slice %arg5[%add3A, %dma_start3A, %dma_start3A_25] : memref<32x640x128xf32, #tpu.memory_space<hbm>> -> memref<1x640x128xf32, #tpu.memory_space<hbm>>
      %dma_start3A_27 = tpu.memref_squeeze %dma_start3A_26 : memref<1x640x128xf32, #tpu.memory_space<hbm>> -> memref<640x128xf32, #tpu.memory_space<hbm>>
      %dma_start3A_28 = arith.constant 0 : i32
      %dma_start3A_29 = tpu.memref_slice %arg9[%mul3A_7, %dma_start3A_28] : memref<10240x128xf32, #tpu.memory_space<vmem_shared>> -> memref<640x128xf32, #tpu.memory_space<vmem_shared>>
      tpu.enqueue_dma source(%dma_start3A_29 : memref<640x128xf32, #tpu.memory_space<vmem_shared>>) target(%dma_start3A_27 : memref<640x128xf32, #tpu.memory_space<hbm>>) target_semaphore(%run_scoped3A : memref<!tpu.dma_semaphore, #tpu.memory_space<semaphore_mem>>)
      %dma_wait3A = arith.constant 0 : i32
      %dma_wait3A_30 = arith.constant 0 : i32
      %dma_wait3A_31 = tpu.memref_slice %arg5[%add3A, %dma_wait3A, %dma_wait3A_30] : memref<32x640x128xf32, #tpu.memory_space<hbm>> -> memref<1x640x128xf32, #tpu.memory_space<hbm>>
      %dma_wait3A_32 = tpu.memref_squeeze %dma_wait3A_31 : memref<1x640x128xf32, #tpu.memory_space<hbm>> -> memref<640x128xf32, #tpu.memory_space<hbm>>
      %dma_wait3A_33 = arith.constant 0 : i32
      %dma_wait3A_34 = tpu.memref_slice %arg9[%mul3A_7, %dma_wait3A_33] : memref<10240x128xf32, #tpu.memory_space<vmem_shared>> -> memref<640x128xf32, #tpu.memory_space<vmem_shared>>
      tpu.wait_dma2 semaphore(%run_scoped3A : memref<!tpu.dma_semaphore, #tpu.memory_space<semaphore_mem>>) src(%dma_wait3A_34 : memref<640x128xf32, #tpu.memory_space<vmem_shared>>) dst(%dma_wait3A_32 : memref<640x128xf32, #tpu.memory_space<hbm>>)
      tpu.yield
    }) : () -> ()
    return
  }
}

#map = affine_map<(d0, d1) -> (0, 0, 0)>
#map1 = affine_map<(d0, d1) -> (0, 0, 0, 0)>
module attributes {stable_mosaic.version = 14 : i64} {
  func.func @_sc_degree_body(%arg0: i32, %arg1: i32, %arg2: memref<32x79x128xi32, #tpu.memory_space<hbm>>, %arg3: memref<2x16x640x16xf32, #tpu.memory_space<hbm>>, %arg4: memref<79x128xi32, #tpu.memory_space<vmem>>, %arg5: memref<128x16xf32, #tpu.memory_space<vmem>>, %arg6: memref<10240x16xf32, #tpu.memory_space<vmem_shared>>) attributes {dimension_semantics = [#tpu.dimension_semantics<core_parallel>, #tpu.dimension_semantics<subcore_parallel>], iteration_bounds = array<i64: 2, 16>, scalar_prefetch = 0 : i64, scratch_operands = 3 : i64, tpu.core_type = #tpu.core_type<sc_vector_subcore>, window_params = [{transform_indices = #map}, {transform_indices = #map1}]} {
    %mul3A = arith.constant 16 : i32
    %mul3A_0 = arith.muli %arg0, %mul3A : i32
    %add3A = arith.addi %mul3A_0, %arg1 : i32
    %broadcast_in_dim3A = arith.constant 0.000000e+00 : f32
    %broadcast_in_dim3A_1 = vector.broadcast %broadcast_in_dim3A : f32 to vector<16xf32>
    %scan3A = arith.constant 0 : i32
    %scan3A_2 = arith.constant 128 : i32
    %scan3A_3 = arith.addi %scan3A, %scan3A_2 : i32
    %scan3A_4 = arith.constant 1 : i32
    scf.for %scan3A_32 = %scan3A to %scan3A_3 step %scan3A_4  : i32 {
      %swap3A = arith.index_cast %scan3A_32 : i32 to index
      %swap3A_33 = arith.constant 0 : index
      %swap3A_34 = tpu.vector_load %arg5[%swap3A, %swap3A_33] {strides = array<i32>} : memref<128x16xf32, #tpu.memory_space<vmem>>, vector<1x16xf32>,
      %swap3A_35 = vector.shape_cast %swap3A_34 : vector<1x16xf32> to vector<16xf32>
      %swap3A_36 = vector.shape_cast %broadcast_in_dim3A_1 : vector<16xf32> to vector<1x16xf32>
      tpu.vector_store %arg5[%swap3A, %swap3A_33], %swap3A_36 {strides = array<i32>} : memref<128x16xf32, #tpu.memory_space<vmem>>, vector<1x16xf32>,
    }
    %scan3A_5 = arith.constant 128 : i32
    %mul3A_6 = arith.constant 640 : i32
    %mul3A_7 = arith.muli %arg1, %mul3A_6 : i32
    %add3A_8 = arith.constant 0 : i32
    %add3A_9 = arith.addi %mul3A_7, %add3A_8 : i32
    "tpu.region"() ({
      %run_scoped3A = tpu.sem_alloc : memref<!tpu.dma_semaphore, #tpu.memory_space<semaphore_mem>>
      %dma_start3A = arith.constant 0 : i32
      %dma_start3A_32 = tpu.memref_slice %arg6[%add3A_9, %dma_start3A] : memref<10240x16xf32, #tpu.memory_space<vmem_shared>> -> memref<128x16xf32, #tpu.memory_space<vmem_shared>>
      %dma_start3A_33 = arith.constant 0 : i32
      %dma_start3A_34 = tpu.memref_slice %arg6[%add3A_9, %dma_start3A_33] : memref<10240x16xf32, #tpu.memory_space<vmem_shared>> -> memref<128x16xf32, #tpu.memory_space<vmem_shared>>
      tpu.enqueue_dma source(%arg5 : memref<128x16xf32, #tpu.memory_space<vmem>>) target(%dma_start3A_34 : memref<128x16xf32, #tpu.memory_space<vmem_shared>>) target_semaphore(%run_scoped3A : memref<!tpu.dma_semaphore, #tpu.memory_space<semaphore_mem>>)
      %dma_wait3A = arith.constant 0 : i32
      %dma_wait3A_35 = tpu.memref_slice %arg6[%add3A_9, %dma_wait3A] : memref<10240x16xf32, #tpu.memory_space<vmem_shared>> -> memref<128x16xf32, #tpu.memory_space<vmem_shared>>
      %dma_wait3A_36 = arith.constant 0 : i32
      %dma_wait3A_37 = tpu.memref_slice %arg6[%add3A_9, %dma_wait3A_36] : memref<10240x16xf32, #tpu.memory_space<vmem_shared>> -> memref<128x16xf32, #tpu.memory_space<vmem_shared>>
      tpu.wait_dma2 semaphore(%run_scoped3A : memref<!tpu.dma_semaphore, #tpu.memory_space<semaphore_mem>>) src(%arg5 : memref<128x16xf32, #tpu.memory_space<vmem>>) dst(%dma_wait3A_37 : memref<128x16xf32, #tpu.memory_space<vmem_shared>>)
      tpu.yield
    }) : () -> ()
    %add3A_10 = arith.constant 128 : i32
    %add3A_11 = arith.addi %mul3A_7, %add3A_10 : i32
    "tpu.region"() ({
      %run_scoped3A = tpu.sem_alloc : memref<!tpu.dma_semaphore, #tpu.memory_space<semaphore_mem>>
      %dma_start3A = arith.constant 0 : i32
      %dma_start3A_32 = tpu.memref_slice %arg6[%add3A_11, %dma_start3A] : memref<10240x16xf32, #tpu.memory_space<vmem_shared>> -> memref<128x16xf32, #tpu.memory_space<vmem_shared>>
      %dma_start3A_33 = arith.constant 0 : i32
      %dma_start3A_34 = tpu.memref_slice %arg6[%add3A_11, %dma_start3A_33] : memref<10240x16xf32, #tpu.memory_space<vmem_shared>> -> memref<128x16xf32, #tpu.memory_space<vmem_shared>>
      tpu.enqueue_dma source(%arg5 : memref<128x16xf32, #tpu.memory_space<vmem>>) target(%dma_start3A_34 : memref<128x16xf32, #tpu.memory_space<vmem_shared>>) target_semaphore(%run_scoped3A : memref<!tpu.dma_semaphore, #tpu.memory_space<semaphore_mem>>)
      %dma_wait3A = arith.constant 0 : i32
      %dma_wait3A_35 = tpu.memref_slice %arg6[%add3A_11, %dma_wait3A] : memref<10240x16xf32, #tpu.memory_space<vmem_shared>> -> memref<128x16xf32, #tpu.memory_space<vmem_shared>>
      %dma_wait3A_36 = arith.constant 0 : i32
      %dma_wait3A_37 = tpu.memref_slice %arg6[%add3A_11, %dma_wait3A_36] : memref<10240x16xf32, #tpu.memory_space<vmem_shared>> -> memref<128x16xf32, #tpu.memory_space<vmem_shared>>
      tpu.wait_dma2 semaphore(%run_scoped3A : memref<!tpu.dma_semaphore, #tpu.memory_space<semaphore_mem>>) src(%arg5 : memref<128x16xf32, #tpu.memory_space<vmem>>) dst(%dma_wait3A_37 : memref<128x16xf32, #tpu.memory_space<vmem_shared>>)
      tpu.yield
    }) : () -> ()
    %add3A_12 = arith.constant 256 : i32
    %add3A_13 = arith.addi %mul3A_7, %add3A_12 : i32
    "tpu.region"() ({
      %run_scoped3A = tpu.sem_alloc : memref<!tpu.dma_semaphore, #tpu.memory_space<semaphore_mem>>
      %dma_start3A = arith.constant 0 : i32
      %dma_start3A_32 = tpu.memref_slice %arg6[%add3A_13, %dma_start3A] : memref<10240x16xf32, #tpu.memory_space<vmem_shared>> -> memref<128x16xf32, #tpu.memory_space<vmem_shared>>
      %dma_start3A_33 = arith.constant 0 : i32
      %dma_start3A_34 = tpu.memref_slice %arg6[%add3A_13, %dma_start3A_33] : memref<10240x16xf32, #tpu.memory_space<vmem_shared>> -> memref<128x16xf32, #tpu.memory_space<vmem_shared>>
      tpu.enqueue_dma source(%arg5 : memref<128x16xf32, #tpu.memory_space<vmem>>) target(%dma_start3A_34 : memref<128x16xf32, #tpu.memory_space<vmem_shared>>) target_semaphore(%run_scoped3A : memref<!tpu.dma_semaphore, #tpu.memory_space<semaphore_mem>>)
      %dma_wait3A = arith.constant 0 : i32
      %dma_wait3A_35 = tpu.memref_slice %arg6[%add3A_13, %dma_wait3A] : memref<10240x16xf32, #tpu.memory_space<vmem_shared>> -> memref<128x16xf32, #tpu.memory_space<vmem_shared>>
      %dma_wait3A_36 = arith.constant 0 : i32
      %dma_wait3A_37 = tpu.memref_slice %arg6[%add3A_13, %dma_wait3A_36] : memref<10240x16xf32, #tpu.memory_space<vmem_shared>> -> memref<128x16xf32, #tpu.memory_space<vmem_shared>>
      tpu.wait_dma2 semaphore(%run_scoped3A : memref<!tpu.dma_semaphore, #tpu.memory_space<semaphore_mem>>) src(%arg5 : memref<128x16xf32, #tpu.memory_space<vmem>>) dst(%dma_wait3A_37 : memref<128x16xf32, #tpu.memory_space<vmem_shared>>)
      tpu.yield
    }) : () -> ()
    %add3A_14 = arith.constant 384 : i32
    %add3A_15 = arith.addi %mul3A_7, %add3A_14 : i32
    "tpu.region"() ({
      %run_scoped3A = tpu.sem_alloc : memref<!tpu.dma_semaphore, #tpu.memory_space<semaphore_mem>>
      %dma_start3A = arith.constant 0 : i32
      %dma_start3A_32 = tpu.memref_slice %arg6[%add3A_15, %dma_start3A] : memref<10240x16xf32, #tpu.memory_space<vmem_shared>> -> memref<128x16xf32, #tpu.memory_space<vmem_shared>>
      %dma_start3A_33 = arith.constant 0 : i32
      %dma_start3A_34 = tpu.memref_slice %arg6[%add3A_15, %dma_start3A_33] : memref<10240x16xf32, #tpu.memory_space<vmem_shared>> -> memref<128x16xf32, #tpu.memory_space<vmem_shared>>
      tpu.enqueue_dma source(%arg5 : memref<128x16xf32, #tpu.memory_space<vmem>>) target(%dma_start3A_34 : memref<128x16xf32, #tpu.memory_space<vmem_shared>>) target_semaphore(%run_scoped3A : memref<!tpu.dma_semaphore, #tpu.memory_space<semaphore_mem>>)
      %dma_wait3A = arith.constant 0 : i32
      %dma_wait3A_35 = tpu.memref_slice %arg6[%add3A_15, %dma_wait3A] : memref<10240x16xf32, #tpu.memory_space<vmem_shared>> -> memref<128x16xf32, #tpu.memory_space<vmem_shared>>
      %dma_wait3A_36 = arith.constant 0 : i32
      %dma_wait3A_37 = tpu.memref_slice %arg6[%add3A_15, %dma_wait3A_36] : memref<10240x16xf32, #tpu.memory_space<vmem_shared>> -> memref<128x16xf32, #tpu.memory_space<vmem_shared>>
      tpu.wait_dma2 semaphore(%run_scoped3A : memref<!tpu.dma_semaphore, #tpu.memory_space<semaphore_mem>>) src(%arg5 : memref<128x16xf32, #tpu.memory_space<vmem>>) dst(%dma_wait3A_37 : memref<128x16xf32, #tpu.memory_space<vmem_shared>>)
      tpu.yield
    }) : () -> ()
    %add3A_16 = arith.constant 512 : i32
    %add3A_17 = arith.addi %mul3A_7, %add3A_16 : i32
    "tpu.region"() ({
      %run_scoped3A = tpu.sem_alloc : memref<!tpu.dma_semaphore, #tpu.memory_space<semaphore_mem>>
      %dma_start3A = arith.constant 0 : i32
      %dma_start3A_32 = tpu.memref_slice %arg6[%add3A_17, %dma_start3A] : memref<10240x16xf32, #tpu.memory_space<vmem_shared>> -> memref<128x16xf32, #tpu.memory_space<vmem_shared>>
      %dma_start3A_33 = arith.constant 0 : i32
      %dma_start3A_34 = tpu.memref_slice %arg6[%add3A_17, %dma_start3A_33] : memref<10240x16xf32, #tpu.memory_space<vmem_shared>> -> memref<128x16xf32, #tpu.memory_space<vmem_shared>>
      tpu.enqueue_dma source(%arg5 : memref<128x16xf32, #tpu.memory_space<vmem>>) target(%dma_start3A_34 : memref<128x16xf32, #tpu.memory_space<vmem_shared>>) target_semaphore(%run_scoped3A : memref<!tpu.dma_semaphore, #tpu.memory_space<semaphore_mem>>)
      %dma_wait3A = arith.constant 0 : i32
      %dma_wait3A_35 = tpu.memref_slice %arg6[%add3A_17, %dma_wait3A] : memref<10240x16xf32, #tpu.memory_space<vmem_shared>> -> memref<128x16xf32, #tpu.memory_space<vmem_shared>>
      %dma_wait3A_36 = arith.constant 0 : i32
      %dma_wait3A_37 = tpu.memref_slice %arg6[%add3A_17, %dma_wait3A_36] : memref<10240x16xf32, #tpu.memory_space<vmem_shared>> -> memref<128x16xf32, #tpu.memory_space<vmem_shared>>
      tpu.wait_dma2 semaphore(%run_scoped3A : memref<!tpu.dma_semaphore, #tpu.memory_space<semaphore_mem>>) src(%arg5 : memref<128x16xf32, #tpu.memory_space<vmem>>) dst(%dma_wait3A_37 : memref<128x16xf32, #tpu.memory_space<vmem_shared>>)
      tpu.yield
    }) : () -> ()
    %barrier3A = arith.constant 0 : index
    tpu.barrier barrier_id(%barrier3A)
    %broadcast_in_dim3A_18 = arith.constant 1.000000e+00 : f32
    %broadcast_in_dim3A_19 = vector.broadcast %broadcast_in_dim3A_18 : f32 to vector<16xf32>
    %scan3A_20 = arith.constant 0 : i32
    %scan3A_21 = arith.constant 128 : i32
    %scan3A_22 = arith.addi %scan3A_20, %scan3A_21 : i32
    %scan3A_23 = arith.constant 1 : i32
    scf.for %scan3A_32 = %scan3A_20 to %scan3A_22 step %scan3A_23  : i32 {
      %swap3A = arith.index_cast %scan3A_32 : i32 to index
      %swap3A_33 = arith.constant 0 : index
      %swap3A_34 = tpu.vector_load %arg5[%swap3A, %swap3A_33] {strides = array<i32>} : memref<128x16xf32, #tpu.memory_space<vmem>>, vector<1x16xf32>,
      %swap3A_35 = vector.shape_cast %swap3A_34 : vector<1x16xf32> to vector<16xf32>
      %swap3A_36 = vector.shape_cast %broadcast_in_dim3A_19 : vector<16xf32> to vector<1x16xf32>
      tpu.vector_store %arg5[%swap3A, %swap3A_33], %swap3A_36 {strides = array<i32>} : memref<128x16xf32, #tpu.memory_space<vmem>>, vector<1x16xf32>,
    }
    %scan3A_24 = arith.constant 128 : i32
    "tpu.region"() ({
      %run_scoped3A = tpu.sem_alloc : memref<!tpu.dma_semaphore, #tpu.memory_space<semaphore_mem>>
      %dma_start3A = arith.constant 0 : i32
      %dma_start3A_32 = arith.constant 0 : i32
      %dma_start3A_33 = tpu.memref_slice %arg2[%add3A, %dma_start3A, %dma_start3A_32] : memref<32x79x128xi32, #tpu.memory_space<hbm>> -> memref<1x79x128xi32, #tpu.memory_space<hbm>>
      %dma_start3A_34 = tpu.memref_squeeze %dma_start3A_33 : memref<1x79x128xi32, #tpu.memory_space<hbm>> -> memref<79x128xi32, #tpu.memory_space<hbm>>
      %dma_start3A_35 = arith.constant 0 : i32
      %dma_start3A_36 = arith.constant 0 : i32
      %dma_start3A_37 = tpu.memref_slice %arg2[%add3A, %dma_start3A_35, %dma_start3A_36] : memref<32x79x128xi32, #tpu.memory_space<hbm>> -> memref<1x79x128xi32, #tpu.memory_space<hbm>>
      %dma_start3A_38 = tpu.memref_squeeze %dma_start3A_37 : memref<1x79x128xi32, #tpu.memory_space<hbm>> -> memref<79x128xi32, #tpu.memory_space<hbm>>
      tpu.enqueue_dma source(%dma_start3A_38 : memref<79x128xi32, #tpu.memory_space<hbm>>) target(%arg4 : memref<79x128xi32, #tpu.memory_space<vmem>>) target_semaphore(%run_scoped3A : memref<!tpu.dma_semaphore, #tpu.memory_space<semaphore_mem>>)
      %dma_wait3A = arith.constant 0 : i32
      %dma_wait3A_39 = arith.constant 0 : i32
      %dma_wait3A_40 = tpu.memref_slice %arg2[%add3A, %dma_wait3A, %dma_wait3A_39] : memref<32x79x128xi32, #tpu.memory_space<hbm>> -> memref<1x79x128xi32, #tpu.memory_space<hbm>>
      %dma_wait3A_41 = tpu.memref_squeeze %dma_wait3A_40 : memref<1x79x128xi32, #tpu.memory_space<hbm>> -> memref<79x128xi32, #tpu.memory_space<hbm>>
      %dma_wait3A_42 = arith.constant 0 : i32
      %dma_wait3A_43 = arith.constant 0 : i32
      %dma_wait3A_44 = tpu.memref_slice %arg2[%add3A, %dma_wait3A_42, %dma_wait3A_43] : memref<32x79x128xi32, #tpu.memory_space<hbm>> -> memref<1x79x128xi32, #tpu.memory_space<hbm>>
      %dma_wait3A_45 = tpu.memref_squeeze %dma_wait3A_44 : memref<1x79x128xi32, #tpu.memory_space<hbm>> -> memref<79x128xi32, #tpu.memory_space<hbm>>
      tpu.wait_dma2 semaphore(%run_scoped3A : memref<!tpu.dma_semaphore, #tpu.memory_space<semaphore_mem>>) src(%dma_wait3A_45 : memref<79x128xi32, #tpu.memory_space<hbm>>) dst(%arg4 : memref<79x128xi32, #tpu.memory_space<vmem>>)
      tpu.yield
    }) : () -> ()
    %barrier3A_25 = arith.constant 0 : index
    tpu.barrier barrier_id(%barrier3A_25)
    %scan3A_26 = arith.constant 0 : i32
    %scan3A_27 = arith.constant 79 : i32
    %scan3A_28 = arith.addi %scan3A_26, %scan3A_27 : i32
    %scan3A_29 = arith.constant 1 : i32
    scf.for %scan3A_32 = %scan3A_26 to %scan3A_28 step %scan3A_29  : i32 {
      "tpu.region"() ({
        %run_scoped3A = tpu.sem_alloc : memref<!tpu.dma_semaphore, #tpu.memory_space<semaphore_mem>>
        %dma_start3A = arith.constant 0 : i32
        %dma_start3A_33 = tpu.memref_slice %arg4[%scan3A_32, %dma_start3A] : memref<79x128xi32, #tpu.memory_space<vmem>> -> memref<1x128xi32, #tpu.memory_space<vmem>>
        %dma_start3A_34 = tpu.memref_squeeze %dma_start3A_33 : memref<1x128xi32, #tpu.memory_space<vmem>> -> memref<128xi32, #tpu.memory_space<vmem>>
        %dma_start3A_35 = arith.constant 0 : i32
        %dma_start3A_36 = arith.constant 0 : i32
        %dma_start3A_37 = tpu.memref_slice %arg6[%dma_start3A_35, %dma_start3A_36] : memref<10240x16xf32, #tpu.memory_space<vmem_shared>> -> memref<10240x16xf32, #tpu.memory_space<vmem_shared>>
        tpu.enqueue_indirect_dma source(%arg5 : memref<128x16xf32, #tpu.memory_space<vmem>>) target(%dma_start3A_37 : memref<10240x16xf32, #tpu.memory_space<vmem_shared>>) offsets(%dma_start3A_34 : memref<128xi32, #tpu.memory_space<vmem>>) semaphore(%run_scoped3A : memref<!tpu.dma_semaphore, #tpu.memory_space<semaphore_mem>>) {add = true}
        %dma_wait3A = arith.constant 0 : i32
        %dma_wait3A_38 = tpu.memref_slice %arg4[%scan3A_32, %dma_wait3A] : memref<79x128xi32, #tpu.memory_space<vmem>> -> memref<1x128xi32, #tpu.memory_space<vmem>>
        %dma_wait3A_39 = tpu.memref_squeeze %dma_wait3A_38 : memref<1x128xi32, #tpu.memory_space<vmem>> -> memref<128xi32, #tpu.memory_space<vmem>>
        %dma_wait3A_40 = arith.constant 0 : i32
        %dma_wait3A_41 = arith.constant 0 : i32
        %dma_wait3A_42 = tpu.memref_slice %arg6[%dma_wait3A_40, %dma_wait3A_41] : memref<10240x16xf32, #tpu.memory_space<vmem_shared>> -> memref<10240x16xf32, #tpu.memory_space<vmem_shared>>
        tpu.wait_indirect_dma semaphore(%run_scoped3A : memref<!tpu.dma_semaphore, #tpu.memory_space<semaphore_mem>>) src(%arg5 : memref<128x16xf32, #tpu.memory_space<vmem>>) dst(%dma_wait3A_42 : memref<10240x16xf32, #tpu.memory_space<vmem_shared>>)
        tpu.yield
      }) : () -> ()
    }
    %scan3A_30 = arith.constant 79 : i32
    %barrier3A_31 = arith.constant 0 : index
    tpu.barrier barrier_id(%barrier3A_31)
    "tpu.region"() ({
      %run_scoped3A = tpu.sem_alloc : memref<!tpu.dma_semaphore, #tpu.memory_space<semaphore_mem>>
      %dma_start3A = arith.constant 0 : i32
      %dma_start3A_32 = arith.constant 0 : i32
      %dma_start3A_33 = tpu.memref_slice %arg3[%arg0, %arg1, %dma_start3A, %dma_start3A_32] : memref<2x16x640x16xf32, #tpu.memory_space<hbm>> -> memref<1x1x640x16xf32, #tpu.memory_space<hbm>>
      %dma_start3A_34 = tpu.memref_squeeze %dma_start3A_33 : memref<1x1x640x16xf32, #tpu.memory_space<hbm>> -> memref<640x16xf32, #tpu.memory_space<hbm>>
      %dma_start3A_35 = arith.constant 0 : i32
      %dma_start3A_36 = tpu.memref_slice %arg6[%mul3A_7, %dma_start3A_35] : memref<10240x16xf32, #tpu.memory_space<vmem_shared>> -> memref<640x16xf32, #tpu.memory_space<vmem_shared>>
      tpu.enqueue_dma source(%dma_start3A_36 : memref<640x16xf32, #tpu.memory_space<vmem_shared>>) target(%dma_start3A_34 : memref<640x16xf32, #tpu.memory_space<hbm>>) target_semaphore(%run_scoped3A : memref<!tpu.dma_semaphore, #tpu.memory_space<semaphore_mem>>)
      %dma_wait3A = arith.constant 0 : i32
      %dma_wait3A_37 = arith.constant 0 : i32
      %dma_wait3A_38 = tpu.memref_slice %arg3[%arg0, %arg1, %dma_wait3A, %dma_wait3A_37] : memref<2x16x640x16xf32, #tpu.memory_space<hbm>> -> memref<1x1x640x16xf32, #tpu.memory_space<hbm>>
      %dma_wait3A_39 = tpu.memref_squeeze %dma_wait3A_38 : memref<1x1x640x16xf32, #tpu.memory_space<hbm>> -> memref<640x16xf32, #tpu.memory_space<hbm>>
      %dma_wait3A_40 = arith.constant 0 : i32
      %dma_wait3A_41 = tpu.memref_slice %arg6[%mul3A_7, %dma_wait3A_40] : memref<10240x16xf32, #tpu.memory_space<vmem_shared>> -> memref<640x16xf32, #tpu.memory_space<vmem_shared>>
      tpu.wait_dma2 semaphore(%run_scoped3A : memref<!tpu.dma_semaphore, #tpu.memory_space<semaphore_mem>>) src(%dma_wait3A_41 : memref<640x16xf32, #tpu.memory_space<vmem_shared>>) dst(%dma_wait3A_39 : memref<640x16xf32, #tpu.memory_space<hbm>>)
      tpu.yield
    }) : () -> ()
    return
  }
}

#map = affine_map<(d0, d1) -> (0, 0)>
#map1 = affine_map<(d0, d1) -> (0, 0, 0)>
module attributes {stable_mosaic.version = 14 : i64} {
  func.func @_sc_scatter_body(%arg0: i32, %arg1: i32, %arg2: memref<10000x128xf32, #tpu.memory_space<hbm>>, %arg3: memref<32x79x128xi32, #tpu.memory_space<hbm>>, %arg4: memref<32x79x128xi32, #tpu.memory_space<hbm>>, %arg5: memref<32x640x128xf32, #tpu.memory_space<hbm>>, %arg6: memref<79x128xi32, #tpu.memory_space<vmem>>, %arg7: memref<79x128xi32, #tpu.memory_space<vmem>>, %arg8: memref<128x128xf32, #tpu.memory_space<vmem>>, %arg9: memref<10240x128xf32, #tpu.memory_space<vmem_shared>>) attributes {dimension_semantics = [#tpu.dimension_semantics<core_parallel>, #tpu.dimension_semantics<subcore_parallel>], iteration_bounds = array<i64: 2, 16>, scalar_prefetch = 0 : i64, scratch_operands = 4 : i64, tpu.core_type = #tpu.core_type<sc_vector_subcore>, window_params = [{transform_indices = #map}, {transform_indices = #map1}, {transform_indices = #map1}, {transform_indices = #map1}]} {
    %mul3A = arith.constant 16 : i32
    %mul3A_0 = arith.muli %arg0, %mul3A : i32
    %add3A = arith.addi %mul3A_0, %arg1 : i32
    %broadcast_in_dim3A = arith.constant 0.000000e+00 : f32
    %broadcast_in_dim3A_1 = vector.broadcast %broadcast_in_dim3A : f32 to vector<16xf32>
    %scan3A = arith.constant 0 : i32
    %scan3A_2 = arith.constant 1024 : i32
    %scan3A_3 = arith.addi %scan3A, %scan3A_2 : i32
    %scan3A_4 = arith.constant 1 : i32
    scf.for %scan3A_25 = %scan3A to %scan3A_3 step %scan3A_4  : i32 {
      %jit3A = arith.constant 8 : i32
      %div3A = arith.divsi %scan3A_25, %jit3A : i32
      %sign3A = arith.constant 0 : i32
      %sign3A_26 = arith.cmpi sgt, %scan3A_25, %sign3A : i32
      %sign3A_27 = arith.extui %sign3A_26 : i1 to i32
      %sign3A_28 = arith.constant 0 : i32
      %sign3A_29 = arith.cmpi slt, %scan3A_25, %sign3A_28 : i32
      %sign3A_30 = arith.extui %sign3A_29 : i1 to i32
      %sign3A_31 = arith.subi %sign3A_27, %sign3A_30 : i32
      %sign3A_32 = arith.constant 0 : i32
      %sign3A_33 = arith.cmpi sgt, %jit3A, %sign3A_32 : i32
      %sign3A_34 = arith.extui %sign3A_33 : i1 to i32
      %sign3A_35 = arith.constant 0 : i32
      %sign3A_36 = arith.cmpi slt, %jit3A, %sign3A_35 : i32
      %sign3A_37 = arith.extui %sign3A_36 : i1 to i32
      %sign3A_38 = arith.subi %sign3A_34, %sign3A_37 : i32
      %ne3A = arith.cmpi ne, %sign3A_31, %sign3A_38 : i32
      %rem3A = arith.remsi %scan3A_25, %jit3A : i32
      %ne3A_39 = arith.constant 0 : i32
      %ne3A_40 = arith.cmpi ne, %rem3A, %ne3A_39 : i32
      %and3A = arith.andi %ne3A, %ne3A_40 : i1
      %sub3A = arith.constant 1 : i32
      %sub3A_41 = arith.subi %div3A, %sub3A : i32
      %select_n3A = arith.select %and3A, %sub3A_41, %div3A : i32
      %jit3A_42 = arith.constant 8 : i32
      %eq3A = arith.constant 0 : i32
      %eq3A_43 = arith.cmpi eq, %jit3A_42, %eq3A : i32
      %jit3A_44 = arith.constant 1 : i32
      %select_n3A_45 = arith.select %eq3A_43, %jit3A_44, %jit3A_42 : i32
      %rem3A_46 = arith.remsi %scan3A_25, %select_n3A_45 : i32
      %ne3A_47 = arith.constant 0 : i32
      %ne3A_48 = arith.cmpi ne, %rem3A_46, %ne3A_47 : i32
      %lt3A = arith.constant 0 : i32
      %lt3A_49 = arith.cmpi slt, %rem3A_46, %lt3A : i32
      %lt3A_50 = arith.constant 0 : i32
      %lt3A_51 = arith.cmpi slt, %select_n3A_45, %lt3A_50 : i32
      %ne3A_52 = arith.xori %lt3A_49, %lt3A_51 : i1
      %and3A_53 = arith.andi %ne3A_52, %ne3A_48 : i1
      %add3A_54 = arith.addi %rem3A_46, %select_n3A_45 : i32
      %select_n3A_55 = arith.select %and3A_53, %add3A_54, %rem3A_46 : i32
      %mul3A_56 = arith.constant 16 : i32
      %mul3A_57 = arith.muli %select_n3A_55, %mul3A_56 : i32
      %swap3A = arith.index_cast %select_n3A : i32 to index
      %swap3A_58 = arith.index_cast %mul3A_57 : i32 to index
      %swap3A_59 = tpu.vector_load %arg8[%swap3A, %swap3A_58] {strides = array<i32>} : memref<128x128xf32, #tpu.memory_space<vmem>>, vector<1x16xf32>,
      %swap3A_60 = vector.shape_cast %swap3A_59 : vector<1x16xf32> to vector<16xf32>
      %swap3A_61 = vector.shape_cast %broadcast_in_dim3A_1 : vector<16xf32> to vector<1x16xf32>
      tpu.vector_store %arg8[%swap3A, %swap3A_58], %swap3A_61 {strides = array<i32>} : memref<128x128xf32, #tpu.memory_space<vmem>>, vector<1x16xf32>,
    }
    %scan3A_5 = arith.constant 1024 : i32
    %mul3A_6 = arith.constant 640 : i32
    %mul3A_7 = arith.muli %arg1, %mul3A_6 : i32
    %add3A_8 = arith.constant 0 : i32
    %add3A_9 = arith.addi %mul3A_7, %add3A_8 : i32
    "tpu.region"() ({
      %run_scoped3A = tpu.sem_alloc : memref<!tpu.dma_semaphore, #tpu.memory_space<semaphore_mem>>
      %dma_start3A = arith.constant 0 : i32
      %dma_start3A_25 = tpu.memref_slice %arg9[%add3A_9, %dma_start3A] : memref<10240x128xf32, #tpu.memory_space<vmem_shared>> -> memref<128x128xf32, #tpu.memory_space<vmem_shared>>
      %dma_start3A_26 = arith.constant 0 : i32
      %dma_start3A_27 = tpu.memref_slice %arg9[%add3A_9, %dma_start3A_26] : memref<10240x128xf32, #tpu.memory_space<vmem_shared>> -> memref<128x128xf32, #tpu.memory_space<vmem_shared>>
      tpu.enqueue_dma source(%arg8 : memref<128x128xf32, #tpu.memory_space<vmem>>) target(%dma_start3A_27 : memref<128x128xf32, #tpu.memory_space<vmem_shared>>) target_semaphore(%run_scoped3A : memref<!tpu.dma_semaphore, #tpu.memory_space<semaphore_mem>>)
      %dma_wait3A = arith.constant 0 : i32
      %dma_wait3A_28 = tpu.memref_slice %arg9[%add3A_9, %dma_wait3A] : memref<10240x128xf32, #tpu.memory_space<vmem_shared>> -> memref<128x128xf32, #tpu.memory_space<vmem_shared>>
      %dma_wait3A_29 = arith.constant 0 : i32
      %dma_wait3A_30 = tpu.memref_slice %arg9[%add3A_9, %dma_wait3A_29] : memref<10240x128xf32, #tpu.memory_space<vmem_shared>> -> memref<128x128xf32, #tpu.memory_space<vmem_shared>>
      tpu.wait_dma2 semaphore(%run_scoped3A : memref<!tpu.dma_semaphore, #tpu.memory_space<semaphore_mem>>) src(%arg8 : memref<128x128xf32, #tpu.memory_space<vmem>>) dst(%dma_wait3A_30 : memref<128x128xf32, #tpu.memory_space<vmem_shared>>)
      tpu.yield
    }) : () -> ()
    %add3A_10 = arith.constant 128 : i32
    %add3A_11 = arith.addi %mul3A_7, %add3A_10 : i32
    "tpu.region"() ({
      %run_scoped3A = tpu.sem_alloc : memref<!tpu.dma_semaphore, #tpu.memory_space<semaphore_mem>>
      %dma_start3A = arith.constant 0 : i32
      %dma_start3A_25 = tpu.memref_slice %arg9[%add3A_11, %dma_start3A] : memref<10240x128xf32, #tpu.memory_space<vmem_shared>> -> memref<128x128xf32, #tpu.memory_space<vmem_shared>>
      %dma_start3A_26 = arith.constant 0 : i32
      %dma_start3A_27 = tpu.memref_slice %arg9[%add3A_11, %dma_start3A_26] : memref<10240x128xf32, #tpu.memory_space<vmem_shared>> -> memref<128x128xf32, #tpu.memory_space<vmem_shared>>
      tpu.enqueue_dma source(%arg8 : memref<128x128xf32, #tpu.memory_space<vmem>>) target(%dma_start3A_27 : memref<128x128xf32, #tpu.memory_space<vmem_shared>>) target_semaphore(%run_scoped3A : memref<!tpu.dma_semaphore, #tpu.memory_space<semaphore_mem>>)
      %dma_wait3A = arith.constant 0 : i32
      %dma_wait3A_28 = tpu.memref_slice %arg9[%add3A_11, %dma_wait3A] : memref<10240x128xf32, #tpu.memory_space<vmem_shared>> -> memref<128x128xf32, #tpu.memory_space<vmem_shared>>
      %dma_wait3A_29 = arith.constant 0 : i32
      %dma_wait3A_30 = tpu.memref_slice %arg9[%add3A_11, %dma_wait3A_29] : memref<10240x128xf32, #tpu.memory_space<vmem_shared>> -> memref<128x128xf32, #tpu.memory_space<vmem_shared>>
      tpu.wait_dma2 semaphore(%run_scoped3A : memref<!tpu.dma_semaphore, #tpu.memory_space<semaphore_mem>>) src(%arg8 : memref<128x128xf32, #tpu.memory_space<vmem>>) dst(%dma_wait3A_30 : memref<128x128xf32, #tpu.memory_space<vmem_shared>>)
      tpu.yield
    }) : () -> ()
    %add3A_12 = arith.constant 256 : i32
    %add3A_13 = arith.addi %mul3A_7, %add3A_12 : i32
    "tpu.region"() ({
      %run_scoped3A = tpu.sem_alloc : memref<!tpu.dma_semaphore, #tpu.memory_space<semaphore_mem>>
      %dma_start3A = arith.constant 0 : i32
      %dma_start3A_25 = tpu.memref_slice %arg9[%add3A_13, %dma_start3A] : memref<10240x128xf32, #tpu.memory_space<vmem_shared>> -> memref<128x128xf32, #tpu.memory_space<vmem_shared>>
      %dma_start3A_26 = arith.constant 0 : i32
      %dma_start3A_27 = tpu.memref_slice %arg9[%add3A_13, %dma_start3A_26] : memref<10240x128xf32, #tpu.memory_space<vmem_shared>> -> memref<128x128xf32, #tpu.memory_space<vmem_shared>>
      tpu.enqueue_dma source(%arg8 : memref<128x128xf32, #tpu.memory_space<vmem>>) target(%dma_start3A_27 : memref<128x128xf32, #tpu.memory_space<vmem_shared>>) target_semaphore(%run_scoped3A : memref<!tpu.dma_semaphore, #tpu.memory_space<semaphore_mem>>)
      %dma_wait3A = arith.constant 0 : i32
      %dma_wait3A_28 = tpu.memref_slice %arg9[%add3A_13, %dma_wait3A] : memref<10240x128xf32, #tpu.memory_space<vmem_shared>> -> memref<128x128xf32, #tpu.memory_space<vmem_shared>>
      %dma_wait3A_29 = arith.constant 0 : i32
      %dma_wait3A_30 = tpu.memref_slice %arg9[%add3A_13, %dma_wait3A_29] : memref<10240x128xf32, #tpu.memory_space<vmem_shared>> -> memref<128x128xf32, #tpu.memory_space<vmem_shared>>
      tpu.wait_dma2 semaphore(%run_scoped3A : memref<!tpu.dma_semaphore, #tpu.memory_space<semaphore_mem>>) src(%arg8 : memref<128x128xf32, #tpu.memory_space<vmem>>) dst(%dma_wait3A_30 : memref<128x128xf32, #tpu.memory_space<vmem_shared>>)
      tpu.yield
    }) : () -> ()
    %add3A_14 = arith.constant 384 : i32
    %add3A_15 = arith.addi %mul3A_7, %add3A_14 : i32
    "tpu.region"() ({
      %run_scoped3A = tpu.sem_alloc : memref<!tpu.dma_semaphore, #tpu.memory_space<semaphore_mem>>
      %dma_start3A = arith.constant 0 : i32
      %dma_start3A_25 = tpu.memref_slice %arg9[%add3A_15, %dma_start3A] : memref<10240x128xf32, #tpu.memory_space<vmem_shared>> -> memref<128x128xf32, #tpu.memory_space<vmem_shared>>
      %dma_start3A_26 = arith.constant 0 : i32
      %dma_start3A_27 = tpu.memref_slice %arg9[%add3A_15, %dma_start3A_26] : memref<10240x128xf32, #tpu.memory_space<vmem_shared>> -> memref<128x128xf32, #tpu.memory_space<vmem_shared>>
      tpu.enqueue_dma source(%arg8 : memref<128x128xf32, #tpu.memory_space<vmem>>) target(%dma_start3A_27 : memref<128x128xf32, #tpu.memory_space<vmem_shared>>) target_semaphore(%run_scoped3A : memref<!tpu.dma_semaphore, #tpu.memory_space<semaphore_mem>>)
      %dma_wait3A = arith.constant 0 : i32
      %dma_wait3A_28 = tpu.memref_slice %arg9[%add3A_15, %dma_wait3A] : memref<10240x128xf32, #tpu.memory_space<vmem_shared>> -> memref<128x128xf32, #tpu.memory_space<vmem_shared>>
      %dma_wait3A_29 = arith.constant 0 : i32
      %dma_wait3A_30 = tpu.memref_slice %arg9[%add3A_15, %dma_wait3A_29] : memref<10240x128xf32, #tpu.memory_space<vmem_shared>> -> memref<128x128xf32, #tpu.memory_space<vmem_shared>>
      tpu.wait_dma2 semaphore(%run_scoped3A : memref<!tpu.dma_semaphore, #tpu.memory_space<semaphore_mem>>) src(%arg8 : memref<128x128xf32, #tpu.memory_space<vmem>>) dst(%dma_wait3A_30 : memref<128x128xf32, #tpu.memory_space<vmem_shared>>)
      tpu.yield
    }) : () -> ()
    %add3A_16 = arith.constant 512 : i32
    %add3A_17 = arith.addi %mul3A_7, %add3A_16 : i32
    "tpu.region"() ({
      %run_scoped3A = tpu.sem_alloc : memref<!tpu.dma_semaphore, #tpu.memory_space<semaphore_mem>>
      %dma_start3A = arith.constant 0 : i32
      %dma_start3A_25 = tpu.memref_slice %arg9[%add3A_17, %dma_start3A] : memref<10240x128xf32, #tpu.memory_space<vmem_shared>> -> memref<128x128xf32, #tpu.memory_space<vmem_shared>>
      %dma_start3A_26 = arith.constant 0 : i32
      %dma_start3A_27 = tpu.memref_slice %arg9[%add3A_17, %dma_start3A_26] : memref<10240x128xf32, #tpu.memory_space<vmem_shared>> -> memref<128x128xf32, #tpu.memory_space<vmem_shared>>
      tpu.enqueue_dma source(%arg8 : memref<128x128xf32, #tpu.memory_space<vmem>>) target(%dma_start3A_27 : memref<128x128xf32, #tpu.memory_space<vmem_shared>>) target_semaphore(%run_scoped3A : memref<!tpu.dma_semaphore, #tpu.memory_space<semaphore_mem>>)
      %dma_wait3A = arith.constant 0 : i32
      %dma_wait3A_28 = tpu.memref_slice %arg9[%add3A_17, %dma_wait3A] : memref<10240x128xf32, #tpu.memory_space<vmem_shared>> -> memref<128x128xf32, #tpu.memory_space<vmem_shared>>
      %dma_wait3A_29 = arith.constant 0 : i32
      %dma_wait3A_30 = tpu.memref_slice %arg9[%add3A_17, %dma_wait3A_29] : memref<10240x128xf32, #tpu.memory_space<vmem_shared>> -> memref<128x128xf32, #tpu.memory_space<vmem_shared>>
      tpu.wait_dma2 semaphore(%run_scoped3A : memref<!tpu.dma_semaphore, #tpu.memory_space<semaphore_mem>>) src(%arg8 : memref<128x128xf32, #tpu.memory_space<vmem>>) dst(%dma_wait3A_30 : memref<128x128xf32, #tpu.memory_space<vmem_shared>>)
      tpu.yield
    }) : () -> ()
    %barrier3A = arith.constant 0 : index
    tpu.barrier barrier_id(%barrier3A)
    "tpu.region"() ({
      %run_scoped3A = tpu.sem_alloc : memref<!tpu.dma_semaphore, #tpu.memory_space<semaphore_mem>>
      %dma_start3A = arith.constant 0 : i32
      %dma_start3A_25 = arith.constant 0 : i32
      %dma_start3A_26 = tpu.memref_slice %arg3[%add3A, %dma_start3A, %dma_start3A_25] : memref<32x79x128xi32, #tpu.memory_space<hbm>> -> memref<1x79x128xi32, #tpu.memory_space<hbm>>
      %dma_start3A_27 = tpu.memref_squeeze %dma_start3A_26 : memref<1x79x128xi32, #tpu.memory_space<hbm>> -> memref<79x128xi32, #tpu.memory_space<hbm>>
      %dma_start3A_28 = arith.constant 0 : i32
      %dma_start3A_29 = arith.constant 0 : i32
      %dma_start3A_30 = tpu.memref_slice %arg3[%add3A, %dma_start3A_28, %dma_start3A_29] : memref<32x79x128xi32, #tpu.memory_space<hbm>> -> memref<1x79x128xi32, #tpu.memory_space<hbm>>
      %dma_start3A_31 = tpu.memref_squeeze %dma_start3A_30 : memref<1x79x128xi32, #tpu.memory_space<hbm>> -> memref<79x128xi32, #tpu.memory_space<hbm>>
      tpu.enqueue_dma source(%dma_start3A_31 : memref<79x128xi32, #tpu.memory_space<hbm>>) target(%arg6 : memref<79x128xi32, #tpu.memory_space<vmem>>) target_semaphore(%run_scoped3A : memref<!tpu.dma_semaphore, #tpu.memory_space<semaphore_mem>>)
      %dma_wait3A = arith.constant 0 : i32
      %dma_wait3A_32 = arith.constant 0 : i32
      %dma_wait3A_33 = tpu.memref_slice %arg3[%add3A, %dma_wait3A, %dma_wait3A_32] : memref<32x79x128xi32, #tpu.memory_space<hbm>> -> memref<1x79x128xi32, #tpu.memory_space<hbm>>
      %dma_wait3A_34 = tpu.memref_squeeze %dma_wait3A_33 : memref<1x79x128xi32, #tpu.memory_space<hbm>> -> memref<79x128xi32, #tpu.memory_space<hbm>>
      %dma_wait3A_35 = arith.constant 0 : i32
      %dma_wait3A_36 = arith.constant 0 : i32
      %dma_wait3A_37 = tpu.memref_slice %arg3[%add3A, %dma_wait3A_35, %dma_wait3A_36] : memref<32x79x128xi32, #tpu.memory_space<hbm>> -> memref<1x79x128xi32, #tpu.memory_space<hbm>>
      %dma_wait3A_38 = tpu.memref_squeeze %dma_wait3A_37 : memref<1x79x128xi32, #tpu.memory_space<hbm>> -> memref<79x128xi32, #tpu.memory_space<hbm>>
      tpu.wait_dma2 semaphore(%run_scoped3A : memref<!tpu.dma_semaphore, #tpu.memory_space<semaphore_mem>>) src(%dma_wait3A_38 : memref<79x128xi32, #tpu.memory_space<hbm>>) dst(%arg6 : memref<79x128xi32, #tpu.memory_space<vmem>>)
      tpu.yield
    }) : () -> ()
    "tpu.region"() ({
      %run_scoped3A = tpu.sem_alloc : memref<!tpu.dma_semaphore, #tpu.memory_space<semaphore_mem>>
      %dma_start3A = arith.constant 0 : i32
      %dma_start3A_25 = arith.constant 0 : i32
      %dma_start3A_26 = tpu.memref_slice %arg4[%add3A, %dma_start3A, %dma_start3A_25] : memref<32x79x128xi32, #tpu.memory_space<hbm>> -> memref<1x79x128xi32, #tpu.memory_space<hbm>>
      %dma_start3A_27 = tpu.memref_squeeze %dma_start3A_26 : memref<1x79x128xi32, #tpu.memory_space<hbm>> -> memref<79x128xi32, #tpu.memory_space<hbm>>
      %dma_start3A_28 = arith.constant 0 : i32
      %dma_start3A_29 = arith.constant 0 : i32
      %dma_start3A_30 = tpu.memref_slice %arg4[%add3A, %dma_start3A_28, %dma_start3A_29] : memref<32x79x128xi32, #tpu.memory_space<hbm>> -> memref<1x79x128xi32, #tpu.memory_space<hbm>>
      %dma_start3A_31 = tpu.memref_squeeze %dma_start3A_30 : memref<1x79x128xi32, #tpu.memory_space<hbm>> -> memref<79x128xi32, #tpu.memory_space<hbm>>
      tpu.enqueue_dma source(%dma_start3A_31 : memref<79x128xi32, #tpu.memory_space<hbm>>) target(%arg7 : memref<79x128xi32, #tpu.memory_space<vmem>>) target_semaphore(%run_scoped3A : memref<!tpu.dma_semaphore, #tpu.memory_space<semaphore_mem>>)
      %dma_wait3A = arith.constant 0 : i32
      %dma_wait3A_32 = arith.constant 0 : i32
      %dma_wait3A_33 = tpu.memref_slice %arg4[%add3A, %dma_wait3A, %dma_wait3A_32] : memref<32x79x128xi32, #tpu.memory_space<hbm>> -> memref<1x79x128xi32, #tpu.memory_space<hbm>>
      %dma_wait3A_34 = tpu.memref_squeeze %dma_wait3A_33 : memref<1x79x128xi32, #tpu.memory_space<hbm>> -> memref<79x128xi32, #tpu.memory_space<hbm>>
      %dma_wait3A_35 = arith.constant 0 : i32
      %dma_wait3A_36 = arith.constant 0 : i32
      %dma_wait3A_37 = tpu.memref_slice %arg4[%add3A, %dma_wait3A_35, %dma_wait3A_36] : memref<32x79x128xi32, #tpu.memory_space<hbm>> -> memref<1x79x128xi32, #tpu.memory_space<hbm>>
      %dma_wait3A_38 = tpu.memref_squeeze %dma_wait3A_37 : memref<1x79x128xi32, #tpu.memory_space<hbm>> -> memref<79x128xi32, #tpu.memory_space<hbm>>
      tpu.wait_dma2 semaphore(%run_scoped3A : memref<!tpu.dma_semaphore, #tpu.memory_space<semaphore_mem>>) src(%dma_wait3A_38 : memref<79x128xi32, #tpu.memory_space<hbm>>) dst(%arg7 : memref<79x128xi32, #tpu.memory_space<vmem>>)
      tpu.yield
    }) : () -> ()
    %barrier3A_18 = arith.constant 0 : index
    tpu.barrier barrier_id(%barrier3A_18)
    %scan3A_19 = arith.constant 0 : i32
    %scan3A_20 = arith.constant 79 : i32
    %scan3A_21 = arith.addi %scan3A_19, %scan3A_20 : i32
    %scan3A_22 = arith.constant 1 : i32
    scf.for %scan3A_25 = %scan3A_19 to %scan3A_21 step %scan3A_22  : i32 {
      "tpu.region"() ({
        %run_scoped3A = tpu.sem_alloc : memref<!tpu.dma_semaphore, #tpu.memory_space<semaphore_mem>>
        %dma_start3A = arith.constant 0 : i32
        %dma_start3A_26 = tpu.memref_slice %arg6[%scan3A_25, %dma_start3A] : memref<79x128xi32, #tpu.memory_space<vmem>> -> memref<1x128xi32, #tpu.memory_space<vmem>>
        %dma_start3A_27 = tpu.memref_squeeze %dma_start3A_26 : memref<1x128xi32, #tpu.memory_space<vmem>> -> memref<128xi32, #tpu.memory_space<vmem>>
        %dma_start3A_28 = arith.constant 0 : i32
        %dma_start3A_29 = arith.constant 0 : i32
        %dma_start3A_30 = tpu.memref_slice %arg2[%dma_start3A_28, %dma_start3A_29] : memref<10000x128xf32, #tpu.memory_space<hbm>> -> memref<10000x128xf32, #tpu.memory_space<hbm>>
        tpu.enqueue_indirect_dma source(%dma_start3A_30 : memref<10000x128xf32, #tpu.memory_space<hbm>>) target(%arg8 : memref<128x128xf32, #tpu.memory_space<vmem>>) offsets(%dma_start3A_27 : memref<128xi32, #tpu.memory_space<vmem>>) semaphore(%run_scoped3A : memref<!tpu.dma_semaphore, #tpu.memory_space<semaphore_mem>>)
        %dma_wait3A = arith.constant 0 : i32
        %dma_wait3A_31 = tpu.memref_slice %arg6[%scan3A_25, %dma_wait3A] : memref<79x128xi32, #tpu.memory_space<vmem>> -> memref<1x128xi32, #tpu.memory_space<vmem>>
        %dma_wait3A_32 = tpu.memref_squeeze %dma_wait3A_31 : memref<1x128xi32, #tpu.memory_space<vmem>> -> memref<128xi32, #tpu.memory_space<vmem>>
        %dma_wait3A_33 = arith.constant 0 : i32
        %dma_wait3A_34 = arith.constant 0 : i32
        %dma_wait3A_35 = tpu.memref_slice %arg2[%dma_wait3A_33, %dma_wait3A_34] : memref<10000x128xf32, #tpu.memory_space<hbm>> -> memref<10000x128xf32, #tpu.memory_space<hbm>>
        tpu.wait_indirect_dma semaphore(%run_scoped3A : memref<!tpu.dma_semaphore, #tpu.memory_space<semaphore_mem>>) src(%dma_wait3A_35 : memref<10000x128xf32, #tpu.memory_space<hbm>>) dst(%arg8 : memref<128x128xf32, #tpu.memory_space<vmem>>)
        tpu.yield
      }) : () -> ()
      "tpu.region"() ({
        %run_scoped3A = tpu.sem_alloc : memref<!tpu.dma_semaphore, #tpu.memory_space<semaphore_mem>>
        %dma_start3A = arith.constant 0 : i32
        %dma_start3A_26 = tpu.memref_slice %arg7[%scan3A_25, %dma_start3A] : memref<79x128xi32, #tpu.memory_space<vmem>> -> memref<1x128xi32, #tpu.memory_space<vmem>>
        %dma_start3A_27 = tpu.memref_squeeze %dma_start3A_26 : memref<1x128xi32, #tpu.memory_space<vmem>> -> memref<128xi32, #tpu.memory_space<vmem>>
        %dma_start3A_28 = arith.constant 0 : i32
        %dma_start3A_29 = arith.constant 0 : i32
        %dma_start3A_30 = tpu.memref_slice %arg9[%dma_start3A_28, %dma_start3A_29] : memref<10240x128xf32, #tpu.memory_space<vmem_shared>> -> memref<10240x128xf32, #tpu.memory_space<vmem_shared>>
        tpu.enqueue_indirect_dma source(%arg8 : memref<128x128xf32, #tpu.memory_space<vmem>>) target(%dma_start3A_30 : memref<10240x128xf32, #tpu.memory_space<vmem_shared>>) offsets(%dma_start3A_27 : memref<128xi32, #tpu.memory_space<vmem>>) semaphore(%run_scoped3A : memref<!tpu.dma_semaphore, #tpu.memory_space<semaphore_mem>>) {add = true}
        %dma_wait3A = arith.constant 0 : i32
        %dma_wait3A_31 = tpu.memref_slice %arg7[%scan3A_25, %dma_wait3A] : memref<79x128xi32, #tpu.memory_space<vmem>> -> memref<1x128xi32, #tpu.memory_space<vmem>>
        %dma_wait3A_32 = tpu.memref_squeeze %dma_wait3A_31 : memref<1x128xi32, #tpu.memory_space<vmem>> -> memref<128xi32, #tpu.memory_space<vmem>>
        %dma_wait3A_33 = arith.constant 0 : i32
        %dma_wait3A_34 = arith.constant 0 : i32
        %dma_wait3A_35 = tpu.memref_slice %arg9[%dma_wait3A_33, %dma_wait3A_34] : memref<10240x128xf32, #tpu.memory_space<vmem_shared>> -> memref<10240x128xf32, #tpu.memory_space<vmem_shared>>
        tpu.wait_indirect_dma semaphore(%run_scoped3A : memref<!tpu.dma_semaphore, #tpu.memory_space<semaphore_mem>>) src(%arg8 : memref<128x128xf32, #tpu.memory_space<vmem>>) dst(%dma_wait3A_35 : memref<10240x128xf32, #tpu.memory_space<vmem_shared>>)
        tpu.yield
      }) : () -> ()
    }
    %scan3A_23 = arith.constant 79 : i32
    %barrier3A_24 = arith.constant 0 : index
    tpu.barrier barrier_id(%barrier3A_24)
    "tpu.region"() ({
      %run_scoped3A = tpu.sem_alloc : memref<!tpu.dma_semaphore, #tpu.memory_space<semaphore_mem>>
      %dma_start3A = arith.constant 0 : i32
      %dma_start3A_25 = arith.constant 0 : i32
      %dma_start3A_26 = tpu.memref_slice %arg5[%add3A, %dma_start3A, %dma_start3A_25] : memref<32x640x128xf32, #tpu.memory_space<hbm>> -> memref<1x640x128xf32, #tpu.memory_space<hbm>>
      %dma_start3A_27 = tpu.memref_squeeze %dma_start3A_26 : memref<1x640x128xf32, #tpu.memory_space<hbm>> -> memref<640x128xf32, #tpu.memory_space<hbm>>
      %dma_start3A_28 = arith.constant 0 : i32
      %dma_start3A_29 = tpu.memref_slice %arg9[%mul3A_7, %dma_start3A_28] : memref<10240x128xf32, #tpu.memory_space<vmem_shared>> -> memref<640x128xf32, #tpu.memory_space<vmem_shared>>
      tpu.enqueue_dma source(%dma_start3A_29 : memref<640x128xf32, #tpu.memory_space<vmem_shared>>) target(%dma_start3A_27 : memref<640x128xf32, #tpu.memory_space<hbm>>) target_semaphore(%run_scoped3A : memref<!tpu.dma_semaphore, #tpu.memory_space<semaphore_mem>>)
      %dma_wait3A = arith.constant 0 : i32
      %dma_wait3A_30 = arith.constant 0 : i32
      %dma_wait3A_31 = tpu.memref_slice %arg5[%add3A, %dma_wait3A, %dma_wait3A_30] : memref<32x640x128xf32, #tpu.memory_space<hbm>> -> memref<1x640x128xf32, #tpu.memory_space<hbm>>
      %dma_wait3A_32 = tpu.memref_squeeze %dma_wait3A_31 : memref<1x640x128xf32, #tpu.memory_space<hbm>> -> memref<640x128xf32, #tpu.memory_space<hbm>>
      %dma_wait3A_33 = arith.constant 0 : i32
      %dma_wait3A_34 = tpu.memref_slice %arg9[%mul3A_7, %dma_wait3A_33] : memref<10240x128xf32, #tpu.memory_space<vmem_shared>> -> memref<640x128xf32, #tpu.memory_space<vmem_shared>>
      tpu.wait_dma2 semaphore(%run_scoped3A : memref<!tpu.dma_semaphore, #tpu.memory_space<semaphore_mem>>) src(%dma_wait3A_34 : memref<640x128xf32, #tpu.memory_space<vmem_shared>>) dst(%dma_wait3A_32 : memref<640x128xf32, #tpu.memory_space<hbm>>)
      tpu.yield
    }) : () -> ()
    return
  }
}

#map = affine_map<(d0, d1) -> (0, 0)>
#map1 = affine_map<(d0, d1) -> (0, 0, 0)>
module attributes {stable_mosaic.version = 14 : i64} {
  func.func @_sc_scatter_body(%arg0: i32, %arg1: i32, %arg2: memref<10000x128xf32, #tpu.memory_space<hbm>>, %arg3: memref<32x79x128xi32, #tpu.memory_space<hbm>>, %arg4: memref<32x79x128xi32, #tpu.memory_space<hbm>>, %arg5: memref<32x640x128xf32, #tpu.memory_space<hbm>>, %arg6: memref<79x128xi32, #tpu.memory_space<vmem>>, %arg7: memref<79x128xi32, #tpu.memory_space<vmem>>, %arg8: memref<128x128xf32, #tpu.memory_space<vmem>>, %arg9: memref<10240x128xf32, #tpu.memory_space<vmem_shared>>) attributes {dimension_semantics = [#tpu.dimension_semantics<core_parallel>, #tpu.dimension_semantics<subcore_parallel>], iteration_bounds = array<i64: 2, 16>, scalar_prefetch = 0 : i64, scratch_operands = 4 : i64, tpu.core_type = #tpu.core_type<sc_vector_subcore>, window_params = [{transform_indices = #map}, {transform_indices = #map1}, {transform_indices = #map1}, {transform_indices = #map1}]} {
    %mul3A = arith.constant 16 : i32
    %mul3A_0 = arith.muli %arg0, %mul3A : i32
    %add3A = arith.addi %mul3A_0, %arg1 : i32
    %broadcast_in_dim3A = arith.constant 0.000000e+00 : f32
    %broadcast_in_dim3A_1 = vector.broadcast %broadcast_in_dim3A : f32 to vector<16xf32>
    %scan3A = arith.constant 0 : i32
    %scan3A_2 = arith.constant 1024 : i32
    %scan3A_3 = arith.addi %scan3A, %scan3A_2 : i32
    %scan3A_4 = arith.constant 1 : i32
    scf.for %scan3A_25 = %scan3A to %scan3A_3 step %scan3A_4  : i32 {
      %jit3A = arith.constant 8 : i32
      %div3A = arith.divsi %scan3A_25, %jit3A : i32
      %sign3A = arith.constant 0 : i32
      %sign3A_26 = arith.cmpi sgt, %scan3A_25, %sign3A : i32
      %sign3A_27 = arith.extui %sign3A_26 : i1 to i32
      %sign3A_28 = arith.constant 0 : i32
      %sign3A_29 = arith.cmpi slt, %scan3A_25, %sign3A_28 : i32
      %sign3A_30 = arith.extui %sign3A_29 : i1 to i32
      %sign3A_31 = arith.subi %sign3A_27, %sign3A_30 : i32
      %sign3A_32 = arith.constant 0 : i32
      %sign3A_33 = arith.cmpi sgt, %jit3A, %sign3A_32 : i32
      %sign3A_34 = arith.extui %sign3A_33 : i1 to i32
      %sign3A_35 = arith.constant 0 : i32
      %sign3A_36 = arith.cmpi slt, %jit3A, %sign3A_35 : i32
      %sign3A_37 = arith.extui %sign3A_36 : i1 to i32
      %sign3A_38 = arith.subi %sign3A_34, %sign3A_37 : i32
      %ne3A = arith.cmpi ne, %sign3A_31, %sign3A_38 : i32
      %rem3A = arith.remsi %scan3A_25, %jit3A : i32
      %ne3A_39 = arith.constant 0 : i32
      %ne3A_40 = arith.cmpi ne, %rem3A, %ne3A_39 : i32
      %and3A = arith.andi %ne3A, %ne3A_40 : i1
      %sub3A = arith.constant 1 : i32
      %sub3A_41 = arith.subi %div3A, %sub3A : i32
      %select_n3A = arith.select %and3A, %sub3A_41, %div3A : i32
      %jit3A_42 = arith.constant 8 : i32
      %eq3A = arith.constant 0 : i32
      %eq3A_43 = arith.cmpi eq, %jit3A_42, %eq3A : i32
      %jit3A_44 = arith.constant 1 : i32
      %select_n3A_45 = arith.select %eq3A_43, %jit3A_44, %jit3A_42 : i32
      %rem3A_46 = arith.remsi %scan3A_25, %select_n3A_45 : i32
      %ne3A_47 = arith.constant 0 : i32
      %ne3A_48 = arith.cmpi ne, %rem3A_46, %ne3A_47 : i32
      %lt3A = arith.constant 0 : i32
      %lt3A_49 = arith.cmpi slt, %rem3A_46, %lt3A : i32
      %lt3A_50 = arith.constant 0 : i32
      %lt3A_51 = arith.cmpi slt, %select_n3A_45, %lt3A_50 : i32
      %ne3A_52 = arith.xori %lt3A_49, %lt3A_51 : i1
      %and3A_53 = arith.andi %ne3A_52, %ne3A_48 : i1
      %add3A_54 = arith.addi %rem3A_46, %select_n3A_45 : i32
      %select_n3A_55 = arith.select %and3A_53, %add3A_54, %rem3A_46 : i32
      %mul3A_56 = arith.constant 16 : i32
      %mul3A_57 = arith.muli %select_n3A_55, %mul3A_56 : i32
      %swap3A = arith.index_cast %select_n3A : i32 to index
      %swap3A_58 = arith.index_cast %mul3A_57 : i32 to index
      %swap3A_59 = tpu.vector_load %arg8[%swap3A, %swap3A_58] {strides = array<i32>} : memref<128x128xf32, #tpu.memory_space<vmem>>, vector<1x16xf32>,
      %swap3A_60 = vector.shape_cast %swap3A_59 : vector<1x16xf32> to vector<16xf32>
      %swap3A_61 = vector.shape_cast %broadcast_in_dim3A_1 : vector<16xf32> to vector<1x16xf32>
      tpu.vector_store %arg8[%swap3A, %swap3A_58], %swap3A_61 {strides = array<i32>} : memref<128x128xf32, #tpu.memory_space<vmem>>, vector<1x16xf32>,
    }
    %scan3A_5 = arith.constant 1024 : i32
    %mul3A_6 = arith.constant 640 : i32
    %mul3A_7 = arith.muli %arg1, %mul3A_6 : i32
    %add3A_8 = arith.constant 0 : i32
    %add3A_9 = arith.addi %mul3A_7, %add3A_8 : i32
    "tpu.region"() ({
      %run_scoped3A = tpu.sem_alloc : memref<!tpu.dma_semaphore, #tpu.memory_space<semaphore_mem>>
      %dma_start3A = arith.constant 0 : i32
      %dma_start3A_25 = tpu.memref_slice %arg9[%add3A_9, %dma_start3A] : memref<10240x128xf32, #tpu.memory_space<vmem_shared>> -> memref<128x128xf32, #tpu.memory_space<vmem_shared>>
      %dma_start3A_26 = arith.constant 0 : i32
      %dma_start3A_27 = tpu.memref_slice %arg9[%add3A_9, %dma_start3A_26] : memref<10240x128xf32, #tpu.memory_space<vmem_shared>> -> memref<128x128xf32, #tpu.memory_space<vmem_shared>>
      tpu.enqueue_dma source(%arg8 : memref<128x128xf32, #tpu.memory_space<vmem>>) target(%dma_start3A_27 : memref<128x128xf32, #tpu.memory_space<vmem_shared>>) target_semaphore(%run_scoped3A : memref<!tpu.dma_semaphore, #tpu.memory_space<semaphore_mem>>)
      %dma_wait3A = arith.constant 0 : i32
      %dma_wait3A_28 = tpu.memref_slice %arg9[%add3A_9, %dma_wait3A] : memref<10240x128xf32, #tpu.memory_space<vmem_shared>> -> memref<128x128xf32, #tpu.memory_space<vmem_shared>>
      %dma_wait3A_29 = arith.constant 0 : i32
      %dma_wait3A_30 = tpu.memref_slice %arg9[%add3A_9, %dma_wait3A_29] : memref<10240x128xf32, #tpu.memory_space<vmem_shared>> -> memref<128x128xf32, #tpu.memory_space<vmem_shared>>
      tpu.wait_dma2 semaphore(%run_scoped3A : memref<!tpu.dma_semaphore, #tpu.memory_space<semaphore_mem>>) src(%arg8 : memref<128x128xf32, #tpu.memory_space<vmem>>) dst(%dma_wait3A_30 : memref<128x128xf32, #tpu.memory_space<vmem_shared>>)
      tpu.yield
    }) : () -> ()
    %add3A_10 = arith.constant 128 : i32
    %add3A_11 = arith.addi %mul3A_7, %add3A_10 : i32
    "tpu.region"() ({
      %run_scoped3A = tpu.sem_alloc : memref<!tpu.dma_semaphore, #tpu.memory_space<semaphore_mem>>
      %dma_start3A = arith.constant 0 : i32
      %dma_start3A_25 = tpu.memref_slice %arg9[%add3A_11, %dma_start3A] : memref<10240x128xf32, #tpu.memory_space<vmem_shared>> -> memref<128x128xf32, #tpu.memory_space<vmem_shared>>
      %dma_start3A_26 = arith.constant 0 : i32
      %dma_start3A_27 = tpu.memref_slice %arg9[%add3A_11, %dma_start3A_26] : memref<10240x128xf32, #tpu.memory_space<vmem_shared>> -> memref<128x128xf32, #tpu.memory_space<vmem_shared>>
      tpu.enqueue_dma source(%arg8 : memref<128x128xf32, #tpu.memory_space<vmem>>) target(%dma_start3A_27 : memref<128x128xf32, #tpu.memory_space<vmem_shared>>) target_semaphore(%run_scoped3A : memref<!tpu.dma_semaphore, #tpu.memory_space<semaphore_mem>>)
      %dma_wait3A = arith.constant 0 : i32
      %dma_wait3A_28 = tpu.memref_slice %arg9[%add3A_11, %dma_wait3A] : memref<10240x128xf32, #tpu.memory_space<vmem_shared>> -> memref<128x128xf32, #tpu.memory_space<vmem_shared>>
      %dma_wait3A_29 = arith.constant 0 : i32
      %dma_wait3A_30 = tpu.memref_slice %arg9[%add3A_11, %dma_wait3A_29] : memref<10240x128xf32, #tpu.memory_space<vmem_shared>> -> memref<128x128xf32, #tpu.memory_space<vmem_shared>>
      tpu.wait_dma2 semaphore(%run_scoped3A : memref<!tpu.dma_semaphore, #tpu.memory_space<semaphore_mem>>) src(%arg8 : memref<128x128xf32, #tpu.memory_space<vmem>>) dst(%dma_wait3A_30 : memref<128x128xf32, #tpu.memory_space<vmem_shared>>)
      tpu.yield
    }) : () -> ()
    %add3A_12 = arith.constant 256 : i32
    %add3A_13 = arith.addi %mul3A_7, %add3A_12 : i32
    "tpu.region"() ({
      %run_scoped3A = tpu.sem_alloc : memref<!tpu.dma_semaphore, #tpu.memory_space<semaphore_mem>>
      %dma_start3A = arith.constant 0 : i32
      %dma_start3A_25 = tpu.memref_slice %arg9[%add3A_13, %dma_start3A] : memref<10240x128xf32, #tpu.memory_space<vmem_shared>> -> memref<128x128xf32, #tpu.memory_space<vmem_shared>>
      %dma_start3A_26 = arith.constant 0 : i32
      %dma_start3A_27 = tpu.memref_slice %arg9[%add3A_13, %dma_start3A_26] : memref<10240x128xf32, #tpu.memory_space<vmem_shared>> -> memref<128x128xf32, #tpu.memory_space<vmem_shared>>
      tpu.enqueue_dma source(%arg8 : memref<128x128xf32, #tpu.memory_space<vmem>>) target(%dma_start3A_27 : memref<128x128xf32, #tpu.memory_space<vmem_shared>>) target_semaphore(%run_scoped3A : memref<!tpu.dma_semaphore, #tpu.memory_space<semaphore_mem>>)
      %dma_wait3A = arith.constant 0 : i32
      %dma_wait3A_28 = tpu.memref_slice %arg9[%add3A_13, %dma_wait3A] : memref<10240x128xf32, #tpu.memory_space<vmem_shared>> -> memref<128x128xf32, #tpu.memory_space<vmem_shared>>
      %dma_wait3A_29 = arith.constant 0 : i32
      %dma_wait3A_30 = tpu.memref_slice %arg9[%add3A_13, %dma_wait3A_29] : memref<10240x128xf32, #tpu.memory_space<vmem_shared>> -> memref<128x128xf32, #tpu.memory_space<vmem_shared>>
      tpu.wait_dma2 semaphore(%run_scoped3A : memref<!tpu.dma_semaphore, #tpu.memory_space<semaphore_mem>>) src(%arg8 : memref<128x128xf32, #tpu.memory_space<vmem>>) dst(%dma_wait3A_30 : memref<128x128xf32, #tpu.memory_space<vmem_shared>>)
      tpu.yield
    }) : () -> ()
    %add3A_14 = arith.constant 384 : i32
    %add3A_15 = arith.addi %mul3A_7, %add3A_14 : i32
    "tpu.region"() ({
      %run_scoped3A = tpu.sem_alloc : memref<!tpu.dma_semaphore, #tpu.memory_space<semaphore_mem>>
      %dma_start3A = arith.constant 0 : i32
      %dma_start3A_25 = tpu.memref_slice %arg9[%add3A_15, %dma_start3A] : memref<10240x128xf32, #tpu.memory_space<vmem_shared>> -> memref<128x128xf32, #tpu.memory_space<vmem_shared>>
      %dma_start3A_26 = arith.constant 0 : i32
      %dma_start3A_27 = tpu.memref_slice %arg9[%add3A_15, %dma_start3A_26] : memref<10240x128xf32, #tpu.memory_space<vmem_shared>> -> memref<128x128xf32, #tpu.memory_space<vmem_shared>>
      tpu.enqueue_dma source(%arg8 : memref<128x128xf32, #tpu.memory_space<vmem>>) target(%dma_start3A_27 : memref<128x128xf32, #tpu.memory_space<vmem_shared>>) target_semaphore(%run_scoped3A : memref<!tpu.dma_semaphore, #tpu.memory_space<semaphore_mem>>)
      %dma_wait3A = arith.constant 0 : i32
      %dma_wait3A_28 = tpu.memref_slice %arg9[%add3A_15, %dma_wait3A] : memref<10240x128xf32, #tpu.memory_space<vmem_shared>> -> memref<128x128xf32, #tpu.memory_space<vmem_shared>>
      %dma_wait3A_29 = arith.constant 0 : i32
      %dma_wait3A_30 = tpu.memref_slice %arg9[%add3A_15, %dma_wait3A_29] : memref<10240x128xf32, #tpu.memory_space<vmem_shared>> -> memref<128x128xf32, #tpu.memory_space<vmem_shared>>
      tpu.wait_dma2 semaphore(%run_scoped3A : memref<!tpu.dma_semaphore, #tpu.memory_space<semaphore_mem>>) src(%arg8 : memref<128x128xf32, #tpu.memory_space<vmem>>) dst(%dma_wait3A_30 : memref<128x128xf32, #tpu.memory_space<vmem_shared>>)
      tpu.yield
    }) : () -> ()
    %add3A_16 = arith.constant 512 : i32
    %add3A_17 = arith.addi %mul3A_7, %add3A_16 : i32
    "tpu.region"() ({
      %run_scoped3A = tpu.sem_alloc : memref<!tpu.dma_semaphore, #tpu.memory_space<semaphore_mem>>
      %dma_start3A = arith.constant 0 : i32
      %dma_start3A_25 = tpu.memref_slice %arg9[%add3A_17, %dma_start3A] : memref<10240x128xf32, #tpu.memory_space<vmem_shared>> -> memref<128x128xf32, #tpu.memory_space<vmem_shared>>
      %dma_start3A_26 = arith.constant 0 : i32
      %dma_start3A_27 = tpu.memref_slice %arg9[%add3A_17, %dma_start3A_26] : memref<10240x128xf32, #tpu.memory_space<vmem_shared>> -> memref<128x128xf32, #tpu.memory_space<vmem_shared>>
      tpu.enqueue_dma source(%arg8 : memref<128x128xf32, #tpu.memory_space<vmem>>) target(%dma_start3A_27 : memref<128x128xf32, #tpu.memory_space<vmem_shared>>) target_semaphore(%run_scoped3A : memref<!tpu.dma_semaphore, #tpu.memory_space<semaphore_mem>>)
      %dma_wait3A = arith.constant 0 : i32
      %dma_wait3A_28 = tpu.memref_slice %arg9[%add3A_17, %dma_wait3A] : memref<10240x128xf32, #tpu.memory_space<vmem_shared>> -> memref<128x128xf32, #tpu.memory_space<vmem_shared>>
      %dma_wait3A_29 = arith.constant 0 : i32
      %dma_wait3A_30 = tpu.memref_slice %arg9[%add3A_17, %dma_wait3A_29] : memref<10240x128xf32, #tpu.memory_space<vmem_shared>> -> memref<128x128xf32, #tpu.memory_space<vmem_shared>>
      tpu.wait_dma2 semaphore(%run_scoped3A : memref<!tpu.dma_semaphore, #tpu.memory_space<semaphore_mem>>) src(%arg8 : memref<128x128xf32, #tpu.memory_space<vmem>>) dst(%dma_wait3A_30 : memref<128x128xf32, #tpu.memory_space<vmem_shared>>)
      tpu.yield
    }) : () -> ()
    %barrier3A = arith.constant 0 : index
    tpu.barrier barrier_id(%barrier3A)
    "tpu.region"() ({
      %run_scoped3A = tpu.sem_alloc : memref<!tpu.dma_semaphore, #tpu.memory_space<semaphore_mem>>
      %dma_start3A = arith.constant 0 : i32
      %dma_start3A_25 = arith.constant 0 : i32
      %dma_start3A_26 = tpu.memref_slice %arg3[%add3A, %dma_start3A, %dma_start3A_25] : memref<32x79x128xi32, #tpu.memory_space<hbm>> -> memref<1x79x128xi32, #tpu.memory_space<hbm>>
      %dma_start3A_27 = tpu.memref_squeeze %dma_start3A_26 : memref<1x79x128xi32, #tpu.memory_space<hbm>> -> memref<79x128xi32, #tpu.memory_space<hbm>>
      %dma_start3A_28 = arith.constant 0 : i32
      %dma_start3A_29 = arith.constant 0 : i32
      %dma_start3A_30 = tpu.memref_slice %arg3[%add3A, %dma_start3A_28, %dma_start3A_29] : memref<32x79x128xi32, #tpu.memory_space<hbm>> -> memref<1x79x128xi32, #tpu.memory_space<hbm>>
      %dma_start3A_31 = tpu.memref_squeeze %dma_start3A_30 : memref<1x79x128xi32, #tpu.memory_space<hbm>> -> memref<79x128xi32, #tpu.memory_space<hbm>>
      tpu.enqueue_dma source(%dma_start3A_31 : memref<79x128xi32, #tpu.memory_space<hbm>>) target(%arg6 : memref<79x128xi32, #tpu.memory_space<vmem>>) target_semaphore(%run_scoped3A : memref<!tpu.dma_semaphore, #tpu.memory_space<semaphore_mem>>)
      %dma_wait3A = arith.constant 0 : i32
      %dma_wait3A_32 = arith.constant 0 : i32
      %dma_wait3A_33 = tpu.memref_slice %arg3[%add3A, %dma_wait3A, %dma_wait3A_32] : memref<32x79x128xi32, #tpu.memory_space<hbm>> -> memref<1x79x128xi32, #tpu.memory_space<hbm>>
      %dma_wait3A_34 = tpu.memref_squeeze %dma_wait3A_33 : memref<1x79x128xi32, #tpu.memory_space<hbm>> -> memref<79x128xi32, #tpu.memory_space<hbm>>
      %dma_wait3A_35 = arith.constant 0 : i32
      %dma_wait3A_36 = arith.constant 0 : i32
      %dma_wait3A_37 = tpu.memref_slice %arg3[%add3A, %dma_wait3A_35, %dma_wait3A_36] : memref<32x79x128xi32, #tpu.memory_space<hbm>> -> memref<1x79x128xi32, #tpu.memory_space<hbm>>
      %dma_wait3A_38 = tpu.memref_squeeze %dma_wait3A_37 : memref<1x79x128xi32, #tpu.memory_space<hbm>> -> memref<79x128xi32, #tpu.memory_space<hbm>>
      tpu.wait_dma2 semaphore(%run_scoped3A : memref<!tpu.dma_semaphore, #tpu.memory_space<semaphore_mem>>) src(%dma_wait3A_38 : memref<79x128xi32, #tpu.memory_space<hbm>>) dst(%arg6 : memref<79x128xi32, #tpu.memory_space<vmem>>)
      tpu.yield
    }) : () -> ()
    "tpu.region"() ({
      %run_scoped3A = tpu.sem_alloc : memref<!tpu.dma_semaphore, #tpu.memory_space<semaphore_mem>>
      %dma_start3A = arith.constant 0 : i32
      %dma_start3A_25 = arith.constant 0 : i32
      %dma_start3A_26 = tpu.memref_slice %arg4[%add3A, %dma_start3A, %dma_start3A_25] : memref<32x79x128xi32, #tpu.memory_space<hbm>> -> memref<1x79x128xi32, #tpu.memory_space<hbm>>
      %dma_start3A_27 = tpu.memref_squeeze %dma_start3A_26 : memref<1x79x128xi32, #tpu.memory_space<hbm>> -> memref<79x128xi32, #tpu.memory_space<hbm>>
      %dma_start3A_28 = arith.constant 0 : i32
      %dma_start3A_29 = arith.constant 0 : i32
      %dma_start3A_30 = tpu.memref_slice %arg4[%add3A, %dma_start3A_28, %dma_start3A_29] : memref<32x79x128xi32, #tpu.memory_space<hbm>> -> memref<1x79x128xi32, #tpu.memory_space<hbm>>
      %dma_start3A_31 = tpu.memref_squeeze %dma_start3A_30 : memref<1x79x128xi32, #tpu.memory_space<hbm>> -> memref<79x128xi32, #tpu.memory_space<hbm>>
      tpu.enqueue_dma source(%dma_start3A_31 : memref<79x128xi32, #tpu.memory_space<hbm>>) target(%arg7 : memref<79x128xi32, #tpu.memory_space<vmem>>) target_semaphore(%run_scoped3A : memref<!tpu.dma_semaphore, #tpu.memory_space<semaphore_mem>>)
      %dma_wait3A = arith.constant 0 : i32
      %dma_wait3A_32 = arith.constant 0 : i32
      %dma_wait3A_33 = tpu.memref_slice %arg4[%add3A, %dma_wait3A, %dma_wait3A_32] : memref<32x79x128xi32, #tpu.memory_space<hbm>> -> memref<1x79x128xi32, #tpu.memory_space<hbm>>
      %dma_wait3A_34 = tpu.memref_squeeze %dma_wait3A_33 : memref<1x79x128xi32, #tpu.memory_space<hbm>> -> memref<79x128xi32, #tpu.memory_space<hbm>>
      %dma_wait3A_35 = arith.constant 0 : i32
      %dma_wait3A_36 = arith.constant 0 : i32
      %dma_wait3A_37 = tpu.memref_slice %arg4[%add3A, %dma_wait3A_35, %dma_wait3A_36] : memref<32x79x128xi32, #tpu.memory_space<hbm>> -> memref<1x79x128xi32, #tpu.memory_space<hbm>>
      %dma_wait3A_38 = tpu.memref_squeeze %dma_wait3A_37 : memref<1x79x128xi32, #tpu.memory_space<hbm>> -> memref<79x128xi32, #tpu.memory_space<hbm>>
      tpu.wait_dma2 semaphore(%run_scoped3A : memref<!tpu.dma_semaphore, #tpu.memory_space<semaphore_mem>>) src(%dma_wait3A_38 : memref<79x128xi32, #tpu.memory_space<hbm>>) dst(%arg7 : memref<79x128xi32, #tpu.memory_space<vmem>>)
      tpu.yield
    }) : () -> ()
    %barrier3A_18 = arith.constant 0 : index
    tpu.barrier barrier_id(%barrier3A_18)
    %scan3A_19 = arith.constant 0 : i32
    %scan3A_20 = arith.constant 79 : i32
    %scan3A_21 = arith.addi %scan3A_19, %scan3A_20 : i32
    %scan3A_22 = arith.constant 1 : i32
    scf.for %scan3A_25 = %scan3A_19 to %scan3A_21 step %scan3A_22  : i32 {
      "tpu.region"() ({
        %run_scoped3A = tpu.sem_alloc : memref<!tpu.dma_semaphore, #tpu.memory_space<semaphore_mem>>
        %dma_start3A = arith.constant 0 : i32
        %dma_start3A_26 = tpu.memref_slice %arg6[%scan3A_25, %dma_start3A] : memref<79x128xi32, #tpu.memory_space<vmem>> -> memref<1x128xi32, #tpu.memory_space<vmem>>
        %dma_start3A_27 = tpu.memref_squeeze %dma_start3A_26 : memref<1x128xi32, #tpu.memory_space<vmem>> -> memref<128xi32, #tpu.memory_space<vmem>>
        %dma_start3A_28 = arith.constant 0 : i32
        %dma_start3A_29 = arith.constant 0 : i32
        %dma_start3A_30 = tpu.memref_slice %arg2[%dma_start3A_28, %dma_start3A_29] : memref<10000x128xf32, #tpu.memory_space<hbm>> -> memref<10000x128xf32, #tpu.memory_space<hbm>>
        tpu.enqueue_indirect_dma source(%dma_start3A_30 : memref<10000x128xf32, #tpu.memory_space<hbm>>) target(%arg8 : memref<128x128xf32, #tpu.memory_space<vmem>>) offsets(%dma_start3A_27 : memref<128xi32, #tpu.memory_space<vmem>>) semaphore(%run_scoped3A : memref<!tpu.dma_semaphore, #tpu.memory_space<semaphore_mem>>)
        %dma_wait3A = arith.constant 0 : i32
        %dma_wait3A_31 = tpu.memref_slice %arg6[%scan3A_25, %dma_wait3A] : memref<79x128xi32, #tpu.memory_space<vmem>> -> memref<1x128xi32, #tpu.memory_space<vmem>>
        %dma_wait3A_32 = tpu.memref_squeeze %dma_wait3A_31 : memref<1x128xi32, #tpu.memory_space<vmem>> -> memref<128xi32, #tpu.memory_space<vmem>>
        %dma_wait3A_33 = arith.constant 0 : i32
        %dma_wait3A_34 = arith.constant 0 : i32
        %dma_wait3A_35 = tpu.memref_slice %arg2[%dma_wait3A_33, %dma_wait3A_34] : memref<10000x128xf32, #tpu.memory_space<hbm>> -> memref<10000x128xf32, #tpu.memory_space<hbm>>
        tpu.wait_indirect_dma semaphore(%run_scoped3A : memref<!tpu.dma_semaphore, #tpu.memory_space<semaphore_mem>>) src(%dma_wait3A_35 : memref<10000x128xf32, #tpu.memory_space<hbm>>) dst(%arg8 : memref<128x128xf32, #tpu.memory_space<vmem>>)
        tpu.yield
      }) : () -> ()
      "tpu.region"() ({
        %run_scoped3A = tpu.sem_alloc : memref<!tpu.dma_semaphore, #tpu.memory_space<semaphore_mem>>
        %dma_start3A = arith.constant 0 : i32
        %dma_start3A_26 = tpu.memref_slice %arg7[%scan3A_25, %dma_start3A] : memref<79x128xi32, #tpu.memory_space<vmem>> -> memref<1x128xi32, #tpu.memory_space<vmem>>
        %dma_start3A_27 = tpu.memref_squeeze %dma_start3A_26 : memref<1x128xi32, #tpu.memory_space<vmem>> -> memref<128xi32, #tpu.memory_space<vmem>>
        %dma_start3A_28 = arith.constant 0 : i32
        %dma_start3A_29 = arith.constant 0 : i32
        %dma_start3A_30 = tpu.memref_slice %arg9[%dma_start3A_28, %dma_start3A_29] : memref<10240x128xf32, #tpu.memory_space<vmem_shared>> -> memref<10240x128xf32, #tpu.memory_space<vmem_shared>>
        tpu.enqueue_indirect_dma source(%arg8 : memref<128x128xf32, #tpu.memory_space<vmem>>) target(%dma_start3A_30 : memref<10240x128xf32, #tpu.memory_space<vmem_shared>>) offsets(%dma_start3A_27 : memref<128xi32, #tpu.memory_space<vmem>>) semaphore(%run_scoped3A : memref<!tpu.dma_semaphore, #tpu.memory_space<semaphore_mem>>) {add = true}
        %dma_wait3A = arith.constant 0 : i32
        %dma_wait3A_31 = tpu.memref_slice %arg7[%scan3A_25, %dma_wait3A] : memref<79x128xi32, #tpu.memory_space<vmem>> -> memref<1x128xi32, #tpu.memory_space<vmem>>
        %dma_wait3A_32 = tpu.memref_squeeze %dma_wait3A_31 : memref<1x128xi32, #tpu.memory_space<vmem>> -> memref<128xi32, #tpu.memory_space<vmem>>
        %dma_wait3A_33 = arith.constant 0 : i32
        %dma_wait3A_34 = arith.constant 0 : i32
        %dma_wait3A_35 = tpu.memref_slice %arg9[%dma_wait3A_33, %dma_wait3A_34] : memref<10240x128xf32, #tpu.memory_space<vmem_shared>> -> memref<10240x128xf32, #tpu.memory_space<vmem_shared>>
        tpu.wait_indirect_dma semaphore(%run_scoped3A : memref<!tpu.dma_semaphore, #tpu.memory_space<semaphore_mem>>) src(%arg8 : memref<128x128xf32, #tpu.memory_space<vmem>>) dst(%dma_wait3A_35 : memref<10240x128xf32, #tpu.memory_space<vmem_shared>>)
        tpu.yield
      }) : () -> ()
    }
    %scan3A_23 = arith.constant 79 : i32
    %barrier3A_24 = arith.constant 0 : index
    tpu.barrier barrier_id(%barrier3A_24)
    "tpu.region"() ({
      %run_scoped3A = tpu.sem_alloc : memref<!tpu.dma_semaphore, #tpu.memory_space<semaphore_mem>>
      %dma_start3A = arith.constant 0 : i32
      %dma_start3A_25 = arith.constant 0 : i32
      %dma_start3A_26 = tpu.memref_slice %arg5[%add3A, %dma_start3A, %dma_start3A_25] : memref<32x640x128xf32, #tpu.memory_space<hbm>> -> memref<1x640x128xf32, #tpu.memory_space<hbm>>
      %dma_start3A_27 = tpu.memref_squeeze %dma_start3A_26 : memref<1x640x128xf32, #tpu.memory_space<hbm>> -> memref<640x128xf32, #tpu.memory_space<hbm>>
      %dma_start3A_28 = arith.constant 0 : i32
      %dma_start3A_29 = tpu.memref_slice %arg9[%mul3A_7, %dma_start3A_28] : memref<10240x128xf32, #tpu.memory_space<vmem_shared>> -> memref<640x128xf32, #tpu.memory_space<vmem_shared>>
      tpu.enqueue_dma source(%dma_start3A_29 : memref<640x128xf32, #tpu.memory_space<vmem_shared>>) target(%dma_start3A_27 : memref<640x128xf32, #tpu.memory_space<hbm>>) target_semaphore(%run_scoped3A : memref<!tpu.dma_semaphore, #tpu.memory_space<semaphore_mem>>)
      %dma_wait3A = arith.constant 0 : i32
      %dma_wait3A_30 = arith.constant 0 : i32
      %dma_wait3A_31 = tpu.memref_slice %arg5[%add3A, %dma_wait3A, %dma_wait3A_30] : memref<32x640x128xf32, #tpu.memory_space<hbm>> -> memref<1x640x128xf32, #tpu.memory_space<hbm>>
      %dma_wait3A_32 = tpu.memref_squeeze %dma_wait3A_31 : memref<1x640x128xf32, #tpu.memory_space<hbm>> -> memref<640x128xf32, #tpu.memory_space<hbm>>
      %dma_wait3A_33 = arith.constant 0 : i32
      %dma_wait3A_34 = tpu.memref_slice %arg9[%mul3A_7, %dma_wait3A_33] : memref<10240x128xf32, #tpu.memory_space<vmem_shared>> -> memref<640x128xf32, #tpu.memory_space<vmem_shared>>
      tpu.wait_dma2 semaphore(%run_scoped3A : memref<!tpu.dma_semaphore, #tpu.memory_space<semaphore_mem>>) src(%dma_wait3A_34 : memref<640x128xf32, #tpu.memory_space<vmem_shared>>) dst(%dma_wait3A_32 : memref<640x128xf32, #tpu.memory_space<hbm>>)
      tpu.yield
    }) : () -> ()
    return
  }
}

#map = affine_map<(d0, d1) -> (0, 0)>
#map1 = affine_map<(d0, d1) -> (0, 0, 0)>
module attributes {stable_mosaic.version = 14 : i64} {
  func.func @_sc_scatter_body(%arg0: i32, %arg1: i32, %arg2: memref<10000x128xf32, #tpu.memory_space<hbm>>, %arg3: memref<32x79x128xi32, #tpu.memory_space<hbm>>, %arg4: memref<32x79x128xi32, #tpu.memory_space<hbm>>, %arg5: memref<32x640x128xf32, #tpu.memory_space<hbm>>, %arg6: memref<79x128xi32, #tpu.memory_space<vmem>>, %arg7: memref<79x128xi32, #tpu.memory_space<vmem>>, %arg8: memref<128x128xf32, #tpu.memory_space<vmem>>, %arg9: memref<10240x128xf32, #tpu.memory_space<vmem_shared>>) attributes {dimension_semantics = [#tpu.dimension_semantics<core_parallel>, #tpu.dimension_semantics<subcore_parallel>], iteration_bounds = array<i64: 2, 16>, scalar_prefetch = 0 : i64, scratch_operands = 4 : i64, tpu.core_type = #tpu.core_type<sc_vector_subcore>, window_params = [{transform_indices = #map}, {transform_indices = #map1}, {transform_indices = #map1}, {transform_indices = #map1}]} {
    %mul3A = arith.constant 16 : i32
    %mul3A_0 = arith.muli %arg0, %mul3A : i32
    %add3A = arith.addi %mul3A_0, %arg1 : i32
    %broadcast_in_dim3A = arith.constant 0.000000e+00 : f32
    %broadcast_in_dim3A_1 = vector.broadcast %broadcast_in_dim3A : f32 to vector<16xf32>
    %scan3A = arith.constant 0 : i32
    %scan3A_2 = arith.constant 1024 : i32
    %scan3A_3 = arith.addi %scan3A, %scan3A_2 : i32
    %scan3A_4 = arith.constant 1 : i32
    scf.for %scan3A_25 = %scan3A to %scan3A_3 step %scan3A_4  : i32 {
      %jit3A = arith.constant 8 : i32
      %div3A = arith.divsi %scan3A_25, %jit3A : i32
      %sign3A = arith.constant 0 : i32
      %sign3A_26 = arith.cmpi sgt, %scan3A_25, %sign3A : i32
      %sign3A_27 = arith.extui %sign3A_26 : i1 to i32
      %sign3A_28 = arith.constant 0 : i32
      %sign3A_29 = arith.cmpi slt, %scan3A_25, %sign3A_28 : i32
      %sign3A_30 = arith.extui %sign3A_29 : i1 to i32
      %sign3A_31 = arith.subi %sign3A_27, %sign3A_30 : i32
      %sign3A_32 = arith.constant 0 : i32
      %sign3A_33 = arith.cmpi sgt, %jit3A, %sign3A_32 : i32
      %sign3A_34 = arith.extui %sign3A_33 : i1 to i32
      %sign3A_35 = arith.constant 0 : i32
      %sign3A_36 = arith.cmpi slt, %jit3A, %sign3A_35 : i32
      %sign3A_37 = arith.extui %sign3A_36 : i1 to i32
      %sign3A_38 = arith.subi %sign3A_34, %sign3A_37 : i32
      %ne3A = arith.cmpi ne, %sign3A_31, %sign3A_38 : i32
      %rem3A = arith.remsi %scan3A_25, %jit3A : i32
      %ne3A_39 = arith.constant 0 : i32
      %ne3A_40 = arith.cmpi ne, %rem3A, %ne3A_39 : i32
      %and3A = arith.andi %ne3A, %ne3A_40 : i1
      %sub3A = arith.constant 1 : i32
      %sub3A_41 = arith.subi %div3A, %sub3A : i32
      %select_n3A = arith.select %and3A, %sub3A_41, %div3A : i32
      %jit3A_42 = arith.constant 8 : i32
      %eq3A = arith.constant 0 : i32
      %eq3A_43 = arith.cmpi eq, %jit3A_42, %eq3A : i32
      %jit3A_44 = arith.constant 1 : i32
      %select_n3A_45 = arith.select %eq3A_43, %jit3A_44, %jit3A_42 : i32
      %rem3A_46 = arith.remsi %scan3A_25, %select_n3A_45 : i32
      %ne3A_47 = arith.constant 0 : i32
      %ne3A_48 = arith.cmpi ne, %rem3A_46, %ne3A_47 : i32
      %lt3A = arith.constant 0 : i32
      %lt3A_49 = arith.cmpi slt, %rem3A_46, %lt3A : i32
      %lt3A_50 = arith.constant 0 : i32
      %lt3A_51 = arith.cmpi slt, %select_n3A_45, %lt3A_50 : i32
      %ne3A_52 = arith.xori %lt3A_49, %lt3A_51 : i1
      %and3A_53 = arith.andi %ne3A_52, %ne3A_48 : i1
      %add3A_54 = arith.addi %rem3A_46, %select_n3A_45 : i32
      %select_n3A_55 = arith.select %and3A_53, %add3A_54, %rem3A_46 : i32
      %mul3A_56 = arith.constant 16 : i32
      %mul3A_57 = arith.muli %select_n3A_55, %mul3A_56 : i32
      %swap3A = arith.index_cast %select_n3A : i32 to index
      %swap3A_58 = arith.index_cast %mul3A_57 : i32 to index
      %swap3A_59 = tpu.vector_load %arg8[%swap3A, %swap3A_58] {strides = array<i32>} : memref<128x128xf32, #tpu.memory_space<vmem>>, vector<1x16xf32>,
      %swap3A_60 = vector.shape_cast %swap3A_59 : vector<1x16xf32> to vector<16xf32>
      %swap3A_61 = vector.shape_cast %broadcast_in_dim3A_1 : vector<16xf32> to vector<1x16xf32>
      tpu.vector_store %arg8[%swap3A, %swap3A_58], %swap3A_61 {strides = array<i32>} : memref<128x128xf32, #tpu.memory_space<vmem>>, vector<1x16xf32>,
    }
    %scan3A_5 = arith.constant 1024 : i32
    %mul3A_6 = arith.constant 640 : i32
    %mul3A_7 = arith.muli %arg1, %mul3A_6 : i32
    %add3A_8 = arith.constant 0 : i32
    %add3A_9 = arith.addi %mul3A_7, %add3A_8 : i32
    "tpu.region"() ({
      %run_scoped3A = tpu.sem_alloc : memref<!tpu.dma_semaphore, #tpu.memory_space<semaphore_mem>>
      %dma_start3A = arith.constant 0 : i32
      %dma_start3A_25 = tpu.memref_slice %arg9[%add3A_9, %dma_start3A] : memref<10240x128xf32, #tpu.memory_space<vmem_shared>> -> memref<128x128xf32, #tpu.memory_space<vmem_shared>>
      %dma_start3A_26 = arith.constant 0 : i32
      %dma_start3A_27 = tpu.memref_slice %arg9[%add3A_9, %dma_start3A_26] : memref<10240x128xf32, #tpu.memory_space<vmem_shared>> -> memref<128x128xf32, #tpu.memory_space<vmem_shared>>
      tpu.enqueue_dma source(%arg8 : memref<128x128xf32, #tpu.memory_space<vmem>>) target(%dma_start3A_27 : memref<128x128xf32, #tpu.memory_space<vmem_shared>>) target_semaphore(%run_scoped3A : memref<!tpu.dma_semaphore, #tpu.memory_space<semaphore_mem>>)
      %dma_wait3A = arith.constant 0 : i32
      %dma_wait3A_28 = tpu.memref_slice %arg9[%add3A_9, %dma_wait3A] : memref<10240x128xf32, #tpu.memory_space<vmem_shared>> -> memref<128x128xf32, #tpu.memory_space<vmem_shared>>
      %dma_wait3A_29 = arith.constant 0 : i32
      %dma_wait3A_30 = tpu.memref_slice %arg9[%add3A_9, %dma_wait3A_29] : memref<10240x128xf32, #tpu.memory_space<vmem_shared>> -> memref<128x128xf32, #tpu.memory_space<vmem_shared>>
      tpu.wait_dma2 semaphore(%run_scoped3A : memref<!tpu.dma_semaphore, #tpu.memory_space<semaphore_mem>>) src(%arg8 : memref<128x128xf32, #tpu.memory_space<vmem>>) dst(%dma_wait3A_30 : memref<128x128xf32, #tpu.memory_space<vmem_shared>>)
      tpu.yield
    }) : () -> ()
    %add3A_10 = arith.constant 128 : i32
    %add3A_11 = arith.addi %mul3A_7, %add3A_10 : i32
    "tpu.region"() ({
      %run_scoped3A = tpu.sem_alloc : memref<!tpu.dma_semaphore, #tpu.memory_space<semaphore_mem>>
      %dma_start3A = arith.constant 0 : i32
      %dma_start3A_25 = tpu.memref_slice %arg9[%add3A_11, %dma_start3A] : memref<10240x128xf32, #tpu.memory_space<vmem_shared>> -> memref<128x128xf32, #tpu.memory_space<vmem_shared>>
      %dma_start3A_26 = arith.constant 0 : i32
      %dma_start3A_27 = tpu.memref_slice %arg9[%add3A_11, %dma_start3A_26] : memref<10240x128xf32, #tpu.memory_space<vmem_shared>> -> memref<128x128xf32, #tpu.memory_space<vmem_shared>>
      tpu.enqueue_dma source(%arg8 : memref<128x128xf32, #tpu.memory_space<vmem>>) target(%dma_start3A_27 : memref<128x128xf32, #tpu.memory_space<vmem_shared>>) target_semaphore(%run_scoped3A : memref<!tpu.dma_semaphore, #tpu.memory_space<semaphore_mem>>)
      %dma_wait3A = arith.constant 0 : i32
      %dma_wait3A_28 = tpu.memref_slice %arg9[%add3A_11, %dma_wait3A] : memref<10240x128xf32, #tpu.memory_space<vmem_shared>> -> memref<128x128xf32, #tpu.memory_space<vmem_shared>>
      %dma_wait3A_29 = arith.constant 0 : i32
      %dma_wait3A_30 = tpu.memref_slice %arg9[%add3A_11, %dma_wait3A_29] : memref<10240x128xf32, #tpu.memory_space<vmem_shared>> -> memref<128x128xf32, #tpu.memory_space<vmem_shared>>
      tpu.wait_dma2 semaphore(%run_scoped3A : memref<!tpu.dma_semaphore, #tpu.memory_space<semaphore_mem>>) src(%arg8 : memref<128x128xf32, #tpu.memory_space<vmem>>) dst(%dma_wait3A_30 : memref<128x128xf32, #tpu.memory_space<vmem_shared>>)
      tpu.yield
    }) : () -> ()
    %add3A_12 = arith.constant 256 : i32
    %add3A_13 = arith.addi %mul3A_7, %add3A_12 : i32
    "tpu.region"() ({
      %run_scoped3A = tpu.sem_alloc : memref<!tpu.dma_semaphore, #tpu.memory_space<semaphore_mem>>
      %dma_start3A = arith.constant 0 : i32
      %dma_start3A_25 = tpu.memref_slice %arg9[%add3A_13, %dma_start3A] : memref<10240x128xf32, #tpu.memory_space<vmem_shared>> -> memref<128x128xf32, #tpu.memory_space<vmem_shared>>
      %dma_start3A_26 = arith.constant 0 : i32
      %dma_start3A_27 = tpu.memref_slice %arg9[%add3A_13, %dma_start3A_26] : memref<10240x128xf32, #tpu.memory_space<vmem_shared>> -> memref<128x128xf32, #tpu.memory_space<vmem_shared>>
      tpu.enqueue_dma source(%arg8 : memref<128x128xf32, #tpu.memory_space<vmem>>) target(%dma_start3A_27 : memref<128x128xf32, #tpu.memory_space<vmem_shared>>) target_semaphore(%run_scoped3A : memref<!tpu.dma_semaphore, #tpu.memory_space<semaphore_mem>>)
      %dma_wait3A = arith.constant 0 : i32
      %dma_wait3A_28 = tpu.memref_slice %arg9[%add3A_13, %dma_wait3A] : memref<10240x128xf32, #tpu.memory_space<vmem_shared>> -> memref<128x128xf32, #tpu.memory_space<vmem_shared>>
      %dma_wait3A_29 = arith.constant 0 : i32
      %dma_wait3A_30 = tpu.memref_slice %arg9[%add3A_13, %dma_wait3A_29] : memref<10240x128xf32, #tpu.memory_space<vmem_shared>> -> memref<128x128xf32, #tpu.memory_space<vmem_shared>>
      tpu.wait_dma2 semaphore(%run_scoped3A : memref<!tpu.dma_semaphore, #tpu.memory_space<semaphore_mem>>) src(%arg8 : memref<128x128xf32, #tpu.memory_space<vmem>>) dst(%dma_wait3A_30 : memref<128x128xf32, #tpu.memory_space<vmem_shared>>)
      tpu.yield
    }) : () -> ()
    %add3A_14 = arith.constant 384 : i32
    %add3A_15 = arith.addi %mul3A_7, %add3A_14 : i32
    "tpu.region"() ({
      %run_scoped3A = tpu.sem_alloc : memref<!tpu.dma_semaphore, #tpu.memory_space<semaphore_mem>>
      %dma_start3A = arith.constant 0 : i32
      %dma_start3A_25 = tpu.memref_slice %arg9[%add3A_15, %dma_start3A] : memref<10240x128xf32, #tpu.memory_space<vmem_shared>> -> memref<128x128xf32, #tpu.memory_space<vmem_shared>>
      %dma_start3A_26 = arith.constant 0 : i32
      %dma_start3A_27 = tpu.memref_slice %arg9[%add3A_15, %dma_start3A_26] : memref<10240x128xf32, #tpu.memory_space<vmem_shared>> -> memref<128x128xf32, #tpu.memory_space<vmem_shared>>
      tpu.enqueue_dma source(%arg8 : memref<128x128xf32, #tpu.memory_space<vmem>>) target(%dma_start3A_27 : memref<128x128xf32, #tpu.memory_space<vmem_shared>>) target_semaphore(%run_scoped3A : memref<!tpu.dma_semaphore, #tpu.memory_space<semaphore_mem>>)
      %dma_wait3A = arith.constant 0 : i32
      %dma_wait3A_28 = tpu.memref_slice %arg9[%add3A_15, %dma_wait3A] : memref<10240x128xf32, #tpu.memory_space<vmem_shared>> -> memref<128x128xf32, #tpu.memory_space<vmem_shared>>
      %dma_wait3A_29 = arith.constant 0 : i32
      %dma_wait3A_30 = tpu.memref_slice %arg9[%add3A_15, %dma_wait3A_29] : memref<10240x128xf32, #tpu.memory_space<vmem_shared>> -> memref<128x128xf32, #tpu.memory_space<vmem_shared>>
      tpu.wait_dma2 semaphore(%run_scoped3A : memref<!tpu.dma_semaphore, #tpu.memory_space<semaphore_mem>>) src(%arg8 : memref<128x128xf32, #tpu.memory_space<vmem>>) dst(%dma_wait3A_30 : memref<128x128xf32, #tpu.memory_space<vmem_shared>>)
      tpu.yield
    }) : () -> ()
    %add3A_16 = arith.constant 512 : i32
    %add3A_17 = arith.addi %mul3A_7, %add3A_16 : i32
    "tpu.region"() ({
      %run_scoped3A = tpu.sem_alloc : memref<!tpu.dma_semaphore, #tpu.memory_space<semaphore_mem>>
      %dma_start3A = arith.constant 0 : i32
      %dma_start3A_25 = tpu.memref_slice %arg9[%add3A_17, %dma_start3A] : memref<10240x128xf32, #tpu.memory_space<vmem_shared>> -> memref<128x128xf32, #tpu.memory_space<vmem_shared>>
      %dma_start3A_26 = arith.constant 0 : i32
      %dma_start3A_27 = tpu.memref_slice %arg9[%add3A_17, %dma_start3A_26] : memref<10240x128xf32, #tpu.memory_space<vmem_shared>> -> memref<128x128xf32, #tpu.memory_space<vmem_shared>>
      tpu.enqueue_dma source(%arg8 : memref<128x128xf32, #tpu.memory_space<vmem>>) target(%dma_start3A_27 : memref<128x128xf32, #tpu.memory_space<vmem_shared>>) target_semaphore(%run_scoped3A : memref<!tpu.dma_semaphore, #tpu.memory_space<semaphore_mem>>)
      %dma_wait3A = arith.constant 0 : i32
      %dma_wait3A_28 = tpu.memref_slice %arg9[%add3A_17, %dma_wait3A] : memref<10240x128xf32, #tpu.memory_space<vmem_shared>> -> memref<128x128xf32, #tpu.memory_space<vmem_shared>>
      %dma_wait3A_29 = arith.constant 0 : i32
      %dma_wait3A_30 = tpu.memref_slice %arg9[%add3A_17, %dma_wait3A_29] : memref<10240x128xf32, #tpu.memory_space<vmem_shared>> -> memref<128x128xf32, #tpu.memory_space<vmem_shared>>
      tpu.wait_dma2 semaphore(%run_scoped3A : memref<!tpu.dma_semaphore, #tpu.memory_space<semaphore_mem>>) src(%arg8 : memref<128x128xf32, #tpu.memory_space<vmem>>) dst(%dma_wait3A_30 : memref<128x128xf32, #tpu.memory_space<vmem_shared>>)
      tpu.yield
    }) : () -> ()
    %barrier3A = arith.constant 0 : index
    tpu.barrier barrier_id(%barrier3A)
    "tpu.region"() ({
      %run_scoped3A = tpu.sem_alloc : memref<!tpu.dma_semaphore, #tpu.memory_space<semaphore_mem>>
      %dma_start3A = arith.constant 0 : i32
      %dma_start3A_25 = arith.constant 0 : i32
      %dma_start3A_26 = tpu.memref_slice %arg3[%add3A, %dma_start3A, %dma_start3A_25] : memref<32x79x128xi32, #tpu.memory_space<hbm>> -> memref<1x79x128xi32, #tpu.memory_space<hbm>>
      %dma_start3A_27 = tpu.memref_squeeze %dma_start3A_26 : memref<1x79x128xi32, #tpu.memory_space<hbm>> -> memref<79x128xi32, #tpu.memory_space<hbm>>
      %dma_start3A_28 = arith.constant 0 : i32
      %dma_start3A_29 = arith.constant 0 : i32
      %dma_start3A_30 = tpu.memref_slice %arg3[%add3A, %dma_start3A_28, %dma_start3A_29] : memref<32x79x128xi32, #tpu.memory_space<hbm>> -> memref<1x79x128xi32, #tpu.memory_space<hbm>>
      %dma_start3A_31 = tpu.memref_squeeze %dma_start3A_30 : memref<1x79x128xi32, #tpu.memory_space<hbm>> -> memref<79x128xi32, #tpu.memory_space<hbm>>
      tpu.enqueue_dma source(%dma_start3A_31 : memref<79x128xi32, #tpu.memory_space<hbm>>) target(%arg6 : memref<79x128xi32, #tpu.memory_space<vmem>>) target_semaphore(%run_scoped3A : memref<!tpu.dma_semaphore, #tpu.memory_space<semaphore_mem>>)
      %dma_wait3A = arith.constant 0 : i32
      %dma_wait3A_32 = arith.constant 0 : i32
      %dma_wait3A_33 = tpu.memref_slice %arg3[%add3A, %dma_wait3A, %dma_wait3A_32] : memref<32x79x128xi32, #tpu.memory_space<hbm>> -> memref<1x79x128xi32, #tpu.memory_space<hbm>>
      %dma_wait3A_34 = tpu.memref_squeeze %dma_wait3A_33 : memref<1x79x128xi32, #tpu.memory_space<hbm>> -> memref<79x128xi32, #tpu.memory_space<hbm>>
      %dma_wait3A_35 = arith.constant 0 : i32
      %dma_wait3A_36 = arith.constant 0 : i32
      %dma_wait3A_37 = tpu.memref_slice %arg3[%add3A, %dma_wait3A_35, %dma_wait3A_36] : memref<32x79x128xi32, #tpu.memory_space<hbm>> -> memref<1x79x128xi32, #tpu.memory_space<hbm>>
      %dma_wait3A_38 = tpu.memref_squeeze %dma_wait3A_37 : memref<1x79x128xi32, #tpu.memory_space<hbm>> -> memref<79x128xi32, #tpu.memory_space<hbm>>
      tpu.wait_dma2 semaphore(%run_scoped3A : memref<!tpu.dma_semaphore, #tpu.memory_space<semaphore_mem>>) src(%dma_wait3A_38 : memref<79x128xi32, #tpu.memory_space<hbm>>) dst(%arg6 : memref<79x128xi32, #tpu.memory_space<vmem>>)
      tpu.yield
    }) : () -> ()
    "tpu.region"() ({
      %run_scoped3A = tpu.sem_alloc : memref<!tpu.dma_semaphore, #tpu.memory_space<semaphore_mem>>
      %dma_start3A = arith.constant 0 : i32
      %dma_start3A_25 = arith.constant 0 : i32
      %dma_start3A_26 = tpu.memref_slice %arg4[%add3A, %dma_start3A, %dma_start3A_25] : memref<32x79x128xi32, #tpu.memory_space<hbm>> -> memref<1x79x128xi32, #tpu.memory_space<hbm>>
      %dma_start3A_27 = tpu.memref_squeeze %dma_start3A_26 : memref<1x79x128xi32, #tpu.memory_space<hbm>> -> memref<79x128xi32, #tpu.memory_space<hbm>>
      %dma_start3A_28 = arith.constant 0 : i32
      %dma_start3A_29 = arith.constant 0 : i32
      %dma_start3A_30 = tpu.memref_slice %arg4[%add3A, %dma_start3A_28, %dma_start3A_29] : memref<32x79x128xi32, #tpu.memory_space<hbm>> -> memref<1x79x128xi32, #tpu.memory_space<hbm>>
      %dma_start3A_31 = tpu.memref_squeeze %dma_start3A_30 : memref<1x79x128xi32, #tpu.memory_space<hbm>> -> memref<79x128xi32, #tpu.memory_space<hbm>>
      tpu.enqueue_dma source(%dma_start3A_31 : memref<79x128xi32, #tpu.memory_space<hbm>>) target(%arg7 : memref<79x128xi32, #tpu.memory_space<vmem>>) target_semaphore(%run_scoped3A : memref<!tpu.dma_semaphore, #tpu.memory_space<semaphore_mem>>)
      %dma_wait3A = arith.constant 0 : i32
      %dma_wait3A_32 = arith.constant 0 : i32
      %dma_wait3A_33 = tpu.memref_slice %arg4[%add3A, %dma_wait3A, %dma_wait3A_32] : memref<32x79x128xi32, #tpu.memory_space<hbm>> -> memref<1x79x128xi32, #tpu.memory_space<hbm>>
      %dma_wait3A_34 = tpu.memref_squeeze %dma_wait3A_33 : memref<1x79x128xi32, #tpu.memory_space<hbm>> -> memref<79x128xi32, #tpu.memory_space<hbm>>
      %dma_wait3A_35 = arith.constant 0 : i32
      %dma_wait3A_36 = arith.constant 0 : i32
      %dma_wait3A_37 = tpu.memref_slice %arg4[%add3A, %dma_wait3A_35, %dma_wait3A_36] : memref<32x79x128xi32, #tpu.memory_space<hbm>> -> memref<1x79x128xi32, #tpu.memory_space<hbm>>
      %dma_wait3A_38 = tpu.memref_squeeze %dma_wait3A_37 : memref<1x79x128xi32, #tpu.memory_space<hbm>> -> memref<79x128xi32, #tpu.memory_space<hbm>>
      tpu.wait_dma2 semaphore(%run_scoped3A : memref<!tpu.dma_semaphore, #tpu.memory_space<semaphore_mem>>) src(%dma_wait3A_38 : memref<79x128xi32, #tpu.memory_space<hbm>>) dst(%arg7 : memref<79x128xi32, #tpu.memory_space<vmem>>)
      tpu.yield
    }) : () -> ()
    %barrier3A_18 = arith.constant 0 : index
    tpu.barrier barrier_id(%barrier3A_18)
    %scan3A_19 = arith.constant 0 : i32
    %scan3A_20 = arith.constant 79 : i32
    %scan3A_21 = arith.addi %scan3A_19, %scan3A_20 : i32
    %scan3A_22 = arith.constant 1 : i32
    scf.for %scan3A_25 = %scan3A_19 to %scan3A_21 step %scan3A_22  : i32 {
      "tpu.region"() ({
        %run_scoped3A = tpu.sem_alloc : memref<!tpu.dma_semaphore, #tpu.memory_space<semaphore_mem>>
        %dma_start3A = arith.constant 0 : i32
        %dma_start3A_26 = tpu.memref_slice %arg6[%scan3A_25, %dma_start3A] : memref<79x128xi32, #tpu.memory_space<vmem>> -> memref<1x128xi32, #tpu.memory_space<vmem>>
        %dma_start3A_27 = tpu.memref_squeeze %dma_start3A_26 : memref<1x128xi32, #tpu.memory_space<vmem>> -> memref<128xi32, #tpu.memory_space<vmem>>
        %dma_start3A_28 = arith.constant 0 : i32
        %dma_start3A_29 = arith.constant 0 : i32
        %dma_start3A_30 = tpu.memref_slice %arg2[%dma_start3A_28, %dma_start3A_29] : memref<10000x128xf32, #tpu.memory_space<hbm>> -> memref<10000x128xf32, #tpu.memory_space<hbm>>
        tpu.enqueue_indirect_dma source(%dma_start3A_30 : memref<10000x128xf32, #tpu.memory_space<hbm>>) target(%arg8 : memref<128x128xf32, #tpu.memory_space<vmem>>) offsets(%dma_start3A_27 : memref<128xi32, #tpu.memory_space<vmem>>) semaphore(%run_scoped3A : memref<!tpu.dma_semaphore, #tpu.memory_space<semaphore_mem>>)
        %dma_wait3A = arith.constant 0 : i32
        %dma_wait3A_31 = tpu.memref_slice %arg6[%scan3A_25, %dma_wait3A] : memref<79x128xi32, #tpu.memory_space<vmem>> -> memref<1x128xi32, #tpu.memory_space<vmem>>
        %dma_wait3A_32 = tpu.memref_squeeze %dma_wait3A_31 : memref<1x128xi32, #tpu.memory_space<vmem>> -> memref<128xi32, #tpu.memory_space<vmem>>
        %dma_wait3A_33 = arith.constant 0 : i32
        %dma_wait3A_34 = arith.constant 0 : i32
        %dma_wait3A_35 = tpu.memref_slice %arg2[%dma_wait3A_33, %dma_wait3A_34] : memref<10000x128xf32, #tpu.memory_space<hbm>> -> memref<10000x128xf32, #tpu.memory_space<hbm>>
        tpu.wait_indirect_dma semaphore(%run_scoped3A : memref<!tpu.dma_semaphore, #tpu.memory_space<semaphore_mem>>) src(%dma_wait3A_35 : memref<10000x128xf32, #tpu.memory_space<hbm>>) dst(%arg8 : memref<128x128xf32, #tpu.memory_space<vmem>>)
        tpu.yield
      }) : () -> ()
      "tpu.region"() ({
        %run_scoped3A = tpu.sem_alloc : memref<!tpu.dma_semaphore, #tpu.memory_space<semaphore_mem>>
        %dma_start3A = arith.constant 0 : i32
        %dma_start3A_26 = tpu.memref_slice %arg7[%scan3A_25, %dma_start3A] : memref<79x128xi32, #tpu.memory_space<vmem>> -> memref<1x128xi32, #tpu.memory_space<vmem>>
        %dma_start3A_27 = tpu.memref_squeeze %dma_start3A_26 : memref<1x128xi32, #tpu.memory_space<vmem>> -> memref<128xi32, #tpu.memory_space<vmem>>
        %dma_start3A_28 = arith.constant 0 : i32
        %dma_start3A_29 = arith.constant 0 : i32
        %dma_start3A_30 = tpu.memref_slice %arg9[%dma_start3A_28, %dma_start3A_29] : memref<10240x128xf32, #tpu.memory_space<vmem_shared>> -> memref<10240x128xf32, #tpu.memory_space<vmem_shared>>
        tpu.enqueue_indirect_dma source(%arg8 : memref<128x128xf32, #tpu.memory_space<vmem>>) target(%dma_start3A_30 : memref<10240x128xf32, #tpu.memory_space<vmem_shared>>) offsets(%dma_start3A_27 : memref<128xi32, #tpu.memory_space<vmem>>) semaphore(%run_scoped3A : memref<!tpu.dma_semaphore, #tpu.memory_space<semaphore_mem>>) {add = true}
        %dma_wait3A = arith.constant 0 : i32
        %dma_wait3A_31 = tpu.memref_slice %arg7[%scan3A_25, %dma_wait3A] : memref<79x128xi32, #tpu.memory_space<vmem>> -> memref<1x128xi32, #tpu.memory_space<vmem>>
        %dma_wait3A_32 = tpu.memref_squeeze %dma_wait3A_31 : memref<1x128xi32, #tpu.memory_space<vmem>> -> memref<128xi32, #tpu.memory_space<vmem>>
        %dma_wait3A_33 = arith.constant 0 : i32
        %dma_wait3A_34 = arith.constant 0 : i32
        %dma_wait3A_35 = tpu.memref_slice %arg9[%dma_wait3A_33, %dma_wait3A_34] : memref<10240x128xf32, #tpu.memory_space<vmem_shared>> -> memref<10240x128xf32, #tpu.memory_space<vmem_shared>>
        tpu.wait_indirect_dma semaphore(%run_scoped3A : memref<!tpu.dma_semaphore, #tpu.memory_space<semaphore_mem>>) src(%arg8 : memref<128x128xf32, #tpu.memory_space<vmem>>) dst(%dma_wait3A_35 : memref<10240x128xf32, #tpu.memory_space<vmem_shared>>)
        tpu.yield
      }) : () -> ()
    }
    %scan3A_23 = arith.constant 79 : i32
    %barrier3A_24 = arith.constant 0 : index
    tpu.barrier barrier_id(%barrier3A_24)
    "tpu.region"() ({
      %run_scoped3A = tpu.sem_alloc : memref<!tpu.dma_semaphore, #tpu.memory_space<semaphore_mem>>
      %dma_start3A = arith.constant 0 : i32
      %dma_start3A_25 = arith.constant 0 : i32
      %dma_start3A_26 = tpu.memref_slice %arg5[%add3A, %dma_start3A, %dma_start3A_25] : memref<32x640x128xf32, #tpu.memory_space<hbm>> -> memref<1x640x128xf32, #tpu.memory_space<hbm>>
      %dma_start3A_27 = tpu.memref_squeeze %dma_start3A_26 : memref<1x640x128xf32, #tpu.memory_space<hbm>> -> memref<640x128xf32, #tpu.memory_space<hbm>>
      %dma_start3A_28 = arith.constant 0 : i32
      %dma_start3A_29 = tpu.memref_slice %arg9[%mul3A_7, %dma_start3A_28] : memref<10240x128xf32, #tpu.memory_space<vmem_shared>> -> memref<640x128xf32, #tpu.memory_space<vmem_shared>>
      tpu.enqueue_dma source(%dma_start3A_29 : memref<640x128xf32, #tpu.memory_space<vmem_shared>>) target(%dma_start3A_27 : memref<640x128xf32, #tpu.memory_space<hbm>>) target_semaphore(%run_scoped3A : memref<!tpu.dma_semaphore, #tpu.memory_space<semaphore_mem>>)
      %dma_wait3A = arith.constant 0 : i32
      %dma_wait3A_30 = arith.constant 0 : i32
      %dma_wait3A_31 = tpu.memref_slice %arg5[%add3A, %dma_wait3A, %dma_wait3A_30] : memref<32x640x128xf32, #tpu.memory_space<hbm>> -> memref<1x640x128xf32, #tpu.memory_space<hbm>>
      %dma_wait3A_32 = tpu.memref_squeeze %dma_wait3A_31 : memref<1x640x128xf32, #tpu.memory_space<hbm>> -> memref<640x128xf32, #tpu.memory_space<hbm>>
      %dma_wait3A_33 = arith.constant 0 : i32
      %dma_wait3A_34 = tpu.memref_slice %arg9[%mul3A_7, %dma_wait3A_33] : memref<10240x128xf32, #tpu.memory_space<vmem_shared>> -> memref<640x128xf32, #tpu.memory_space<vmem_shared>>
      tpu.wait_dma2 semaphore(%run_scoped3A : memref<!tpu.dma_semaphore, #tpu.memory_space<semaphore_mem>>) src(%dma_wait3A_34 : memref<640x128xf32, #tpu.memory_space<vmem_shared>>) dst(%dma_wait3A_32 : memref<640x128xf32, #tpu.memory_space<hbm>>)
      tpu.yield
    }) : () -> ()
    return
  }
}

#map = affine_map<(d0, d1) -> (0, 0)>
#map1 = affine_map<(d0, d1) -> (0, 0, 0)>
module attributes {stable_mosaic.version = 14 : i64} {
  func.func @_sc_scatter_body(%arg0: i32, %arg1: i32, %arg2: memref<10000x128xf32, #tpu.memory_space<hbm>>, %arg3: memref<32x79x128xi32, #tpu.memory_space<hbm>>, %arg4: memref<32x79x128xi32, #tpu.memory_space<hbm>>, %arg5: memref<32x640x128xf32, #tpu.memory_space<hbm>>, %arg6: memref<79x128xi32, #tpu.memory_space<vmem>>, %arg7: memref<79x128xi32, #tpu.memory_space<vmem>>, %arg8: memref<128x128xf32, #tpu.memory_space<vmem>>, %arg9: memref<10240x128xf32, #tpu.memory_space<vmem_shared>>) attributes {dimension_semantics = [#tpu.dimension_semantics<core_parallel>, #tpu.dimension_semantics<subcore_parallel>], iteration_bounds = array<i64: 2, 16>, scalar_prefetch = 0 : i64, scratch_operands = 4 : i64, tpu.core_type = #tpu.core_type<sc_vector_subcore>, window_params = [{transform_indices = #map}, {transform_indices = #map1}, {transform_indices = #map1}, {transform_indices = #map1}]} {
    %mul3A = arith.constant 16 : i32
    %mul3A_0 = arith.muli %arg0, %mul3A : i32
    %add3A = arith.addi %mul3A_0, %arg1 : i32
    %broadcast_in_dim3A = arith.constant 0.000000e+00 : f32
    %broadcast_in_dim3A_1 = vector.broadcast %broadcast_in_dim3A : f32 to vector<16xf32>
    %scan3A = arith.constant 0 : i32
    %scan3A_2 = arith.constant 1024 : i32
    %scan3A_3 = arith.addi %scan3A, %scan3A_2 : i32
    %scan3A_4 = arith.constant 1 : i32
    scf.for %scan3A_25 = %scan3A to %scan3A_3 step %scan3A_4  : i32 {
      %jit3A = arith.constant 8 : i32
      %div3A = arith.divsi %scan3A_25, %jit3A : i32
      %sign3A = arith.constant 0 : i32
      %sign3A_26 = arith.cmpi sgt, %scan3A_25, %sign3A : i32
      %sign3A_27 = arith.extui %sign3A_26 : i1 to i32
      %sign3A_28 = arith.constant 0 : i32
      %sign3A_29 = arith.cmpi slt, %scan3A_25, %sign3A_28 : i32
      %sign3A_30 = arith.extui %sign3A_29 : i1 to i32
      %sign3A_31 = arith.subi %sign3A_27, %sign3A_30 : i32
      %sign3A_32 = arith.constant 0 : i32
      %sign3A_33 = arith.cmpi sgt, %jit3A, %sign3A_32 : i32
      %sign3A_34 = arith.extui %sign3A_33 : i1 to i32
      %sign3A_35 = arith.constant 0 : i32
      %sign3A_36 = arith.cmpi slt, %jit3A, %sign3A_35 : i32
      %sign3A_37 = arith.extui %sign3A_36 : i1 to i32
      %sign3A_38 = arith.subi %sign3A_34, %sign3A_37 : i32
      %ne3A = arith.cmpi ne, %sign3A_31, %sign3A_38 : i32
      %rem3A = arith.remsi %scan3A_25, %jit3A : i32
      %ne3A_39 = arith.constant 0 : i32
      %ne3A_40 = arith.cmpi ne, %rem3A, %ne3A_39 : i32
      %and3A = arith.andi %ne3A, %ne3A_40 : i1
      %sub3A = arith.constant 1 : i32
      %sub3A_41 = arith.subi %div3A, %sub3A : i32
      %select_n3A = arith.select %and3A, %sub3A_41, %div3A : i32
      %jit3A_42 = arith.constant 8 : i32
      %eq3A = arith.constant 0 : i32
      %eq3A_43 = arith.cmpi eq, %jit3A_42, %eq3A : i32
      %jit3A_44 = arith.constant 1 : i32
      %select_n3A_45 = arith.select %eq3A_43, %jit3A_44, %jit3A_42 : i32
      %rem3A_46 = arith.remsi %scan3A_25, %select_n3A_45 : i32
      %ne3A_47 = arith.constant 0 : i32
      %ne3A_48 = arith.cmpi ne, %rem3A_46, %ne3A_47 : i32
      %lt3A = arith.constant 0 : i32
      %lt3A_49 = arith.cmpi slt, %rem3A_46, %lt3A : i32
      %lt3A_50 = arith.constant 0 : i32
      %lt3A_51 = arith.cmpi slt, %select_n3A_45, %lt3A_50 : i32
      %ne3A_52 = arith.xori %lt3A_49, %lt3A_51 : i1
      %and3A_53 = arith.andi %ne3A_52, %ne3A_48 : i1
      %add3A_54 = arith.addi %rem3A_46, %select_n3A_45 : i32
      %select_n3A_55 = arith.select %and3A_53, %add3A_54, %rem3A_46 : i32
      %mul3A_56 = arith.constant 16 : i32
      %mul3A_57 = arith.muli %select_n3A_55, %mul3A_56 : i32
      %swap3A = arith.index_cast %select_n3A : i32 to index
      %swap3A_58 = arith.index_cast %mul3A_57 : i32 to index
      %swap3A_59 = tpu.vector_load %arg8[%swap3A, %swap3A_58] {strides = array<i32>} : memref<128x128xf32, #tpu.memory_space<vmem>>, vector<1x16xf32>,
      %swap3A_60 = vector.shape_cast %swap3A_59 : vector<1x16xf32> to vector<16xf32>
      %swap3A_61 = vector.shape_cast %broadcast_in_dim3A_1 : vector<16xf32> to vector<1x16xf32>
      tpu.vector_store %arg8[%swap3A, %swap3A_58], %swap3A_61 {strides = array<i32>} : memref<128x128xf32, #tpu.memory_space<vmem>>, vector<1x16xf32>,
    }
    %scan3A_5 = arith.constant 1024 : i32
    %mul3A_6 = arith.constant 640 : i32
    %mul3A_7 = arith.muli %arg1, %mul3A_6 : i32
    %add3A_8 = arith.constant 0 : i32
    %add3A_9 = arith.addi %mul3A_7, %add3A_8 : i32
    "tpu.region"() ({
      %run_scoped3A = tpu.sem_alloc : memref<!tpu.dma_semaphore, #tpu.memory_space<semaphore_mem>>
      %dma_start3A = arith.constant 0 : i32
      %dma_start3A_25 = tpu.memref_slice %arg9[%add3A_9, %dma_start3A] : memref<10240x128xf32, #tpu.memory_space<vmem_shared>> -> memref<128x128xf32, #tpu.memory_space<vmem_shared>>
      %dma_start3A_26 = arith.constant 0 : i32
      %dma_start3A_27 = tpu.memref_slice %arg9[%add3A_9, %dma_start3A_26] : memref<10240x128xf32, #tpu.memory_space<vmem_shared>> -> memref<128x128xf32, #tpu.memory_space<vmem_shared>>
      tpu.enqueue_dma source(%arg8 : memref<128x128xf32, #tpu.memory_space<vmem>>) target(%dma_start3A_27 : memref<128x128xf32, #tpu.memory_space<vmem_shared>>) target_semaphore(%run_scoped3A : memref<!tpu.dma_semaphore, #tpu.memory_space<semaphore_mem>>)
      %dma_wait3A = arith.constant 0 : i32
      %dma_wait3A_28 = tpu.memref_slice %arg9[%add3A_9, %dma_wait3A] : memref<10240x128xf32, #tpu.memory_space<vmem_shared>> -> memref<128x128xf32, #tpu.memory_space<vmem_shared>>
      %dma_wait3A_29 = arith.constant 0 : i32
      %dma_wait3A_30 = tpu.memref_slice %arg9[%add3A_9, %dma_wait3A_29] : memref<10240x128xf32, #tpu.memory_space<vmem_shared>> -> memref<128x128xf32, #tpu.memory_space<vmem_shared>>
      tpu.wait_dma2 semaphore(%run_scoped3A : memref<!tpu.dma_semaphore, #tpu.memory_space<semaphore_mem>>) src(%arg8 : memref<128x128xf32, #tpu.memory_space<vmem>>) dst(%dma_wait3A_30 : memref<128x128xf32, #tpu.memory_space<vmem_shared>>)
      tpu.yield
    }) : () -> ()
    %add3A_10 = arith.constant 128 : i32
    %add3A_11 = arith.addi %mul3A_7, %add3A_10 : i32
    "tpu.region"() ({
      %run_scoped3A = tpu.sem_alloc : memref<!tpu.dma_semaphore, #tpu.memory_space<semaphore_mem>>
      %dma_start3A = arith.constant 0 : i32
      %dma_start3A_25 = tpu.memref_slice %arg9[%add3A_11, %dma_start3A] : memref<10240x128xf32, #tpu.memory_space<vmem_shared>> -> memref<128x128xf32, #tpu.memory_space<vmem_shared>>
      %dma_start3A_26 = arith.constant 0 : i32
      %dma_start3A_27 = tpu.memref_slice %arg9[%add3A_11, %dma_start3A_26] : memref<10240x128xf32, #tpu.memory_space<vmem_shared>> -> memref<128x128xf32, #tpu.memory_space<vmem_shared>>
      tpu.enqueue_dma source(%arg8 : memref<128x128xf32, #tpu.memory_space<vmem>>) target(%dma_start3A_27 : memref<128x128xf32, #tpu.memory_space<vmem_shared>>) target_semaphore(%run_scoped3A : memref<!tpu.dma_semaphore, #tpu.memory_space<semaphore_mem>>)
      %dma_wait3A = arith.constant 0 : i32
      %dma_wait3A_28 = tpu.memref_slice %arg9[%add3A_11, %dma_wait3A] : memref<10240x128xf32, #tpu.memory_space<vmem_shared>> -> memref<128x128xf32, #tpu.memory_space<vmem_shared>>
      %dma_wait3A_29 = arith.constant 0 : i32
      %dma_wait3A_30 = tpu.memref_slice %arg9[%add3A_11, %dma_wait3A_29] : memref<10240x128xf32, #tpu.memory_space<vmem_shared>> -> memref<128x128xf32, #tpu.memory_space<vmem_shared>>
      tpu.wait_dma2 semaphore(%run_scoped3A : memref<!tpu.dma_semaphore, #tpu.memory_space<semaphore_mem>>) src(%arg8 : memref<128x128xf32, #tpu.memory_space<vmem>>) dst(%dma_wait3A_30 : memref<128x128xf32, #tpu.memory_space<vmem_shared>>)
      tpu.yield
    }) : () -> ()
    %add3A_12 = arith.constant 256 : i32
    %add3A_13 = arith.addi %mul3A_7, %add3A_12 : i32
    "tpu.region"() ({
      %run_scoped3A = tpu.sem_alloc : memref<!tpu.dma_semaphore, #tpu.memory_space<semaphore_mem>>
      %dma_start3A = arith.constant 0 : i32
      %dma_start3A_25 = tpu.memref_slice %arg9[%add3A_13, %dma_start3A] : memref<10240x128xf32, #tpu.memory_space<vmem_shared>> -> memref<128x128xf32, #tpu.memory_space<vmem_shared>>
      %dma_start3A_26 = arith.constant 0 : i32
      %dma_start3A_27 = tpu.memref_slice %arg9[%add3A_13, %dma_start3A_26] : memref<10240x128xf32, #tpu.memory_space<vmem_shared>> -> memref<128x128xf32, #tpu.memory_space<vmem_shared>>
      tpu.enqueue_dma source(%arg8 : memref<128x128xf32, #tpu.memory_space<vmem>>) target(%dma_start3A_27 : memref<128x128xf32, #tpu.memory_space<vmem_shared>>) target_semaphore(%run_scoped3A : memref<!tpu.dma_semaphore, #tpu.memory_space<semaphore_mem>>)
      %dma_wait3A = arith.constant 0 : i32
      %dma_wait3A_28 = tpu.memref_slice %arg9[%add3A_13, %dma_wait3A] : memref<10240x128xf32, #tpu.memory_space<vmem_shared>> -> memref<128x128xf32, #tpu.memory_space<vmem_shared>>
      %dma_wait3A_29 = arith.constant 0 : i32
      %dma_wait3A_30 = tpu.memref_slice %arg9[%add3A_13, %dma_wait3A_29] : memref<10240x128xf32, #tpu.memory_space<vmem_shared>> -> memref<128x128xf32, #tpu.memory_space<vmem_shared>>
      tpu.wait_dma2 semaphore(%run_scoped3A : memref<!tpu.dma_semaphore, #tpu.memory_space<semaphore_mem>>) src(%arg8 : memref<128x128xf32, #tpu.memory_space<vmem>>) dst(%dma_wait3A_30 : memref<128x128xf32, #tpu.memory_space<vmem_shared>>)
      tpu.yield
    }) : () -> ()
    %add3A_14 = arith.constant 384 : i32
    %add3A_15 = arith.addi %mul3A_7, %add3A_14 : i32
    "tpu.region"() ({
      %run_scoped3A = tpu.sem_alloc : memref<!tpu.dma_semaphore, #tpu.memory_space<semaphore_mem>>
      %dma_start3A = arith.constant 0 : i32
      %dma_start3A_25 = tpu.memref_slice %arg9[%add3A_15, %dma_start3A] : memref<10240x128xf32, #tpu.memory_space<vmem_shared>> -> memref<128x128xf32, #tpu.memory_space<vmem_shared>>
      %dma_start3A_26 = arith.constant 0 : i32
      %dma_start3A_27 = tpu.memref_slice %arg9[%add3A_15, %dma_start3A_26] : memref<10240x128xf32, #tpu.memory_space<vmem_shared>> -> memref<128x128xf32, #tpu.memory_space<vmem_shared>>
      tpu.enqueue_dma source(%arg8 : memref<128x128xf32, #tpu.memory_space<vmem>>) target(%dma_start3A_27 : memref<128x128xf32, #tpu.memory_space<vmem_shared>>) target_semaphore(%run_scoped3A : memref<!tpu.dma_semaphore, #tpu.memory_space<semaphore_mem>>)
      %dma_wait3A = arith.constant 0 : i32
      %dma_wait3A_28 = tpu.memref_slice %arg9[%add3A_15, %dma_wait3A] : memref<10240x128xf32, #tpu.memory_space<vmem_shared>> -> memref<128x128xf32, #tpu.memory_space<vmem_shared>>
      %dma_wait3A_29 = arith.constant 0 : i32
      %dma_wait3A_30 = tpu.memref_slice %arg9[%add3A_15, %dma_wait3A_29] : memref<10240x128xf32, #tpu.memory_space<vmem_shared>> -> memref<128x128xf32, #tpu.memory_space<vmem_shared>>
      tpu.wait_dma2 semaphore(%run_scoped3A : memref<!tpu.dma_semaphore, #tpu.memory_space<semaphore_mem>>) src(%arg8 : memref<128x128xf32, #tpu.memory_space<vmem>>) dst(%dma_wait3A_30 : memref<128x128xf32, #tpu.memory_space<vmem_shared>>)
      tpu.yield
    }) : () -> ()
    %add3A_16 = arith.constant 512 : i32
    %add3A_17 = arith.addi %mul3A_7, %add3A_16 : i32
    "tpu.region"() ({
      %run_scoped3A = tpu.sem_alloc : memref<!tpu.dma_semaphore, #tpu.memory_space<semaphore_mem>>
      %dma_start3A = arith.constant 0 : i32
      %dma_start3A_25 = tpu.memref_slice %arg9[%add3A_17, %dma_start3A] : memref<10240x128xf32, #tpu.memory_space<vmem_shared>> -> memref<128x128xf32, #tpu.memory_space<vmem_shared>>
      %dma_start3A_26 = arith.constant 0 : i32
      %dma_start3A_27 = tpu.memref_slice %arg9[%add3A_17, %dma_start3A_26] : memref<10240x128xf32, #tpu.memory_space<vmem_shared>> -> memref<128x128xf32, #tpu.memory_space<vmem_shared>>
      tpu.enqueue_dma source(%arg8 : memref<128x128xf32, #tpu.memory_space<vmem>>) target(%dma_start3A_27 : memref<128x128xf32, #tpu.memory_space<vmem_shared>>) target_semaphore(%run_scoped3A : memref<!tpu.dma_semaphore, #tpu.memory_space<semaphore_mem>>)
      %dma_wait3A = arith.constant 0 : i32
      %dma_wait3A_28 = tpu.memref_slice %arg9[%add3A_17, %dma_wait3A] : memref<10240x128xf32, #tpu.memory_space<vmem_shared>> -> memref<128x128xf32, #tpu.memory_space<vmem_shared>>
      %dma_wait3A_29 = arith.constant 0 : i32
      %dma_wait3A_30 = tpu.memref_slice %arg9[%add3A_17, %dma_wait3A_29] : memref<10240x128xf32, #tpu.memory_space<vmem_shared>> -> memref<128x128xf32, #tpu.memory_space<vmem_shared>>
      tpu.wait_dma2 semaphore(%run_scoped3A : memref<!tpu.dma_semaphore, #tpu.memory_space<semaphore_mem>>) src(%arg8 : memref<128x128xf32, #tpu.memory_space<vmem>>) dst(%dma_wait3A_30 : memref<128x128xf32, #tpu.memory_space<vmem_shared>>)
      tpu.yield
    }) : () -> ()
    %barrier3A = arith.constant 0 : index
    tpu.barrier barrier_id(%barrier3A)
    "tpu.region"() ({
      %run_scoped3A = tpu.sem_alloc : memref<!tpu.dma_semaphore, #tpu.memory_space<semaphore_mem>>
      %dma_start3A = arith.constant 0 : i32
      %dma_start3A_25 = arith.constant 0 : i32
      %dma_start3A_26 = tpu.memref_slice %arg3[%add3A, %dma_start3A, %dma_start3A_25] : memref<32x79x128xi32, #tpu.memory_space<hbm>> -> memref<1x79x128xi32, #tpu.memory_space<hbm>>
      %dma_start3A_27 = tpu.memref_squeeze %dma_start3A_26 : memref<1x79x128xi32, #tpu.memory_space<hbm>> -> memref<79x128xi32, #tpu.memory_space<hbm>>
      %dma_start3A_28 = arith.constant 0 : i32
      %dma_start3A_29 = arith.constant 0 : i32
      %dma_start3A_30 = tpu.memref_slice %arg3[%add3A, %dma_start3A_28, %dma_start3A_29] : memref<32x79x128xi32, #tpu.memory_space<hbm>> -> memref<1x79x128xi32, #tpu.memory_space<hbm>>
      %dma_start3A_31 = tpu.memref_squeeze %dma_start3A_30 : memref<1x79x128xi32, #tpu.memory_space<hbm>> -> memref<79x128xi32, #tpu.memory_space<hbm>>
      tpu.enqueue_dma source(%dma_start3A_31 : memref<79x128xi32, #tpu.memory_space<hbm>>) target(%arg6 : memref<79x128xi32, #tpu.memory_space<vmem>>) target_semaphore(%run_scoped3A : memref<!tpu.dma_semaphore, #tpu.memory_space<semaphore_mem>>)
      %dma_wait3A = arith.constant 0 : i32
      %dma_wait3A_32 = arith.constant 0 : i32
      %dma_wait3A_33 = tpu.memref_slice %arg3[%add3A, %dma_wait3A, %dma_wait3A_32] : memref<32x79x128xi32, #tpu.memory_space<hbm>> -> memref<1x79x128xi32, #tpu.memory_space<hbm>>
      %dma_wait3A_34 = tpu.memref_squeeze %dma_wait3A_33 : memref<1x79x128xi32, #tpu.memory_space<hbm>> -> memref<79x128xi32, #tpu.memory_space<hbm>>
      %dma_wait3A_35 = arith.constant 0 : i32
      %dma_wait3A_36 = arith.constant 0 : i32
      %dma_wait3A_37 = tpu.memref_slice %arg3[%add3A, %dma_wait3A_35, %dma_wait3A_36] : memref<32x79x128xi32, #tpu.memory_space<hbm>> -> memref<1x79x128xi32, #tpu.memory_space<hbm>>
      %dma_wait3A_38 = tpu.memref_squeeze %dma_wait3A_37 : memref<1x79x128xi32, #tpu.memory_space<hbm>> -> memref<79x128xi32, #tpu.memory_space<hbm>>
      tpu.wait_dma2 semaphore(%run_scoped3A : memref<!tpu.dma_semaphore, #tpu.memory_space<semaphore_mem>>) src(%dma_wait3A_38 : memref<79x128xi32, #tpu.memory_space<hbm>>) dst(%arg6 : memref<79x128xi32, #tpu.memory_space<vmem>>)
      tpu.yield
    }) : () -> ()
    "tpu.region"() ({
      %run_scoped3A = tpu.sem_alloc : memref<!tpu.dma_semaphore, #tpu.memory_space<semaphore_mem>>
      %dma_start3A = arith.constant 0 : i32
      %dma_start3A_25 = arith.constant 0 : i32
      %dma_start3A_26 = tpu.memref_slice %arg4[%add3A, %dma_start3A, %dma_start3A_25] : memref<32x79x128xi32, #tpu.memory_space<hbm>> -> memref<1x79x128xi32, #tpu.memory_space<hbm>>
      %dma_start3A_27 = tpu.memref_squeeze %dma_start3A_26 : memref<1x79x128xi32, #tpu.memory_space<hbm>> -> memref<79x128xi32, #tpu.memory_space<hbm>>
      %dma_start3A_28 = arith.constant 0 : i32
      %dma_start3A_29 = arith.constant 0 : i32
      %dma_start3A_30 = tpu.memref_slice %arg4[%add3A, %dma_start3A_28, %dma_start3A_29] : memref<32x79x128xi32, #tpu.memory_space<hbm>> -> memref<1x79x128xi32, #tpu.memory_space<hbm>>
      %dma_start3A_31 = tpu.memref_squeeze %dma_start3A_30 : memref<1x79x128xi32, #tpu.memory_space<hbm>> -> memref<79x128xi32, #tpu.memory_space<hbm>>
      tpu.enqueue_dma source(%dma_start3A_31 : memref<79x128xi32, #tpu.memory_space<hbm>>) target(%arg7 : memref<79x128xi32, #tpu.memory_space<vmem>>) target_semaphore(%run_scoped3A : memref<!tpu.dma_semaphore, #tpu.memory_space<semaphore_mem>>)
      %dma_wait3A = arith.constant 0 : i32
      %dma_wait3A_32 = arith.constant 0 : i32
      %dma_wait3A_33 = tpu.memref_slice %arg4[%add3A, %dma_wait3A, %dma_wait3A_32] : memref<32x79x128xi32, #tpu.memory_space<hbm>> -> memref<1x79x128xi32, #tpu.memory_space<hbm>>
      %dma_wait3A_34 = tpu.memref_squeeze %dma_wait3A_33 : memref<1x79x128xi32, #tpu.memory_space<hbm>> -> memref<79x128xi32, #tpu.memory_space<hbm>>
      %dma_wait3A_35 = arith.constant 0 : i32
      %dma_wait3A_36 = arith.constant 0 : i32
      %dma_wait3A_37 = tpu.memref_slice %arg4[%add3A, %dma_wait3A_35, %dma_wait3A_36] : memref<32x79x128xi32, #tpu.memory_space<hbm>> -> memref<1x79x128xi32, #tpu.memory_space<hbm>>
      %dma_wait3A_38 = tpu.memref_squeeze %dma_wait3A_37 : memref<1x79x128xi32, #tpu.memory_space<hbm>> -> memref<79x128xi32, #tpu.memory_space<hbm>>
      tpu.wait_dma2 semaphore(%run_scoped3A : memref<!tpu.dma_semaphore, #tpu.memory_space<semaphore_mem>>) src(%dma_wait3A_38 : memref<79x128xi32, #tpu.memory_space<hbm>>) dst(%arg7 : memref<79x128xi32, #tpu.memory_space<vmem>>)
      tpu.yield
    }) : () -> ()
    %barrier3A_18 = arith.constant 0 : index
    tpu.barrier barrier_id(%barrier3A_18)
    %scan3A_19 = arith.constant 0 : i32
    %scan3A_20 = arith.constant 79 : i32
    %scan3A_21 = arith.addi %scan3A_19, %scan3A_20 : i32
    %scan3A_22 = arith.constant 1 : i32
    scf.for %scan3A_25 = %scan3A_19 to %scan3A_21 step %scan3A_22  : i32 {
      "tpu.region"() ({
        %run_scoped3A = tpu.sem_alloc : memref<!tpu.dma_semaphore, #tpu.memory_space<semaphore_mem>>
        %dma_start3A = arith.constant 0 : i32
        %dma_start3A_26 = tpu.memref_slice %arg6[%scan3A_25, %dma_start3A] : memref<79x128xi32, #tpu.memory_space<vmem>> -> memref<1x128xi32, #tpu.memory_space<vmem>>
        %dma_start3A_27 = tpu.memref_squeeze %dma_start3A_26 : memref<1x128xi32, #tpu.memory_space<vmem>> -> memref<128xi32, #tpu.memory_space<vmem>>
        %dma_start3A_28 = arith.constant 0 : i32
        %dma_start3A_29 = arith.constant 0 : i32
        %dma_start3A_30 = tpu.memref_slice %arg2[%dma_start3A_28, %dma_start3A_29] : memref<10000x128xf32, #tpu.memory_space<hbm>> -> memref<10000x128xf32, #tpu.memory_space<hbm>>
        tpu.enqueue_indirect_dma source(%dma_start3A_30 : memref<10000x128xf32, #tpu.memory_space<hbm>>) target(%arg8 : memref<128x128xf32, #tpu.memory_space<vmem>>) offsets(%dma_start3A_27 : memref<128xi32, #tpu.memory_space<vmem>>) semaphore(%run_scoped3A : memref<!tpu.dma_semaphore, #tpu.memory_space<semaphore_mem>>)
        %dma_wait3A = arith.constant 0 : i32
        %dma_wait3A_31 = tpu.memref_slice %arg6[%scan3A_25, %dma_wait3A] : memref<79x128xi32, #tpu.memory_space<vmem>> -> memref<1x128xi32, #tpu.memory_space<vmem>>
        %dma_wait3A_32 = tpu.memref_squeeze %dma_wait3A_31 : memref<1x128xi32, #tpu.memory_space<vmem>> -> memref<128xi32, #tpu.memory_space<vmem>>
        %dma_wait3A_33 = arith.constant 0 : i32
        %dma_wait3A_34 = arith.constant 0 : i32
        %dma_wait3A_35 = tpu.memref_slice %arg2[%dma_wait3A_33, %dma_wait3A_34] : memref<10000x128xf32, #tpu.memory_space<hbm>> -> memref<10000x128xf32, #tpu.memory_space<hbm>>
        tpu.wait_indirect_dma semaphore(%run_scoped3A : memref<!tpu.dma_semaphore, #tpu.memory_space<semaphore_mem>>) src(%dma_wait3A_35 : memref<10000x128xf32, #tpu.memory_space<hbm>>) dst(%arg8 : memref<128x128xf32, #tpu.memory_space<vmem>>)
        tpu.yield
      }) : () -> ()
      "tpu.region"() ({
        %run_scoped3A = tpu.sem_alloc : memref<!tpu.dma_semaphore, #tpu.memory_space<semaphore_mem>>
        %dma_start3A = arith.constant 0 : i32
        %dma_start3A_26 = tpu.memref_slice %arg7[%scan3A_25, %dma_start3A] : memref<79x128xi32, #tpu.memory_space<vmem>> -> memref<1x128xi32, #tpu.memory_space<vmem>>
        %dma_start3A_27 = tpu.memref_squeeze %dma_start3A_26 : memref<1x128xi32, #tpu.memory_space<vmem>> -> memref<128xi32, #tpu.memory_space<vmem>>
        %dma_start3A_28 = arith.constant 0 : i32
        %dma_start3A_29 = arith.constant 0 : i32
        %dma_start3A_30 = tpu.memref_slice %arg9[%dma_start3A_28, %dma_start3A_29] : memref<10240x128xf32, #tpu.memory_space<vmem_shared>> -> memref<10240x128xf32, #tpu.memory_space<vmem_shared>>
        tpu.enqueue_indirect_dma source(%arg8 : memref<128x128xf32, #tpu.memory_space<vmem>>) target(%dma_start3A_30 : memref<10240x128xf32, #tpu.memory_space<vmem_shared>>) offsets(%dma_start3A_27 : memref<128xi32, #tpu.memory_space<vmem>>) semaphore(%run_scoped3A : memref<!tpu.dma_semaphore, #tpu.memory_space<semaphore_mem>>) {add = true}
        %dma_wait3A = arith.constant 0 : i32
        %dma_wait3A_31 = tpu.memref_slice %arg7[%scan3A_25, %dma_wait3A] : memref<79x128xi32, #tpu.memory_space<vmem>> -> memref<1x128xi32, #tpu.memory_space<vmem>>
        %dma_wait3A_32 = tpu.memref_squeeze %dma_wait3A_31 : memref<1x128xi32, #tpu.memory_space<vmem>> -> memref<128xi32, #tpu.memory_space<vmem>>
        %dma_wait3A_33 = arith.constant 0 : i32
        %dma_wait3A_34 = arith.constant 0 : i32
        %dma_wait3A_35 = tpu.memref_slice %arg9[%dma_wait3A_33, %dma_wait3A_34] : memref<10240x128xf32, #tpu.memory_space<vmem_shared>> -> memref<10240x128xf32, #tpu.memory_space<vmem_shared>>
        tpu.wait_indirect_dma semaphore(%run_scoped3A : memref<!tpu.dma_semaphore, #tpu.memory_space<semaphore_mem>>) src(%arg8 : memref<128x128xf32, #tpu.memory_space<vmem>>) dst(%dma_wait3A_35 : memref<10240x128xf32, #tpu.memory_space<vmem_shared>>)
        tpu.yield
      }) : () -> ()
    }
    %scan3A_23 = arith.constant 79 : i32
    %barrier3A_24 = arith.constant 0 : index
    tpu.barrier barrier_id(%barrier3A_24)
    "tpu.region"() ({
      %run_scoped3A = tpu.sem_alloc : memref<!tpu.dma_semaphore, #tpu.memory_space<semaphore_mem>>
      %dma_start3A = arith.constant 0 : i32
      %dma_start3A_25 = arith.constant 0 : i32
      %dma_start3A_26 = tpu.memref_slice %arg5[%add3A, %dma_start3A, %dma_start3A_25] : memref<32x640x128xf32, #tpu.memory_space<hbm>> -> memref<1x640x128xf32, #tpu.memory_space<hbm>>
      %dma_start3A_27 = tpu.memref_squeeze %dma_start3A_26 : memref<1x640x128xf32, #tpu.memory_space<hbm>> -> memref<640x128xf32, #tpu.memory_space<hbm>>
      %dma_start3A_28 = arith.constant 0 : i32
      %dma_start3A_29 = tpu.memref_slice %arg9[%mul3A_7, %dma_start3A_28] : memref<10240x128xf32, #tpu.memory_space<vmem_shared>> -> memref<640x128xf32, #tpu.memory_space<vmem_shared>>
      tpu.enqueue_dma source(%dma_start3A_29 : memref<640x128xf32, #tpu.memory_space<vmem_shared>>) target(%dma_start3A_27 : memref<640x128xf32, #tpu.memory_space<hbm>>) target_semaphore(%run_scoped3A : memref<!tpu.dma_semaphore, #tpu.memory_space<semaphore_mem>>)
      %dma_wait3A = arith.constant 0 : i32
      %dma_wait3A_30 = arith.constant 0 : i32
      %dma_wait3A_31 = tpu.memref_slice %arg5[%add3A, %dma_wait3A, %dma_wait3A_30] : memref<32x640x128xf32, #tpu.memory_space<hbm>> -> memref<1x640x128xf32, #tpu.memory_space<hbm>>
      %dma_wait3A_32 = tpu.memref_squeeze %dma_wait3A_31 : memref<1x640x128xf32, #tpu.memory_space<hbm>> -> memref<640x128xf32, #tpu.memory_space<hbm>>
      %dma_wait3A_33 = arith.constant 0 : i32
      %dma_wait3A_34 = tpu.memref_slice %arg9[%mul3A_7, %dma_wait3A_33] : memref<10240x128xf32, #tpu.memory_space<vmem_shared>> -> memref<640x128xf32, #tpu.memory_space<vmem_shared>>
      tpu.wait_dma2 semaphore(%run_scoped3A : memref<!tpu.dma_semaphore, #tpu.memory_space<semaphore_mem>>) src(%dma_wait3A_34 : memref<640x128xf32, #tpu.memory_space<vmem_shared>>) dst(%dma_wait3A_32 : memref<640x128xf32, #tpu.memory_space<hbm>>)
      tpu.yield
    }) : () -> ()
    return
  }
}

#map = affine_map<(d0, d1) -> (0, 0)>
#map1 = affine_map<(d0, d1) -> (0, 0, 0)>
module attributes {stable_mosaic.version = 14 : i64} {
  func.func @_sc_scatter_body(%arg0: i32, %arg1: i32, %arg2: memref<10000x128xf32, #tpu.memory_space<hbm>>, %arg3: memref<32x79x128xi32, #tpu.memory_space<hbm>>, %arg4: memref<32x79x128xi32, #tpu.memory_space<hbm>>, %arg5: memref<32x640x128xf32, #tpu.memory_space<hbm>>, %arg6: memref<79x128xi32, #tpu.memory_space<vmem>>, %arg7: memref<79x128xi32, #tpu.memory_space<vmem>>, %arg8: memref<128x128xf32, #tpu.memory_space<vmem>>, %arg9: memref<10240x128xf32, #tpu.memory_space<vmem_shared>>) attributes {dimension_semantics = [#tpu.dimension_semantics<core_parallel>, #tpu.dimension_semantics<subcore_parallel>], iteration_bounds = array<i64: 2, 16>, scalar_prefetch = 0 : i64, scratch_operands = 4 : i64, tpu.core_type = #tpu.core_type<sc_vector_subcore>, window_params = [{transform_indices = #map}, {transform_indices = #map1}, {transform_indices = #map1}, {transform_indices = #map1}]} {
    %mul3A = arith.constant 16 : i32
    %mul3A_0 = arith.muli %arg0, %mul3A : i32
    %add3A = arith.addi %mul3A_0, %arg1 : i32
    %broadcast_in_dim3A = arith.constant 0.000000e+00 : f32
    %broadcast_in_dim3A_1 = vector.broadcast %broadcast_in_dim3A : f32 to vector<16xf32>
    %scan3A = arith.constant 0 : i32
    %scan3A_2 = arith.constant 1024 : i32
    %scan3A_3 = arith.addi %scan3A, %scan3A_2 : i32
    %scan3A_4 = arith.constant 1 : i32
    scf.for %scan3A_25 = %scan3A to %scan3A_3 step %scan3A_4  : i32 {
      %jit3A = arith.constant 8 : i32
      %div3A = arith.divsi %scan3A_25, %jit3A : i32
      %sign3A = arith.constant 0 : i32
      %sign3A_26 = arith.cmpi sgt, %scan3A_25, %sign3A : i32
      %sign3A_27 = arith.extui %sign3A_26 : i1 to i32
      %sign3A_28 = arith.constant 0 : i32
      %sign3A_29 = arith.cmpi slt, %scan3A_25, %sign3A_28 : i32
      %sign3A_30 = arith.extui %sign3A_29 : i1 to i32
      %sign3A_31 = arith.subi %sign3A_27, %sign3A_30 : i32
      %sign3A_32 = arith.constant 0 : i32
      %sign3A_33 = arith.cmpi sgt, %jit3A, %sign3A_32 : i32
      %sign3A_34 = arith.extui %sign3A_33 : i1 to i32
      %sign3A_35 = arith.constant 0 : i32
      %sign3A_36 = arith.cmpi slt, %jit3A, %sign3A_35 : i32
      %sign3A_37 = arith.extui %sign3A_36 : i1 to i32
      %sign3A_38 = arith.subi %sign3A_34, %sign3A_37 : i32
      %ne3A = arith.cmpi ne, %sign3A_31, %sign3A_38 : i32
      %rem3A = arith.remsi %scan3A_25, %jit3A : i32
      %ne3A_39 = arith.constant 0 : i32
      %ne3A_40 = arith.cmpi ne, %rem3A, %ne3A_39 : i32
      %and3A = arith.andi %ne3A, %ne3A_40 : i1
      %sub3A = arith.constant 1 : i32
      %sub3A_41 = arith.subi %div3A, %sub3A : i32
      %select_n3A = arith.select %and3A, %sub3A_41, %div3A : i32
      %jit3A_42 = arith.constant 8 : i32
      %eq3A = arith.constant 0 : i32
      %eq3A_43 = arith.cmpi eq, %jit3A_42, %eq3A : i32
      %jit3A_44 = arith.constant 1 : i32
      %select_n3A_45 = arith.select %eq3A_43, %jit3A_44, %jit3A_42 : i32
      %rem3A_46 = arith.remsi %scan3A_25, %select_n3A_45 : i32
      %ne3A_47 = arith.constant 0 : i32
      %ne3A_48 = arith.cmpi ne, %rem3A_46, %ne3A_47 : i32
      %lt3A = arith.constant 0 : i32
      %lt3A_49 = arith.cmpi slt, %rem3A_46, %lt3A : i32
      %lt3A_50 = arith.constant 0 : i32
      %lt3A_51 = arith.cmpi slt, %select_n3A_45, %lt3A_50 : i32
      %ne3A_52 = arith.xori %lt3A_49, %lt3A_51 : i1
      %and3A_53 = arith.andi %ne3A_52, %ne3A_48 : i1
      %add3A_54 = arith.addi %rem3A_46, %select_n3A_45 : i32
      %select_n3A_55 = arith.select %and3A_53, %add3A_54, %rem3A_46 : i32
      %mul3A_56 = arith.constant 16 : i32
      %mul3A_57 = arith.muli %select_n3A_55, %mul3A_56 : i32
      %swap3A = arith.index_cast %select_n3A : i32 to index
      %swap3A_58 = arith.index_cast %mul3A_57 : i32 to index
      %swap3A_59 = tpu.vector_load %arg8[%swap3A, %swap3A_58] {strides = array<i32>} : memref<128x128xf32, #tpu.memory_space<vmem>>, vector<1x16xf32>,
      %swap3A_60 = vector.shape_cast %swap3A_59 : vector<1x16xf32> to vector<16xf32>
      %swap3A_61 = vector.shape_cast %broadcast_in_dim3A_1 : vector<16xf32> to vector<1x16xf32>
      tpu.vector_store %arg8[%swap3A, %swap3A_58], %swap3A_61 {strides = array<i32>} : memref<128x128xf32, #tpu.memory_space<vmem>>, vector<1x16xf32>,
    }
    %scan3A_5 = arith.constant 1024 : i32
    %mul3A_6 = arith.constant 640 : i32
    %mul3A_7 = arith.muli %arg1, %mul3A_6 : i32
    %add3A_8 = arith.constant 0 : i32
    %add3A_9 = arith.addi %mul3A_7, %add3A_8 : i32
    "tpu.region"() ({
      %run_scoped3A = tpu.sem_alloc : memref<!tpu.dma_semaphore, #tpu.memory_space<semaphore_mem>>
      %dma_start3A = arith.constant 0 : i32
      %dma_start3A_25 = tpu.memref_slice %arg9[%add3A_9, %dma_start3A] : memref<10240x128xf32, #tpu.memory_space<vmem_shared>> -> memref<128x128xf32, #tpu.memory_space<vmem_shared>>
      %dma_start3A_26 = arith.constant 0 : i32
      %dma_start3A_27 = tpu.memref_slice %arg9[%add3A_9, %dma_start3A_26] : memref<10240x128xf32, #tpu.memory_space<vmem_shared>> -> memref<128x128xf32, #tpu.memory_space<vmem_shared>>
      tpu.enqueue_dma source(%arg8 : memref<128x128xf32, #tpu.memory_space<vmem>>) target(%dma_start3A_27 : memref<128x128xf32, #tpu.memory_space<vmem_shared>>) target_semaphore(%run_scoped3A : memref<!tpu.dma_semaphore, #tpu.memory_space<semaphore_mem>>)
      %dma_wait3A = arith.constant 0 : i32
      %dma_wait3A_28 = tpu.memref_slice %arg9[%add3A_9, %dma_wait3A] : memref<10240x128xf32, #tpu.memory_space<vmem_shared>> -> memref<128x128xf32, #tpu.memory_space<vmem_shared>>
      %dma_wait3A_29 = arith.constant 0 : i32
      %dma_wait3A_30 = tpu.memref_slice %arg9[%add3A_9, %dma_wait3A_29] : memref<10240x128xf32, #tpu.memory_space<vmem_shared>> -> memref<128x128xf32, #tpu.memory_space<vmem_shared>>
      tpu.wait_dma2 semaphore(%run_scoped3A : memref<!tpu.dma_semaphore, #tpu.memory_space<semaphore_mem>>) src(%arg8 : memref<128x128xf32, #tpu.memory_space<vmem>>) dst(%dma_wait3A_30 : memref<128x128xf32, #tpu.memory_space<vmem_shared>>)
      tpu.yield
    }) : () -> ()
    %add3A_10 = arith.constant 128 : i32
    %add3A_11 = arith.addi %mul3A_7, %add3A_10 : i32
    "tpu.region"() ({
      %run_scoped3A = tpu.sem_alloc : memref<!tpu.dma_semaphore, #tpu.memory_space<semaphore_mem>>
      %dma_start3A = arith.constant 0 : i32
      %dma_start3A_25 = tpu.memref_slice %arg9[%add3A_11, %dma_start3A] : memref<10240x128xf32, #tpu.memory_space<vmem_shared>> -> memref<128x128xf32, #tpu.memory_space<vmem_shared>>
      %dma_start3A_26 = arith.constant 0 : i32
      %dma_start3A_27 = tpu.memref_slice %arg9[%add3A_11, %dma_start3A_26] : memref<10240x128xf32, #tpu.memory_space<vmem_shared>> -> memref<128x128xf32, #tpu.memory_space<vmem_shared>>
      tpu.enqueue_dma source(%arg8 : memref<128x128xf32, #tpu.memory_space<vmem>>) target(%dma_start3A_27 : memref<128x128xf32, #tpu.memory_space<vmem_shared>>) target_semaphore(%run_scoped3A : memref<!tpu.dma_semaphore, #tpu.memory_space<semaphore_mem>>)
      %dma_wait3A = arith.constant 0 : i32
      %dma_wait3A_28 = tpu.memref_slice %arg9[%add3A_11, %dma_wait3A] : memref<10240x128xf32, #tpu.memory_space<vmem_shared>> -> memref<128x128xf32, #tpu.memory_space<vmem_shared>>
      %dma_wait3A_29 = arith.constant 0 : i32
      %dma_wait3A_30 = tpu.memref_slice %arg9[%add3A_11, %dma_wait3A_29] : memref<10240x128xf32, #tpu.memory_space<vmem_shared>> -> memref<128x128xf32, #tpu.memory_space<vmem_shared>>
      tpu.wait_dma2 semaphore(%run_scoped3A : memref<!tpu.dma_semaphore, #tpu.memory_space<semaphore_mem>>) src(%arg8 : memref<128x128xf32, #tpu.memory_space<vmem>>) dst(%dma_wait3A_30 : memref<128x128xf32, #tpu.memory_space<vmem_shared>>)
      tpu.yield
    }) : () -> ()
    %add3A_12 = arith.constant 256 : i32
    %add3A_13 = arith.addi %mul3A_7, %add3A_12 : i32
    "tpu.region"() ({
      %run_scoped3A = tpu.sem_alloc : memref<!tpu.dma_semaphore, #tpu.memory_space<semaphore_mem>>
      %dma_start3A = arith.constant 0 : i32
      %dma_start3A_25 = tpu.memref_slice %arg9[%add3A_13, %dma_start3A] : memref<10240x128xf32, #tpu.memory_space<vmem_shared>> -> memref<128x128xf32, #tpu.memory_space<vmem_shared>>
      %dma_start3A_26 = arith.constant 0 : i32
      %dma_start3A_27 = tpu.memref_slice %arg9[%add3A_13, %dma_start3A_26] : memref<10240x128xf32, #tpu.memory_space<vmem_shared>> -> memref<128x128xf32, #tpu.memory_space<vmem_shared>>
      tpu.enqueue_dma source(%arg8 : memref<128x128xf32, #tpu.memory_space<vmem>>) target(%dma_start3A_27 : memref<128x128xf32, #tpu.memory_space<vmem_shared>>) target_semaphore(%run_scoped3A : memref<!tpu.dma_semaphore, #tpu.memory_space<semaphore_mem>>)
      %dma_wait3A = arith.constant 0 : i32
      %dma_wait3A_28 = tpu.memref_slice %arg9[%add3A_13, %dma_wait3A] : memref<10240x128xf32, #tpu.memory_space<vmem_shared>> -> memref<128x128xf32, #tpu.memory_space<vmem_shared>>
      %dma_wait3A_29 = arith.constant 0 : i32
      %dma_wait3A_30 = tpu.memref_slice %arg9[%add3A_13, %dma_wait3A_29] : memref<10240x128xf32, #tpu.memory_space<vmem_shared>> -> memref<128x128xf32, #tpu.memory_space<vmem_shared>>
      tpu.wait_dma2 semaphore(%run_scoped3A : memref<!tpu.dma_semaphore, #tpu.memory_space<semaphore_mem>>) src(%arg8 : memref<128x128xf32, #tpu.memory_space<vmem>>) dst(%dma_wait3A_30 : memref<128x128xf32, #tpu.memory_space<vmem_shared>>)
      tpu.yield
    }) : () -> ()
    %add3A_14 = arith.constant 384 : i32
    %add3A_15 = arith.addi %mul3A_7, %add3A_14 : i32
    "tpu.region"() ({
      %run_scoped3A = tpu.sem_alloc : memref<!tpu.dma_semaphore, #tpu.memory_space<semaphore_mem>>
      %dma_start3A = arith.constant 0 : i32
      %dma_start3A_25 = tpu.memref_slice %arg9[%add3A_15, %dma_start3A] : memref<10240x128xf32, #tpu.memory_space<vmem_shared>> -> memref<128x128xf32, #tpu.memory_space<vmem_shared>>
      %dma_start3A_26 = arith.constant 0 : i32
      %dma_start3A_27 = tpu.memref_slice %arg9[%add3A_15, %dma_start3A_26] : memref<10240x128xf32, #tpu.memory_space<vmem_shared>> -> memref<128x128xf32, #tpu.memory_space<vmem_shared>>
      tpu.enqueue_dma source(%arg8 : memref<128x128xf32, #tpu.memory_space<vmem>>) target(%dma_start3A_27 : memref<128x128xf32, #tpu.memory_space<vmem_shared>>) target_semaphore(%run_scoped3A : memref<!tpu.dma_semaphore, #tpu.memory_space<semaphore_mem>>)
      %dma_wait3A = arith.constant 0 : i32
      %dma_wait3A_28 = tpu.memref_slice %arg9[%add3A_15, %dma_wait3A] : memref<10240x128xf32, #tpu.memory_space<vmem_shared>> -> memref<128x128xf32, #tpu.memory_space<vmem_shared>>
      %dma_wait3A_29 = arith.constant 0 : i32
      %dma_wait3A_30 = tpu.memref_slice %arg9[%add3A_15, %dma_wait3A_29] : memref<10240x128xf32, #tpu.memory_space<vmem_shared>> -> memref<128x128xf32, #tpu.memory_space<vmem_shared>>
      tpu.wait_dma2 semaphore(%run_scoped3A : memref<!tpu.dma_semaphore, #tpu.memory_space<semaphore_mem>>) src(%arg8 : memref<128x128xf32, #tpu.memory_space<vmem>>) dst(%dma_wait3A_30 : memref<128x128xf32, #tpu.memory_space<vmem_shared>>)
      tpu.yield
    }) : () -> ()
    %add3A_16 = arith.constant 512 : i32
    %add3A_17 = arith.addi %mul3A_7, %add3A_16 : i32
    "tpu.region"() ({
      %run_scoped3A = tpu.sem_alloc : memref<!tpu.dma_semaphore, #tpu.memory_space<semaphore_mem>>
      %dma_start3A = arith.constant 0 : i32
      %dma_start3A_25 = tpu.memref_slice %arg9[%add3A_17, %dma_start3A] : memref<10240x128xf32, #tpu.memory_space<vmem_shared>> -> memref<128x128xf32, #tpu.memory_space<vmem_shared>>
      %dma_start3A_26 = arith.constant 0 : i32
      %dma_start3A_27 = tpu.memref_slice %arg9[%add3A_17, %dma_start3A_26] : memref<10240x128xf32, #tpu.memory_space<vmem_shared>> -> memref<128x128xf32, #tpu.memory_space<vmem_shared>>
      tpu.enqueue_dma source(%arg8 : memref<128x128xf32, #tpu.memory_space<vmem>>) target(%dma_start3A_27 : memref<128x128xf32, #tpu.memory_space<vmem_shared>>) target_semaphore(%run_scoped3A : memref<!tpu.dma_semaphore, #tpu.memory_space<semaphore_mem>>)
      %dma_wait3A = arith.constant 0 : i32
      %dma_wait3A_28 = tpu.memref_slice %arg9[%add3A_17, %dma_wait3A] : memref<10240x128xf32, #tpu.memory_space<vmem_shared>> -> memref<128x128xf32, #tpu.memory_space<vmem_shared>>
      %dma_wait3A_29 = arith.constant 0 : i32
      %dma_wait3A_30 = tpu.memref_slice %arg9[%add3A_17, %dma_wait3A_29] : memref<10240x128xf32, #tpu.memory_space<vmem_shared>> -> memref<128x128xf32, #tpu.memory_space<vmem_shared>>
      tpu.wait_dma2 semaphore(%run_scoped3A : memref<!tpu.dma_semaphore, #tpu.memory_space<semaphore_mem>>) src(%arg8 : memref<128x128xf32, #tpu.memory_space<vmem>>) dst(%dma_wait3A_30 : memref<128x128xf32, #tpu.memory_space<vmem_shared>>)
      tpu.yield
    }) : () -> ()
    %barrier3A = arith.constant 0 : index
    tpu.barrier barrier_id(%barrier3A)
    "tpu.region"() ({
      %run_scoped3A = tpu.sem_alloc : memref<!tpu.dma_semaphore, #tpu.memory_space<semaphore_mem>>
      %dma_start3A = arith.constant 0 : i32
      %dma_start3A_25 = arith.constant 0 : i32
      %dma_start3A_26 = tpu.memref_slice %arg3[%add3A, %dma_start3A, %dma_start3A_25] : memref<32x79x128xi32, #tpu.memory_space<hbm>> -> memref<1x79x128xi32, #tpu.memory_space<hbm>>
      %dma_start3A_27 = tpu.memref_squeeze %dma_start3A_26 : memref<1x79x128xi32, #tpu.memory_space<hbm>> -> memref<79x128xi32, #tpu.memory_space<hbm>>
      %dma_start3A_28 = arith.constant 0 : i32
      %dma_start3A_29 = arith.constant 0 : i32
      %dma_start3A_30 = tpu.memref_slice %arg3[%add3A, %dma_start3A_28, %dma_start3A_29] : memref<32x79x128xi32, #tpu.memory_space<hbm>> -> memref<1x79x128xi32, #tpu.memory_space<hbm>>
      %dma_start3A_31 = tpu.memref_squeeze %dma_start3A_30 : memref<1x79x128xi32, #tpu.memory_space<hbm>> -> memref<79x128xi32, #tpu.memory_space<hbm>>
      tpu.enqueue_dma source(%dma_start3A_31 : memref<79x128xi32, #tpu.memory_space<hbm>>) target(%arg6 : memref<79x128xi32, #tpu.memory_space<vmem>>) target_semaphore(%run_scoped3A : memref<!tpu.dma_semaphore, #tpu.memory_space<semaphore_mem>>)
      %dma_wait3A = arith.constant 0 : i32
      %dma_wait3A_32 = arith.constant 0 : i32
      %dma_wait3A_33 = tpu.memref_slice %arg3[%add3A, %dma_wait3A, %dma_wait3A_32] : memref<32x79x128xi32, #tpu.memory_space<hbm>> -> memref<1x79x128xi32, #tpu.memory_space<hbm>>
      %dma_wait3A_34 = tpu.memref_squeeze %dma_wait3A_33 : memref<1x79x128xi32, #tpu.memory_space<hbm>> -> memref<79x128xi32, #tpu.memory_space<hbm>>
      %dma_wait3A_35 = arith.constant 0 : i32
      %dma_wait3A_36 = arith.constant 0 : i32
      %dma_wait3A_37 = tpu.memref_slice %arg3[%add3A, %dma_wait3A_35, %dma_wait3A_36] : memref<32x79x128xi32, #tpu.memory_space<hbm>> -> memref<1x79x128xi32, #tpu.memory_space<hbm>>
      %dma_wait3A_38 = tpu.memref_squeeze %dma_wait3A_37 : memref<1x79x128xi32, #tpu.memory_space<hbm>> -> memref<79x128xi32, #tpu.memory_space<hbm>>
      tpu.wait_dma2 semaphore(%run_scoped3A : memref<!tpu.dma_semaphore, #tpu.memory_space<semaphore_mem>>) src(%dma_wait3A_38 : memref<79x128xi32, #tpu.memory_space<hbm>>) dst(%arg6 : memref<79x128xi32, #tpu.memory_space<vmem>>)
      tpu.yield
    }) : () -> ()
    "tpu.region"() ({
      %run_scoped3A = tpu.sem_alloc : memref<!tpu.dma_semaphore, #tpu.memory_space<semaphore_mem>>
      %dma_start3A = arith.constant 0 : i32
      %dma_start3A_25 = arith.constant 0 : i32
      %dma_start3A_26 = tpu.memref_slice %arg4[%add3A, %dma_start3A, %dma_start3A_25] : memref<32x79x128xi32, #tpu.memory_space<hbm>> -> memref<1x79x128xi32, #tpu.memory_space<hbm>>
      %dma_start3A_27 = tpu.memref_squeeze %dma_start3A_26 : memref<1x79x128xi32, #tpu.memory_space<hbm>> -> memref<79x128xi32, #tpu.memory_space<hbm>>
      %dma_start3A_28 = arith.constant 0 : i32
      %dma_start3A_29 = arith.constant 0 : i32
      %dma_start3A_30 = tpu.memref_slice %arg4[%add3A, %dma_start3A_28, %dma_start3A_29] : memref<32x79x128xi32, #tpu.memory_space<hbm>> -> memref<1x79x128xi32, #tpu.memory_space<hbm>>
      %dma_start3A_31 = tpu.memref_squeeze %dma_start3A_30 : memref<1x79x128xi32, #tpu.memory_space<hbm>> -> memref<79x128xi32, #tpu.memory_space<hbm>>
      tpu.enqueue_dma source(%dma_start3A_31 : memref<79x128xi32, #tpu.memory_space<hbm>>) target(%arg7 : memref<79x128xi32, #tpu.memory_space<vmem>>) target_semaphore(%run_scoped3A : memref<!tpu.dma_semaphore, #tpu.memory_space<semaphore_mem>>)
      %dma_wait3A = arith.constant 0 : i32
      %dma_wait3A_32 = arith.constant 0 : i32
      %dma_wait3A_33 = tpu.memref_slice %arg4[%add3A, %dma_wait3A, %dma_wait3A_32] : memref<32x79x128xi32, #tpu.memory_space<hbm>> -> memref<1x79x128xi32, #tpu.memory_space<hbm>>
      %dma_wait3A_34 = tpu.memref_squeeze %dma_wait3A_33 : memref<1x79x128xi32, #tpu.memory_space<hbm>> -> memref<79x128xi32, #tpu.memory_space<hbm>>
      %dma_wait3A_35 = arith.constant 0 : i32
      %dma_wait3A_36 = arith.constant 0 : i32
      %dma_wait3A_37 = tpu.memref_slice %arg4[%add3A, %dma_wait3A_35, %dma_wait3A_36] : memref<32x79x128xi32, #tpu.memory_space<hbm>> -> memref<1x79x128xi32, #tpu.memory_space<hbm>>
      %dma_wait3A_38 = tpu.memref_squeeze %dma_wait3A_37 : memref<1x79x128xi32, #tpu.memory_space<hbm>> -> memref<79x128xi32, #tpu.memory_space<hbm>>
      tpu.wait_dma2 semaphore(%run_scoped3A : memref<!tpu.dma_semaphore, #tpu.memory_space<semaphore_mem>>) src(%dma_wait3A_38 : memref<79x128xi32, #tpu.memory_space<hbm>>) dst(%arg7 : memref<79x128xi32, #tpu.memory_space<vmem>>)
      tpu.yield
    }) : () -> ()
    %barrier3A_18 = arith.constant 0 : index
    tpu.barrier barrier_id(%barrier3A_18)
    %scan3A_19 = arith.constant 0 : i32
    %scan3A_20 = arith.constant 79 : i32
    %scan3A_21 = arith.addi %scan3A_19, %scan3A_20 : i32
    %scan3A_22 = arith.constant 1 : i32
    scf.for %scan3A_25 = %scan3A_19 to %scan3A_21 step %scan3A_22  : i32 {
      "tpu.region"() ({
        %run_scoped3A = tpu.sem_alloc : memref<!tpu.dma_semaphore, #tpu.memory_space<semaphore_mem>>
        %dma_start3A = arith.constant 0 : i32
        %dma_start3A_26 = tpu.memref_slice %arg6[%scan3A_25, %dma_start3A] : memref<79x128xi32, #tpu.memory_space<vmem>> -> memref<1x128xi32, #tpu.memory_space<vmem>>
        %dma_start3A_27 = tpu.memref_squeeze %dma_start3A_26 : memref<1x128xi32, #tpu.memory_space<vmem>> -> memref<128xi32, #tpu.memory_space<vmem>>
        %dma_start3A_28 = arith.constant 0 : i32
        %dma_start3A_29 = arith.constant 0 : i32
        %dma_start3A_30 = tpu.memref_slice %arg2[%dma_start3A_28, %dma_start3A_29] : memref<10000x128xf32, #tpu.memory_space<hbm>> -> memref<10000x128xf32, #tpu.memory_space<hbm>>
        tpu.enqueue_indirect_dma source(%dma_start3A_30 : memref<10000x128xf32, #tpu.memory_space<hbm>>) target(%arg8 : memref<128x128xf32, #tpu.memory_space<vmem>>) offsets(%dma_start3A_27 : memref<128xi32, #tpu.memory_space<vmem>>) semaphore(%run_scoped3A : memref<!tpu.dma_semaphore, #tpu.memory_space<semaphore_mem>>)
        %dma_wait3A = arith.constant 0 : i32
        %dma_wait3A_31 = tpu.memref_slice %arg6[%scan3A_25, %dma_wait3A] : memref<79x128xi32, #tpu.memory_space<vmem>> -> memref<1x128xi32, #tpu.memory_space<vmem>>
        %dma_wait3A_32 = tpu.memref_squeeze %dma_wait3A_31 : memref<1x128xi32, #tpu.memory_space<vmem>> -> memref<128xi32, #tpu.memory_space<vmem>>
        %dma_wait3A_33 = arith.constant 0 : i32
        %dma_wait3A_34 = arith.constant 0 : i32
        %dma_wait3A_35 = tpu.memref_slice %arg2[%dma_wait3A_33, %dma_wait3A_34] : memref<10000x128xf32, #tpu.memory_space<hbm>> -> memref<10000x128xf32, #tpu.memory_space<hbm>>
        tpu.wait_indirect_dma semaphore(%run_scoped3A : memref<!tpu.dma_semaphore, #tpu.memory_space<semaphore_mem>>) src(%dma_wait3A_35 : memref<10000x128xf32, #tpu.memory_space<hbm>>) dst(%arg8 : memref<128x128xf32, #tpu.memory_space<vmem>>)
        tpu.yield
      }) : () -> ()
      "tpu.region"() ({
        %run_scoped3A = tpu.sem_alloc : memref<!tpu.dma_semaphore, #tpu.memory_space<semaphore_mem>>
        %dma_start3A = arith.constant 0 : i32
        %dma_start3A_26 = tpu.memref_slice %arg7[%scan3A_25, %dma_start3A] : memref<79x128xi32, #tpu.memory_space<vmem>> -> memref<1x128xi32, #tpu.memory_space<vmem>>
        %dma_start3A_27 = tpu.memref_squeeze %dma_start3A_26 : memref<1x128xi32, #tpu.memory_space<vmem>> -> memref<128xi32, #tpu.memory_space<vmem>>
        %dma_start3A_28 = arith.constant 0 : i32
        %dma_start3A_29 = arith.constant 0 : i32
        %dma_start3A_30 = tpu.memref_slice %arg9[%dma_start3A_28, %dma_start3A_29] : memref<10240x128xf32, #tpu.memory_space<vmem_shared>> -> memref<10240x128xf32, #tpu.memory_space<vmem_shared>>
        tpu.enqueue_indirect_dma source(%arg8 : memref<128x128xf32, #tpu.memory_space<vmem>>) target(%dma_start3A_30 : memref<10240x128xf32, #tpu.memory_space<vmem_shared>>) offsets(%dma_start3A_27 : memref<128xi32, #tpu.memory_space<vmem>>) semaphore(%run_scoped3A : memref<!tpu.dma_semaphore, #tpu.memory_space<semaphore_mem>>) {add = true}
        %dma_wait3A = arith.constant 0 : i32
        %dma_wait3A_31 = tpu.memref_slice %arg7[%scan3A_25, %dma_wait3A] : memref<79x128xi32, #tpu.memory_space<vmem>> -> memref<1x128xi32, #tpu.memory_space<vmem>>
        %dma_wait3A_32 = tpu.memref_squeeze %dma_wait3A_31 : memref<1x128xi32, #tpu.memory_space<vmem>> -> memref<128xi32, #tpu.memory_space<vmem>>
        %dma_wait3A_33 = arith.constant 0 : i32
        %dma_wait3A_34 = arith.constant 0 : i32
        %dma_wait3A_35 = tpu.memref_slice %arg9[%dma_wait3A_33, %dma_wait3A_34] : memref<10240x128xf32, #tpu.memory_space<vmem_shared>> -> memref<10240x128xf32, #tpu.memory_space<vmem_shared>>
        tpu.wait_indirect_dma semaphore(%run_scoped3A : memref<!tpu.dma_semaphore, #tpu.memory_space<semaphore_mem>>) src(%arg8 : memref<128x128xf32, #tpu.memory_space<vmem>>) dst(%dma_wait3A_35 : memref<10240x128xf32, #tpu.memory_space<vmem_shared>>)
        tpu.yield
      }) : () -> ()
    }
    %scan3A_23 = arith.constant 79 : i32
    %barrier3A_24 = arith.constant 0 : index
    tpu.barrier barrier_id(%barrier3A_24)
    "tpu.region"() ({
      %run_scoped3A = tpu.sem_alloc : memref<!tpu.dma_semaphore, #tpu.memory_space<semaphore_mem>>
      %dma_start3A = arith.constant 0 : i32
      %dma_start3A_25 = arith.constant 0 : i32
      %dma_start3A_26 = tpu.memref_slice %arg5[%add3A, %dma_start3A, %dma_start3A_25] : memref<32x640x128xf32, #tpu.memory_space<hbm>> -> memref<1x640x128xf32, #tpu.memory_space<hbm>>
      %dma_start3A_27 = tpu.memref_squeeze %dma_start3A_26 : memref<1x640x128xf32, #tpu.memory_space<hbm>> -> memref<640x128xf32, #tpu.memory_space<hbm>>
      %dma_start3A_28 = arith.constant 0 : i32
      %dma_start3A_29 = tpu.memref_slice %arg9[%mul3A_7, %dma_start3A_28] : memref<10240x128xf32, #tpu.memory_space<vmem_shared>> -> memref<640x128xf32, #tpu.memory_space<vmem_shared>>
      tpu.enqueue_dma source(%dma_start3A_29 : memref<640x128xf32, #tpu.memory_space<vmem_shared>>) target(%dma_start3A_27 : memref<640x128xf32, #tpu.memory_space<hbm>>) target_semaphore(%run_scoped3A : memref<!tpu.dma_semaphore, #tpu.memory_space<semaphore_mem>>)
      %dma_wait3A = arith.constant 0 : i32
      %dma_wait3A_30 = arith.constant 0 : i32
      %dma_wait3A_31 = tpu.memref_slice %arg5[%add3A, %dma_wait3A, %dma_wait3A_30] : memref<32x640x128xf32, #tpu.memory_space<hbm>> -> memref<1x640x128xf32, #tpu.memory_space<hbm>>
      %dma_wait3A_32 = tpu.memref_squeeze %dma_wait3A_31 : memref<1x640x128xf32, #tpu.memory_space<hbm>> -> memref<640x128xf32, #tpu.memory_space<hbm>>
      %dma_wait3A_33 = arith.constant 0 : i32
      %dma_wait3A_34 = tpu.memref_slice %arg9[%mul3A_7, %dma_wait3A_33] : memref<10240x128xf32, #tpu.memory_space<vmem_shared>> -> memref<640x128xf32, #tpu.memory_space<vmem_shared>>
      tpu.wait_dma2 semaphore(%run_scoped3A : memref<!tpu.dma_semaphore, #tpu.memory_space<semaphore_mem>>) src(%dma_wait3A_34 : memref<640x128xf32, #tpu.memory_space<vmem_shared>>) dst(%dma_wait3A_32 : memref<640x128xf32, #tpu.memory_space<hbm>>)
      tpu.yield
    }) : () -> ()
    return
  }
}

#map = affine_map<(d0, d1) -> (0, 0)>
#map1 = affine_map<(d0, d1) -> (0, 0, 0)>
module attributes {stable_mosaic.version = 14 : i64} {
  func.func @_sc_scatter_body(%arg0: i32, %arg1: i32, %arg2: memref<10000x128xf32, #tpu.memory_space<hbm>>, %arg3: memref<32x79x128xi32, #tpu.memory_space<hbm>>, %arg4: memref<32x79x128xi32, #tpu.memory_space<hbm>>, %arg5: memref<32x640x128xf32, #tpu.memory_space<hbm>>, %arg6: memref<79x128xi32, #tpu.memory_space<vmem>>, %arg7: memref<79x128xi32, #tpu.memory_space<vmem>>, %arg8: memref<128x128xf32, #tpu.memory_space<vmem>>, %arg9: memref<10240x128xf32, #tpu.memory_space<vmem_shared>>) attributes {dimension_semantics = [#tpu.dimension_semantics<core_parallel>, #tpu.dimension_semantics<subcore_parallel>], iteration_bounds = array<i64: 2, 16>, scalar_prefetch = 0 : i64, scratch_operands = 4 : i64, tpu.core_type = #tpu.core_type<sc_vector_subcore>, window_params = [{transform_indices = #map}, {transform_indices = #map1}, {transform_indices = #map1}, {transform_indices = #map1}]} {
    %mul3A = arith.constant 16 : i32
    %mul3A_0 = arith.muli %arg0, %mul3A : i32
    %add3A = arith.addi %mul3A_0, %arg1 : i32
    %broadcast_in_dim3A = arith.constant 0.000000e+00 : f32
    %broadcast_in_dim3A_1 = vector.broadcast %broadcast_in_dim3A : f32 to vector<16xf32>
    %scan3A = arith.constant 0 : i32
    %scan3A_2 = arith.constant 1024 : i32
    %scan3A_3 = arith.addi %scan3A, %scan3A_2 : i32
    %scan3A_4 = arith.constant 1 : i32
    scf.for %scan3A_25 = %scan3A to %scan3A_3 step %scan3A_4  : i32 {
      %jit3A = arith.constant 8 : i32
      %div3A = arith.divsi %scan3A_25, %jit3A : i32
      %sign3A = arith.constant 0 : i32
      %sign3A_26 = arith.cmpi sgt, %scan3A_25, %sign3A : i32
      %sign3A_27 = arith.extui %sign3A_26 : i1 to i32
      %sign3A_28 = arith.constant 0 : i32
      %sign3A_29 = arith.cmpi slt, %scan3A_25, %sign3A_28 : i32
      %sign3A_30 = arith.extui %sign3A_29 : i1 to i32
      %sign3A_31 = arith.subi %sign3A_27, %sign3A_30 : i32
      %sign3A_32 = arith.constant 0 : i32
      %sign3A_33 = arith.cmpi sgt, %jit3A, %sign3A_32 : i32
      %sign3A_34 = arith.extui %sign3A_33 : i1 to i32
      %sign3A_35 = arith.constant 0 : i32
      %sign3A_36 = arith.cmpi slt, %jit3A, %sign3A_35 : i32
      %sign3A_37 = arith.extui %sign3A_36 : i1 to i32
      %sign3A_38 = arith.subi %sign3A_34, %sign3A_37 : i32
      %ne3A = arith.cmpi ne, %sign3A_31, %sign3A_38 : i32
      %rem3A = arith.remsi %scan3A_25, %jit3A : i32
      %ne3A_39 = arith.constant 0 : i32
      %ne3A_40 = arith.cmpi ne, %rem3A, %ne3A_39 : i32
      %and3A = arith.andi %ne3A, %ne3A_40 : i1
      %sub3A = arith.constant 1 : i32
      %sub3A_41 = arith.subi %div3A, %sub3A : i32
      %select_n3A = arith.select %and3A, %sub3A_41, %div3A : i32
      %jit3A_42 = arith.constant 8 : i32
      %eq3A = arith.constant 0 : i32
      %eq3A_43 = arith.cmpi eq, %jit3A_42, %eq3A : i32
      %jit3A_44 = arith.constant 1 : i32
      %select_n3A_45 = arith.select %eq3A_43, %jit3A_44, %jit3A_42 : i32
      %rem3A_46 = arith.remsi %scan3A_25, %select_n3A_45 : i32
      %ne3A_47 = arith.constant 0 : i32
      %ne3A_48 = arith.cmpi ne, %rem3A_46, %ne3A_47 : i32
      %lt3A = arith.constant 0 : i32
      %lt3A_49 = arith.cmpi slt, %rem3A_46, %lt3A : i32
      %lt3A_50 = arith.constant 0 : i32
      %lt3A_51 = arith.cmpi slt, %select_n3A_45, %lt3A_50 : i32
      %ne3A_52 = arith.xori %lt3A_49, %lt3A_51 : i1
      %and3A_53 = arith.andi %ne3A_52, %ne3A_48 : i1
      %add3A_54 = arith.addi %rem3A_46, %select_n3A_45 : i32
      %select_n3A_55 = arith.select %and3A_53, %add3A_54, %rem3A_46 : i32
      %mul3A_56 = arith.constant 16 : i32
      %mul3A_57 = arith.muli %select_n3A_55, %mul3A_56 : i32
      %swap3A = arith.index_cast %select_n3A : i32 to index
      %swap3A_58 = arith.index_cast %mul3A_57 : i32 to index
      %swap3A_59 = tpu.vector_load %arg8[%swap3A, %swap3A_58] {strides = array<i32>} : memref<128x128xf32, #tpu.memory_space<vmem>>, vector<1x16xf32>,
      %swap3A_60 = vector.shape_cast %swap3A_59 : vector<1x16xf32> to vector<16xf32>
      %swap3A_61 = vector.shape_cast %broadcast_in_dim3A_1 : vector<16xf32> to vector<1x16xf32>
      tpu.vector_store %arg8[%swap3A, %swap3A_58], %swap3A_61 {strides = array<i32>} : memref<128x128xf32, #tpu.memory_space<vmem>>, vector<1x16xf32>,
    }
    %scan3A_5 = arith.constant 1024 : i32
    %mul3A_6 = arith.constant 640 : i32
    %mul3A_7 = arith.muli %arg1, %mul3A_6 : i32
    %add3A_8 = arith.constant 0 : i32
    %add3A_9 = arith.addi %mul3A_7, %add3A_8 : i32
    "tpu.region"() ({
      %run_scoped3A = tpu.sem_alloc : memref<!tpu.dma_semaphore, #tpu.memory_space<semaphore_mem>>
      %dma_start3A = arith.constant 0 : i32
      %dma_start3A_25 = tpu.memref_slice %arg9[%add3A_9, %dma_start3A] : memref<10240x128xf32, #tpu.memory_space<vmem_shared>> -> memref<128x128xf32, #tpu.memory_space<vmem_shared>>
      %dma_start3A_26 = arith.constant 0 : i32
      %dma_start3A_27 = tpu.memref_slice %arg9[%add3A_9, %dma_start3A_26] : memref<10240x128xf32, #tpu.memory_space<vmem_shared>> -> memref<128x128xf32, #tpu.memory_space<vmem_shared>>
      tpu.enqueue_dma source(%arg8 : memref<128x128xf32, #tpu.memory_space<vmem>>) target(%dma_start3A_27 : memref<128x128xf32, #tpu.memory_space<vmem_shared>>) target_semaphore(%run_scoped3A : memref<!tpu.dma_semaphore, #tpu.memory_space<semaphore_mem>>)
      %dma_wait3A = arith.constant 0 : i32
      %dma_wait3A_28 = tpu.memref_slice %arg9[%add3A_9, %dma_wait3A] : memref<10240x128xf32, #tpu.memory_space<vmem_shared>> -> memref<128x128xf32, #tpu.memory_space<vmem_shared>>
      %dma_wait3A_29 = arith.constant 0 : i32
      %dma_wait3A_30 = tpu.memref_slice %arg9[%add3A_9, %dma_wait3A_29] : memref<10240x128xf32, #tpu.memory_space<vmem_shared>> -> memref<128x128xf32, #tpu.memory_space<vmem_shared>>
      tpu.wait_dma2 semaphore(%run_scoped3A : memref<!tpu.dma_semaphore, #tpu.memory_space<semaphore_mem>>) src(%arg8 : memref<128x128xf32, #tpu.memory_space<vmem>>) dst(%dma_wait3A_30 : memref<128x128xf32, #tpu.memory_space<vmem_shared>>)
      tpu.yield
    }) : () -> ()
    %add3A_10 = arith.constant 128 : i32
    %add3A_11 = arith.addi %mul3A_7, %add3A_10 : i32
    "tpu.region"() ({
      %run_scoped3A = tpu.sem_alloc : memref<!tpu.dma_semaphore, #tpu.memory_space<semaphore_mem>>
      %dma_start3A = arith.constant 0 : i32
      %dma_start3A_25 = tpu.memref_slice %arg9[%add3A_11, %dma_start3A] : memref<10240x128xf32, #tpu.memory_space<vmem_shared>> -> memref<128x128xf32, #tpu.memory_space<vmem_shared>>
      %dma_start3A_26 = arith.constant 0 : i32
      %dma_start3A_27 = tpu.memref_slice %arg9[%add3A_11, %dma_start3A_26] : memref<10240x128xf32, #tpu.memory_space<vmem_shared>> -> memref<128x128xf32, #tpu.memory_space<vmem_shared>>
      tpu.enqueue_dma source(%arg8 : memref<128x128xf32, #tpu.memory_space<vmem>>) target(%dma_start3A_27 : memref<128x128xf32, #tpu.memory_space<vmem_shared>>) target_semaphore(%run_scoped3A : memref<!tpu.dma_semaphore, #tpu.memory_space<semaphore_mem>>)
      %dma_wait3A = arith.constant 0 : i32
      %dma_wait3A_28 = tpu.memref_slice %arg9[%add3A_11, %dma_wait3A] : memref<10240x128xf32, #tpu.memory_space<vmem_shared>> -> memref<128x128xf32, #tpu.memory_space<vmem_shared>>
      %dma_wait3A_29 = arith.constant 0 : i32
      %dma_wait3A_30 = tpu.memref_slice %arg9[%add3A_11, %dma_wait3A_29] : memref<10240x128xf32, #tpu.memory_space<vmem_shared>> -> memref<128x128xf32, #tpu.memory_space<vmem_shared>>
      tpu.wait_dma2 semaphore(%run_scoped3A : memref<!tpu.dma_semaphore, #tpu.memory_space<semaphore_mem>>) src(%arg8 : memref<128x128xf32, #tpu.memory_space<vmem>>) dst(%dma_wait3A_30 : memref<128x128xf32, #tpu.memory_space<vmem_shared>>)
      tpu.yield
    }) : () -> ()
    %add3A_12 = arith.constant 256 : i32
    %add3A_13 = arith.addi %mul3A_7, %add3A_12 : i32
    "tpu.region"() ({
      %run_scoped3A = tpu.sem_alloc : memref<!tpu.dma_semaphore, #tpu.memory_space<semaphore_mem>>
      %dma_start3A = arith.constant 0 : i32
      %dma_start3A_25 = tpu.memref_slice %arg9[%add3A_13, %dma_start3A] : memref<10240x128xf32, #tpu.memory_space<vmem_shared>> -> memref<128x128xf32, #tpu.memory_space<vmem_shared>>
      %dma_start3A_26 = arith.constant 0 : i32
      %dma_start3A_27 = tpu.memref_slice %arg9[%add3A_13, %dma_start3A_26] : memref<10240x128xf32, #tpu.memory_space<vmem_shared>> -> memref<128x128xf32, #tpu.memory_space<vmem_shared>>
      tpu.enqueue_dma source(%arg8 : memref<128x128xf32, #tpu.memory_space<vmem>>) target(%dma_start3A_27 : memref<128x128xf32, #tpu.memory_space<vmem_shared>>) target_semaphore(%run_scoped3A : memref<!tpu.dma_semaphore, #tpu.memory_space<semaphore_mem>>)
      %dma_wait3A = arith.constant 0 : i32
      %dma_wait3A_28 = tpu.memref_slice %arg9[%add3A_13, %dma_wait3A] : memref<10240x128xf32, #tpu.memory_space<vmem_shared>> -> memref<128x128xf32, #tpu.memory_space<vmem_shared>>
      %dma_wait3A_29 = arith.constant 0 : i32
      %dma_wait3A_30 = tpu.memref_slice %arg9[%add3A_13, %dma_wait3A_29] : memref<10240x128xf32, #tpu.memory_space<vmem_shared>> -> memref<128x128xf32, #tpu.memory_space<vmem_shared>>
      tpu.wait_dma2 semaphore(%run_scoped3A : memref<!tpu.dma_semaphore, #tpu.memory_space<semaphore_mem>>) src(%arg8 : memref<128x128xf32, #tpu.memory_space<vmem>>) dst(%dma_wait3A_30 : memref<128x128xf32, #tpu.memory_space<vmem_shared>>)
      tpu.yield
    }) : () -> ()
    %add3A_14 = arith.constant 384 : i32
    %add3A_15 = arith.addi %mul3A_7, %add3A_14 : i32
    "tpu.region"() ({
      %run_scoped3A = tpu.sem_alloc : memref<!tpu.dma_semaphore, #tpu.memory_space<semaphore_mem>>
      %dma_start3A = arith.constant 0 : i32
      %dma_start3A_25 = tpu.memref_slice %arg9[%add3A_15, %dma_start3A] : memref<10240x128xf32, #tpu.memory_space<vmem_shared>> -> memref<128x128xf32, #tpu.memory_space<vmem_shared>>
      %dma_start3A_26 = arith.constant 0 : i32
      %dma_start3A_27 = tpu.memref_slice %arg9[%add3A_15, %dma_start3A_26] : memref<10240x128xf32, #tpu.memory_space<vmem_shared>> -> memref<128x128xf32, #tpu.memory_space<vmem_shared>>
      tpu.enqueue_dma source(%arg8 : memref<128x128xf32, #tpu.memory_space<vmem>>) target(%dma_start3A_27 : memref<128x128xf32, #tpu.memory_space<vmem_shared>>) target_semaphore(%run_scoped3A : memref<!tpu.dma_semaphore, #tpu.memory_space<semaphore_mem>>)
      %dma_wait3A = arith.constant 0 : i32
      %dma_wait3A_28 = tpu.memref_slice %arg9[%add3A_15, %dma_wait3A] : memref<10240x128xf32, #tpu.memory_space<vmem_shared>> -> memref<128x128xf32, #tpu.memory_space<vmem_shared>>
      %dma_wait3A_29 = arith.constant 0 : i32
      %dma_wait3A_30 = tpu.memref_slice %arg9[%add3A_15, %dma_wait3A_29] : memref<10240x128xf32, #tpu.memory_space<vmem_shared>> -> memref<128x128xf32, #tpu.memory_space<vmem_shared>>
      tpu.wait_dma2 semaphore(%run_scoped3A : memref<!tpu.dma_semaphore, #tpu.memory_space<semaphore_mem>>) src(%arg8 : memref<128x128xf32, #tpu.memory_space<vmem>>) dst(%dma_wait3A_30 : memref<128x128xf32, #tpu.memory_space<vmem_shared>>)
      tpu.yield
    }) : () -> ()
    %add3A_16 = arith.constant 512 : i32
    %add3A_17 = arith.addi %mul3A_7, %add3A_16 : i32
    "tpu.region"() ({
      %run_scoped3A = tpu.sem_alloc : memref<!tpu.dma_semaphore, #tpu.memory_space<semaphore_mem>>
      %dma_start3A = arith.constant 0 : i32
      %dma_start3A_25 = tpu.memref_slice %arg9[%add3A_17, %dma_start3A] : memref<10240x128xf32, #tpu.memory_space<vmem_shared>> -> memref<128x128xf32, #tpu.memory_space<vmem_shared>>
      %dma_start3A_26 = arith.constant 0 : i32
      %dma_start3A_27 = tpu.memref_slice %arg9[%add3A_17, %dma_start3A_26] : memref<10240x128xf32, #tpu.memory_space<vmem_shared>> -> memref<128x128xf32, #tpu.memory_space<vmem_shared>>
      tpu.enqueue_dma source(%arg8 : memref<128x128xf32, #tpu.memory_space<vmem>>) target(%dma_start3A_27 : memref<128x128xf32, #tpu.memory_space<vmem_shared>>) target_semaphore(%run_scoped3A : memref<!tpu.dma_semaphore, #tpu.memory_space<semaphore_mem>>)
      %dma_wait3A = arith.constant 0 : i32
      %dma_wait3A_28 = tpu.memref_slice %arg9[%add3A_17, %dma_wait3A] : memref<10240x128xf32, #tpu.memory_space<vmem_shared>> -> memref<128x128xf32, #tpu.memory_space<vmem_shared>>
      %dma_wait3A_29 = arith.constant 0 : i32
      %dma_wait3A_30 = tpu.memref_slice %arg9[%add3A_17, %dma_wait3A_29] : memref<10240x128xf32, #tpu.memory_space<vmem_shared>> -> memref<128x128xf32, #tpu.memory_space<vmem_shared>>
      tpu.wait_dma2 semaphore(%run_scoped3A : memref<!tpu.dma_semaphore, #tpu.memory_space<semaphore_mem>>) src(%arg8 : memref<128x128xf32, #tpu.memory_space<vmem>>) dst(%dma_wait3A_30 : memref<128x128xf32, #tpu.memory_space<vmem_shared>>)
      tpu.yield
    }) : () -> ()
    %barrier3A = arith.constant 0 : index
    tpu.barrier barrier_id(%barrier3A)
    "tpu.region"() ({
      %run_scoped3A = tpu.sem_alloc : memref<!tpu.dma_semaphore, #tpu.memory_space<semaphore_mem>>
      %dma_start3A = arith.constant 0 : i32
      %dma_start3A_25 = arith.constant 0 : i32
      %dma_start3A_26 = tpu.memref_slice %arg3[%add3A, %dma_start3A, %dma_start3A_25] : memref<32x79x128xi32, #tpu.memory_space<hbm>> -> memref<1x79x128xi32, #tpu.memory_space<hbm>>
      %dma_start3A_27 = tpu.memref_squeeze %dma_start3A_26 : memref<1x79x128xi32, #tpu.memory_space<hbm>> -> memref<79x128xi32, #tpu.memory_space<hbm>>
      %dma_start3A_28 = arith.constant 0 : i32
      %dma_start3A_29 = arith.constant 0 : i32
      %dma_start3A_30 = tpu.memref_slice %arg3[%add3A, %dma_start3A_28, %dma_start3A_29] : memref<32x79x128xi32, #tpu.memory_space<hbm>> -> memref<1x79x128xi32, #tpu.memory_space<hbm>>
      %dma_start3A_31 = tpu.memref_squeeze %dma_start3A_30 : memref<1x79x128xi32, #tpu.memory_space<hbm>> -> memref<79x128xi32, #tpu.memory_space<hbm>>
      tpu.enqueue_dma source(%dma_start3A_31 : memref<79x128xi32, #tpu.memory_space<hbm>>) target(%arg6 : memref<79x128xi32, #tpu.memory_space<vmem>>) target_semaphore(%run_scoped3A : memref<!tpu.dma_semaphore, #tpu.memory_space<semaphore_mem>>)
      %dma_wait3A = arith.constant 0 : i32
      %dma_wait3A_32 = arith.constant 0 : i32
      %dma_wait3A_33 = tpu.memref_slice %arg3[%add3A, %dma_wait3A, %dma_wait3A_32] : memref<32x79x128xi32, #tpu.memory_space<hbm>> -> memref<1x79x128xi32, #tpu.memory_space<hbm>>
      %dma_wait3A_34 = tpu.memref_squeeze %dma_wait3A_33 : memref<1x79x128xi32, #tpu.memory_space<hbm>> -> memref<79x128xi32, #tpu.memory_space<hbm>>
      %dma_wait3A_35 = arith.constant 0 : i32
      %dma_wait3A_36 = arith.constant 0 : i32
      %dma_wait3A_37 = tpu.memref_slice %arg3[%add3A, %dma_wait3A_35, %dma_wait3A_36] : memref<32x79x128xi32, #tpu.memory_space<hbm>> -> memref<1x79x128xi32, #tpu.memory_space<hbm>>
      %dma_wait3A_38 = tpu.memref_squeeze %dma_wait3A_37 : memref<1x79x128xi32, #tpu.memory_space<hbm>> -> memref<79x128xi32, #tpu.memory_space<hbm>>
      tpu.wait_dma2 semaphore(%run_scoped3A : memref<!tpu.dma_semaphore, #tpu.memory_space<semaphore_mem>>) src(%dma_wait3A_38 : memref<79x128xi32, #tpu.memory_space<hbm>>) dst(%arg6 : memref<79x128xi32, #tpu.memory_space<vmem>>)
      tpu.yield
    }) : () -> ()
    "tpu.region"() ({
      %run_scoped3A = tpu.sem_alloc : memref<!tpu.dma_semaphore, #tpu.memory_space<semaphore_mem>>
      %dma_start3A = arith.constant 0 : i32
      %dma_start3A_25 = arith.constant 0 : i32
      %dma_start3A_26 = tpu.memref_slice %arg4[%add3A, %dma_start3A, %dma_start3A_25] : memref<32x79x128xi32, #tpu.memory_space<hbm>> -> memref<1x79x128xi32, #tpu.memory_space<hbm>>
      %dma_start3A_27 = tpu.memref_squeeze %dma_start3A_26 : memref<1x79x128xi32, #tpu.memory_space<hbm>> -> memref<79x128xi32, #tpu.memory_space<hbm>>
      %dma_start3A_28 = arith.constant 0 : i32
      %dma_start3A_29 = arith.constant 0 : i32
      %dma_start3A_30 = tpu.memref_slice %arg4[%add3A, %dma_start3A_28, %dma_start3A_29] : memref<32x79x128xi32, #tpu.memory_space<hbm>> -> memref<1x79x128xi32, #tpu.memory_space<hbm>>
      %dma_start3A_31 = tpu.memref_squeeze %dma_start3A_30 : memref<1x79x128xi32, #tpu.memory_space<hbm>> -> memref<79x128xi32, #tpu.memory_space<hbm>>
      tpu.enqueue_dma source(%dma_start3A_31 : memref<79x128xi32, #tpu.memory_space<hbm>>) target(%arg7 : memref<79x128xi32, #tpu.memory_space<vmem>>) target_semaphore(%run_scoped3A : memref<!tpu.dma_semaphore, #tpu.memory_space<semaphore_mem>>)
      %dma_wait3A = arith.constant 0 : i32
      %dma_wait3A_32 = arith.constant 0 : i32
      %dma_wait3A_33 = tpu.memref_slice %arg4[%add3A, %dma_wait3A, %dma_wait3A_32] : memref<32x79x128xi32, #tpu.memory_space<hbm>> -> memref<1x79x128xi32, #tpu.memory_space<hbm>>
      %dma_wait3A_34 = tpu.memref_squeeze %dma_wait3A_33 : memref<1x79x128xi32, #tpu.memory_space<hbm>> -> memref<79x128xi32, #tpu.memory_space<hbm>>
      %dma_wait3A_35 = arith.constant 0 : i32
      %dma_wait3A_36 = arith.constant 0 : i32
      %dma_wait3A_37 = tpu.memref_slice %arg4[%add3A, %dma_wait3A_35, %dma_wait3A_36] : memref<32x79x128xi32, #tpu.memory_space<hbm>> -> memref<1x79x128xi32, #tpu.memory_space<hbm>>
      %dma_wait3A_38 = tpu.memref_squeeze %dma_wait3A_37 : memref<1x79x128xi32, #tpu.memory_space<hbm>> -> memref<79x128xi32, #tpu.memory_space<hbm>>
      tpu.wait_dma2 semaphore(%run_scoped3A : memref<!tpu.dma_semaphore, #tpu.memory_space<semaphore_mem>>) src(%dma_wait3A_38 : memref<79x128xi32, #tpu.memory_space<hbm>>) dst(%arg7 : memref<79x128xi32, #tpu.memory_space<vmem>>)
      tpu.yield
    }) : () -> ()
    %barrier3A_18 = arith.constant 0 : index
    tpu.barrier barrier_id(%barrier3A_18)
    %scan3A_19 = arith.constant 0 : i32
    %scan3A_20 = arith.constant 79 : i32
    %scan3A_21 = arith.addi %scan3A_19, %scan3A_20 : i32
    %scan3A_22 = arith.constant 1 : i32
    scf.for %scan3A_25 = %scan3A_19 to %scan3A_21 step %scan3A_22  : i32 {
      "tpu.region"() ({
        %run_scoped3A = tpu.sem_alloc : memref<!tpu.dma_semaphore, #tpu.memory_space<semaphore_mem>>
        %dma_start3A = arith.constant 0 : i32
        %dma_start3A_26 = tpu.memref_slice %arg6[%scan3A_25, %dma_start3A] : memref<79x128xi32, #tpu.memory_space<vmem>> -> memref<1x128xi32, #tpu.memory_space<vmem>>
        %dma_start3A_27 = tpu.memref_squeeze %dma_start3A_26 : memref<1x128xi32, #tpu.memory_space<vmem>> -> memref<128xi32, #tpu.memory_space<vmem>>
        %dma_start3A_28 = arith.constant 0 : i32
        %dma_start3A_29 = arith.constant 0 : i32
        %dma_start3A_30 = tpu.memref_slice %arg2[%dma_start3A_28, %dma_start3A_29] : memref<10000x128xf32, #tpu.memory_space<hbm>> -> memref<10000x128xf32, #tpu.memory_space<hbm>>
        tpu.enqueue_indirect_dma source(%dma_start3A_30 : memref<10000x128xf32, #tpu.memory_space<hbm>>) target(%arg8 : memref<128x128xf32, #tpu.memory_space<vmem>>) offsets(%dma_start3A_27 : memref<128xi32, #tpu.memory_space<vmem>>) semaphore(%run_scoped3A : memref<!tpu.dma_semaphore, #tpu.memory_space<semaphore_mem>>)
        %dma_wait3A = arith.constant 0 : i32
        %dma_wait3A_31 = tpu.memref_slice %arg6[%scan3A_25, %dma_wait3A] : memref<79x128xi32, #tpu.memory_space<vmem>> -> memref<1x128xi32, #tpu.memory_space<vmem>>
        %dma_wait3A_32 = tpu.memref_squeeze %dma_wait3A_31 : memref<1x128xi32, #tpu.memory_space<vmem>> -> memref<128xi32, #tpu.memory_space<vmem>>
        %dma_wait3A_33 = arith.constant 0 : i32
        %dma_wait3A_34 = arith.constant 0 : i32
        %dma_wait3A_35 = tpu.memref_slice %arg2[%dma_wait3A_33, %dma_wait3A_34] : memref<10000x128xf32, #tpu.memory_space<hbm>> -> memref<10000x128xf32, #tpu.memory_space<hbm>>
        tpu.wait_indirect_dma semaphore(%run_scoped3A : memref<!tpu.dma_semaphore, #tpu.memory_space<semaphore_mem>>) src(%dma_wait3A_35 : memref<10000x128xf32, #tpu.memory_space<hbm>>) dst(%arg8 : memref<128x128xf32, #tpu.memory_space<vmem>>)
        tpu.yield
      }) : () -> ()
      "tpu.region"() ({
        %run_scoped3A = tpu.sem_alloc : memref<!tpu.dma_semaphore, #tpu.memory_space<semaphore_mem>>
        %dma_start3A = arith.constant 0 : i32
        %dma_start3A_26 = tpu.memref_slice %arg7[%scan3A_25, %dma_start3A] : memref<79x128xi32, #tpu.memory_space<vmem>> -> memref<1x128xi32, #tpu.memory_space<vmem>>
        %dma_start3A_27 = tpu.memref_squeeze %dma_start3A_26 : memref<1x128xi32, #tpu.memory_space<vmem>> -> memref<128xi32, #tpu.memory_space<vmem>>
        %dma_start3A_28 = arith.constant 0 : i32
        %dma_start3A_29 = arith.constant 0 : i32
        %dma_start3A_30 = tpu.memref_slice %arg9[%dma_start3A_28, %dma_start3A_29] : memref<10240x128xf32, #tpu.memory_space<vmem_shared>> -> memref<10240x128xf32, #tpu.memory_space<vmem_shared>>
        tpu.enqueue_indirect_dma source(%arg8 : memref<128x128xf32, #tpu.memory_space<vmem>>) target(%dma_start3A_30 : memref<10240x128xf32, #tpu.memory_space<vmem_shared>>) offsets(%dma_start3A_27 : memref<128xi32, #tpu.memory_space<vmem>>) semaphore(%run_scoped3A : memref<!tpu.dma_semaphore, #tpu.memory_space<semaphore_mem>>) {add = true}
        %dma_wait3A = arith.constant 0 : i32
        %dma_wait3A_31 = tpu.memref_slice %arg7[%scan3A_25, %dma_wait3A] : memref<79x128xi32, #tpu.memory_space<vmem>> -> memref<1x128xi32, #tpu.memory_space<vmem>>
        %dma_wait3A_32 = tpu.memref_squeeze %dma_wait3A_31 : memref<1x128xi32, #tpu.memory_space<vmem>> -> memref<128xi32, #tpu.memory_space<vmem>>
        %dma_wait3A_33 = arith.constant 0 : i32
        %dma_wait3A_34 = arith.constant 0 : i32
        %dma_wait3A_35 = tpu.memref_slice %arg9[%dma_wait3A_33, %dma_wait3A_34] : memref<10240x128xf32, #tpu.memory_space<vmem_shared>> -> memref<10240x128xf32, #tpu.memory_space<vmem_shared>>
        tpu.wait_indirect_dma semaphore(%run_scoped3A : memref<!tpu.dma_semaphore, #tpu.memory_space<semaphore_mem>>) src(%arg8 : memref<128x128xf32, #tpu.memory_space<vmem>>) dst(%dma_wait3A_35 : memref<10240x128xf32, #tpu.memory_space<vmem_shared>>)
        tpu.yield
      }) : () -> ()
    }
    %scan3A_23 = arith.constant 79 : i32
    %barrier3A_24 = arith.constant 0 : index
    tpu.barrier barrier_id(%barrier3A_24)
    "tpu.region"() ({
      %run_scoped3A = tpu.sem_alloc : memref<!tpu.dma_semaphore, #tpu.memory_space<semaphore_mem>>
      %dma_start3A = arith.constant 0 : i32
      %dma_start3A_25 = arith.constant 0 : i32
      %dma_start3A_26 = tpu.memref_slice %arg5[%add3A, %dma_start3A, %dma_start3A_25] : memref<32x640x128xf32, #tpu.memory_space<hbm>> -> memref<1x640x128xf32, #tpu.memory_space<hbm>>
      %dma_start3A_27 = tpu.memref_squeeze %dma_start3A_26 : memref<1x640x128xf32, #tpu.memory_space<hbm>> -> memref<640x128xf32, #tpu.memory_space<hbm>>
      %dma_start3A_28 = arith.constant 0 : i32
      %dma_start3A_29 = tpu.memref_slice %arg9[%mul3A_7, %dma_start3A_28] : memref<10240x128xf32, #tpu.memory_space<vmem_shared>> -> memref<640x128xf32, #tpu.memory_space<vmem_shared>>
      tpu.enqueue_dma source(%dma_start3A_29 : memref<640x128xf32, #tpu.memory_space<vmem_shared>>) target(%dma_start3A_27 : memref<640x128xf32, #tpu.memory_space<hbm>>) target_semaphore(%run_scoped3A : memref<!tpu.dma_semaphore, #tpu.memory_space<semaphore_mem>>)
      %dma_wait3A = arith.constant 0 : i32
      %dma_wait3A_30 = arith.constant 0 : i32
      %dma_wait3A_31 = tpu.memref_slice %arg5[%add3A, %dma_wait3A, %dma_wait3A_30] : memref<32x640x128xf32, #tpu.memory_space<hbm>> -> memref<1x640x128xf32, #tpu.memory_space<hbm>>
      %dma_wait3A_32 = tpu.memref_squeeze %dma_wait3A_31 : memref<1x640x128xf32, #tpu.memory_space<hbm>> -> memref<640x128xf32, #tpu.memory_space<hbm>>
      %dma_wait3A_33 = arith.constant 0 : i32
      %dma_wait3A_34 = tpu.memref_slice %arg9[%mul3A_7, %dma_wait3A_33] : memref<10240x128xf32, #tpu.memory_space<vmem_shared>> -> memref<640x128xf32, #tpu.memory_space<vmem_shared>>
      tpu.wait_dma2 semaphore(%run_scoped3A : memref<!tpu.dma_semaphore, #tpu.memory_space<semaphore_mem>>) src(%dma_wait3A_34 : memref<640x128xf32, #tpu.memory_space<vmem_shared>>) dst(%dma_wait3A_32 : memref<640x128xf32, #tpu.memory_space<hbm>>)
      tpu.yield
    }) : () -> ()
    return
  }
}

#map = affine_map<(d0, d1) -> (0, 0)>
#map1 = affine_map<(d0, d1) -> (0, 0, 0)>
module attributes {stable_mosaic.version = 14 : i64} {
  func.func @_sc_scatter_body(%arg0: i32, %arg1: i32, %arg2: memref<10000x128xf32, #tpu.memory_space<hbm>>, %arg3: memref<32x79x128xi32, #tpu.memory_space<hbm>>, %arg4: memref<32x79x128xi32, #tpu.memory_space<hbm>>, %arg5: memref<32x640x128xf32, #tpu.memory_space<hbm>>, %arg6: memref<79x128xi32, #tpu.memory_space<vmem>>, %arg7: memref<79x128xi32, #tpu.memory_space<vmem>>, %arg8: memref<128x128xf32, #tpu.memory_space<vmem>>, %arg9: memref<10240x128xf32, #tpu.memory_space<vmem_shared>>) attributes {dimension_semantics = [#tpu.dimension_semantics<core_parallel>, #tpu.dimension_semantics<subcore_parallel>], iteration_bounds = array<i64: 2, 16>, scalar_prefetch = 0 : i64, scratch_operands = 4 : i64, tpu.core_type = #tpu.core_type<sc_vector_subcore>, window_params = [{transform_indices = #map}, {transform_indices = #map1}, {transform_indices = #map1}, {transform_indices = #map1}]} {
    %mul3A = arith.constant 16 : i32
    %mul3A_0 = arith.muli %arg0, %mul3A : i32
    %add3A = arith.addi %mul3A_0, %arg1 : i32
    %broadcast_in_dim3A = arith.constant 0.000000e+00 : f32
    %broadcast_in_dim3A_1 = vector.broadcast %broadcast_in_dim3A : f32 to vector<16xf32>
    %scan3A = arith.constant 0 : i32
    %scan3A_2 = arith.constant 1024 : i32
    %scan3A_3 = arith.addi %scan3A, %scan3A_2 : i32
    %scan3A_4 = arith.constant 1 : i32
    scf.for %scan3A_25 = %scan3A to %scan3A_3 step %scan3A_4  : i32 {
      %jit3A = arith.constant 8 : i32
      %div3A = arith.divsi %scan3A_25, %jit3A : i32
      %sign3A = arith.constant 0 : i32
      %sign3A_26 = arith.cmpi sgt, %scan3A_25, %sign3A : i32
      %sign3A_27 = arith.extui %sign3A_26 : i1 to i32
      %sign3A_28 = arith.constant 0 : i32
      %sign3A_29 = arith.cmpi slt, %scan3A_25, %sign3A_28 : i32
      %sign3A_30 = arith.extui %sign3A_29 : i1 to i32
      %sign3A_31 = arith.subi %sign3A_27, %sign3A_30 : i32
      %sign3A_32 = arith.constant 0 : i32
      %sign3A_33 = arith.cmpi sgt, %jit3A, %sign3A_32 : i32
      %sign3A_34 = arith.extui %sign3A_33 : i1 to i32
      %sign3A_35 = arith.constant 0 : i32
      %sign3A_36 = arith.cmpi slt, %jit3A, %sign3A_35 : i32
      %sign3A_37 = arith.extui %sign3A_36 : i1 to i32
      %sign3A_38 = arith.subi %sign3A_34, %sign3A_37 : i32
      %ne3A = arith.cmpi ne, %sign3A_31, %sign3A_38 : i32
      %rem3A = arith.remsi %scan3A_25, %jit3A : i32
      %ne3A_39 = arith.constant 0 : i32
      %ne3A_40 = arith.cmpi ne, %rem3A, %ne3A_39 : i32
      %and3A = arith.andi %ne3A, %ne3A_40 : i1
      %sub3A = arith.constant 1 : i32
      %sub3A_41 = arith.subi %div3A, %sub3A : i32
      %select_n3A = arith.select %and3A, %sub3A_41, %div3A : i32
      %jit3A_42 = arith.constant 8 : i32
      %eq3A = arith.constant 0 : i32
      %eq3A_43 = arith.cmpi eq, %jit3A_42, %eq3A : i32
      %jit3A_44 = arith.constant 1 : i32
      %select_n3A_45 = arith.select %eq3A_43, %jit3A_44, %jit3A_42 : i32
      %rem3A_46 = arith.remsi %scan3A_25, %select_n3A_45 : i32
      %ne3A_47 = arith.constant 0 : i32
      %ne3A_48 = arith.cmpi ne, %rem3A_46, %ne3A_47 : i32
      %lt3A = arith.constant 0 : i32
      %lt3A_49 = arith.cmpi slt, %rem3A_46, %lt3A : i32
      %lt3A_50 = arith.constant 0 : i32
      %lt3A_51 = arith.cmpi slt, %select_n3A_45, %lt3A_50 : i32
      %ne3A_52 = arith.xori %lt3A_49, %lt3A_51 : i1
      %and3A_53 = arith.andi %ne3A_52, %ne3A_48 : i1
      %add3A_54 = arith.addi %rem3A_46, %select_n3A_45 : i32
      %select_n3A_55 = arith.select %and3A_53, %add3A_54, %rem3A_46 : i32
      %mul3A_56 = arith.constant 16 : i32
      %mul3A_57 = arith.muli %select_n3A_55, %mul3A_56 : i32
      %swap3A = arith.index_cast %select_n3A : i32 to index
      %swap3A_58 = arith.index_cast %mul3A_57 : i32 to index
      %swap3A_59 = tpu.vector_load %arg8[%swap3A, %swap3A_58] {strides = array<i32>} : memref<128x128xf32, #tpu.memory_space<vmem>>, vector<1x16xf32>,
      %swap3A_60 = vector.shape_cast %swap3A_59 : vector<1x16xf32> to vector<16xf32>
      %swap3A_61 = vector.shape_cast %broadcast_in_dim3A_1 : vector<16xf32> to vector<1x16xf32>
      tpu.vector_store %arg8[%swap3A, %swap3A_58], %swap3A_61 {strides = array<i32>} : memref<128x128xf32, #tpu.memory_space<vmem>>, vector<1x16xf32>,
    }
    %scan3A_5 = arith.constant 1024 : i32
    %mul3A_6 = arith.constant 640 : i32
    %mul3A_7 = arith.muli %arg1, %mul3A_6 : i32
    %add3A_8 = arith.constant 0 : i32
    %add3A_9 = arith.addi %mul3A_7, %add3A_8 : i32
    "tpu.region"() ({
      %run_scoped3A = tpu.sem_alloc : memref<!tpu.dma_semaphore, #tpu.memory_space<semaphore_mem>>
      %dma_start3A = arith.constant 0 : i32
      %dma_start3A_25 = tpu.memref_slice %arg9[%add3A_9, %dma_start3A] : memref<10240x128xf32, #tpu.memory_space<vmem_shared>> -> memref<128x128xf32, #tpu.memory_space<vmem_shared>>
      %dma_start3A_26 = arith.constant 0 : i32
      %dma_start3A_27 = tpu.memref_slice %arg9[%add3A_9, %dma_start3A_26] : memref<10240x128xf32, #tpu.memory_space<vmem_shared>> -> memref<128x128xf32, #tpu.memory_space<vmem_shared>>
      tpu.enqueue_dma source(%arg8 : memref<128x128xf32, #tpu.memory_space<vmem>>) target(%dma_start3A_27 : memref<128x128xf32, #tpu.memory_space<vmem_shared>>) target_semaphore(%run_scoped3A : memref<!tpu.dma_semaphore, #tpu.memory_space<semaphore_mem>>)
      %dma_wait3A = arith.constant 0 : i32
      %dma_wait3A_28 = tpu.memref_slice %arg9[%add3A_9, %dma_wait3A] : memref<10240x128xf32, #tpu.memory_space<vmem_shared>> -> memref<128x128xf32, #tpu.memory_space<vmem_shared>>
      %dma_wait3A_29 = arith.constant 0 : i32
      %dma_wait3A_30 = tpu.memref_slice %arg9[%add3A_9, %dma_wait3A_29] : memref<10240x128xf32, #tpu.memory_space<vmem_shared>> -> memref<128x128xf32, #tpu.memory_space<vmem_shared>>
      tpu.wait_dma2 semaphore(%run_scoped3A : memref<!tpu.dma_semaphore, #tpu.memory_space<semaphore_mem>>) src(%arg8 : memref<128x128xf32, #tpu.memory_space<vmem>>) dst(%dma_wait3A_30 : memref<128x128xf32, #tpu.memory_space<vmem_shared>>)
      tpu.yield
    }) : () -> ()
    %add3A_10 = arith.constant 128 : i32
    %add3A_11 = arith.addi %mul3A_7, %add3A_10 : i32
    "tpu.region"() ({
      %run_scoped3A = tpu.sem_alloc : memref<!tpu.dma_semaphore, #tpu.memory_space<semaphore_mem>>
      %dma_start3A = arith.constant 0 : i32
      %dma_start3A_25 = tpu.memref_slice %arg9[%add3A_11, %dma_start3A] : memref<10240x128xf32, #tpu.memory_space<vmem_shared>> -> memref<128x128xf32, #tpu.memory_space<vmem_shared>>
      %dma_start3A_26 = arith.constant 0 : i32
      %dma_start3A_27 = tpu.memref_slice %arg9[%add3A_11, %dma_start3A_26] : memref<10240x128xf32, #tpu.memory_space<vmem_shared>> -> memref<128x128xf32, #tpu.memory_space<vmem_shared>>
      tpu.enqueue_dma source(%arg8 : memref<128x128xf32, #tpu.memory_space<vmem>>) target(%dma_start3A_27 : memref<128x128xf32, #tpu.memory_space<vmem_shared>>) target_semaphore(%run_scoped3A : memref<!tpu.dma_semaphore, #tpu.memory_space<semaphore_mem>>)
      %dma_wait3A = arith.constant 0 : i32
      %dma_wait3A_28 = tpu.memref_slice %arg9[%add3A_11, %dma_wait3A] : memref<10240x128xf32, #tpu.memory_space<vmem_shared>> -> memref<128x128xf32, #tpu.memory_space<vmem_shared>>
      %dma_wait3A_29 = arith.constant 0 : i32
      %dma_wait3A_30 = tpu.memref_slice %arg9[%add3A_11, %dma_wait3A_29] : memref<10240x128xf32, #tpu.memory_space<vmem_shared>> -> memref<128x128xf32, #tpu.memory_space<vmem_shared>>
      tpu.wait_dma2 semaphore(%run_scoped3A : memref<!tpu.dma_semaphore, #tpu.memory_space<semaphore_mem>>) src(%arg8 : memref<128x128xf32, #tpu.memory_space<vmem>>) dst(%dma_wait3A_30 : memref<128x128xf32, #tpu.memory_space<vmem_shared>>)
      tpu.yield
    }) : () -> ()
    %add3A_12 = arith.constant 256 : i32
    %add3A_13 = arith.addi %mul3A_7, %add3A_12 : i32
    "tpu.region"() ({
      %run_scoped3A = tpu.sem_alloc : memref<!tpu.dma_semaphore, #tpu.memory_space<semaphore_mem>>
      %dma_start3A = arith.constant 0 : i32
      %dma_start3A_25 = tpu.memref_slice %arg9[%add3A_13, %dma_start3A] : memref<10240x128xf32, #tpu.memory_space<vmem_shared>> -> memref<128x128xf32, #tpu.memory_space<vmem_shared>>
      %dma_start3A_26 = arith.constant 0 : i32
      %dma_start3A_27 = tpu.memref_slice %arg9[%add3A_13, %dma_start3A_26] : memref<10240x128xf32, #tpu.memory_space<vmem_shared>> -> memref<128x128xf32, #tpu.memory_space<vmem_shared>>
      tpu.enqueue_dma source(%arg8 : memref<128x128xf32, #tpu.memory_space<vmem>>) target(%dma_start3A_27 : memref<128x128xf32, #tpu.memory_space<vmem_shared>>) target_semaphore(%run_scoped3A : memref<!tpu.dma_semaphore, #tpu.memory_space<semaphore_mem>>)
      %dma_wait3A = arith.constant 0 : i32
      %dma_wait3A_28 = tpu.memref_slice %arg9[%add3A_13, %dma_wait3A] : memref<10240x128xf32, #tpu.memory_space<vmem_shared>> -> memref<128x128xf32, #tpu.memory_space<vmem_shared>>
      %dma_wait3A_29 = arith.constant 0 : i32
      %dma_wait3A_30 = tpu.memref_slice %arg9[%add3A_13, %dma_wait3A_29] : memref<10240x128xf32, #tpu.memory_space<vmem_shared>> -> memref<128x128xf32, #tpu.memory_space<vmem_shared>>
      tpu.wait_dma2 semaphore(%run_scoped3A : memref<!tpu.dma_semaphore, #tpu.memory_space<semaphore_mem>>) src(%arg8 : memref<128x128xf32, #tpu.memory_space<vmem>>) dst(%dma_wait3A_30 : memref<128x128xf32, #tpu.memory_space<vmem_shared>>)
      tpu.yield
    }) : () -> ()
    %add3A_14 = arith.constant 384 : i32
    %add3A_15 = arith.addi %mul3A_7, %add3A_14 : i32
    "tpu.region"() ({
      %run_scoped3A = tpu.sem_alloc : memref<!tpu.dma_semaphore, #tpu.memory_space<semaphore_mem>>
      %dma_start3A = arith.constant 0 : i32
      %dma_start3A_25 = tpu.memref_slice %arg9[%add3A_15, %dma_start3A] : memref<10240x128xf32, #tpu.memory_space<vmem_shared>> -> memref<128x128xf32, #tpu.memory_space<vmem_shared>>
      %dma_start3A_26 = arith.constant 0 : i32
      %dma_start3A_27 = tpu.memref_slice %arg9[%add3A_15, %dma_start3A_26] : memref<10240x128xf32, #tpu.memory_space<vmem_shared>> -> memref<128x128xf32, #tpu.memory_space<vmem_shared>>
      tpu.enqueue_dma source(%arg8 : memref<128x128xf32, #tpu.memory_space<vmem>>) target(%dma_start3A_27 : memref<128x128xf32, #tpu.memory_space<vmem_shared>>) target_semaphore(%run_scoped3A : memref<!tpu.dma_semaphore, #tpu.memory_space<semaphore_mem>>)
      %dma_wait3A = arith.constant 0 : i32
      %dma_wait3A_28 = tpu.memref_slice %arg9[%add3A_15, %dma_wait3A] : memref<10240x128xf32, #tpu.memory_space<vmem_shared>> -> memref<128x128xf32, #tpu.memory_space<vmem_shared>>
      %dma_wait3A_29 = arith.constant 0 : i32
      %dma_wait3A_30 = tpu.memref_slice %arg9[%add3A_15, %dma_wait3A_29] : memref<10240x128xf32, #tpu.memory_space<vmem_shared>> -> memref<128x128xf32, #tpu.memory_space<vmem_shared>>
      tpu.wait_dma2 semaphore(%run_scoped3A : memref<!tpu.dma_semaphore, #tpu.memory_space<semaphore_mem>>) src(%arg8 : memref<128x128xf32, #tpu.memory_space<vmem>>) dst(%dma_wait3A_30 : memref<128x128xf32, #tpu.memory_space<vmem_shared>>)
      tpu.yield
    }) : () -> ()
    %add3A_16 = arith.constant 512 : i32
    %add3A_17 = arith.addi %mul3A_7, %add3A_16 : i32
    "tpu.region"() ({
      %run_scoped3A = tpu.sem_alloc : memref<!tpu.dma_semaphore, #tpu.memory_space<semaphore_mem>>
      %dma_start3A = arith.constant 0 : i32
      %dma_start3A_25 = tpu.memref_slice %arg9[%add3A_17, %dma_start3A] : memref<10240x128xf32, #tpu.memory_space<vmem_shared>> -> memref<128x128xf32, #tpu.memory_space<vmem_shared>>
      %dma_start3A_26 = arith.constant 0 : i32
      %dma_start3A_27 = tpu.memref_slice %arg9[%add3A_17, %dma_start3A_26] : memref<10240x128xf32, #tpu.memory_space<vmem_shared>> -> memref<128x128xf32, #tpu.memory_space<vmem_shared>>
      tpu.enqueue_dma source(%arg8 : memref<128x128xf32, #tpu.memory_space<vmem>>) target(%dma_start3A_27 : memref<128x128xf32, #tpu.memory_space<vmem_shared>>) target_semaphore(%run_scoped3A : memref<!tpu.dma_semaphore, #tpu.memory_space<semaphore_mem>>)
      %dma_wait3A = arith.constant 0 : i32
      %dma_wait3A_28 = tpu.memref_slice %arg9[%add3A_17, %dma_wait3A] : memref<10240x128xf32, #tpu.memory_space<vmem_shared>> -> memref<128x128xf32, #tpu.memory_space<vmem_shared>>
      %dma_wait3A_29 = arith.constant 0 : i32
      %dma_wait3A_30 = tpu.memref_slice %arg9[%add3A_17, %dma_wait3A_29] : memref<10240x128xf32, #tpu.memory_space<vmem_shared>> -> memref<128x128xf32, #tpu.memory_space<vmem_shared>>
      tpu.wait_dma2 semaphore(%run_scoped3A : memref<!tpu.dma_semaphore, #tpu.memory_space<semaphore_mem>>) src(%arg8 : memref<128x128xf32, #tpu.memory_space<vmem>>) dst(%dma_wait3A_30 : memref<128x128xf32, #tpu.memory_space<vmem_shared>>)
      tpu.yield
    }) : () -> ()
    %barrier3A = arith.constant 0 : index
    tpu.barrier barrier_id(%barrier3A)
    "tpu.region"() ({
      %run_scoped3A = tpu.sem_alloc : memref<!tpu.dma_semaphore, #tpu.memory_space<semaphore_mem>>
      %dma_start3A = arith.constant 0 : i32
      %dma_start3A_25 = arith.constant 0 : i32
      %dma_start3A_26 = tpu.memref_slice %arg3[%add3A, %dma_start3A, %dma_start3A_25] : memref<32x79x128xi32, #tpu.memory_space<hbm>> -> memref<1x79x128xi32, #tpu.memory_space<hbm>>
      %dma_start3A_27 = tpu.memref_squeeze %dma_start3A_26 : memref<1x79x128xi32, #tpu.memory_space<hbm>> -> memref<79x128xi32, #tpu.memory_space<hbm>>
      %dma_start3A_28 = arith.constant 0 : i32
      %dma_start3A_29 = arith.constant 0 : i32
      %dma_start3A_30 = tpu.memref_slice %arg3[%add3A, %dma_start3A_28, %dma_start3A_29] : memref<32x79x128xi32, #tpu.memory_space<hbm>> -> memref<1x79x128xi32, #tpu.memory_space<hbm>>
      %dma_start3A_31 = tpu.memref_squeeze %dma_start3A_30 : memref<1x79x128xi32, #tpu.memory_space<hbm>> -> memref<79x128xi32, #tpu.memory_space<hbm>>
      tpu.enqueue_dma source(%dma_start3A_31 : memref<79x128xi32, #tpu.memory_space<hbm>>) target(%arg6 : memref<79x128xi32, #tpu.memory_space<vmem>>) target_semaphore(%run_scoped3A : memref<!tpu.dma_semaphore, #tpu.memory_space<semaphore_mem>>)
      %dma_wait3A = arith.constant 0 : i32
      %dma_wait3A_32 = arith.constant 0 : i32
      %dma_wait3A_33 = tpu.memref_slice %arg3[%add3A, %dma_wait3A, %dma_wait3A_32] : memref<32x79x128xi32, #tpu.memory_space<hbm>> -> memref<1x79x128xi32, #tpu.memory_space<hbm>>
      %dma_wait3A_34 = tpu.memref_squeeze %dma_wait3A_33 : memref<1x79x128xi32, #tpu.memory_space<hbm>> -> memref<79x128xi32, #tpu.memory_space<hbm>>
      %dma_wait3A_35 = arith.constant 0 : i32
      %dma_wait3A_36 = arith.constant 0 : i32
      %dma_wait3A_37 = tpu.memref_slice %arg3[%add3A, %dma_wait3A_35, %dma_wait3A_36] : memref<32x79x128xi32, #tpu.memory_space<hbm>> -> memref<1x79x128xi32, #tpu.memory_space<hbm>>
      %dma_wait3A_38 = tpu.memref_squeeze %dma_wait3A_37 : memref<1x79x128xi32, #tpu.memory_space<hbm>> -> memref<79x128xi32, #tpu.memory_space<hbm>>
      tpu.wait_dma2 semaphore(%run_scoped3A : memref<!tpu.dma_semaphore, #tpu.memory_space<semaphore_mem>>) src(%dma_wait3A_38 : memref<79x128xi32, #tpu.memory_space<hbm>>) dst(%arg6 : memref<79x128xi32, #tpu.memory_space<vmem>>)
      tpu.yield
    }) : () -> ()
    "tpu.region"() ({
      %run_scoped3A = tpu.sem_alloc : memref<!tpu.dma_semaphore, #tpu.memory_space<semaphore_mem>>
      %dma_start3A = arith.constant 0 : i32
      %dma_start3A_25 = arith.constant 0 : i32
      %dma_start3A_26 = tpu.memref_slice %arg4[%add3A, %dma_start3A, %dma_start3A_25] : memref<32x79x128xi32, #tpu.memory_space<hbm>> -> memref<1x79x128xi32, #tpu.memory_space<hbm>>
      %dma_start3A_27 = tpu.memref_squeeze %dma_start3A_26 : memref<1x79x128xi32, #tpu.memory_space<hbm>> -> memref<79x128xi32, #tpu.memory_space<hbm>>
      %dma_start3A_28 = arith.constant 0 : i32
      %dma_start3A_29 = arith.constant 0 : i32
      %dma_start3A_30 = tpu.memref_slice %arg4[%add3A, %dma_start3A_28, %dma_start3A_29] : memref<32x79x128xi32, #tpu.memory_space<hbm>> -> memref<1x79x128xi32, #tpu.memory_space<hbm>>
      %dma_start3A_31 = tpu.memref_squeeze %dma_start3A_30 : memref<1x79x128xi32, #tpu.memory_space<hbm>> -> memref<79x128xi32, #tpu.memory_space<hbm>>
      tpu.enqueue_dma source(%dma_start3A_31 : memref<79x128xi32, #tpu.memory_space<hbm>>) target(%arg7 : memref<79x128xi32, #tpu.memory_space<vmem>>) target_semaphore(%run_scoped3A : memref<!tpu.dma_semaphore, #tpu.memory_space<semaphore_mem>>)
      %dma_wait3A = arith.constant 0 : i32
      %dma_wait3A_32 = arith.constant 0 : i32
      %dma_wait3A_33 = tpu.memref_slice %arg4[%add3A, %dma_wait3A, %dma_wait3A_32] : memref<32x79x128xi32, #tpu.memory_space<hbm>> -> memref<1x79x128xi32, #tpu.memory_space<hbm>>
      %dma_wait3A_34 = tpu.memref_squeeze %dma_wait3A_33 : memref<1x79x128xi32, #tpu.memory_space<hbm>> -> memref<79x128xi32, #tpu.memory_space<hbm>>
      %dma_wait3A_35 = arith.constant 0 : i32
      %dma_wait3A_36 = arith.constant 0 : i32
      %dma_wait3A_37 = tpu.memref_slice %arg4[%add3A, %dma_wait3A_35, %dma_wait3A_36] : memref<32x79x128xi32, #tpu.memory_space<hbm>> -> memref<1x79x128xi32, #tpu.memory_space<hbm>>
      %dma_wait3A_38 = tpu.memref_squeeze %dma_wait3A_37 : memref<1x79x128xi32, #tpu.memory_space<hbm>> -> memref<79x128xi32, #tpu.memory_space<hbm>>
      tpu.wait_dma2 semaphore(%run_scoped3A : memref<!tpu.dma_semaphore, #tpu.memory_space<semaphore_mem>>) src(%dma_wait3A_38 : memref<79x128xi32, #tpu.memory_space<hbm>>) dst(%arg7 : memref<79x128xi32, #tpu.memory_space<vmem>>)
      tpu.yield
    }) : () -> ()
    %barrier3A_18 = arith.constant 0 : index
    tpu.barrier barrier_id(%barrier3A_18)
    %scan3A_19 = arith.constant 0 : i32
    %scan3A_20 = arith.constant 79 : i32
    %scan3A_21 = arith.addi %scan3A_19, %scan3A_20 : i32
    %scan3A_22 = arith.constant 1 : i32
    scf.for %scan3A_25 = %scan3A_19 to %scan3A_21 step %scan3A_22  : i32 {
      "tpu.region"() ({
        %run_scoped3A = tpu.sem_alloc : memref<!tpu.dma_semaphore, #tpu.memory_space<semaphore_mem>>
        %dma_start3A = arith.constant 0 : i32
        %dma_start3A_26 = tpu.memref_slice %arg6[%scan3A_25, %dma_start3A] : memref<79x128xi32, #tpu.memory_space<vmem>> -> memref<1x128xi32, #tpu.memory_space<vmem>>
        %dma_start3A_27 = tpu.memref_squeeze %dma_start3A_26 : memref<1x128xi32, #tpu.memory_space<vmem>> -> memref<128xi32, #tpu.memory_space<vmem>>
        %dma_start3A_28 = arith.constant 0 : i32
        %dma_start3A_29 = arith.constant 0 : i32
        %dma_start3A_30 = tpu.memref_slice %arg2[%dma_start3A_28, %dma_start3A_29] : memref<10000x128xf32, #tpu.memory_space<hbm>> -> memref<10000x128xf32, #tpu.memory_space<hbm>>
        tpu.enqueue_indirect_dma source(%dma_start3A_30 : memref<10000x128xf32, #tpu.memory_space<hbm>>) target(%arg8 : memref<128x128xf32, #tpu.memory_space<vmem>>) offsets(%dma_start3A_27 : memref<128xi32, #tpu.memory_space<vmem>>) semaphore(%run_scoped3A : memref<!tpu.dma_semaphore, #tpu.memory_space<semaphore_mem>>)
        %dma_wait3A = arith.constant 0 : i32
        %dma_wait3A_31 = tpu.memref_slice %arg6[%scan3A_25, %dma_wait3A] : memref<79x128xi32, #tpu.memory_space<vmem>> -> memref<1x128xi32, #tpu.memory_space<vmem>>
        %dma_wait3A_32 = tpu.memref_squeeze %dma_wait3A_31 : memref<1x128xi32, #tpu.memory_space<vmem>> -> memref<128xi32, #tpu.memory_space<vmem>>
        %dma_wait3A_33 = arith.constant 0 : i32
        %dma_wait3A_34 = arith.constant 0 : i32
        %dma_wait3A_35 = tpu.memref_slice %arg2[%dma_wait3A_33, %dma_wait3A_34] : memref<10000x128xf32, #tpu.memory_space<hbm>> -> memref<10000x128xf32, #tpu.memory_space<hbm>>
        tpu.wait_indirect_dma semaphore(%run_scoped3A : memref<!tpu.dma_semaphore, #tpu.memory_space<semaphore_mem>>) src(%dma_wait3A_35 : memref<10000x128xf32, #tpu.memory_space<hbm>>) dst(%arg8 : memref<128x128xf32, #tpu.memory_space<vmem>>)
        tpu.yield
      }) : () -> ()
      "tpu.region"() ({
        %run_scoped3A = tpu.sem_alloc : memref<!tpu.dma_semaphore, #tpu.memory_space<semaphore_mem>>
        %dma_start3A = arith.constant 0 : i32
        %dma_start3A_26 = tpu.memref_slice %arg7[%scan3A_25, %dma_start3A] : memref<79x128xi32, #tpu.memory_space<vmem>> -> memref<1x128xi32, #tpu.memory_space<vmem>>
        %dma_start3A_27 = tpu.memref_squeeze %dma_start3A_26 : memref<1x128xi32, #tpu.memory_space<vmem>> -> memref<128xi32, #tpu.memory_space<vmem>>
        %dma_start3A_28 = arith.constant 0 : i32
        %dma_start3A_29 = arith.constant 0 : i32
        %dma_start3A_30 = tpu.memref_slice %arg9[%dma_start3A_28, %dma_start3A_29] : memref<10240x128xf32, #tpu.memory_space<vmem_shared>> -> memref<10240x128xf32, #tpu.memory_space<vmem_shared>>
        tpu.enqueue_indirect_dma source(%arg8 : memref<128x128xf32, #tpu.memory_space<vmem>>) target(%dma_start3A_30 : memref<10240x128xf32, #tpu.memory_space<vmem_shared>>) offsets(%dma_start3A_27 : memref<128xi32, #tpu.memory_space<vmem>>) semaphore(%run_scoped3A : memref<!tpu.dma_semaphore, #tpu.memory_space<semaphore_mem>>) {add = true}
        %dma_wait3A = arith.constant 0 : i32
        %dma_wait3A_31 = tpu.memref_slice %arg7[%scan3A_25, %dma_wait3A] : memref<79x128xi32, #tpu.memory_space<vmem>> -> memref<1x128xi32, #tpu.memory_space<vmem>>
        %dma_wait3A_32 = tpu.memref_squeeze %dma_wait3A_31 : memref<1x128xi32, #tpu.memory_space<vmem>> -> memref<128xi32, #tpu.memory_space<vmem>>
        %dma_wait3A_33 = arith.constant 0 : i32
        %dma_wait3A_34 = arith.constant 0 : i32
        %dma_wait3A_35 = tpu.memref_slice %arg9[%dma_wait3A_33, %dma_wait3A_34] : memref<10240x128xf32, #tpu.memory_space<vmem_shared>> -> memref<10240x128xf32, #tpu.memory_space<vmem_shared>>
        tpu.wait_indirect_dma semaphore(%run_scoped3A : memref<!tpu.dma_semaphore, #tpu.memory_space<semaphore_mem>>) src(%arg8 : memref<128x128xf32, #tpu.memory_space<vmem>>) dst(%dma_wait3A_35 : memref<10240x128xf32, #tpu.memory_space<vmem_shared>>)
        tpu.yield
      }) : () -> ()
    }
    %scan3A_23 = arith.constant 79 : i32
    %barrier3A_24 = arith.constant 0 : index
    tpu.barrier barrier_id(%barrier3A_24)
    "tpu.region"() ({
      %run_scoped3A = tpu.sem_alloc : memref<!tpu.dma_semaphore, #tpu.memory_space<semaphore_mem>>
      %dma_start3A = arith.constant 0 : i32
      %dma_start3A_25 = arith.constant 0 : i32
      %dma_start3A_26 = tpu.memref_slice %arg5[%add3A, %dma_start3A, %dma_start3A_25] : memref<32x640x128xf32, #tpu.memory_space<hbm>> -> memref<1x640x128xf32, #tpu.memory_space<hbm>>
      %dma_start3A_27 = tpu.memref_squeeze %dma_start3A_26 : memref<1x640x128xf32, #tpu.memory_space<hbm>> -> memref<640x128xf32, #tpu.memory_space<hbm>>
      %dma_start3A_28 = arith.constant 0 : i32
      %dma_start3A_29 = tpu.memref_slice %arg9[%mul3A_7, %dma_start3A_28] : memref<10240x128xf32, #tpu.memory_space<vmem_shared>> -> memref<640x128xf32, #tpu.memory_space<vmem_shared>>
      tpu.enqueue_dma source(%dma_start3A_29 : memref<640x128xf32, #tpu.memory_space<vmem_shared>>) target(%dma_start3A_27 : memref<640x128xf32, #tpu.memory_space<hbm>>) target_semaphore(%run_scoped3A : memref<!tpu.dma_semaphore, #tpu.memory_space<semaphore_mem>>)
      %dma_wait3A = arith.constant 0 : i32
      %dma_wait3A_30 = arith.constant 0 : i32
      %dma_wait3A_31 = tpu.memref_slice %arg5[%add3A, %dma_wait3A, %dma_wait3A_30] : memref<32x640x128xf32, #tpu.memory_space<hbm>> -> memref<1x640x128xf32, #tpu.memory_space<hbm>>
      %dma_wait3A_32 = tpu.memref_squeeze %dma_wait3A_31 : memref<1x640x128xf32, #tpu.memory_space<hbm>> -> memref<640x128xf32, #tpu.memory_space<hbm>>
      %dma_wait3A_33 = arith.constant 0 : i32
      %dma_wait3A_34 = tpu.memref_slice %arg9[%mul3A_7, %dma_wait3A_33] : memref<10240x128xf32, #tpu.memory_space<vmem_shared>> -> memref<640x128xf32, #tpu.memory_space<vmem_shared>>
      tpu.wait_dma2 semaphore(%run_scoped3A : memref<!tpu.dma_semaphore, #tpu.memory_space<semaphore_mem>>) src(%dma_wait3A_34 : memref<640x128xf32, #tpu.memory_space<vmem_shared>>) dst(%dma_wait3A_32 : memref<640x128xf32, #tpu.memory_space<hbm>>)
      tpu.yield
    }) : () -> ()
    return
  }
}

#map = affine_map<(d0, d1) -> (0, 0)>
#map1 = affine_map<(d0, d1) -> (0, 0, 0)>
module attributes {stable_mosaic.version = 14 : i64} {
  func.func @_sc_scatter_body(%arg0: i32, %arg1: i32, %arg2: memref<10000x128xf32, #tpu.memory_space<hbm>>, %arg3: memref<32x79x128xi32, #tpu.memory_space<hbm>>, %arg4: memref<32x79x128xi32, #tpu.memory_space<hbm>>, %arg5: memref<32x640x128xf32, #tpu.memory_space<hbm>>, %arg6: memref<79x128xi32, #tpu.memory_space<vmem>>, %arg7: memref<79x128xi32, #tpu.memory_space<vmem>>, %arg8: memref<128x128xf32, #tpu.memory_space<vmem>>, %arg9: memref<10240x128xf32, #tpu.memory_space<vmem_shared>>) attributes {dimension_semantics = [#tpu.dimension_semantics<core_parallel>, #tpu.dimension_semantics<subcore_parallel>], iteration_bounds = array<i64: 2, 16>, scalar_prefetch = 0 : i64, scratch_operands = 4 : i64, tpu.core_type = #tpu.core_type<sc_vector_subcore>, window_params = [{transform_indices = #map}, {transform_indices = #map1}, {transform_indices = #map1}, {transform_indices = #map1}]} {
    %mul3A = arith.constant 16 : i32
    %mul3A_0 = arith.muli %arg0, %mul3A : i32
    %add3A = arith.addi %mul3A_0, %arg1 : i32
    %broadcast_in_dim3A = arith.constant 0.000000e+00 : f32
    %broadcast_in_dim3A_1 = vector.broadcast %broadcast_in_dim3A : f32 to vector<16xf32>
    %scan3A = arith.constant 0 : i32
    %scan3A_2 = arith.constant 1024 : i32
    %scan3A_3 = arith.addi %scan3A, %scan3A_2 : i32
    %scan3A_4 = arith.constant 1 : i32
    scf.for %scan3A_25 = %scan3A to %scan3A_3 step %scan3A_4  : i32 {
      %jit3A = arith.constant 8 : i32
      %div3A = arith.divsi %scan3A_25, %jit3A : i32
      %sign3A = arith.constant 0 : i32
      %sign3A_26 = arith.cmpi sgt, %scan3A_25, %sign3A : i32
      %sign3A_27 = arith.extui %sign3A_26 : i1 to i32
      %sign3A_28 = arith.constant 0 : i32
      %sign3A_29 = arith.cmpi slt, %scan3A_25, %sign3A_28 : i32
      %sign3A_30 = arith.extui %sign3A_29 : i1 to i32
      %sign3A_31 = arith.subi %sign3A_27, %sign3A_30 : i32
      %sign3A_32 = arith.constant 0 : i32
      %sign3A_33 = arith.cmpi sgt, %jit3A, %sign3A_32 : i32
      %sign3A_34 = arith.extui %sign3A_33 : i1 to i32
      %sign3A_35 = arith.constant 0 : i32
      %sign3A_36 = arith.cmpi slt, %jit3A, %sign3A_35 : i32
      %sign3A_37 = arith.extui %sign3A_36 : i1 to i32
      %sign3A_38 = arith.subi %sign3A_34, %sign3A_37 : i32
      %ne3A = arith.cmpi ne, %sign3A_31, %sign3A_38 : i32
      %rem3A = arith.remsi %scan3A_25, %jit3A : i32
      %ne3A_39 = arith.constant 0 : i32
      %ne3A_40 = arith.cmpi ne, %rem3A, %ne3A_39 : i32
      %and3A = arith.andi %ne3A, %ne3A_40 : i1
      %sub3A = arith.constant 1 : i32
      %sub3A_41 = arith.subi %div3A, %sub3A : i32
      %select_n3A = arith.select %and3A, %sub3A_41, %div3A : i32
      %jit3A_42 = arith.constant 8 : i32
      %eq3A = arith.constant 0 : i32
      %eq3A_43 = arith.cmpi eq, %jit3A_42, %eq3A : i32
      %jit3A_44 = arith.constant 1 : i32
      %select_n3A_45 = arith.select %eq3A_43, %jit3A_44, %jit3A_42 : i32
      %rem3A_46 = arith.remsi %scan3A_25, %select_n3A_45 : i32
      %ne3A_47 = arith.constant 0 : i32
      %ne3A_48 = arith.cmpi ne, %rem3A_46, %ne3A_47 : i32
      %lt3A = arith.constant 0 : i32
      %lt3A_49 = arith.cmpi slt, %rem3A_46, %lt3A : i32
      %lt3A_50 = arith.constant 0 : i32
      %lt3A_51 = arith.cmpi slt, %select_n3A_45, %lt3A_50 : i32
      %ne3A_52 = arith.xori %lt3A_49, %lt3A_51 : i1
      %and3A_53 = arith.andi %ne3A_52, %ne3A_48 : i1
      %add3A_54 = arith.addi %rem3A_46, %select_n3A_45 : i32
      %select_n3A_55 = arith.select %and3A_53, %add3A_54, %rem3A_46 : i32
      %mul3A_56 = arith.constant 16 : i32
      %mul3A_57 = arith.muli %select_n3A_55, %mul3A_56 : i32
      %swap3A = arith.index_cast %select_n3A : i32 to index
      %swap3A_58 = arith.index_cast %mul3A_57 : i32 to index
      %swap3A_59 = tpu.vector_load %arg8[%swap3A, %swap3A_58] {strides = array<i32>} : memref<128x128xf32, #tpu.memory_space<vmem>>, vector<1x16xf32>,
      %swap3A_60 = vector.shape_cast %swap3A_59 : vector<1x16xf32> to vector<16xf32>
      %swap3A_61 = vector.shape_cast %broadcast_in_dim3A_1 : vector<16xf32> to vector<1x16xf32>
      tpu.vector_store %arg8[%swap3A, %swap3A_58], %swap3A_61 {strides = array<i32>} : memref<128x128xf32, #tpu.memory_space<vmem>>, vector<1x16xf32>,
    }
    %scan3A_5 = arith.constant 1024 : i32
    %mul3A_6 = arith.constant 640 : i32
    %mul3A_7 = arith.muli %arg1, %mul3A_6 : i32
    %add3A_8 = arith.constant 0 : i32
    %add3A_9 = arith.addi %mul3A_7, %add3A_8 : i32
    "tpu.region"() ({
      %run_scoped3A = tpu.sem_alloc : memref<!tpu.dma_semaphore, #tpu.memory_space<semaphore_mem>>
      %dma_start3A = arith.constant 0 : i32
      %dma_start3A_25 = tpu.memref_slice %arg9[%add3A_9, %dma_start3A] : memref<10240x128xf32, #tpu.memory_space<vmem_shared>> -> memref<128x128xf32, #tpu.memory_space<vmem_shared>>
      %dma_start3A_26 = arith.constant 0 : i32
      %dma_start3A_27 = tpu.memref_slice %arg9[%add3A_9, %dma_start3A_26] : memref<10240x128xf32, #tpu.memory_space<vmem_shared>> -> memref<128x128xf32, #tpu.memory_space<vmem_shared>>
      tpu.enqueue_dma source(%arg8 : memref<128x128xf32, #tpu.memory_space<vmem>>) target(%dma_start3A_27 : memref<128x128xf32, #tpu.memory_space<vmem_shared>>) target_semaphore(%run_scoped3A : memref<!tpu.dma_semaphore, #tpu.memory_space<semaphore_mem>>)
      %dma_wait3A = arith.constant 0 : i32
      %dma_wait3A_28 = tpu.memref_slice %arg9[%add3A_9, %dma_wait3A] : memref<10240x128xf32, #tpu.memory_space<vmem_shared>> -> memref<128x128xf32, #tpu.memory_space<vmem_shared>>
      %dma_wait3A_29 = arith.constant 0 : i32
      %dma_wait3A_30 = tpu.memref_slice %arg9[%add3A_9, %dma_wait3A_29] : memref<10240x128xf32, #tpu.memory_space<vmem_shared>> -> memref<128x128xf32, #tpu.memory_space<vmem_shared>>
      tpu.wait_dma2 semaphore(%run_scoped3A : memref<!tpu.dma_semaphore, #tpu.memory_space<semaphore_mem>>) src(%arg8 : memref<128x128xf32, #tpu.memory_space<vmem>>) dst(%dma_wait3A_30 : memref<128x128xf32, #tpu.memory_space<vmem_shared>>)
      tpu.yield
    }) : () -> ()
    %add3A_10 = arith.constant 128 : i32
    %add3A_11 = arith.addi %mul3A_7, %add3A_10 : i32
    "tpu.region"() ({
      %run_scoped3A = tpu.sem_alloc : memref<!tpu.dma_semaphore, #tpu.memory_space<semaphore_mem>>
      %dma_start3A = arith.constant 0 : i32
      %dma_start3A_25 = tpu.memref_slice %arg9[%add3A_11, %dma_start3A] : memref<10240x128xf32, #tpu.memory_space<vmem_shared>> -> memref<128x128xf32, #tpu.memory_space<vmem_shared>>
      %dma_start3A_26 = arith.constant 0 : i32
      %dma_start3A_27 = tpu.memref_slice %arg9[%add3A_11, %dma_start3A_26] : memref<10240x128xf32, #tpu.memory_space<vmem_shared>> -> memref<128x128xf32, #tpu.memory_space<vmem_shared>>
      tpu.enqueue_dma source(%arg8 : memref<128x128xf32, #tpu.memory_space<vmem>>) target(%dma_start3A_27 : memref<128x128xf32, #tpu.memory_space<vmem_shared>>) target_semaphore(%run_scoped3A : memref<!tpu.dma_semaphore, #tpu.memory_space<semaphore_mem>>)
      %dma_wait3A = arith.constant 0 : i32
      %dma_wait3A_28 = tpu.memref_slice %arg9[%add3A_11, %dma_wait3A] : memref<10240x128xf32, #tpu.memory_space<vmem_shared>> -> memref<128x128xf32, #tpu.memory_space<vmem_shared>>
      %dma_wait3A_29 = arith.constant 0 : i32
      %dma_wait3A_30 = tpu.memref_slice %arg9[%add3A_11, %dma_wait3A_29] : memref<10240x128xf32, #tpu.memory_space<vmem_shared>> -> memref<128x128xf32, #tpu.memory_space<vmem_shared>>
      tpu.wait_dma2 semaphore(%run_scoped3A : memref<!tpu.dma_semaphore, #tpu.memory_space<semaphore_mem>>) src(%arg8 : memref<128x128xf32, #tpu.memory_space<vmem>>) dst(%dma_wait3A_30 : memref<128x128xf32, #tpu.memory_space<vmem_shared>>)
      tpu.yield
    }) : () -> ()
    %add3A_12 = arith.constant 256 : i32
    %add3A_13 = arith.addi %mul3A_7, %add3A_12 : i32
    "tpu.region"() ({
      %run_scoped3A = tpu.sem_alloc : memref<!tpu.dma_semaphore, #tpu.memory_space<semaphore_mem>>
      %dma_start3A = arith.constant 0 : i32
      %dma_start3A_25 = tpu.memref_slice %arg9[%add3A_13, %dma_start3A] : memref<10240x128xf32, #tpu.memory_space<vmem_shared>> -> memref<128x128xf32, #tpu.memory_space<vmem_shared>>
      %dma_start3A_26 = arith.constant 0 : i32
      %dma_start3A_27 = tpu.memref_slice %arg9[%add3A_13, %dma_start3A_26] : memref<10240x128xf32, #tpu.memory_space<vmem_shared>> -> memref<128x128xf32, #tpu.memory_space<vmem_shared>>
      tpu.enqueue_dma source(%arg8 : memref<128x128xf32, #tpu.memory_space<vmem>>) target(%dma_start3A_27 : memref<128x128xf32, #tpu.memory_space<vmem_shared>>) target_semaphore(%run_scoped3A : memref<!tpu.dma_semaphore, #tpu.memory_space<semaphore_mem>>)
      %dma_wait3A = arith.constant 0 : i32
      %dma_wait3A_28 = tpu.memref_slice %arg9[%add3A_13, %dma_wait3A] : memref<10240x128xf32, #tpu.memory_space<vmem_shared>> -> memref<128x128xf32, #tpu.memory_space<vmem_shared>>
      %dma_wait3A_29 = arith.constant 0 : i32
      %dma_wait3A_30 = tpu.memref_slice %arg9[%add3A_13, %dma_wait3A_29] : memref<10240x128xf32, #tpu.memory_space<vmem_shared>> -> memref<128x128xf32, #tpu.memory_space<vmem_shared>>
      tpu.wait_dma2 semaphore(%run_scoped3A : memref<!tpu.dma_semaphore, #tpu.memory_space<semaphore_mem>>) src(%arg8 : memref<128x128xf32, #tpu.memory_space<vmem>>) dst(%dma_wait3A_30 : memref<128x128xf32, #tpu.memory_space<vmem_shared>>)
      tpu.yield
    }) : () -> ()
    %add3A_14 = arith.constant 384 : i32
    %add3A_15 = arith.addi %mul3A_7, %add3A_14 : i32
    "tpu.region"() ({
      %run_scoped3A = tpu.sem_alloc : memref<!tpu.dma_semaphore, #tpu.memory_space<semaphore_mem>>
      %dma_start3A = arith.constant 0 : i32
      %dma_start3A_25 = tpu.memref_slice %arg9[%add3A_15, %dma_start3A] : memref<10240x128xf32, #tpu.memory_space<vmem_shared>> -> memref<128x128xf32, #tpu.memory_space<vmem_shared>>
      %dma_start3A_26 = arith.constant 0 : i32
      %dma_start3A_27 = tpu.memref_slice %arg9[%add3A_15, %dma_start3A_26] : memref<10240x128xf32, #tpu.memory_space<vmem_shared>> -> memref<128x128xf32, #tpu.memory_space<vmem_shared>>
      tpu.enqueue_dma source(%arg8 : memref<128x128xf32, #tpu.memory_space<vmem>>) target(%dma_start3A_27 : memref<128x128xf32, #tpu.memory_space<vmem_shared>>) target_semaphore(%run_scoped3A : memref<!tpu.dma_semaphore, #tpu.memory_space<semaphore_mem>>)
      %dma_wait3A = arith.constant 0 : i32
      %dma_wait3A_28 = tpu.memref_slice %arg9[%add3A_15, %dma_wait3A] : memref<10240x128xf32, #tpu.memory_space<vmem_shared>> -> memref<128x128xf32, #tpu.memory_space<vmem_shared>>
      %dma_wait3A_29 = arith.constant 0 : i32
      %dma_wait3A_30 = tpu.memref_slice %arg9[%add3A_15, %dma_wait3A_29] : memref<10240x128xf32, #tpu.memory_space<vmem_shared>> -> memref<128x128xf32, #tpu.memory_space<vmem_shared>>
      tpu.wait_dma2 semaphore(%run_scoped3A : memref<!tpu.dma_semaphore, #tpu.memory_space<semaphore_mem>>) src(%arg8 : memref<128x128xf32, #tpu.memory_space<vmem>>) dst(%dma_wait3A_30 : memref<128x128xf32, #tpu.memory_space<vmem_shared>>)
      tpu.yield
    }) : () -> ()
    %add3A_16 = arith.constant 512 : i32
    %add3A_17 = arith.addi %mul3A_7, %add3A_16 : i32
    "tpu.region"() ({
      %run_scoped3A = tpu.sem_alloc : memref<!tpu.dma_semaphore, #tpu.memory_space<semaphore_mem>>
      %dma_start3A = arith.constant 0 : i32
      %dma_start3A_25 = tpu.memref_slice %arg9[%add3A_17, %dma_start3A] : memref<10240x128xf32, #tpu.memory_space<vmem_shared>> -> memref<128x128xf32, #tpu.memory_space<vmem_shared>>
      %dma_start3A_26 = arith.constant 0 : i32
      %dma_start3A_27 = tpu.memref_slice %arg9[%add3A_17, %dma_start3A_26] : memref<10240x128xf32, #tpu.memory_space<vmem_shared>> -> memref<128x128xf32, #tpu.memory_space<vmem_shared>>
      tpu.enqueue_dma source(%arg8 : memref<128x128xf32, #tpu.memory_space<vmem>>) target(%dma_start3A_27 : memref<128x128xf32, #tpu.memory_space<vmem_shared>>) target_semaphore(%run_scoped3A : memref<!tpu.dma_semaphore, #tpu.memory_space<semaphore_mem>>)
      %dma_wait3A = arith.constant 0 : i32
      %dma_wait3A_28 = tpu.memref_slice %arg9[%add3A_17, %dma_wait3A] : memref<10240x128xf32, #tpu.memory_space<vmem_shared>> -> memref<128x128xf32, #tpu.memory_space<vmem_shared>>
      %dma_wait3A_29 = arith.constant 0 : i32
      %dma_wait3A_30 = tpu.memref_slice %arg9[%add3A_17, %dma_wait3A_29] : memref<10240x128xf32, #tpu.memory_space<vmem_shared>> -> memref<128x128xf32, #tpu.memory_space<vmem_shared>>
      tpu.wait_dma2 semaphore(%run_scoped3A : memref<!tpu.dma_semaphore, #tpu.memory_space<semaphore_mem>>) src(%arg8 : memref<128x128xf32, #tpu.memory_space<vmem>>) dst(%dma_wait3A_30 : memref<128x128xf32, #tpu.memory_space<vmem_shared>>)
      tpu.yield
    }) : () -> ()
    %barrier3A = arith.constant 0 : index
    tpu.barrier barrier_id(%barrier3A)
    "tpu.region"() ({
      %run_scoped3A = tpu.sem_alloc : memref<!tpu.dma_semaphore, #tpu.memory_space<semaphore_mem>>
      %dma_start3A = arith.constant 0 : i32
      %dma_start3A_25 = arith.constant 0 : i32
      %dma_start3A_26 = tpu.memref_slice %arg3[%add3A, %dma_start3A, %dma_start3A_25] : memref<32x79x128xi32, #tpu.memory_space<hbm>> -> memref<1x79x128xi32, #tpu.memory_space<hbm>>
      %dma_start3A_27 = tpu.memref_squeeze %dma_start3A_26 : memref<1x79x128xi32, #tpu.memory_space<hbm>> -> memref<79x128xi32, #tpu.memory_space<hbm>>
      %dma_start3A_28 = arith.constant 0 : i32
      %dma_start3A_29 = arith.constant 0 : i32
      %dma_start3A_30 = tpu.memref_slice %arg3[%add3A, %dma_start3A_28, %dma_start3A_29] : memref<32x79x128xi32, #tpu.memory_space<hbm>> -> memref<1x79x128xi32, #tpu.memory_space<hbm>>
      %dma_start3A_31 = tpu.memref_squeeze %dma_start3A_30 : memref<1x79x128xi32, #tpu.memory_space<hbm>> -> memref<79x128xi32, #tpu.memory_space<hbm>>
      tpu.enqueue_dma source(%dma_start3A_31 : memref<79x128xi32, #tpu.memory_space<hbm>>) target(%arg6 : memref<79x128xi32, #tpu.memory_space<vmem>>) target_semaphore(%run_scoped3A : memref<!tpu.dma_semaphore, #tpu.memory_space<semaphore_mem>>)
      %dma_wait3A = arith.constant 0 : i32
      %dma_wait3A_32 = arith.constant 0 : i32
      %dma_wait3A_33 = tpu.memref_slice %arg3[%add3A, %dma_wait3A, %dma_wait3A_32] : memref<32x79x128xi32, #tpu.memory_space<hbm>> -> memref<1x79x128xi32, #tpu.memory_space<hbm>>
      %dma_wait3A_34 = tpu.memref_squeeze %dma_wait3A_33 : memref<1x79x128xi32, #tpu.memory_space<hbm>> -> memref<79x128xi32, #tpu.memory_space<hbm>>
      %dma_wait3A_35 = arith.constant 0 : i32
      %dma_wait3A_36 = arith.constant 0 : i32
      %dma_wait3A_37 = tpu.memref_slice %arg3[%add3A, %dma_wait3A_35, %dma_wait3A_36] : memref<32x79x128xi32, #tpu.memory_space<hbm>> -> memref<1x79x128xi32, #tpu.memory_space<hbm>>
      %dma_wait3A_38 = tpu.memref_squeeze %dma_wait3A_37 : memref<1x79x128xi32, #tpu.memory_space<hbm>> -> memref<79x128xi32, #tpu.memory_space<hbm>>
      tpu.wait_dma2 semaphore(%run_scoped3A : memref<!tpu.dma_semaphore, #tpu.memory_space<semaphore_mem>>) src(%dma_wait3A_38 : memref<79x128xi32, #tpu.memory_space<hbm>>) dst(%arg6 : memref<79x128xi32, #tpu.memory_space<vmem>>)
      tpu.yield
    }) : () -> ()
    "tpu.region"() ({
      %run_scoped3A = tpu.sem_alloc : memref<!tpu.dma_semaphore, #tpu.memory_space<semaphore_mem>>
      %dma_start3A = arith.constant 0 : i32
      %dma_start3A_25 = arith.constant 0 : i32
      %dma_start3A_26 = tpu.memref_slice %arg4[%add3A, %dma_start3A, %dma_start3A_25] : memref<32x79x128xi32, #tpu.memory_space<hbm>> -> memref<1x79x128xi32, #tpu.memory_space<hbm>>
      %dma_start3A_27 = tpu.memref_squeeze %dma_start3A_26 : memref<1x79x128xi32, #tpu.memory_space<hbm>> -> memref<79x128xi32, #tpu.memory_space<hbm>>
      %dma_start3A_28 = arith.constant 0 : i32
      %dma_start3A_29 = arith.constant 0 : i32
      %dma_start3A_30 = tpu.memref_slice %arg4[%add3A, %dma_start3A_28, %dma_start3A_29] : memref<32x79x128xi32, #tpu.memory_space<hbm>> -> memref<1x79x128xi32, #tpu.memory_space<hbm>>
      %dma_start3A_31 = tpu.memref_squeeze %dma_start3A_30 : memref<1x79x128xi32, #tpu.memory_space<hbm>> -> memref<79x128xi32, #tpu.memory_space<hbm>>
      tpu.enqueue_dma source(%dma_start3A_31 : memref<79x128xi32, #tpu.memory_space<hbm>>) target(%arg7 : memref<79x128xi32, #tpu.memory_space<vmem>>) target_semaphore(%run_scoped3A : memref<!tpu.dma_semaphore, #tpu.memory_space<semaphore_mem>>)
      %dma_wait3A = arith.constant 0 : i32
      %dma_wait3A_32 = arith.constant 0 : i32
      %dma_wait3A_33 = tpu.memref_slice %arg4[%add3A, %dma_wait3A, %dma_wait3A_32] : memref<32x79x128xi32, #tpu.memory_space<hbm>> -> memref<1x79x128xi32, #tpu.memory_space<hbm>>
      %dma_wait3A_34 = tpu.memref_squeeze %dma_wait3A_33 : memref<1x79x128xi32, #tpu.memory_space<hbm>> -> memref<79x128xi32, #tpu.memory_space<hbm>>
      %dma_wait3A_35 = arith.constant 0 : i32
      %dma_wait3A_36 = arith.constant 0 : i32
      %dma_wait3A_37 = tpu.memref_slice %arg4[%add3A, %dma_wait3A_35, %dma_wait3A_36] : memref<32x79x128xi32, #tpu.memory_space<hbm>> -> memref<1x79x128xi32, #tpu.memory_space<hbm>>
      %dma_wait3A_38 = tpu.memref_squeeze %dma_wait3A_37 : memref<1x79x128xi32, #tpu.memory_space<hbm>> -> memref<79x128xi32, #tpu.memory_space<hbm>>
      tpu.wait_dma2 semaphore(%run_scoped3A : memref<!tpu.dma_semaphore, #tpu.memory_space<semaphore_mem>>) src(%dma_wait3A_38 : memref<79x128xi32, #tpu.memory_space<hbm>>) dst(%arg7 : memref<79x128xi32, #tpu.memory_space<vmem>>)
      tpu.yield
    }) : () -> ()
    %barrier3A_18 = arith.constant 0 : index
    tpu.barrier barrier_id(%barrier3A_18)
    %scan3A_19 = arith.constant 0 : i32
    %scan3A_20 = arith.constant 79 : i32
    %scan3A_21 = arith.addi %scan3A_19, %scan3A_20 : i32
    %scan3A_22 = arith.constant 1 : i32
    scf.for %scan3A_25 = %scan3A_19 to %scan3A_21 step %scan3A_22  : i32 {
      "tpu.region"() ({
        %run_scoped3A = tpu.sem_alloc : memref<!tpu.dma_semaphore, #tpu.memory_space<semaphore_mem>>
        %dma_start3A = arith.constant 0 : i32
        %dma_start3A_26 = tpu.memref_slice %arg6[%scan3A_25, %dma_start3A] : memref<79x128xi32, #tpu.memory_space<vmem>> -> memref<1x128xi32, #tpu.memory_space<vmem>>
        %dma_start3A_27 = tpu.memref_squeeze %dma_start3A_26 : memref<1x128xi32, #tpu.memory_space<vmem>> -> memref<128xi32, #tpu.memory_space<vmem>>
        %dma_start3A_28 = arith.constant 0 : i32
        %dma_start3A_29 = arith.constant 0 : i32
        %dma_start3A_30 = tpu.memref_slice %arg2[%dma_start3A_28, %dma_start3A_29] : memref<10000x128xf32, #tpu.memory_space<hbm>> -> memref<10000x128xf32, #tpu.memory_space<hbm>>
        tpu.enqueue_indirect_dma source(%dma_start3A_30 : memref<10000x128xf32, #tpu.memory_space<hbm>>) target(%arg8 : memref<128x128xf32, #tpu.memory_space<vmem>>) offsets(%dma_start3A_27 : memref<128xi32, #tpu.memory_space<vmem>>) semaphore(%run_scoped3A : memref<!tpu.dma_semaphore, #tpu.memory_space<semaphore_mem>>)
        %dma_wait3A = arith.constant 0 : i32
        %dma_wait3A_31 = tpu.memref_slice %arg6[%scan3A_25, %dma_wait3A] : memref<79x128xi32, #tpu.memory_space<vmem>> -> memref<1x128xi32, #tpu.memory_space<vmem>>
        %dma_wait3A_32 = tpu.memref_squeeze %dma_wait3A_31 : memref<1x128xi32, #tpu.memory_space<vmem>> -> memref<128xi32, #tpu.memory_space<vmem>>
        %dma_wait3A_33 = arith.constant 0 : i32
        %dma_wait3A_34 = arith.constant 0 : i32
        %dma_wait3A_35 = tpu.memref_slice %arg2[%dma_wait3A_33, %dma_wait3A_34] : memref<10000x128xf32, #tpu.memory_space<hbm>> -> memref<10000x128xf32, #tpu.memory_space<hbm>>
        tpu.wait_indirect_dma semaphore(%run_scoped3A : memref<!tpu.dma_semaphore, #tpu.memory_space<semaphore_mem>>) src(%dma_wait3A_35 : memref<10000x128xf32, #tpu.memory_space<hbm>>) dst(%arg8 : memref<128x128xf32, #tpu.memory_space<vmem>>)
        tpu.yield
      }) : () -> ()
      "tpu.region"() ({
        %run_scoped3A = tpu.sem_alloc : memref<!tpu.dma_semaphore, #tpu.memory_space<semaphore_mem>>
        %dma_start3A = arith.constant 0 : i32
        %dma_start3A_26 = tpu.memref_slice %arg7[%scan3A_25, %dma_start3A] : memref<79x128xi32, #tpu.memory_space<vmem>> -> memref<1x128xi32, #tpu.memory_space<vmem>>
        %dma_start3A_27 = tpu.memref_squeeze %dma_start3A_26 : memref<1x128xi32, #tpu.memory_space<vmem>> -> memref<128xi32, #tpu.memory_space<vmem>>
        %dma_start3A_28 = arith.constant 0 : i32
        %dma_start3A_29 = arith.constant 0 : i32
        %dma_start3A_30 = tpu.memref_slice %arg9[%dma_start3A_28, %dma_start3A_29] : memref<10240x128xf32, #tpu.memory_space<vmem_shared>> -> memref<10240x128xf32, #tpu.memory_space<vmem_shared>>
        tpu.enqueue_indirect_dma source(%arg8 : memref<128x128xf32, #tpu.memory_space<vmem>>) target(%dma_start3A_30 : memref<10240x128xf32, #tpu.memory_space<vmem_shared>>) offsets(%dma_start3A_27 : memref<128xi32, #tpu.memory_space<vmem>>) semaphore(%run_scoped3A : memref<!tpu.dma_semaphore, #tpu.memory_space<semaphore_mem>>) {add = true}
        %dma_wait3A = arith.constant 0 : i32
        %dma_wait3A_31 = tpu.memref_slice %arg7[%scan3A_25, %dma_wait3A] : memref<79x128xi32, #tpu.memory_space<vmem>> -> memref<1x128xi32, #tpu.memory_space<vmem>>
        %dma_wait3A_32 = tpu.memref_squeeze %dma_wait3A_31 : memref<1x128xi32, #tpu.memory_space<vmem>> -> memref<128xi32, #tpu.memory_space<vmem>>
        %dma_wait3A_33 = arith.constant 0 : i32
        %dma_wait3A_34 = arith.constant 0 : i32
        %dma_wait3A_35 = tpu.memref_slice %arg9[%dma_wait3A_33, %dma_wait3A_34] : memref<10240x128xf32, #tpu.memory_space<vmem_shared>> -> memref<10240x128xf32, #tpu.memory_space<vmem_shared>>
        tpu.wait_indirect_dma semaphore(%run_scoped3A : memref<!tpu.dma_semaphore, #tpu.memory_space<semaphore_mem>>) src(%arg8 : memref<128x128xf32, #tpu.memory_space<vmem>>) dst(%dma_wait3A_35 : memref<10240x128xf32, #tpu.memory_space<vmem_shared>>)
        tpu.yield
      }) : () -> ()
    }
    %scan3A_23 = arith.constant 79 : i32
    %barrier3A_24 = arith.constant 0 : index
    tpu.barrier barrier_id(%barrier3A_24)
    "tpu.region"() ({
      %run_scoped3A = tpu.sem_alloc : memref<!tpu.dma_semaphore, #tpu.memory_space<semaphore_mem>>
      %dma_start3A = arith.constant 0 : i32
      %dma_start3A_25 = arith.constant 0 : i32
      %dma_start3A_26 = tpu.memref_slice %arg5[%add3A, %dma_start3A, %dma_start3A_25] : memref<32x640x128xf32, #tpu.memory_space<hbm>> -> memref<1x640x128xf32, #tpu.memory_space<hbm>>
      %dma_start3A_27 = tpu.memref_squeeze %dma_start3A_26 : memref<1x640x128xf32, #tpu.memory_space<hbm>> -> memref<640x128xf32, #tpu.memory_space<hbm>>
      %dma_start3A_28 = arith.constant 0 : i32
      %dma_start3A_29 = tpu.memref_slice %arg9[%mul3A_7, %dma_start3A_28] : memref<10240x128xf32, #tpu.memory_space<vmem_shared>> -> memref<640x128xf32, #tpu.memory_space<vmem_shared>>
      tpu.enqueue_dma source(%dma_start3A_29 : memref<640x128xf32, #tpu.memory_space<vmem_shared>>) target(%dma_start3A_27 : memref<640x128xf32, #tpu.memory_space<hbm>>) target_semaphore(%run_scoped3A : memref<!tpu.dma_semaphore, #tpu.memory_space<semaphore_mem>>)
      %dma_wait3A = arith.constant 0 : i32
      %dma_wait3A_30 = arith.constant 0 : i32
      %dma_wait3A_31 = tpu.memref_slice %arg5[%add3A, %dma_wait3A, %dma_wait3A_30] : memref<32x640x128xf32, #tpu.memory_space<hbm>> -> memref<1x640x128xf32, #tpu.memory_space<hbm>>
      %dma_wait3A_32 = tpu.memref_squeeze %dma_wait3A_31 : memref<1x640x128xf32, #tpu.memory_space<hbm>> -> memref<640x128xf32, #tpu.memory_space<hbm>>
      %dma_wait3A_33 = arith.constant 0 : i32
      %dma_wait3A_34 = tpu.memref_slice %arg9[%mul3A_7, %dma_wait3A_33] : memref<10240x128xf32, #tpu.memory_space<vmem_shared>> -> memref<640x128xf32, #tpu.memory_space<vmem_shared>>
      tpu.wait_dma2 semaphore(%run_scoped3A : memref<!tpu.dma_semaphore, #tpu.memory_space<semaphore_mem>>) src(%dma_wait3A_34 : memref<640x128xf32, #tpu.memory_space<vmem_shared>>) dst(%dma_wait3A_32 : memref<640x128xf32, #tpu.memory_space<hbm>>)
      tpu.yield
    }) : () -> ()
    return
  }
}

module attributes {stable_mosaic.version = 14 : i64} {
  func.func @_tc_first_body(%arg0: i32, %arg1: memref<1000x128xf32, #tpu.memory_space<vmem>>, %arg2: memref<128x128xf32, #tpu.memory_space<vmem>>, %arg3: memref<1000x1xf32, #tpu.memory_space<vmem>>, %arg4: memref<1000x1xf32, #tpu.memory_space<vmem>>, %arg5: memref<1000x128xf32, #tpu.memory_space<vmem>>, %arg6: memref<1000x1xf32, #tpu.memory_space<vmem>>) attributes {dimension_semantics = [#tpu.dimension_semantics<arbitrary>], iteration_bounds = array<i64: 10>, scalar_prefetch = 0 : i64, scratch_operands = 0 : i64, tpu.core_type = #tpu.core_type<tc>, window_params = [{transform_indices = @transform_0, window_bounds = array<i64: 1000, 128>}, {pipeline_mode = #tpu.pipeline_mode<synchronous>, transform_indices = @transform_1, window_bounds = array<i64: 128, 128>}, {transform_indices = @transform_2, window_bounds = array<i64: 1000, 1>}, {transform_indices = @transform_3, window_bounds = array<i64: 1000, 1>}, {transform_indices = @transform_4, window_bounds = array<i64: 1000, 128>}, {transform_indices = @transform_5, window_bounds = array<i64: 1000, 1>}]} {
    %get3A = arith.constant 0 : index
    %get3A_0 = arith.constant 0 : index
    %get3A_1 = vector.load %arg3[%get3A, %get3A_0] : memref<1000x1xf32, #tpu.memory_space<vmem>>, vector<1000x1xf32>
    %get3A_2 = arith.constant 0 : index
    %get3A_3 = arith.constant 0 : index
    %get3A_4 = vector.load %arg4[%get3A_2, %get3A_3] : memref<1000x1xf32, #tpu.memory_space<vmem>>, vector<1000x1xf32>
    %add3A = arith.addf %get3A_1, %get3A_4 : vector<1000x1xf32>
    %add3A_5 = arith.constant 1.000000e+00 : f32
    %add3A_6 = vector.broadcast %add3A_5 : f32 to vector<1000x1xf32>
    %add3A_7 = arith.addf %add3A, %add3A_6 : vector<1000x1xf32>
    %rsqrt3A = math.rsqrt %add3A_7 : vector<1000x1xf32>
    %swap3A = arith.constant 0 : index
    %swap3A_8 = arith.constant 0 : index
    %swap3A_9 = vector.load %arg6[%swap3A, %swap3A_8] : memref<1000x1xf32, #tpu.memory_space<vmem>>, vector<1000x1xf32>
    tpu.vector_store %arg6[%swap3A, %swap3A_8], %rsqrt3A {strides = array<i32>} : memref<1000x1xf32, #tpu.memory_space<vmem>>, vector<1000x1xf32>,
    %get3A_10 = arith.constant 0 : index
    %get3A_11 = arith.constant 0 : index
    %get3A_12 = vector.load %arg1[%get3A_10, %get3A_11] : memref<1000x128xf32, #tpu.memory_space<vmem>>, vector<1000x128xf32>
    %get3A_13 = arith.constant 0 : index
    %get3A_14 = arith.constant 0 : index
    %get3A_15 = vector.load %arg2[%get3A_13, %get3A_14] : memref<128x128xf32, #tpu.memory_space<vmem>>, vector<128x128xf32>
    %dot_general3A = arith.constant dense<0.000000e+00> : vector<1000x128xf32>
    %dot_general3A_16 = tpu.matmul %get3A_12, %get3A_15, %dot_general3A {dimension_numbers = #tpu.dot_dimension_numbers<[1], [0], [0], [1], [0, 0, 1, 1], [], []>, transpose_lhs_hint = false} : vector<1000x128xf32>, vector<128x128xf32>, vector<1000x128xf32> -> vector<1000x128xf32>
    %mul3A = vector.broadcast %rsqrt3A : vector<1000x1xf32> to vector<1000x128xf32>
    %mul3A_17 = arith.mulf %dot_general3A_16, %mul3A : vector<1000x128xf32>
    %swap3A_18 = arith.constant 0 : index
    %swap3A_19 = arith.constant 0 : index
    %swap3A_20 = vector.load %arg5[%swap3A_18, %swap3A_19] : memref<1000x128xf32, #tpu.memory_space<vmem>>, vector<1000x128xf32>
    tpu.vector_store %arg5[%swap3A_18, %swap3A_19], %mul3A_17 {strides = array<i32>} : memref<1000x128xf32, #tpu.memory_space<vmem>>, vector<1000x128xf32>,
    return
  }
  func.func @transform_0(%arg0: i32) -> (i32, i32) {
    %c0_i32 = arith.constant 0 : i32
    %c0_i32_0 = arith.constant 0 : i32
    return %arg0, %c0_i32 : i32, i32
  }
  func.func @transform_1(%arg0: i32) -> (i32, i32) {
    %c0_i32 = arith.constant 0 : i32
    %c0_i32_0 = arith.constant 0 : i32
    %c0_i32_1 = arith.constant 0 : i32
    return %c0_i32, %c0_i32_0 : i32, i32
  }
  func.func @transform_2(%arg0: i32) -> (i32, i32) {
    %c0_i32 = arith.constant 0 : i32
    %c0_i32_0 = arith.constant 0 : i32
    return %arg0, %c0_i32 : i32, i32
  }
  func.func @transform_3(%arg0: i32) -> (i32, i32) {
    %c0_i32 = arith.constant 0 : i32
    %c0_i32_0 = arith.constant 0 : i32
    return %arg0, %c0_i32 : i32, i32
  }
  func.func @transform_4(%arg0: i32) -> (i32, i32) {
    %c0_i32 = arith.constant 0 : i32
    %c0_i32_0 = arith.constant 0 : i32
    return %arg0, %c0_i32 : i32, i32
  }
  func.func @transform_5(%arg0: i32) -> (i32, i32) {
    %c0_i32 = arith.constant 0 : i32
    %c0_i32_0 = arith.constant 0 : i32
    return %arg0, %c0_i32 : i32, i32
  }
}

module attributes {stable_mosaic.version = 14 : i64} {
  func.func @_tc_advance_body(%arg0: i32, %arg1: memref<1000x128xf32, #tpu.memory_space<vmem>>, %arg2: memref<1000x128xf32, #tpu.memory_space<vmem>>, %arg3: memref<1000x128xf32, #tpu.memory_space<vmem>>, %arg4: memref<1000x1xf32, #tpu.memory_space<vmem>>, %arg5: memref<1x128xf32, #tpu.memory_space<vmem>>, %arg6: memref<128x128xf32, #tpu.memory_space<vmem>>, %arg7: memref<1000x128xf32, #tpu.memory_space<vmem>>) attributes {dimension_semantics = [#tpu.dimension_semantics<arbitrary>], iteration_bounds = array<i64: 10>, scalar_prefetch = 0 : i64, scratch_operands = 0 : i64, tpu.core_type = #tpu.core_type<tc>, window_params = [{transform_indices = @transform_0, window_bounds = array<i64: 1000, 128>}, {transform_indices = @transform_1, window_bounds = array<i64: 1000, 128>}, {transform_indices = @transform_2, window_bounds = array<i64: 1000, 128>}, {transform_indices = @transform_3, window_bounds = array<i64: 1000, 1>}, {pipeline_mode = #tpu.pipeline_mode<synchronous>, transform_indices = @transform_4, window_bounds = array<i64: 1, 128>}, {pipeline_mode = #tpu.pipeline_mode<synchronous>, transform_indices = @transform_5, window_bounds = array<i64: 128, 128>}, {transform_indices = @transform_6, window_bounds = array<i64: 1000, 128>}]} {
    %get3A = arith.constant 0 : index
    %get3A_0 = arith.constant 0 : index
    %get3A_1 = vector.load %arg4[%get3A, %get3A_0] : memref<1000x1xf32, #tpu.memory_space<vmem>>, vector<1000x1xf32>
    %get3A_2 = arith.constant 0 : index
    %get3A_3 = arith.constant 0 : index
    %get3A_4 = vector.load %arg1[%get3A_2, %get3A_3] : memref<1000x128xf32, #tpu.memory_space<vmem>>, vector<1000x128xf32>
    %get3A_5 = arith.constant 0 : index
    %get3A_6 = arith.constant 0 : index
    %get3A_7 = vector.load %arg2[%get3A_5, %get3A_6] : memref<1000x128xf32, #tpu.memory_space<vmem>>, vector<1000x128xf32>
    %add3A = arith.addf %get3A_4, %get3A_7 : vector<1000x128xf32>
    %get3A_8 = arith.constant 0 : index
    %get3A_9 = arith.constant 0 : index
    %get3A_10 = vector.load %arg3[%get3A_8, %get3A_9] : memref<1000x128xf32, #tpu.memory_space<vmem>>, vector<1000x128xf32>
    %add3A_11 = arith.addf %add3A, %get3A_10 : vector<1000x128xf32>
    %mul3A = vector.broadcast %get3A_1 : vector<1000x1xf32> to vector<1000x128xf32>
    %mul3A_12 = arith.mulf %mul3A, %add3A_11 : vector<1000x128xf32>
    %get3A_13 = arith.constant 0 : index
    %get3A_14 = arith.constant 0 : index
    %get3A_15 = vector.load %arg5[%get3A_13, %get3A_14] : memref<1x128xf32, #tpu.memory_space<vmem>>, vector<1x128xf32>
    %add3A_16 = vector.broadcast %get3A_15 : vector<1x128xf32> to vector<1000x128xf32>
    %add3A_17 = arith.addf %mul3A_12, %add3A_16 : vector<1000x128xf32>
    %ge3A = arith.constant 0.000000e+00 : f32
    %ge3A_18 = vector.broadcast %ge3A : f32 to vector<1000x128xf32>
    %ge3A_19 = arith.cmpf oge, %add3A_17, %ge3A_18 : vector<1000x128xf32>
    %mul3A_20 = arith.constant 1.000000e-01 : f32
    %mul3A_21 = vector.broadcast %mul3A_20 : f32 to vector<1000x128xf32>
    %mul3A_22 = arith.mulf %mul3A_21, %add3A_17 : vector<1000x128xf32>
    %select_n3A = arith.select %ge3A_19, %add3A_17, %mul3A_22 : vector<1000x128xi1>, vector<1000x128xf32>
    %get3A_23 = arith.constant 0 : index
    %get3A_24 = arith.constant 0 : index
    %get3A_25 = vector.load %arg6[%get3A_23, %get3A_24] : memref<128x128xf32, #tpu.memory_space<vmem>>, vector<128x128xf32>
    %dot_general3A = arith.constant dense<0.000000e+00> : vector<1000x128xf32>
    %dot_general3A_26 = tpu.matmul %select_n3A, %get3A_25, %dot_general3A {dimension_numbers = #tpu.dot_dimension_numbers<[1], [0], [0], [1], [0, 0, 1, 1], [], []>, transpose_lhs_hint = false} : vector<1000x128xf32>, vector<128x128xf32>, vector<1000x128xf32> -> vector<1000x128xf32>
    %mul3A_27 = vector.broadcast %get3A_1 : vector<1000x1xf32> to vector<1000x128xf32>
    %mul3A_28 = arith.mulf %dot_general3A_26, %mul3A_27 : vector<1000x128xf32>
    %swap3A = arith.constant 0 : index
    %swap3A_29 = arith.constant 0 : index
    %swap3A_30 = vector.load %arg7[%swap3A, %swap3A_29] : memref<1000x128xf32, #tpu.memory_space<vmem>>, vector<1000x128xf32>
    tpu.vector_store %arg7[%swap3A, %swap3A_29], %mul3A_28 {strides = array<i32>} : memref<1000x128xf32, #tpu.memory_space<vmem>>, vector<1000x128xf32>,
    return
  }
  func.func @transform_0(%arg0: i32) -> (i32, i32) {
    %c0_i32 = arith.constant 0 : i32
    %c0_i32_0 = arith.constant 0 : i32
    return %arg0, %c0_i32 : i32, i32
  }
  func.func @transform_1(%arg0: i32) -> (i32, i32) {
    %c0_i32 = arith.constant 0 : i32
    %c0_i32_0 = arith.constant 0 : i32
    return %arg0, %c0_i32 : i32, i32
  }
  func.func @transform_2(%arg0: i32) -> (i32, i32) {
    %c0_i32 = arith.constant 0 : i32
    %c0_i32_0 = arith.constant 0 : i32
    return %arg0, %c0_i32 : i32, i32
  }
  func.func @transform_3(%arg0: i32) -> (i32, i32) {
    %c0_i32 = arith.constant 0 : i32
    %c0_i32_0 = arith.constant 0 : i32
    return %arg0, %c0_i32 : i32, i32
  }
  func.func @transform_4(%arg0: i32) -> (i32, i32) {
    %c0_i32 = arith.constant 0 : i32
    %c0_i32_0 = arith.constant 0 : i32
    %c0_i32_1 = arith.constant 0 : i32
    return %c0_i32, %c0_i32_0 : i32, i32
  }
  func.func @transform_5(%arg0: i32) -> (i32, i32) {
    %c0_i32 = arith.constant 0 : i32
    %c0_i32_0 = arith.constant 0 : i32
    %c0_i32_1 = arith.constant 0 : i32
    return %c0_i32, %c0_i32_0 : i32, i32
  }
  func.func @transform_6(%arg0: i32) -> (i32, i32) {
    %c0_i32 = arith.constant 0 : i32
    %c0_i32_0 = arith.constant 0 : i32
    return %arg0, %c0_i32 : i32, i32
  }
}

module attributes {stable_mosaic.version = 14 : i64} {
  func.func @_tc_final_body(%arg0: i32, %arg1: memref<1000x128xf32, #tpu.memory_space<vmem>>, %arg2: memref<1000x128xf32, #tpu.memory_space<vmem>>, %arg3: memref<1000x128xf32, #tpu.memory_space<vmem>>, %arg4: memref<1000x1xf32, #tpu.memory_space<vmem>>, %arg5: memref<128x128xf32, #tpu.memory_space<vmem>>, %arg6: memref<1000x128xf32, #tpu.memory_space<vmem>>) attributes {dimension_semantics = [#tpu.dimension_semantics<arbitrary>], iteration_bounds = array<i64: 10>, scalar_prefetch = 0 : i64, scratch_operands = 0 : i64, tpu.core_type = #tpu.core_type<tc>, window_params = [{transform_indices = @transform_0, window_bounds = array<i64: 1000, 128>}, {transform_indices = @transform_1, window_bounds = array<i64: 1000, 128>}, {transform_indices = @transform_2, window_bounds = array<i64: 1000, 128>}, {transform_indices = @transform_3, window_bounds = array<i64: 1000, 1>}, {pipeline_mode = #tpu.pipeline_mode<synchronous>, transform_indices = @transform_4, window_bounds = array<i64: 128, 128>}, {transform_indices = @transform_5, window_bounds = array<i64: 1000, 128>}]} {
    %get3A = arith.constant 0 : index
    %get3A_0 = arith.constant 0 : index
    %get3A_1 = vector.load %arg1[%get3A, %get3A_0] : memref<1000x128xf32, #tpu.memory_space<vmem>>, vector<1000x128xf32>
    %get3A_2 = arith.constant 0 : index
    %get3A_3 = arith.constant 0 : index
    %get3A_4 = vector.load %arg2[%get3A_2, %get3A_3] : memref<1000x128xf32, #tpu.memory_space<vmem>>, vector<1000x128xf32>
    %add3A = arith.addf %get3A_1, %get3A_4 : vector<1000x128xf32>
    %get3A_5 = arith.constant 0 : index
    %get3A_6 = arith.constant 0 : index
    %get3A_7 = vector.load %arg3[%get3A_5, %get3A_6] : memref<1000x128xf32, #tpu.memory_space<vmem>>, vector<1000x128xf32>
    %add3A_8 = arith.addf %add3A, %get3A_7 : vector<1000x128xf32>
    %get3A_9 = arith.constant 0 : index
    %get3A_10 = arith.constant 0 : index
    %get3A_11 = vector.load %arg5[%get3A_9, %get3A_10] : memref<128x128xf32, #tpu.memory_space<vmem>>, vector<128x128xf32>
    %dot_general3A = arith.constant dense<0.000000e+00> : vector<1000x128xf32>
    %dot_general3A_12 = tpu.matmul %add3A_8, %get3A_11, %dot_general3A {dimension_numbers = #tpu.dot_dimension_numbers<[1], [0], [0], [1], [0, 0, 1, 1], [], []>, transpose_lhs_hint = false} : vector<1000x128xf32>, vector<128x128xf32>, vector<1000x128xf32> -> vector<1000x128xf32>
    %get3A_13 = arith.constant 0 : index
    %get3A_14 = arith.constant 0 : index
    %get3A_15 = vector.load %arg4[%get3A_13, %get3A_14] : memref<1000x1xf32, #tpu.memory_space<vmem>>, vector<1000x1xf32>
    %mul3A = vector.broadcast %get3A_15 : vector<1000x1xf32> to vector<1000x128xf32>
    %mul3A_16 = arith.mulf %dot_general3A_12, %mul3A : vector<1000x128xf32>
    %swap3A = arith.constant 0 : index
    %swap3A_17 = arith.constant 0 : index
    %swap3A_18 = vector.load %arg6[%swap3A, %swap3A_17] : memref<1000x128xf32, #tpu.memory_space<vmem>>, vector<1000x128xf32>
    tpu.vector_store %arg6[%swap3A, %swap3A_17], %mul3A_16 {strides = array<i32>} : memref<1000x128xf32, #tpu.memory_space<vmem>>, vector<1000x128xf32>,
    return
  }
  func.func @transform_0(%arg0: i32) -> (i32, i32) {
    %c0_i32 = arith.constant 0 : i32
    %c0_i32_0 = arith.constant 0 : i32
    return %arg0, %c0_i32 : i32, i32
  }
  func.func @transform_1(%arg0: i32) -> (i32, i32) {
    %c0_i32 = arith.constant 0 : i32
    %c0_i32_0 = arith.constant 0 : i32
    return %arg0, %c0_i32 : i32, i32
  }
  func.func @transform_2(%arg0: i32) -> (i32, i32) {
    %c0_i32 = arith.constant 0 : i32
    %c0_i32_0 = arith.constant 0 : i32
    return %arg0, %c0_i32 : i32, i32
  }
  func.func @transform_3(%arg0: i32) -> (i32, i32) {
    %c0_i32 = arith.constant 0 : i32
    %c0_i32_0 = arith.constant 0 : i32
    return %arg0, %c0_i32 : i32, i32
  }
  func.func @transform_4(%arg0: i32) -> (i32, i32) {
    %c0_i32 = arith.constant 0 : i32
    %c0_i32_0 = arith.constant 0 : i32
    %c0_i32_1 = arith.constant 0 : i32
    return %c0_i32, %c0_i32_0 : i32, i32
  }
  func.func @transform_5(%arg0: i32) -> (i32, i32) {
    %c0_i32 = arith.constant 0 : i32
    %c0_i32_0 = arith.constant 0 : i32
    return %arg0, %c0_i32 : i32, i32
  }
}

</mosaic_0001>

<sc_bundles>
// kernel: kernel.22.cloned.1.call-start
scs
__scs_entry_jumppad:
0x0: {  	(pc) =	sbr.rel $0x88, $3  }
0x1: {  	(tag) =	ssettag $0x0;
	lr =	simm.s32 $0x1  }
0x2: {  	[smem:$0x3F9B] =	sst lr;
	_ =	strace $0xD0000000  }
0x3: {  	_ = 	snop  }
0x4: {  	_ = 	snop  }
0x5: {  	_ = 	snop  }
0x6: {  	_ = 	snop  }
0x7: {  	_ = 	snop  }
__scs_overlays_trampoline_lowered:
0x8: {  	[smem:$0x3FAA] =	sst s0  }
0x9: {  	[smem:$0x3FAB] =	sst s1  }
0xa: {  	[smem:$0x3FAC] =	sst s2  }
0xb: {  	[smem:$0x3FAD] =	sst s3  }
0xc: {  	[smem:$0x3FAE] =	sst s4  }
0xd: {  	[smem:$0x3FAF] =	sst s5  }
0xe: {  	[smem:$0x3FB0] =	sst s6  }
0xf: {  	[smem:$0x3FB1] =	sst s7  }
0x10: {  	[smem:$0x3FB2] =	sst s8  }
0x11: {  	[smem:$0x3FB3] =	sst s9;
	s0 =	simm.s32 @!p0 $0x0  }
0x12: {  	s1 =	sld [smem:$0x3F99];
	s0 =	simm.s32 @p0 $0x1  }
0x13: {  	[smem:$0x3FB4] =	sst s0;
	s0 =	simm.s32 @!p1 $0x0  }
0x14: {  	s2 =	sld [smem:$0x3F98];
	s0 =	simm.s32 @p1 $0x1  }
0x15: {  	[smem:$0x3FB5] =	sst s0;
	s0 =	simm.s32 @!p2 $0x0  }
0x16: {  	s3 =	sld [smem:$0x3FDB];
	s0 =	simm.s32 @p2 $0x1  }
0x17: {  	s4 =	simm.s32 $0x1BF5;
	[smem:$0x3FB7] =	sst s0  }
0x18: {  	s0 =	sld [smem:$0x3F9A];
	_ =	swait.ge [sflag:s4], $0x0  }
0x19: {  	s7 =	sld [smem:$0x3F9B]  }
0x1a: {  	s8 =	sadd.s32 $0xFFFFE003, lr  }
0x1b: {  	s9 =	sadd.s32 $0xFFFFFEF7, lr;
	s5 =	simm.s32 $0xFFFFFFFF;
	p2 =	slt.u32 s8, $0xFFFFF086  }
0x1c: {  	p1 =	slt.u32 s9, $0xF7A;
	s5 =	simm.s32 @!p2 $0x0  }
0x1d: {  	s5 =	simm.s32 @p1 $0x1;
	p0 =	seq.s32 s7, s2  }
0x1e: {  	s7 =	smul.u32 @!p0 $0xF7A, s2;
	p2 =	seq.s32 @!p0 s5, $0x0  }
0x1f: {  	s9 =	smul.u32 $0xF7A, s1;
	s8 =	simm.s32 @!p0 $0x1BF5;
	p2 =	por !p2, p0  }
0x20: {  	[sflag:s8] =	ssyncset.s32 @!p0 $0xFFFFF086;
	s6 =	sadd.s32 @!p0 s3, s7;
	s7 =	simm.s32 @!p0 $0x108  }
0x21: {  	s3 =	sadd.s32 s3, s9;
	s6 =	sadd.s32 @!p0 $0x88, s6;
	s7 =	simm.s32 @p2 $0x1082  }
0x22: {  	[simem:s7], [sflag:s8] =	dma.local @!p0 [hbm:s6], $0xF7A  }
0x23: {  	s9 =	sor.u32 $0xD0000000, s2;
	s6 =	simm.s32 $0x108;
	_ =	swait.ge @!p0 [sflag:s8], $0x0  }
0x24: {  	s3 =	sadd.s32 $0x88, s3;
	s6 =	simm.s32 @!p1 $0x1082;
	[sflag:s4] =	ssyncset.s32 $0xFFFFF086  }
0x25: {  	[simem:s6], [sflag:s4] =	dma.local [hbm:s3], $0xF7A  }
0x26: {  	[smem:$0x3F9B] =	sst s1;
	(tag) =	ssettag s2;
	_ =	strace s9  }
0x27: {  	s1 =	sld [smem:$0x3FAB]  }
0x28: {  	s2 =	sld [smem:$0x3FAC]  }
0x29: {  	s4 =	sld [smem:$0x3FAE]  }
0x2a: {  	p0 =	seq.s32 s5, $0x0;
	s5 =	sld [smem:$0x3FAF]  }
0x2b: {  	s6 =	sld [smem:$0x3FB0]  }
0x2c: {  	s7 =	sld [smem:$0x3FB1]  }
0x2d: {  	s3 =	simm.s32 $0x108;
	s8 =	sld [smem:$0x3FB2]  }
0x2e: {  	s3 =	simm.s32 @!p0 $0x1082;
	s9 =	sld [smem:$0x3FB3]  }
0x2f: {  	lr =	sadd.s32 s0, s3;
	s0 =	sld [smem:$0x3FAA]  }
0x30: {  	s3 =	sld [smem:$0x3FAD]  }
0x31: {  	[smem:$0x3FB6] =	sst s10  }
0x32: {  	s10 =	sld [smem:$0x3FB4];
	_ =	sdelay $0x3  }
0x33: {  	p0 =	seq.s32 s10, $0x1;
	s10 =	sld [smem:$0x3FB6];
	_ =	sdelay $0x3  }
0x34: {  	[smem:$0x3FB6] =	sst s10  }
0x35: {  	s10 =	sld [smem:$0x3FB5];
	_ =	sdelay $0x3  }
0x36: {  	p1 =	seq.s32 s10, $0x1;
	s10 =	sld [smem:$0x3FB6];
	_ =	sdelay $0x3  }
0x37: {  	[smem:$0x3FB6] =	sst s10  }
0x38: {  	s10 =	sld [smem:$0x3FB7]  }
0x39: {  	_ = 	snop;
	(pc) =	sbr.ind lr, $3  }
0x3a: {  	_ = 	snop  }
0x3b: {  	_ = 	snop  }
0x3c: {  	p2 =	seq.s32 s10, $0x1;
	s10 =	sld [smem:$0x3FB6]  }
0x3d: {  	_ =	shalt  }
0x3e: {  	_ =	shalt  }
0x3f: {  	_ =	shalt  }
0x40: {  	_ =	shalt  }
0x41: {  	_ =	shalt  }
0x42: {  	_ =	shalt  }
0x43: {  	_ =	shalt  }
0x44: {  	_ =	shalt  }
0x45: {  	_ =	shalt  }
0x46: {  	_ =	shalt  }
0x47: {  	_ =	shalt  }
0x48: {  	_ =	shalt  }
0x49: {  	_ =	shalt  }
0x4a: {  	_ =	shalt  }
0x4b: {  	_ =	shalt  }
0x4c: {  	_ =	shalt  }
0x4d: {  	_ =	shalt  }
0x4e: {  	_ =	shalt  }
0x4f: {  	_ =	shalt  }
0x50: {  	_ =	shalt  }
0x51: {  	_ =	shalt  }
0x52: {  	_ =	shalt  }
0x53: {  	_ =	shalt  }
0x54: {  	_ =	shalt  }
0x55: {  	_ =	shalt  }
0x56: {  	_ =	shalt  }
0x57: {  	_ =	shalt  }
0x58: {  	_ =	shalt  }
0x59: {  	_ =	shalt  }
0x5a: {  	_ =	shalt  }
0x5b: {  	_ =	shalt  }
0x5c: {  	_ =	shalt  }
0x5d: {  	_ =	shalt  }
0x5e: {  	_ =	shalt  }
0x5f: {  	_ =	shalt  }
0x60: {  	_ =	shalt  }
0x61: {  	_ =	shalt  }
0x62: {  	_ =	shalt  }
0x63: {  	_ =	shalt  }
0x64: {  	_ =	shalt  }
0x65: {  	_ =	shalt  }
0x66: {  	_ =	shalt  }
0x67: {  	_ =	shalt  }
0x68: {  	_ =	shalt  }
0x69: {  	_ =	shalt  }
0x6a: {  	_ =	shalt  }
0x6b: {  	_ =	shalt  }
0x6c: {  	_ =	shalt  }
0x6d: {  	_ =	shalt  }
0x6e: {  	_ =	shalt  }
0x6f: {  	_ =	shalt  }
0x70: {  	_ =	shalt  }
0x71: {  	_ =	shalt  }
0x72: {  	_ =	shalt  }
0x73: {  	_ =	shalt  }
0x74: {  	_ =	shalt  }
0x75: {  	_ =	shalt  }
0x76: {  	_ =	shalt  }
0x77: {  	_ =	shalt  }
0x78: {  	_ =	shalt  }
0x79: {  	_ =	shalt  }
0x7a: {  	_ =	shalt  }
0x7b: {  	_ =	shalt  }
0x7c: {  	_ =	shalt  }
0x7d: {  	_ =	shalt  }
0x7e: {  	_ =	shalt  }
0x7f: {  	_ =	shalt  }
0x80: {  	_ =	shalt  }
0x81: {  	_ =	shalt  }
0x82: {  	_ =	shalt  }
0x83: {  	_ =	shalt  }
0x84: {  	_ =	shalt  }
0x85: {  	_ =	shalt  }
0x86: {  	_ =	shalt  }
0x87: {  	_ =	shalt  }
.Lfunc_end0:
.L_simem_size_0:
called_computation_lowered:
.L_overlay_start_0:
0x88: {  	s2 =	sld [smem:$0x3FD9]  }
0x89: {  	s3 =	sld [smem:$0x3FFE];
	_ =	sdelay $0x1  }
0x8a: {  	s1 =	srdreg.scid  }
0x8b: {  	s0 =	sand.u32 $0x1, s1  }
0x8c: {  	s16 =	sshll.u32 s0, $0xA;
	s2 =	sadd.s32 s3, s2  }
0x8d: {  	s2 =	sadd.s32 s2, s16  }
0x8e: {  	[smem:$0x3FC2] =	sst s2  }
0x8f: {  	_ = 	snop  }
0x90: {  	(tm) =	ssettm $0x1  }
0x91: {  	s17 =	sld [smem:$0x3FFB];
	_ =	sdelay $0x3  }
0x92: {  	_ =	strace s17  }
0x93: {  	s2 =	sld [smem:$0x3FFC];
	_ =	sdelay $0x3  }
0x94: {  	_ =	strace s2  }
0x95: {  	s2 =	sld [smem:$0x3FFD];
	_ =	sdelay $0x3  }
0x96: {  	_ =	strace s2  }
0x97: {  	_ =	strace $0x8FFFFFFF  }
0x98: {  	s18 =	sld [smem:$0x3FDB];
	_ =	sdelay $0x1  }
0x99: {  	s19 =	simm.s32 $_scs_section_size  }
0x9a: {  	s4 =	simm.s32 $_size__tile_overlayer_lowered;
	s5 =	simm.s32 $_tile_overlayer_lowered  }
0x9b: {  	s22 =	simm.s32 $0x1BFF;
	s21 =	sshll.u32 s5, $0x1;
	s2 =	sadd.s32 s19, s18  }
0x9c: {  	s6 =	simm.s32 $0x0;
	s20 =	sshll.u32 s4, $0x1;
	s4 =	sadd.s32 s21, s2  }
0x9d: {  	[timem:s6], [sflag:s22] =	dma.local [hbm:s4], s20  }
0x9e: {  	_ =	swait.ge [sflag:s22], s20  }
0x9f: {  	s3 =	ssub.s32 $0x0, s20;
	[sflag:s22] =	ssyncset.done $0x0  }
0xa0: {  	[sflag:s22] =	ssyncadd.s32 s3;
	_ =	sdelay $0x1  }
0xa1: {  	s23 =	simm.s32 $0x1B8B  }
0xa2: {  	_ =	swait.ge [sflag:s23], $0x1  }
0xa3: {  	[sflag:s23] =	ssyncset.done $0x0  }
0xa4: {  	s25 =	simm.s32 $0x1B8E;
	s24 =	sld [smem:$0x3FFE];
	[sflag:s23] =	ssyncadd.s32 $0xFFFFFFFF  }
0xa5: {  	s26 =	simm.s32 $execute0_lowered;
	[smem:$0x3FD2] =	sst s25  }
0xa6: {  	s4 =	sshll.u32 s26, $0x1;
	_ =	strace $0x80000046;
	[dreg:$0x1] =	wrdreg $0xFFFFFFFF  }
0xa7: {  	s28 =	simm.s32 $_size_execute0_lowered;
	s2 =	sadd.s32 s2, s4;
	[dreg:$0x0] =	wrdreg $0x0  }
0xa8: {  	s4 =	sshll.u32 s28, $0x1;
	[dreg:$0x2] =	wrdreg s2  }
0xa9: {  	[dreg:$0x3] =	wrdreg s4  }
0xaa: {  	[dreg:$0x4] =	wrdreg $0xC0  }
0xab: {  	_ =	task [dreg:s6], $0x5FFFF  }
0xac: {  	[dreg:$0x1] =	wrdreg $0xFFFFFFFF  }
0xad: {  	[dreg:$0x0] =	wrdreg $0x60  }
0xae: {  	[dreg:$0x2] =	wrdreg s24  }
0xaf: {  	[dreg:$0x3] =	wrdreg $0x68000  }
0xb0: {  	[dreg:$0x4] =	wrdreg $0x9  }
0xb1: {  	_ =	task.clear_ibuf [dreg:s6], $0x5FFFF;
	_ =	strace $0x90000046  }
0xb2: {  	s29 =	simm.s32 $0x9;
	_ =	strace $0x80000048  }
0xb3: {  	_ =	swait.ge [sflag:s29], $0x1  }
0xb4: {  	[sflag:s29] =	ssyncadd.s32 $0xFFFFFFFF  }
0xb5: {  	_ =	strace $0x90000048  }
0xb6: {  	_ =	sfence  }
0xb7: {  	s30 =	sld [smem:$0x0];
	_ =	sdelay $0x2  }
0xb8: {  	s31 =	sshll.u32 s1, $0xD;
	s1 =	sshrl.u32 s1, $0x2  }
0xb9: {  	s3 =	sand.u32 $0x4000, s31;
	s1 =	sadd.s32 s1, s30  }
0xba: {  	s0 =	sor.u32 s3, s0;
	s1 =	sshll.u32 s1, $0x11  }
0xbb: {  	s0 =	sor.u32 s1, s0  }
0xbc: {  	s0 =	sadd.s32 $0x8F2B, s0  }
0xbd: {  	[sflag:s0] =	ssyncadd.remote.s32 $0x1  }
0xbe: {  	_ =	sfence.sel $0xFFFF  }
0xbf: {  	[dreg:$0x0] =	wrdreg $0xFFFFFFFF;
	(pc) =	sbr.abs _section_cstart, $3  }
0xc0: {  	[dreg:$0x1] =	wrdreg $0xFFFFFFFF  }
0xc1: {  	_ =	task.clear_ibuf [dreg:s6], $0x2FFFF;
	_ =	strace $0x9FFFFFFF  }
0xc2: {  	(tm) =	ssettm $0x7FFFFFFF  }
0xc3: {  	_ =	shalt  }
tec
execute0_lowered:
.L_overlay_start_1:
0x0: {  	(tag) =	ssettag $0x1  }
0x1: {  	s0 =	srdreg.scid;
	s5 =	rddreg [dreg:$0x0]  }
0x2: {  	s2 =	rddreg [dreg:$0x1];
	s4 =	sand.u32 $0x1, s0  }
0x3: {  	s3 =	simm.s32 $0x0;
	s0 =	stileid.u32;
	s7 =	smul.u32 $0x140000, s4  }
0x4: {  	s13 =	simm.s32 $0x1;
	s14 =	simm.s32 $0x80;
	s8 =	smul.u32 $0x14000, s0  }
0x5: {  	[smem:$0x7FF] =	sst s3;
	s1 =	sshll.u32 s4, $0x4;
	s9 =	smul.u32 $0x50000, s0  }
0x6: {  	s29 =	ssub.s32 $0x2, s4;
	s15 =	sshll.u32 s0, $0x6;
	s1 =	sor.u32 s0, s1  }
0x7: {  	s31 =	sshrl.u32 s29, $0x1;
	s15 =	sor.u32 $0x1C01, s15;
	s6 =	smul.u32 $0x500, s1  }
0x8: {  	s1 =	rddreg [dreg:$0x2];
	_ =	strace $0x80000047;
	s30 =	sshrl.u32 s9, $0x2  }
0x9: {  	s28 =	sadd.s32 s8, s7;
	s12 =	ssub.s32 s29, s31;
	s4 =	sadd.s32 s30, s2  }
0xa: {  	s10 =	sadd.s32 s6, s5;
	s6 =	sshrl.u32 s28, $0x3;
	s7 =	sadd.s32 $0xC000, s4  }
0xb: {  	s8 =	sadd.s32 $0x10000, s4;
	s16 =	sshrl.u32 s4, $0x3;
	s11 =	sadd.s32 s6, s5  }
0xc: {  	s5 =	sadd.s32 $0x4000, s4;
	s6 =	sadd.s32 $0x8000, s4;
	s9 =	sadd.s32 $0x7400, s10  }
0xd: {  	v0 =	vimm.f32 $0.0e+00;
	v1 =	vimm.f32 $1.000000000e+00;
	s10 =	sadd.s32 $0x11400, s11;
	s11 =	smax.u32 s12, $0x1;
	s12 =	simm.s32 $0x2800  }
.LBB2_1:
0xe: {  	s17 =	simm.s32 $0x200;
	s18 =	simm.s32 $0x0  }
.LBB2_2:
0xf: {  	p0 =	sne.s32 s17, $0xFE00;
	[tilespmem:s18+$0x2800] =	vst v0;
	s18 =	smov.u32 s17;
	s17 =	sadd.s32 $0x200, s17  }
.Ltmp0:
0x10: {  	(pc) =	sbr.rel @p0 .LBB2_2-.Ltmp0, $2  }
0x11: {  	_ =	sdelay $0x2  }
0x12: {  	s18 =	sshra.s32 s18, $0x2  }
0x13: {  	[tilespmem:s18+$0x2800] =	vst v0  }
0x14: {  	[spmem:s4] =	stream.linear.scatter [tilespmem:s12], [sflag:$0x1], $0x4000, $0x38;
	[tilespmem:$0x9000] =	vst v63  }
0x15: {  	_ =	swait.ge [sflag:s13], $0x4000  }
0x16: {  	[sflag:s13] =	ssyncset.done $0x0  }
0x17: {  	[sflag:s13] =	ssyncadd.s32 $0xFFFFC000  }
0x18: {  	[spmem:s5] =	stream.linear.scatter [tilespmem:s12], [sflag:$0x1], $0x4000, $0x38;
	[tilespmem:$0x9000] =	vst v63  }
0x19: {  	_ =	swait.ge [sflag:s13], $0x4000  }
0x1a: {  	[sflag:s13] =	ssyncset.done $0x0  }
0x1b: {  	[sflag:s13] =	ssyncadd.s32 $0xFFFFC000  }
0x1c: {  	[spmem:s6] =	stream.linear.scatter [tilespmem:s12], [sflag:$0x1], $0x4000, $0x38;
	[tilespmem:$0x9000] =	vst v63  }
0x1d: {  	_ =	swait.ge [sflag:s13], $0x4000  }
0x1e: {  	[sflag:s13] =	ssyncset.done $0x0  }
0x1f: {  	[sflag:s13] =	ssyncadd.s32 $0xFFFFC000  }
0x20: {  	[spmem:s7] =	stream.linear.scatter [tilespmem:s12], [sflag:$0x1], $0x4000, $0x38;
	[tilespmem:$0x9000] =	vst v63  }
0x21: {  	_ =	swait.ge [sflag:s13], $0x4000  }
0x22: {  	[sflag:s13] =	ssyncset.done $0x0  }
0x23: {  	[sflag:s13] =	ssyncadd.s32 $0xFFFFC000  }
0x24: {  	[spmem:s8] =	stream.linear.scatter [tilespmem:s12], [sflag:$0x1], $0x4000, $0x38;
	[tilespmem:$0x9000] =	vst v63  }
0x25: {  	_ =	swait.ge [sflag:s13], $0x4000  }
0x26: {  	[sflag:s13] =	ssyncset.done $0x0  }
0x27: {  	[sflag:s13] =	ssyncadd.s32 $0xFFFFC000  }
0x28: {  	s17 =	simm.s32 $0x200;
	s18 =	simm.s32 $0x0;
	[bflag:$0x0] =	sbarrier.arrive $0xFFFF  }
.LBB2_4:
0x29: {  	p0 =	sne.s32 s17, $0xFE00;
	[tilespmem:s18+$0x2800] =	vst v1;
	s18 =	smov.u32 s17;
	s17 =	sadd.s32 $0x200, s17  }
.Ltmp1:
0x2a: {  	(pc) =	sbr.rel @p0 .LBB2_4-.Ltmp1, $2  }
0x2b: {  	_ =	sdelay $0x2  }
0x2c: {  	s18 =	sshra.s32 s18, $0x2  }
0x2d: {  	[tilespmem:s18+$0x2800] =	vst v1;
	s17 =	simm.s32 $0x0  }
0x2e: {  	[tilespmem:s17], [sflag:$0x1] =	stream.linear.gather [hbm4b:s9+s17], $0x2780, $0x38;
	[tilespmem:$0x9000] =	vst v63  }
0x2f: {  	_ =	swait.ge [sflag:s13], $0x2780  }
0x30: {  	[sflag:s13] =	ssyncset.done $0x0  }
0x31: {  	[sflag:s13] =	ssyncadd.s32 $0xFFFFD880  }
0x32: {  	s31 =	simm.s32 $0x0;
	[bflag:$0x0] =	sbarrier.arrive $0xFFFF  }
0x33: {  	[spmem:s2] =	stream.indirect.scatter.add.f32 [tilespmem:s12], [sflag:$0x1], $0x10, s31, s14, $0xb8;
	[tilespmem:$0x9000] =	vst v63  }
0x34: {  	_ =	swait.ge [sflag:s13], $0x800  }
0x35: {  	s17 =	simm.s32 $0x200;
	[sflag:s13] =	ssyncset.done $0x0  }
.LBB2_6:
0x36: {  	s18 =	sshra.s32 s17, $0x2;
	[sflag:s13] =	ssyncadd.s32 $0xFFFFF800;
	p0 =	sne.s32 s17, $0x9C00  }
0x37: {  	[spmem:s2] =	stream.indirect.scatter.add.f32 [tilespmem:s12], [sflag:$0x1], $0x10, s18, s14, $0xb8;
	[tilespmem:$0x9000] =	vst v63  }
.Ltmp2:
0x38: {  	_ = 	snop;
	(pc) =	sbr.rel @p0 .LBB2_6-.Ltmp2, $4  }
0x39: {  	_ = 	snop  }
0x3a: {  	s17 =	sadd.s32 $0x200, s17  }
0x3b: {  	_ =	swait.ge [sflag:s13], $0x800  }
0x3c: {  	[sflag:s13] =	ssyncset.done $0x0  }
0x3d: {  	s3 =	sadd.s32 $0x1, s3  }
0x3e: {  	[sflag:s13] =	ssyncadd.s32 $0xFFFFF800;
	p0 =	sne.s32 s3, s11  }
.Ltmp3:
0x3f: {  	[bflag:$0x0] =	sbarrier.arrive $0xFFFF;
	(pc) =	sbr.rel @p0 .LBB2_1-.Ltmp3, $4  }
0x40: {  	[hbm:s10], [sflag:s15] =	dma.local [spmem:s16], $0x2800  }
0x41: {  	_ =	swait.ge [sflag:s13], $0x2800  }
0x42: {  	[sflag:s13] =	ssyncset.done $0x0  }
0x43: {  	[sflag:s13] =	ssyncadd.s32 $0xFFFFD800  }
0x44: {  	_ =	sfence.sel $0x180000  }
0x45: {  	[bflag:$0x0] =	sbarrier.arrive $0xFFFF  }
0x46: {  	p0 =	sne.s32 s0, $0x0;
	_ =	strace $0x90000047  }
0x47: {  	s0 =	sadd.s32 @!p0 $0x100000, s1;
	[bflag:$0x2] =	sbarrier.arrive $0xFFFF  }
0x48: {  	[sflag:s0] =	ssyncadd.tile.s32 @!p0 $0x1;
	_ =	shalt  }
.Lfunc_end2:
_tile_overlayer_lowered:
.L_overlay_start_2:
0x49: {  	(tag) =	ssettag $0x2  }
0x4a: {  	s0 =	rddreg [dreg:$0x0];
	s2 =	stileid.u32  }
0x4b: {  	s1 =	rddreg [dreg:$0x1];
	p0 =	sne.s32 s2, $0x0  }
0x4c: {  	s3 =	rddreg [dreg:$0x2];
	[bflag:$0x3] =	sbarrier.arrive $0xFFFF;
	s2 =	simm.s32 @!p0 $0x1C01  }
0x4d: {  	[timem:s3], [sflag:s2] =	dma.local @!p0 [hbm:s0], s1  }
0x4e: {  	s0 =	simm.s32 @!p0 $0x1  }
0x4f: {  	_ =	swait.ge @!p0 [sflag:s0], s1  }
0x50: {  	s1 =	ssub.s32 @!p0 $0x0, s1;
	[sflag:s0] =	ssyncset.done @!p0 $0x0  }
0x51: {  	[sflag:s0] =	ssyncadd.s32 @!p0 s1  }
0x52: {  	[bflag:$0x3] =	sbarrier.arrive $0xFFFF  }
0x53: {  	_ =	shalt  }

// kernel: kernel.25.cloned.1.call-start
scs
__scs_entry_jumppad:
0x0: {  	(pc) =	sbr.rel $0x88, $3  }
0x1: {  	(tag) =	ssettag $0x0;
	lr =	simm.s32 $0x1  }
0x2: {  	[smem:$0x3F9B] =	sst lr;
	_ =	strace $0xD0000000  }
0x3: {  	_ = 	snop  }
0x4: {  	_ = 	snop  }
0x5: {  	_ = 	snop  }
0x6: {  	_ = 	snop  }
0x7: {  	_ = 	snop  }
__scs_overlays_trampoline_lowered:
0x8: {  	[smem:$0x3FAA] =	sst s0  }
0x9: {  	[smem:$0x3FAB] =	sst s1  }
0xa: {  	[smem:$0x3FAC] =	sst s2  }
0xb: {  	[smem:$0x3FAD] =	sst s3  }
0xc: {  	[smem:$0x3FAE] =	sst s4  }
0xd: {  	[smem:$0x3FAF] =	sst s5  }
0xe: {  	[smem:$0x3FB0] =	sst s6  }
0xf: {  	[smem:$0x3FB1] =	sst s7  }
0x10: {  	[smem:$0x3FB2] =	sst s8  }
0x11: {  	[smem:$0x3FB3] =	sst s9;
	s0 =	simm.s32 @!p0 $0x0  }
0x12: {  	s1 =	sld [smem:$0x3F99];
	s0 =	simm.s32 @p0 $0x1  }
0x13: {  	[smem:$0x3FB4] =	sst s0;
	s0 =	simm.s32 @!p1 $0x0  }
0x14: {  	s2 =	sld [smem:$0x3F98];
	s0 =	simm.s32 @p1 $0x1  }
0x15: {  	[smem:$0x3FB5] =	sst s0;
	s0 =	simm.s32 @!p2 $0x0  }
0x16: {  	s3 =	sld [smem:$0x3FDB];
	s0 =	simm.s32 @p2 $0x1  }
0x17: {  	s4 =	simm.s32 $0x1BF5;
	[smem:$0x3FB7] =	sst s0  }
0x18: {  	s0 =	sld [smem:$0x3F9A];
	_ =	swait.ge [sflag:s4], $0x0  }
0x19: {  	s7 =	sld [smem:$0x3F9B]  }
0x1a: {  	s8 =	sadd.s32 $0xFFFFE003, lr  }
0x1b: {  	s9 =	sadd.s32 $0xFFFFFEF7, lr;
	s5 =	simm.s32 $0xFFFFFFFF;
	p2 =	slt.u32 s8, $0xFFFFF086  }
0x1c: {  	p1 =	slt.u32 s9, $0xF7A;
	s5 =	simm.s32 @!p2 $0x0  }
0x1d: {  	s5 =	simm.s32 @p1 $0x1;
	p0 =	seq.s32 s7, s2  }
0x1e: {  	s7 =	smul.u32 @!p0 $0xF7A, s2;
	p2 =	seq.s32 @!p0 s5, $0x0  }
0x1f: {  	s9 =	smul.u32 $0xF7A, s1;
	s8 =	simm.s32 @!p0 $0x1BF5;
	p2 =	por !p2, p0  }
0x20: {  	[sflag:s8] =	ssyncset.s32 @!p0 $0xFFFFF086;
	s6 =	sadd.s32 @!p0 s3, s7;
	s7 =	simm.s32 @!p0 $0x108  }
0x21: {  	s3 =	sadd.s32 s3, s9;
	s6 =	sadd.s32 @!p0 $0x88, s6;
	s7 =	simm.s32 @p2 $0x1082  }
0x22: {  	[simem:s7], [sflag:s8] =	dma.local @!p0 [hbm:s6], $0xF7A  }
0x23: {  	s9 =	sor.u32 $0xD0000000, s2;
	s6 =	simm.s32 $0x108;
	_ =	swait.ge @!p0 [sflag:s8], $0x0  }
0x24: {  	s3 =	sadd.s32 $0x88, s3;
	s6 =	simm.s32 @!p1 $0x1082;
	[sflag:s4] =	ssyncset.s32 $0xFFFFF086  }
0x25: {  	[simem:s6], [sflag:s4] =	dma.local [hbm:s3], $0xF7A  }
0x26: {  	[smem:$0x3F9B] =	sst s1;
	(tag) =	ssettag s2;
	_ =	strace s9  }
0x27: {  	s1 =	sld [smem:$0x3FAB]  }
0x28: {  	s2 =	sld [smem:$0x3FAC]  }
0x29: {  	s4 =	sld [smem:$0x3FAE]  }
0x2a: {  	p0 =	seq.s32 s5, $0x0;
	s5 =	sld [smem:$0x3FAF]  }
0x2b: {  	s6 =	sld [smem:$0x3FB0]  }
0x2c: {  	s7 =	sld [smem:$0x3FB1]  }
0x2d: {  	s3 =	simm.s32 $0x108;
	s8 =	sld [smem:$0x3FB2]  }
0x2e: {  	s3 =	simm.s32 @!p0 $0x1082;
	s9 =	sld [smem:$0x3FB3]  }
0x2f: {  	lr =	sadd.s32 s0, s3;
	s0 =	sld [smem:$0x3FAA]  }
0x30: {  	s3 =	sld [smem:$0x3FAD]  }
0x31: {  	[smem:$0x3FB6] =	sst s10  }
0x32: {  	s10 =	sld [smem:$0x3FB4];
	_ =	sdelay $0x3  }
0x33: {  	p0 =	seq.s32 s10, $0x1;
	s10 =	sld [smem:$0x3FB6];
	_ =	sdelay $0x3  }
0x34: {  	[smem:$0x3FB6] =	sst s10  }
0x35: {  	s10 =	sld [smem:$0x3FB5];
	_ =	sdelay $0x3  }
0x36: {  	p1 =	seq.s32 s10, $0x1;
	s10 =	sld [smem:$0x3FB6];
	_ =	sdelay $0x3  }
0x37: {  	[smem:$0x3FB6] =	sst s10  }
0x38: {  	s10 =	sld [smem:$0x3FB7]  }
0x39: {  	_ = 	snop;
	(pc) =	sbr.ind lr, $3  }
0x3a: {  	_ = 	snop  }
0x3b: {  	_ = 	snop  }
0x3c: {  	p2 =	seq.s32 s10, $0x1;
	s10 =	sld [smem:$0x3FB6]  }
0x3d: {  	_ =	shalt  }
0x3e: {  	_ =	shalt  }
0x3f: {  	_ =	shalt  }
0x40: {  	_ =	shalt  }
0x41: {  	_ =	shalt  }
0x42: {  	_ =	shalt  }
0x43: {  	_ =	shalt  }
0x44: {  	_ =	shalt  }
0x45: {  	_ =	shalt  }
0x46: {  	_ =	shalt  }
0x47: {  	_ =	shalt  }
0x48: {  	_ =	shalt  }
0x49: {  	_ =	shalt  }
0x4a: {  	_ =	shalt  }
0x4b: {  	_ =	shalt  }
0x4c: {  	_ =	shalt  }
0x4d: {  	_ =	shalt  }
0x4e: {  	_ =	shalt  }
0x4f: {  	_ =	shalt  }
0x50: {  	_ =	shalt  }
0x51: {  	_ =	shalt  }
0x52: {  	_ =	shalt  }
0x53: {  	_ =	shalt  }
0x54: {  	_ =	shalt  }
0x55: {  	_ =	shalt  }
0x56: {  	_ =	shalt  }
0x57: {  	_ =	shalt  }
0x58: {  	_ =	shalt  }
0x59: {  	_ =	shalt  }
0x5a: {  	_ =	shalt  }
0x5b: {  	_ =	shalt  }
0x5c: {  	_ =	shalt  }
0x5d: {  	_ =	shalt  }
0x5e: {  	_ =	shalt  }
0x5f: {  	_ =	shalt  }
0x60: {  	_ =	shalt  }
0x61: {  	_ =	shalt  }
0x62: {  	_ =	shalt  }
0x63: {  	_ =	shalt  }
0x64: {  	_ =	shalt  }
0x65: {  	_ =	shalt  }
0x66: {  	_ =	shalt  }
0x67: {  	_ =	shalt  }
0x68: {  	_ =	shalt  }
0x69: {  	_ =	shalt  }
0x6a: {  	_ =	shalt  }
0x6b: {  	_ =	shalt  }
0x6c: {  	_ =	shalt  }
0x6d: {  	_ =	shalt  }
0x6e: {  	_ =	shalt  }
0x6f: {  	_ =	shalt  }
0x70: {  	_ =	shalt  }
0x71: {  	_ =	shalt  }
0x72: {  	_ =	shalt  }
0x73: {  	_ =	shalt  }
0x74: {  	_ =	shalt  }
0x75: {  	_ =	shalt  }
0x76: {  	_ =	shalt  }
0x77: {  	_ =	shalt  }
0x78: {  	_ =	shalt  }
0x79: {  	_ =	shalt  }
0x7a: {  	_ =	shalt  }
0x7b: {  	_ =	shalt  }
0x7c: {  	_ =	shalt  }
0x7d: {  	_ =	shalt  }
0x7e: {  	_ =	shalt  }
0x7f: {  	_ =	shalt  }
0x80: {  	_ =	shalt  }
0x81: {  	_ =	shalt  }
0x82: {  	_ =	shalt  }
0x83: {  	_ =	shalt  }
0x84: {  	_ =	shalt  }
0x85: {  	_ =	shalt  }
0x86: {  	_ =	shalt  }
0x87: {  	_ =	shalt  }
.Lfunc_end0:
.L_simem_size_0:
called_computation.1_lowered:
.L_overlay_start_0:
0x88: {  	s2 =	sld [smem:$0x3FD9]  }
0x89: {  	s3 =	sld [smem:$0x3FFE];
	_ =	sdelay $0x1  }
0x8a: {  	s1 =	srdreg.scid  }
0x8b: {  	s0 =	sand.u32 $0x1, s1  }
0x8c: {  	s16 =	sshll.u32 s0, $0xA;
	s2 =	sadd.s32 s3, s2  }
0x8d: {  	s2 =	sadd.s32 s2, s16  }
0x8e: {  	[smem:$0x3FC2] =	sst s2  }
0x8f: {  	_ = 	snop  }
0x90: {  	(tm) =	ssettm $0x1  }
0x91: {  	s17 =	sld [smem:$0x3FFB];
	_ =	sdelay $0x3  }
0x92: {  	_ =	strace s17  }
0x93: {  	s2 =	sld [smem:$0x3FFC];
	_ =	sdelay $0x3  }
0x94: {  	_ =	strace s2  }
0x95: {  	s2 =	sld [smem:$0x3FFD];
	_ =	sdelay $0x3  }
0x96: {  	_ =	strace s2  }
0x97: {  	_ =	strace $0x8FFFFFFF  }
0x98: {  	s18 =	sld [smem:$0x3FDB];
	_ =	sdelay $0x1  }
0x99: {  	s19 =	simm.s32 $_scs_section_size  }
0x9a: {  	s4 =	simm.s32 $_size__tile_overlayer_lowered;
	s5 =	simm.s32 $_tile_overlayer_lowered  }
0x9b: {  	s22 =	simm.s32 $0x1BFF;
	s21 =	sshll.u32 s5, $0x1;
	s2 =	sadd.s32 s19, s18  }
0x9c: {  	s6 =	simm.s32 $0x0;
	s20 =	sshll.u32 s4, $0x1;
	s4 =	sadd.s32 s21, s2  }
0x9d: {  	[timem:s6], [sflag:s22] =	dma.local [hbm:s4], s20  }
0x9e: {  	_ =	swait.ge [sflag:s22], s20  }
0x9f: {  	s3 =	ssub.s32 $0x0, s20;
	[sflag:s22] =	ssyncset.done $0x0  }
0xa0: {  	[sflag:s22] =	ssyncadd.s32 s3;
	_ =	sdelay $0x1  }
0xa1: {  	s23 =	simm.s32 $0x1B8B  }
0xa2: {  	_ =	swait.ge [sflag:s23], $0x1  }
0xa3: {  	[sflag:s23] =	ssyncset.done $0x0  }
0xa4: {  	s25 =	simm.s32 $0x1B8E;
	s24 =	sld [smem:$0x3FFE];
	[sflag:s23] =	ssyncadd.s32 $0xFFFFFFFF  }
0xa5: {  	s26 =	simm.s32 $execute0_lowered;
	[smem:$0x3FD2] =	sst s25  }
0xa6: {  	s4 =	sshll.u32 s26, $0x1;
	_ =	strace $0x80000049;
	[dreg:$0x1] =	wrdreg $0xFFFFFFFF  }
0xa7: {  	s28 =	simm.s32 $_size_execute0_lowered;
	s2 =	sadd.s32 s2, s4;
	[dreg:$0x0] =	wrdreg $0x0  }
0xa8: {  	s4 =	sshll.u32 s28, $0x1;
	[dreg:$0x2] =	wrdreg s2  }
0xa9: {  	[dreg:$0x3] =	wrdreg s4  }
0xaa: {  	[dreg:$0x4] =	wrdreg $0xC0  }
0xab: {  	_ =	task [dreg:s6], $0x5FFFF  }
0xac: {  	[dreg:$0x1] =	wrdreg $0xFFFFFFFF  }
0xad: {  	[dreg:$0x0] =	wrdreg $0x60  }
0xae: {  	[dreg:$0x2] =	wrdreg s24  }
0xaf: {  	[dreg:$0x3] =	wrdreg $0x90000  }
0xb0: {  	[dreg:$0x4] =	wrdreg $0x9  }
0xb1: {  	_ =	task.clear_ibuf [dreg:s6], $0x5FFFF;
	_ =	strace $0x90000049  }
0xb2: {  	s29 =	simm.s32 $0x9;
	_ =	strace $0x8000004B  }
0xb3: {  	_ =	swait.ge [sflag:s29], $0x1  }
0xb4: {  	[sflag:s29] =	ssyncadd.s32 $0xFFFFFFFF  }
0xb5: {  	_ =	strace $0x9000004B  }
0xb6: {  	_ =	sfence  }
0xb7: {  	s30 =	sld [smem:$0x0];
	_ =	sdelay $0x2  }
0xb8: {  	s31 =	sshll.u32 s1, $0xD;
	s1 =	sshrl.u32 s1, $0x2  }
0xb9: {  	s3 =	sand.u32 $0x4000, s31;
	s1 =	sadd.s32 s1, s30  }
0xba: {  	s0 =	sor.u32 s3, s0;
	s1 =	sshll.u32 s1, $0x11  }
0xbb: {  	s0 =	sor.u32 s1, s0  }
0xbc: {  	s0 =	sadd.s32 $0x8F2B, s0  }
0xbd: {  	[sflag:s0] =	ssyncadd.remote.s32 $0x1  }
0xbe: {  	_ =	sfence.sel $0xFFFF  }
0xbf: {  	[dreg:$0x0] =	wrdreg $0xFFFFFFFF;
	(pc) =	sbr.abs _section_cstart, $3  }
0xc0: {  	[dreg:$0x1] =	wrdreg $0xFFFFFFFF  }
0xc1: {  	_ =	task.clear_ibuf [dreg:s6], $0x2FFFF;
	_ =	strace $0x9FFFFFFF  }
0xc2: {  	(tm) =	ssettm $0x7FFFFFFF  }
0xc3: {  	_ =	shalt  }
tec
execute0_lowered:
.L_overlay_start_1:
0x0: {  	(tag) =	ssettag $0x1  }
0x1: {  	s6 =	rddreg [dreg:$0x0]  }
0x2: {  	s1 =	rddreg [dreg:$0x1]  }
0x3: {  	s2 =	srdreg.scid;
	s0 =	rddreg [dreg:$0x2];
	s3 =	simm.s32 $0x0  }
0x4: {  	s14 =	simm.s32 $0x5000;
	s15 =	simm.s32 $0x1;
	s16 =	simm.s32 $0x2800  }
0x5: {  	s17 =	simm.s32 $0x80;
	s20 =	simm.s32 $0x0;
	s5 =	sand.u32 $0x1, s2  }
0x6: {  	s2 =	stileid.u32;
	[smem:$0x7FF] =	sst s3;
	s4 =	sshll.u32 s5, $0x4  }
0x7: {  	s8 =	smul.u32 $0x50000, s2;
	_ =	strace $0x8000004A;
	s10 =	ssub.s32 $0x2, s5  }
0x8: {  	s18 =	sshll.u32 s2, $0x6;
	s7 =	sor.u32 s2, s4;
	s4 =	sadd.s32 $0x11400, s6  }
0x9: {  	s31 =	sshrl.u32 s10, $0x1;
	s18 =	sor.u32 $0x1C01, s18;
	s9 =	smul.u32 $0x500, s7  }
0xa: {  	s7 =	smul.u32 $0x2800, s7;
	s30 =	sshrl.u32 s8, $0x2;
	s13 =	ssub.s32 s10, s31  }
0xb: {  	s5 =	sadd.s32 s30, s1;
	s13 =	smax.u32 s13, $0x1;
	s11 =	sadd.s32 s9, s6  }
0xc: {  	s12 =	sadd.s32 s7, s6;
	s6 =	sadd.s32 $0x4000, s5;
	s7 =	sadd.s32 $0x8000, s5  }
0xd: {  	s8 =	sadd.s32 $0xC000, s5;
	s9 =	sadd.s32 $0x10000, s5;
	s19 =	sshrl.u32 s5, $0x3  }
0xe: {  	v0 =	vimm.f32 $0.0e+00;
	s10 =	sadd.s32 $0x61400, s11;
	s11 =	sadd.s32 $0x7400, s11;
	s12 =	sadd.s32 $0x6CC00, s12  }
.LBB2_1:
0xf: {  	s21 =	sand.u32 $0xFE00, s3  }
0x10: {  	s22 =	sand.u32 $0x70, s3;
	s23 =	sshrl.u32 s21, $0x2  }
0x11: {  	s21 =	simm.s32 $0x40;
	s23 =	sor.u32 s22, s23;
	s22 =	simm.s32 $0x0  }
.LBB2_2:
0x12: {  	p0 =	sne.s32 s21, $0xFFC0  }
0x13: {  	[tilespmem:s23+$0x5000] =	vst v0;
	s22 =	sadd.s32 $0x10, s22;
	s23 =	smov.u32 s21;
	s21 =	sadd.s32 $0x40, s21  }
.Ltmp0:
0x14: {  	(pc) =	sbr.rel @p0 .LBB2_2-.Ltmp0, $4  }
0x15: {  	_ = 	snop  }
0x16: {  	s23 =	sand.u32 $0xFE00, s23  }
0x17: {  	s24 =	sand.u32 $0x70, s22;
	s23 =	sshrl.u32 s23, $0x2  }
0x18: {  	s23 =	sor.u32 s24, s23  }
0x19: {  	[tilespmem:s23+$0x5000] =	vst v0  }
0x1a: {  	[spmem:s5] =	stream.linear.scatter [tilespmem:s14], [sflag:$0x1], $0x4000, $0x38;
	[tilespmem:$0x1D000] =	vst v63  }
0x1b: {  	_ =	swait.ge [sflag:s15], $0x4000  }
0x1c: {  	[sflag:s15] =	ssyncset.done $0x0  }
0x1d: {  	[sflag:s15] =	ssyncadd.s32 $0xFFFFC000  }
0x1e: {  	[spmem:s6] =	stream.linear.scatter [tilespmem:s14], [sflag:$0x1], $0x4000, $0x38;
	[tilespmem:$0x1D000] =	vst v63  }
0x1f: {  	_ =	swait.ge [sflag:s15], $0x4000  }
0x20: {  	[sflag:s15] =	ssyncset.done $0x0  }
0x21: {  	[sflag:s15] =	ssyncadd.s32 $0xFFFFC000  }
0x22: {  	[spmem:s7] =	stream.linear.scatter [tilespmem:s14], [sflag:$0x1], $0x4000, $0x38;
	[tilespmem:$0x1D000] =	vst v63  }
0x23: {  	_ =	swait.ge [sflag:s15], $0x4000  }
0x24: {  	[sflag:s15] =	ssyncset.done $0x0  }
0x25: {  	[sflag:s15] =	ssyncadd.s32 $0xFFFFC000  }
0x26: {  	[spmem:s8] =	stream.linear.scatter [tilespmem:s14], [sflag:$0x1], $0x4000, $0x38;
	[tilespmem:$0x1D000] =	vst v63  }
0x27: {  	_ =	swait.ge [sflag:s15], $0x4000  }
0x28: {  	[sflag:s15] =	ssyncset.done $0x0  }
0x29: {  	[sflag:s15] =	ssyncadd.s32 $0xFFFFC000  }
0x2a: {  	[spmem:s9] =	stream.linear.scatter [tilespmem:s14], [sflag:$0x1], $0x4000, $0x38;
	[tilespmem:$0x1D000] =	vst v63  }
0x2b: {  	_ =	swait.ge [sflag:s15], $0x4000  }
0x2c: {  	[sflag:s15] =	ssyncset.done $0x0  }
0x2d: {  	[sflag:s15] =	ssyncadd.s32 $0xFFFFC000  }
0x2e: {  	s21 =	simm.s32 $0x0;
	[bflag:$0x0] =	sbarrier.arrive $0xFFFF  }
0x2f: {  	[tilespmem:s21], [sflag:$0x1] =	stream.linear.gather [hbm4b:s10+s21], $0x2780, $0x38;
	[tilespmem:$0x1D000] =	vst v63  }
0x30: {  	_ =	swait.ge [sflag:s15], $0x2780  }
0x31: {  	[sflag:s15] =	ssyncset.done $0x0  }
0x32: {  	[sflag:s15] =	ssyncadd.s32 $0xFFFFD880  }
0x33: {  	[tilespmem:s16], [sflag:$0x1] =	stream.linear.gather [hbm4b:s11+s21], $0x2780, $0x38;
	[tilespmem:$0x1D000] =	vst v63  }
0x34: {  	_ =	swait.ge [sflag:s15], $0x2780  }
0x35: {  	[sflag:s15] =	ssyncset.done $0x0  }
0x36: {  	[sflag:s15] =	ssyncadd.s32 $0xFFFFD880  }
0x37: {  	s30 =	simm.s32 $0x0;
	[bflag:$0x0] =	sbarrier.arrive $0xFFFF  }
0x38: {  	[tilespmem:s14], [sflag:$0x1] =	stream.indirect.gather [hbm4b:s4+s17], $0x80, s30, s17, $0xb8;
	[tilespmem:$0x1D000] =	vst v63  }
0x39: {  	_ =	swait.ge [sflag:s15], $0x4000  }
0x3a: {  	[sflag:s15] =	ssyncset.done $0x0  }
0x3b: {  	s31 =	simm.s32 $0x2800;
	[sflag:s15] =	ssyncadd.s32 $0xFFFFC000  }
0x3c: {  	[spmem:s1] =	stream.indirect.scatter.add.f32 [tilespmem:s14], [sflag:$0x1], $0x80, s31, s17, $0xb8;
	[tilespmem:$0x1D000] =	vst v63  }
0x3d: {  	_ =	swait.ge [sflag:s15], $0x4000  }
0x3e: {  	s22 =	simm.s32 $0x400;
	s21 =	simm.s32 $0x200;
	[sflag:s15] =	ssyncset.done $0x0  }
.LBB2_4:
0x3f: {  	s23 =	sshra.s32 s21, $0x2  }
0x40: {  	[sflag:s15] =	ssyncadd.s32 $0xFFFFC000;
	s21 =	smov.u32 s22;
	s24 =	sadd.s32 $0x200, s22  }
0x41: {  	[tilespmem:s14], [sflag:$0x1] =	stream.indirect.gather [hbm4b:s4+s17], $0x80, s23, s17, $0xb8;
	[tilespmem:$0x1D000] =	vst v63  }
0x42: {  	p0 =	sne.s32 s22, $0x9C00;
	_ =	swait.ge [sflag:s15], $0x4000  }
.Ltmp1:
0x43: {  	[sflag:s15] =	ssyncset.done $0x0;
	(pc) =	sbr.rel @p0 .LBB2_4-.Ltmp1, $4  }
0x44: {  	s22 =	sadd.s32 $0x2800, s23;
	[sflag:s15] =	ssyncadd.s32 $0xFFFFC000  }
0x45: {  	[spmem:s1] =	stream.indirect.scatter.add.f32 [tilespmem:s14], [sflag:$0x1], $0x80, s22, s17, $0xb8;
	[tilespmem:$0x1D000] =	vst v63  }
0x46: {  	_ =	swait.ge [sflag:s15], $0x4000  }
0x47: {  	s22 =	smov.u32 s24;
	[sflag:s15] =	ssyncset.done $0x0  }
0x48: {  	s21 =	sshra.s32 s21, $0x2;
	[sflag:s15] =	ssyncadd.s32 $0xFFFFC000  }
0x49: {  	[tilespmem:s14], [sflag:$0x1] =	stream.indirect.gather [hbm4b:s4+s17], $0x80, s21, s17, $0xb8;
	[tilespmem:$0x1D000] =	vst v63  }
0x4a: {  	_ =	swait.ge [sflag:s15], $0x4000  }
0x4b: {  	[sflag:s15] =	ssyncset.done $0x0  }
0x4c: {  	s21 =	sadd.s32 $0x2800, s21;
	[sflag:s15] =	ssyncadd.s32 $0xFFFFC000  }
0x4d: {  	[spmem:s1] =	stream.indirect.scatter.add.f32 [tilespmem:s14], [sflag:$0x1], $0x80, s21, s17, $0xb8;
	[tilespmem:$0x1D000] =	vst v63  }
0x4e: {  	_ =	swait.ge [sflag:s15], $0x4000  }
0x4f: {  	s20 =	sadd.s32 $0x1, s20;
	[sflag:s15] =	ssyncset.done $0x0  }
0x50: {  	p0 =	sne.s32 s20, s13;
	[sflag:s15] =	ssyncadd.s32 $0xFFFFC000  }
.Ltmp2:
0x51: {  	[bflag:$0x0] =	sbarrier.arrive $0xFFFF;
	(pc) =	sbr.rel @p0 .LBB2_1-.Ltmp2, $4  }
0x52: {  	[hbm:s12], [sflag:s18] =	dma.local [spmem:s19], $0x2800  }
0x53: {  	_ =	swait.ge [sflag:s15], $0x2800  }
0x54: {  	[sflag:s15] =	ssyncset.done $0x0  }
0x55: {  	[sflag:s15] =	ssyncadd.s32 $0xFFFFD800  }
0x56: {  	_ =	sfence.sel $0x180000  }
0x57: {  	[bflag:$0x0] =	sbarrier.arrive $0xFFFF  }
0x58: {  	p0 =	sne.s32 s2, $0x0;
	_ =	strace $0x9000004A  }
0x59: {  	s0 =	sadd.s32 @!p0 $0x100000, s0;
	[bflag:$0x2] =	sbarrier.arrive $0xFFFF  }
0x5a: {  	[sflag:s0] =	ssyncadd.tile.s32 @!p0 $0x1;
	_ =	shalt  }
.Lfunc_end2:
_tile_overlayer_lowered:
.L_overlay_start_2:
0x5b: {  	(tag) =	ssettag $0x2  }
0x5c: {  	s0 =	rddreg [dreg:$0x0];
	s2 =	stileid.u32  }
0x5d: {  	s1 =	rddreg [dreg:$0x1];
	p0 =	sne.s32 s2, $0x0  }
0x5e: {  	s3 =	rddreg [dreg:$0x2];
	[bflag:$0x3] =	sbarrier.arrive $0xFFFF;
	s2 =	simm.s32 @!p0 $0x1C01  }
0x5f: {  	[timem:s3], [sflag:s2] =	dma.local @!p0 [hbm:s0], s1  }
0x60: {  	s0 =	simm.s32 @!p0 $0x1  }
0x61: {  	_ =	swait.ge @!p0 [sflag:s0], s1  }
0x62: {  	s1 =	ssub.s32 @!p0 $0x0, s1;
	[sflag:s0] =	ssyncset.done @!p0 $0x0  }
0x63: {  	[sflag:s0] =	ssyncadd.s32 @!p0 s1  }
0x64: {  	[bflag:$0x3] =	sbarrier.arrive $0xFFFF  }
0x65: {  	_ =	shalt  }

// kernel: kernel.28.cloned.1.call-start
scs
__scs_entry_jumppad:
0x0: {  	(pc) =	sbr.rel $0x88, $3  }
0x1: {  	(tag) =	ssettag $0x0;
	lr =	simm.s32 $0x1  }
0x2: {  	[smem:$0x3F9B] =	sst lr;
	_ =	strace $0xD0000000  }
0x3: {  	_ = 	snop  }
0x4: {  	_ = 	snop  }
0x5: {  	_ = 	snop  }
0x6: {  	_ = 	snop  }
0x7: {  	_ = 	snop  }
__scs_overlays_trampoline_lowered:
0x8: {  	[smem:$0x3FAA] =	sst s0  }
0x9: {  	[smem:$0x3FAB] =	sst s1  }
0xa: {  	[smem:$0x3FAC] =	sst s2  }
0xb: {  	[smem:$0x3FAD] =	sst s3  }
0xc: {  	[smem:$0x3FAE] =	sst s4  }
0xd: {  	[smem:$0x3FAF] =	sst s5  }
0xe: {  	[smem:$0x3FB0] =	sst s6  }
0xf: {  	[smem:$0x3FB1] =	sst s7  }
0x10: {  	[smem:$0x3FB2] =	sst s8  }
0x11: {  	[smem:$0x3FB3] =	sst s9;
	s0 =	simm.s32 @!p0 $0x0  }
0x12: {  	s1 =	sld [smem:$0x3F99];
	s0 =	simm.s32 @p0 $0x1  }
0x13: {  	[smem:$0x3FB4] =	sst s0;
	s0 =	simm.s32 @!p1 $0x0  }
0x14: {  	s2 =	sld [smem:$0x3F98];
	s0 =	simm.s32 @p1 $0x1  }
0x15: {  	[smem:$0x3FB5] =	sst s0;
	s0 =	simm.s32 @!p2 $0x0  }
0x16: {  	s3 =	sld [smem:$0x3FDB];
	s0 =	simm.s32 @p2 $0x1  }
0x17: {  	s4 =	simm.s32 $0x1BF5;
	[smem:$0x3FB7] =	sst s0  }
0x18: {  	s0 =	sld [smem:$0x3F9A];
	_ =	swait.ge [sflag:s4], $0x0  }
0x19: {  	s7 =	sld [smem:$0x3F9B]  }
0x1a: {  	s8 =	sadd.s32 $0xFFFFE003, lr  }
0x1b: {  	s9 =	sadd.s32 $0xFFFFFEF7, lr;
	s5 =	simm.s32 $0xFFFFFFFF;
	p2 =	slt.u32 s8, $0xFFFFF086  }
0x1c: {  	p1 =	slt.u32 s9, $0xF7A;
	s5 =	simm.s32 @!p2 $0x0  }
0x1d: {  	s5 =	simm.s32 @p1 $0x1;
	p0 =	seq.s32 s7, s2  }
0x1e: {  	s7 =	smul.u32 @!p0 $0xF7A, s2;
	p2 =	seq.s32 @!p0 s5, $0x0  }
0x1f: {  	s9 =	smul.u32 $0xF7A, s1;
	s8 =	simm.s32 @!p0 $0x1BF5;
	p2 =	por !p2, p0  }
0x20: {  	[sflag:s8] =	ssyncset.s32 @!p0 $0xFFFFF086;
	s6 =	sadd.s32 @!p0 s3, s7;
	s7 =	simm.s32 @!p0 $0x108  }
0x21: {  	s3 =	sadd.s32 s3, s9;
	s6 =	sadd.s32 @!p0 $0x88, s6;
	s7 =	simm.s32 @p2 $0x1082  }
0x22: {  	[simem:s7], [sflag:s8] =	dma.local @!p0 [hbm:s6], $0xF7A  }
0x23: {  	s9 =	sor.u32 $0xD0000000, s2;
	s6 =	simm.s32 $0x108;
	_ =	swait.ge @!p0 [sflag:s8], $0x0  }
0x24: {  	s3 =	sadd.s32 $0x88, s3;
	s6 =	simm.s32 @!p1 $0x1082;
	[sflag:s4] =	ssyncset.s32 $0xFFFFF086  }
0x25: {  	[simem:s6], [sflag:s4] =	dma.local [hbm:s3], $0xF7A  }
0x26: {  	[smem:$0x3F9B] =	sst s1;
	(tag) =	ssettag s2;
	_ =	strace s9  }
0x27: {  	s1 =	sld [smem:$0x3FAB]  }
0x28: {  	s2 =	sld [smem:$0x3FAC]  }
0x29: {  	s4 =	sld [smem:$0x3FAE]  }
0x2a: {  	p0 =	seq.s32 s5, $0x0;
	s5 =	sld [smem:$0x3FAF]  }
0x2b: {  	s6 =	sld [smem:$0x3FB0]  }
0x2c: {  	s7 =	sld [smem:$0x3FB1]  }
0x2d: {  	s3 =	simm.s32 $0x108;
	s8 =	sld [smem:$0x3FB2]  }
0x2e: {  	s3 =	simm.s32 @!p0 $0x1082;
	s9 =	sld [smem:$0x3FB3]  }
0x2f: {  	lr =	sadd.s32 s0, s3;
	s0 =	sld [smem:$0x3FAA]  }
0x30: {  	s3 =	sld [smem:$0x3FAD]  }
0x31: {  	[smem:$0x3FB6] =	sst s10  }
0x32: {  	s10 =	sld [smem:$0x3FB4];
	_ =	sdelay $0x3  }
0x33: {  	p0 =	seq.s32 s10, $0x1;
	s10 =	sld [smem:$0x3FB6];
	_ =	sdelay $0x3  }
0x34: {  	[smem:$0x3FB6] =	sst s10  }
0x35: {  	s10 =	sld [smem:$0x3FB5];
	_ =	sdelay $0x3  }
0x36: {  	p1 =	seq.s32 s10, $0x1;
	s10 =	sld [smem:$0x3FB6];
	_ =	sdelay $0x3  }
0x37: {  	[smem:$0x3FB6] =	sst s10  }
0x38: {  	s10 =	sld [smem:$0x3FB7]  }
0x39: {  	_ = 	snop;
	(pc) =	sbr.ind lr, $3  }
0x3a: {  	_ = 	snop  }
0x3b: {  	_ = 	snop  }
0x3c: {  	p2 =	seq.s32 s10, $0x1;
	s10 =	sld [smem:$0x3FB6]  }
0x3d: {  	_ =	shalt  }
0x3e: {  	_ =	shalt  }
0x3f: {  	_ =	shalt  }
0x40: {  	_ =	shalt  }
0x41: {  	_ =	shalt  }
0x42: {  	_ =	shalt  }
0x43: {  	_ =	shalt  }
0x44: {  	_ =	shalt  }
0x45: {  	_ =	shalt  }
0x46: {  	_ =	shalt  }
0x47: {  	_ =	shalt  }
0x48: {  	_ =	shalt  }
0x49: {  	_ =	shalt  }
0x4a: {  	_ =	shalt  }
0x4b: {  	_ =	shalt  }
0x4c: {  	_ =	shalt  }
0x4d: {  	_ =	shalt  }
0x4e: {  	_ =	shalt  }
0x4f: {  	_ =	shalt  }
0x50: {  	_ =	shalt  }
0x51: {  	_ =	shalt  }
0x52: {  	_ =	shalt  }
0x53: {  	_ =	shalt  }
0x54: {  	_ =	shalt  }
0x55: {  	_ =	shalt  }
0x56: {  	_ =	shalt  }
0x57: {  	_ =	shalt  }
0x58: {  	_ =	shalt  }
0x59: {  	_ =	shalt  }
0x5a: {  	_ =	shalt  }
0x5b: {  	_ =	shalt  }
0x5c: {  	_ =	shalt  }
0x5d: {  	_ =	shalt  }
0x5e: {  	_ =	shalt  }
0x5f: {  	_ =	shalt  }
0x60: {  	_ =	shalt  }
0x61: {  	_ =	shalt  }
0x62: {  	_ =	shalt  }
0x63: {  	_ =	shalt  }
0x64: {  	_ =	shalt  }
0x65: {  	_ =	shalt  }
0x66: {  	_ =	shalt  }
0x67: {  	_ =	shalt  }
0x68: {  	_ =	shalt  }
0x69: {  	_ =	shalt  }
0x6a: {  	_ =	shalt  }
0x6b: {  	_ =	shalt  }
0x6c: {  	_ =	shalt  }
0x6d: {  	_ =	shalt  }
0x6e: {  	_ =	shalt  }
0x6f: {  	_ =	shalt  }
0x70: {  	_ =	shalt  }
0x71: {  	_ =	shalt  }
0x72: {  	_ =	shalt  }
0x73: {  	_ =	shalt  }
0x74: {  	_ =	shalt  }
0x75: {  	_ =	shalt  }
0x76: {  	_ =	shalt  }
0x77: {  	_ =	shalt  }
0x78: {  	_ =	shalt  }
0x79: {  	_ =	shalt  }
0x7a: {  	_ =	shalt  }
0x7b: {  	_ =	shalt  }
0x7c: {  	_ =	shalt  }
0x7d: {  	_ =	shalt  }
0x7e: {  	_ =	shalt  }
0x7f: {  	_ =	shalt  }
0x80: {  	_ =	shalt  }
0x81: {  	_ =	shalt  }
0x82: {  	_ =	shalt  }
0x83: {  	_ =	shalt  }
0x84: {  	_ =	shalt  }
0x85: {  	_ =	shalt  }
0x86: {  	_ =	shalt  }
0x87: {  	_ =	shalt  }
.Lfunc_end0:
.L_simem_size_0:
called_computation.2_lowered:
.L_overlay_start_0:
0x88: {  	s2 =	sld [smem:$0x3FD9]  }
0x89: {  	s3 =	sld [smem:$0x3FFE];
	_ =	sdelay $0x1  }
0x8a: {  	s1 =	srdreg.scid  }
0x8b: {  	s0 =	sand.u32 $0x1, s1  }
0x8c: {  	s16 =	sshll.u32 s0, $0xA;
	s2 =	sadd.s32 s3, s2  }
0x8d: {  	s2 =	sadd.s32 s2, s16  }
0x8e: {  	[smem:$0x3FC2] =	sst s2  }
0x8f: {  	_ = 	snop  }
0x90: {  	(tm) =	ssettm $0x1  }
0x91: {  	s17 =	sld [smem:$0x3FFB];
	_ =	sdelay $0x3  }
0x92: {  	_ =	strace s17  }
0x93: {  	s2 =	sld [smem:$0x3FFC];
	_ =	sdelay $0x3  }
0x94: {  	_ =	strace s2  }
0x95: {  	s2 =	sld [smem:$0x3FFD];
	_ =	sdelay $0x3  }
0x96: {  	_ =	strace s2  }
0x97: {  	_ =	strace $0x8FFFFFFF  }
0x98: {  	s18 =	sld [smem:$0x3FDB];
	_ =	sdelay $0x1  }
0x99: {  	s19 =	simm.s32 $_scs_section_size  }
0x9a: {  	s4 =	simm.s32 $_size__tile_overlayer_lowered;
	s5 =	simm.s32 $_tile_overlayer_lowered  }
0x9b: {  	s22 =	simm.s32 $0x1BFF;
	s21 =	sshll.u32 s5, $0x1;
	s2 =	sadd.s32 s19, s18  }
0x9c: {  	s6 =	simm.s32 $0x0;
	s20 =	sshll.u32 s4, $0x1;
	s4 =	sadd.s32 s21, s2  }
0x9d: {  	[timem:s6], [sflag:s22] =	dma.local [hbm:s4], s20  }
0x9e: {  	_ =	swait.ge [sflag:s22], s20  }
0x9f: {  	s3 =	ssub.s32 $0x0, s20;
	[sflag:s22] =	ssyncset.done $0x0  }
0xa0: {  	[sflag:s22] =	ssyncadd.s32 s3;
	_ =	sdelay $0x1  }
0xa1: {  	s23 =	simm.s32 $0x1B8B  }
0xa2: {  	_ =	swait.ge [sflag:s23], $0x1  }
0xa3: {  	[sflag:s23] =	ssyncset.done $0x0  }
0xa4: {  	s25 =	simm.s32 $0x1B8E;
	s24 =	sld [smem:$0x3FFE];
	[sflag:s23] =	ssyncadd.s32 $0xFFFFFFFF  }
0xa5: {  	s26 =	simm.s32 $execute0_lowered;
	[smem:$0x3FD2] =	sst s25  }
0xa6: {  	s4 =	sshll.u32 s26, $0x1;
	_ =	strace $0x8000004C;
	[dreg:$0x1] =	wrdreg $0xFFFFFFFF  }
0xa7: {  	s28 =	simm.s32 $_size_execute0_lowered;
	s2 =	sadd.s32 s2, s4;
	[dreg:$0x0] =	wrdreg $0x0  }
0xa8: {  	s4 =	sshll.u32 s28, $0x1;
	[dreg:$0x2] =	wrdreg s2  }
0xa9: {  	[dreg:$0x3] =	wrdreg s4  }
0xaa: {  	[dreg:$0x4] =	wrdreg $0xC0  }
0xab: {  	_ =	task [dreg:s6], $0x5FFFF  }
0xac: {  	[dreg:$0x1] =	wrdreg $0xFFFFFFFF  }
0xad: {  	[dreg:$0x0] =	wrdreg $0x60  }
0xae: {  	[dreg:$0x2] =	wrdreg s24  }
0xaf: {  	[dreg:$0x3] =	wrdreg $0x90000  }
0xb0: {  	[dreg:$0x4] =	wrdreg $0x9  }
0xb1: {  	_ =	task.clear_ibuf [dreg:s6], $0x5FFFF;
	_ =	strace $0x9000004C  }
0xb2: {  	s29 =	simm.s32 $0x9;
	_ =	strace $0x8000004E  }
0xb3: {  	_ =	swait.ge [sflag:s29], $0x1  }
0xb4: {  	[sflag:s29] =	ssyncadd.s32 $0xFFFFFFFF  }
0xb5: {  	_ =	strace $0x9000004E  }
0xb6: {  	_ =	sfence  }
0xb7: {  	s30 =	sld [smem:$0x0];
	_ =	sdelay $0x2  }
0xb8: {  	s31 =	sshll.u32 s1, $0xD;
	s1 =	sshrl.u32 s1, $0x2  }
0xb9: {  	s3 =	sand.u32 $0x4000, s31;
	s1 =	sadd.s32 s1, s30  }
0xba: {  	s0 =	sor.u32 s3, s0;
	s1 =	sshll.u32 s1, $0x11  }
0xbb: {  	s0 =	sor.u32 s1, s0  }
0xbc: {  	s0 =	sadd.s32 $0x8F2B, s0  }
0xbd: {  	[sflag:s0] =	ssyncadd.remote.s32 $0x1  }
0xbe: {  	_ =	sfence.sel $0xFFFF  }
0xbf: {  	[dreg:$0x0] =	wrdreg $0xFFFFFFFF;
	(pc) =	sbr.abs _section_cstart, $3  }
0xc0: {  	[dreg:$0x1] =	wrdreg $0xFFFFFFFF  }
0xc1: {  	_ =	task.clear_ibuf [dreg:s6], $0x2FFFF;
	_ =	strace $0x9FFFFFFF  }
0xc2: {  	(tm) =	ssettm $0x7FFFFFFF  }
0xc3: {  	_ =	shalt  }
tec
execute0_lowered:
.L_overlay_start_1:
0x0: {  	(tag) =	ssettag $0x1  }
0x1: {  	s6 =	rddreg [dreg:$0x0]  }
0x2: {  	s1 =	rddreg [dreg:$0x1]  }
0x3: {  	s2 =	srdreg.scid;
	s0 =	rddreg [dreg:$0x2];
	s3 =	simm.s32 $0x0  }
0x4: {  	s14 =	simm.s32 $0x5000;
	s15 =	simm.s32 $0x1;
	s16 =	simm.s32 $0x2800  }
0x5: {  	s17 =	simm.s32 $0x80;
	s20 =	simm.s32 $0x0;
	s5 =	sand.u32 $0x1, s2  }
0x6: {  	s2 =	stileid.u32;
	[smem:$0x7FF] =	sst s3;
	s4 =	sshll.u32 s5, $0x4  }
0x7: {  	s8 =	smul.u32 $0x50000, s2;
	_ =	strace $0x8000004D;
	s10 =	ssub.s32 $0x2, s5  }
0x8: {  	s18 =	sshll.u32 s2, $0x6;
	s7 =	sor.u32 s2, s4;
	s4 =	sadd.s32 $0x11400, s6  }
0x9: {  	s31 =	sshrl.u32 s10, $0x1;
	s18 =	sor.u32 $0x1C01, s18;
	s9 =	smul.u32 $0x500, s7  }
0xa: {  	s7 =	smul.u32 $0x2800, s7;
	s30 =	sshrl.u32 s8, $0x2;
	s13 =	ssub.s32 s10, s31  }
0xb: {  	s5 =	sadd.s32 s30, s1;
	s13 =	smax.u32 s13, $0x1;
	s11 =	sadd.s32 s9, s6  }
0xc: {  	s12 =	sadd.s32 s7, s6;
	s6 =	sadd.s32 $0x4000, s5;
	s7 =	sadd.s32 $0x8000, s5  }
0xd: {  	s8 =	sadd.s32 $0xC000, s5;
	s9 =	sadd.s32 $0x10000, s5;
	s19 =	sshrl.u32 s5, $0x3  }
0xe: {  	v0 =	vimm.f32 $0.0e+00;
	s10 =	sadd.s32 $0x61400, s11;
	s11 =	sadd.s32 $0x7400, s11;
	s12 =	sadd.s32 $0x6CC00, s12  }
.LBB2_1:
0xf: {  	s21 =	sand.u32 $0xFE00, s3  }
0x10: {  	s22 =	sand.u32 $0x70, s3;
	s23 =	sshrl.u32 s21, $0x2  }
0x11: {  	s21 =	simm.s32 $0x40;
	s23 =	sor.u32 s22, s23;
	s22 =	simm.s32 $0x0  }
.LBB2_2:
0x12: {  	p0 =	sne.s32 s21, $0xFFC0  }
0x13: {  	[tilespmem:s23+$0x5000] =	vst v0;
	s22 =	sadd.s32 $0x10, s22;
	s23 =	smov.u32 s21;
	s21 =	sadd.s32 $0x40, s21  }
.Ltmp0:
0x14: {  	(pc) =	sbr.rel @p0 .LBB2_2-.Ltmp0, $4  }
0x15: {  	_ = 	snop  }
0x16: {  	s23 =	sand.u32 $0xFE00, s23  }
0x17: {  	s24 =	sand.u32 $0x70, s22;
	s23 =	sshrl.u32 s23, $0x2  }
0x18: {  	s23 =	sor.u32 s24, s23  }
0x19: {  	[tilespmem:s23+$0x5000] =	vst v0  }
0x1a: {  	[spmem:s5] =	stream.linear.scatter [tilespmem:s14], [sflag:$0x1], $0x4000, $0x38;
	[tilespmem:$0x1D000] =	vst v63  }
0x1b: {  	_ =	swait.ge [sflag:s15], $0x4000  }
0x1c: {  	[sflag:s15] =	ssyncset.done $0x0  }
0x1d: {  	[sflag:s15] =	ssyncadd.s32 $0xFFFFC000  }
0x1e: {  	[spmem:s6] =	stream.linear.scatter [tilespmem:s14], [sflag:$0x1], $0x4000, $0x38;
	[tilespmem:$0x1D000] =	vst v63  }
0x1f: {  	_ =	swait.ge [sflag:s15], $0x4000  }
0x20: {  	[sflag:s15] =	ssyncset.done $0x0  }
0x21: {  	[sflag:s15] =	ssyncadd.s32 $0xFFFFC000  }
0x22: {  	[spmem:s7] =	stream.linear.scatter [tilespmem:s14], [sflag:$0x1], $0x4000, $0x38;
	[tilespmem:$0x1D000] =	vst v63  }
0x23: {  	_ =	swait.ge [sflag:s15], $0x4000  }
0x24: {  	[sflag:s15] =	ssyncset.done $0x0  }
0x25: {  	[sflag:s15] =	ssyncadd.s32 $0xFFFFC000  }
0x26: {  	[spmem:s8] =	stream.linear.scatter [tilespmem:s14], [sflag:$0x1], $0x4000, $0x38;
	[tilespmem:$0x1D000] =	vst v63  }
0x27: {  	_ =	swait.ge [sflag:s15], $0x4000  }
0x28: {  	[sflag:s15] =	ssyncset.done $0x0  }
0x29: {  	[sflag:s15] =	ssyncadd.s32 $0xFFFFC000  }
0x2a: {  	[spmem:s9] =	stream.linear.scatter [tilespmem:s14], [sflag:$0x1], $0x4000, $0x38;
	[tilespmem:$0x1D000] =	vst v63  }
0x2b: {  	_ =	swait.ge [sflag:s15], $0x4000  }
0x2c: {  	[sflag:s15] =	ssyncset.done $0x0  }
0x2d: {  	[sflag:s15] =	ssyncadd.s32 $0xFFFFC000  }
0x2e: {  	s21 =	simm.s32 $0x0;
	[bflag:$0x0] =	sbarrier.arrive $0xFFFF  }
0x2f: {  	[tilespmem:s21], [sflag:$0x1] =	stream.linear.gather [hbm4b:s10+s21], $0x2780, $0x38;
	[tilespmem:$0x1D000] =	vst v63  }
0x30: {  	_ =	swait.ge [sflag:s15], $0x2780  }
0x31: {  	[sflag:s15] =	ssyncset.done $0x0  }
0x32: {  	[sflag:s15] =	ssyncadd.s32 $0xFFFFD880  }
0x33: {  	[tilespmem:s16], [sflag:$0x1] =	stream.linear.gather [hbm4b:s11+s21], $0x2780, $0x38;
	[tilespmem:$0x1D000] =	vst v63  }
0x34: {  	_ =	swait.ge [sflag:s15], $0x2780  }
0x35: {  	[sflag:s15] =	ssyncset.done $0x0  }
0x36: {  	[sflag:s15] =	ssyncadd.s32 $0xFFFFD880  }
0x37: {  	s30 =	simm.s32 $0x0;
	[bflag:$0x0] =	sbarrier.arrive $0xFFFF  }
0x38: {  	[tilespmem:s14], [sflag:$0x1] =	stream.indirect.gather [hbm4b:s4+s17], $0x80, s30, s17, $0xb8;
	[tilespmem:$0x1D000] =	vst v63  }
0x39: {  	_ =	swait.ge [sflag:s15], $0x4000  }
0x3a: {  	[sflag:s15] =	ssyncset.done $0x0  }
0x3b: {  	s31 =	simm.s32 $0x2800;
	[sflag:s15] =	ssyncadd.s32 $0xFFFFC000  }
0x3c: {  	[spmem:s1] =	stream.indirect.scatter.add.f32 [tilespmem:s14], [sflag:$0x1], $0x80, s31, s17, $0xb8;
	[tilespmem:$0x1D000] =	vst v63  }
0x3d: {  	_ =	swait.ge [sflag:s15], $0x4000  }
0x3e: {  	s22 =	simm.s32 $0x400;
	s21 =	simm.s32 $0x200;
	[sflag:s15] =	ssyncset.done $0x0  }
.LBB2_4:
0x3f: {  	s23 =	sshra.s32 s21, $0x2  }
0x40: {  	[sflag:s15] =	ssyncadd.s32 $0xFFFFC000;
	s21 =	smov.u32 s22;
	s24 =	sadd.s32 $0x200, s22  }
0x41: {  	[tilespmem:s14], [sflag:$0x1] =	stream.indirect.gather [hbm4b:s4+s17], $0x80, s23, s17, $0xb8;
	[tilespmem:$0x1D000] =	vst v63  }
0x42: {  	p0 =	sne.s32 s22, $0x9C00;
	_ =	swait.ge [sflag:s15], $0x4000  }
.Ltmp1:
0x43: {  	[sflag:s15] =	ssyncset.done $0x0;
	(pc) =	sbr.rel @p0 .LBB2_4-.Ltmp1, $4  }
0x44: {  	s22 =	sadd.s32 $0x2800, s23;
	[sflag:s15] =	ssyncadd.s32 $0xFFFFC000  }
0x45: {  	[spmem:s1] =	stream.indirect.scatter.add.f32 [tilespmem:s14], [sflag:$0x1], $0x80, s22, s17, $0xb8;
	[tilespmem:$0x1D000] =	vst v63  }
0x46: {  	_ =	swait.ge [sflag:s15], $0x4000  }
0x47: {  	s22 =	smov.u32 s24;
	[sflag:s15] =	ssyncset.done $0x0  }
0x48: {  	s21 =	sshra.s32 s21, $0x2;
	[sflag:s15] =	ssyncadd.s32 $0xFFFFC000  }
0x49: {  	[tilespmem:s14], [sflag:$0x1] =	stream.indirect.gather [hbm4b:s4+s17], $0x80, s21, s17, $0xb8;
	[tilespmem:$0x1D000] =	vst v63  }
0x4a: {  	_ =	swait.ge [sflag:s15], $0x4000  }
0x4b: {  	[sflag:s15] =	ssyncset.done $0x0  }
0x4c: {  	s21 =	sadd.s32 $0x2800, s21;
	[sflag:s15] =	ssyncadd.s32 $0xFFFFC000  }
0x4d: {  	[spmem:s1] =	stream.indirect.scatter.add.f32 [tilespmem:s14], [sflag:$0x1], $0x80, s21, s17, $0xb8;
	[tilespmem:$0x1D000] =	vst v63  }
0x4e: {  	_ =	swait.ge [sflag:s15], $0x4000  }
0x4f: {  	s20 =	sadd.s32 $0x1, s20;
	[sflag:s15] =	ssyncset.done $0x0  }
0x50: {  	p0 =	sne.s32 s20, s13;
	[sflag:s15] =	ssyncadd.s32 $0xFFFFC000  }
.Ltmp2:
0x51: {  	[bflag:$0x0] =	sbarrier.arrive $0xFFFF;
	(pc) =	sbr.rel @p0 .LBB2_1-.Ltmp2, $4  }
0x52: {  	[hbm:s12], [sflag:s18] =	dma.local [spmem:s19], $0x2800  }
0x53: {  	_ =	swait.ge [sflag:s15], $0x2800  }
0x54: {  	[sflag:s15] =	ssyncset.done $0x0  }
0x55: {  	[sflag:s15] =	ssyncadd.s32 $0xFFFFD800  }
0x56: {  	_ =	sfence.sel $0x180000  }
0x57: {  	[bflag:$0x0] =	sbarrier.arrive $0xFFFF  }
0x58: {  	p0 =	sne.s32 s2, $0x0;
	_ =	strace $0x9000004D  }
0x59: {  	s0 =	sadd.s32 @!p0 $0x100000, s0;
	[bflag:$0x2] =	sbarrier.arrive $0xFFFF  }
0x5a: {  	[sflag:s0] =	ssyncadd.tile.s32 @!p0 $0x1;
	_ =	shalt  }
.Lfunc_end2:
_tile_overlayer_lowered:
.L_overlay_start_2:
0x5b: {  	(tag) =	ssettag $0x2  }
0x5c: {  	s0 =	rddreg [dreg:$0x0];
	s2 =	stileid.u32  }
0x5d: {  	s1 =	rddreg [dreg:$0x1];
	p0 =	sne.s32 s2, $0x0  }
0x5e: {  	s3 =	rddreg [dreg:$0x2];
	[bflag:$0x3] =	sbarrier.arrive $0xFFFF;
	s2 =	simm.s32 @!p0 $0x1C01  }
0x5f: {  	[timem:s3], [sflag:s2] =	dma.local @!p0 [hbm:s0], s1  }
0x60: {  	s0 =	simm.s32 @!p0 $0x1  }
0x61: {  	_ =	swait.ge @!p0 [sflag:s0], s1  }
0x62: {  	s1 =	ssub.s32 @!p0 $0x0, s1;
	[sflag:s0] =	ssyncset.done @!p0 $0x0  }
0x63: {  	[sflag:s0] =	ssyncadd.s32 @!p0 s1  }
0x64: {  	[bflag:$0x3] =	sbarrier.arrive $0xFFFF  }
0x65: {  	_ =	shalt  }

// kernel: kernel.31.cloned.1.call-start
scs
__scs_entry_jumppad:
0x0: {  	(pc) =	sbr.rel $0x88, $3  }
0x1: {  	(tag) =	ssettag $0x0;
	lr =	simm.s32 $0x1  }
0x2: {  	[smem:$0x3F9B] =	sst lr;
	_ =	strace $0xD0000000  }
0x3: {  	_ = 	snop  }
0x4: {  	_ = 	snop  }
0x5: {  	_ = 	snop  }
0x6: {  	_ = 	snop  }
0x7: {  	_ = 	snop  }
__scs_overlays_trampoline_lowered:
0x8: {  	[smem:$0x3FAA] =	sst s0  }
0x9: {  	[smem:$0x3FAB] =	sst s1  }
0xa: {  	[smem:$0x3FAC] =	sst s2  }
0xb: {  	[smem:$0x3FAD] =	sst s3  }
0xc: {  	[smem:$0x3FAE] =	sst s4  }
0xd: {  	[smem:$0x3FAF] =	sst s5  }
0xe: {  	[smem:$0x3FB0] =	sst s6  }
0xf: {  	[smem:$0x3FB1] =	sst s7  }
0x10: {  	[smem:$0x3FB2] =	sst s8  }
0x11: {  	[smem:$0x3FB3] =	sst s9;
	s0 =	simm.s32 @!p0 $0x0  }
0x12: {  	s1 =	sld [smem:$0x3F99];
	s0 =	simm.s32 @p0 $0x1  }
0x13: {  	[smem:$0x3FB4] =	sst s0;
	s0 =	simm.s32 @!p1 $0x0  }
0x14: {  	s2 =	sld [smem:$0x3F98];
	s0 =	simm.s32 @p1 $0x1  }
0x15: {  	[smem:$0x3FB5] =	sst s0;
	s0 =	simm.s32 @!p2 $0x0  }
0x16: {  	s3 =	sld [smem:$0x3FDB];
	s0 =	simm.s32 @p2 $0x1  }
0x17: {  	s4 =	simm.s32 $0x1BF5;
	[smem:$0x3FB7] =	sst s0  }
0x18: {  	s0 =	sld [smem:$0x3F9A];
	_ =	swait.ge [sflag:s4], $0x0  }
0x19: {  	s7 =	sld [smem:$0x3F9B]  }
0x1a: {  	s8 =	sadd.s32 $0xFFFFE003, lr  }
0x1b: {  	s9 =	sadd.s32 $0xFFFFFEF7, lr;
	s5 =	simm.s32 $0xFFFFFFFF;
	p2 =	slt.u32 s8, $0xFFFFF086  }
0x1c: {  	p1 =	slt.u32 s9, $0xF7A;
	s5 =	simm.s32 @!p2 $0x0  }
0x1d: {  	s5 =	simm.s32 @p1 $0x1;
	p0 =	seq.s32 s7, s2  }
0x1e: {  	s7 =	smul.u32 @!p0 $0xF7A, s2;
	p2 =	seq.s32 @!p0 s5, $0x0  }
0x1f: {  	s9 =	smul.u32 $0xF7A, s1;
	s8 =	simm.s32 @!p0 $0x1BF5;
	p2 =	por !p2, p0  }
0x20: {  	[sflag:s8] =	ssyncset.s32 @!p0 $0xFFFFF086;
	s6 =	sadd.s32 @!p0 s3, s7;
	s7 =	simm.s32 @!p0 $0x108  }
0x21: {  	s3 =	sadd.s32 s3, s9;
	s6 =	sadd.s32 @!p0 $0x88, s6;
	s7 =	simm.s32 @p2 $0x1082  }
0x22: {  	[simem:s7], [sflag:s8] =	dma.local @!p0 [hbm:s6], $0xF7A  }
0x23: {  	s9 =	sor.u32 $0xD0000000, s2;
	s6 =	simm.s32 $0x108;
	_ =	swait.ge @!p0 [sflag:s8], $0x0  }
0x24: {  	s3 =	sadd.s32 $0x88, s3;
	s6 =	simm.s32 @!p1 $0x1082;
	[sflag:s4] =	ssyncset.s32 $0xFFFFF086  }
0x25: {  	[simem:s6], [sflag:s4] =	dma.local [hbm:s3], $0xF7A  }
0x26: {  	[smem:$0x3F9B] =	sst s1;
	(tag) =	ssettag s2;
	_ =	strace s9  }
0x27: {  	s1 =	sld [smem:$0x3FAB]  }
0x28: {  	s2 =	sld [smem:$0x3FAC]  }
0x29: {  	s4 =	sld [smem:$0x3FAE]  }
0x2a: {  	p0 =	seq.s32 s5, $0x0;
	s5 =	sld [smem:$0x3FAF]  }
0x2b: {  	s6 =	sld [smem:$0x3FB0]  }
0x2c: {  	s7 =	sld [smem:$0x3FB1]  }
0x2d: {  	s3 =	simm.s32 $0x108;
	s8 =	sld [smem:$0x3FB2]  }
0x2e: {  	s3 =	simm.s32 @!p0 $0x1082;
	s9 =	sld [smem:$0x3FB3]  }
0x2f: {  	lr =	sadd.s32 s0, s3;
	s0 =	sld [smem:$0x3FAA]  }
0x30: {  	s3 =	sld [smem:$0x3FAD]  }
0x31: {  	[smem:$0x3FB6] =	sst s10  }
0x32: {  	s10 =	sld [smem:$0x3FB4];
	_ =	sdelay $0x3  }
0x33: {  	p0 =	seq.s32 s10, $0x1;
	s10 =	sld [smem:$0x3FB6];
	_ =	sdelay $0x3  }
0x34: {  	[smem:$0x3FB6] =	sst s10  }
0x35: {  	s10 =	sld [smem:$0x3FB5];
	_ =	sdelay $0x3  }
0x36: {  	p1 =	seq.s32 s10, $0x1;
	s10 =	sld [smem:$0x3FB6];
	_ =	sdelay $0x3  }
0x37: {  	[smem:$0x3FB6] =	sst s10  }
0x38: {  	s10 =	sld [smem:$0x3FB7]  }
0x39: {  	_ = 	snop;
	(pc) =	sbr.ind lr, $3  }
0x3a: {  	_ = 	snop  }
0x3b: {  	_ = 	snop  }
0x3c: {  	p2 =	seq.s32 s10, $0x1;
	s10 =	sld [smem:$0x3FB6]  }
0x3d: {  	_ =	shalt  }
0x3e: {  	_ =	shalt  }
0x3f: {  	_ =	shalt  }
0x40: {  	_ =	shalt  }
0x41: {  	_ =	shalt  }
0x42: {  	_ =	shalt  }
0x43: {  	_ =	shalt  }
0x44: {  	_ =	shalt  }
0x45: {  	_ =	shalt  }
0x46: {  	_ =	shalt  }
0x47: {  	_ =	shalt  }
0x48: {  	_ =	shalt  }
0x49: {  	_ =	shalt  }
0x4a: {  	_ =	shalt  }
0x4b: {  	_ =	shalt  }
0x4c: {  	_ =	shalt  }
0x4d: {  	_ =	shalt  }
0x4e: {  	_ =	shalt  }
0x4f: {  	_ =	shalt  }
0x50: {  	_ =	shalt  }
0x51: {  	_ =	shalt  }
0x52: {  	_ =	shalt  }
0x53: {  	_ =	shalt  }
0x54: {  	_ =	shalt  }
0x55: {  	_ =	shalt  }
0x56: {  	_ =	shalt  }
0x57: {  	_ =	shalt  }
0x58: {  	_ =	shalt  }
0x59: {  	_ =	shalt  }
0x5a: {  	_ =	shalt  }
0x5b: {  	_ =	shalt  }
0x5c: {  	_ =	shalt  }
0x5d: {  	_ =	shalt  }
0x5e: {  	_ =	shalt  }
0x5f: {  	_ =	shalt  }
0x60: {  	_ =	shalt  }
0x61: {  	_ =	shalt  }
0x62: {  	_ =	shalt  }
0x63: {  	_ =	shalt  }
0x64: {  	_ =	shalt  }
0x65: {  	_ =	shalt  }
0x66: {  	_ =	shalt  }
0x67: {  	_ =	shalt  }
0x68: {  	_ =	shalt  }
0x69: {  	_ =	shalt  }
0x6a: {  	_ =	shalt  }
0x6b: {  	_ =	shalt  }
0x6c: {  	_ =	shalt  }
0x6d: {  	_ =	shalt  }
0x6e: {  	_ =	shalt  }
0x6f: {  	_ =	shalt  }
0x70: {  	_ =	shalt  }
0x71: {  	_ =	shalt  }
0x72: {  	_ =	shalt  }
0x73: {  	_ =	shalt  }
0x74: {  	_ =	shalt  }
0x75: {  	_ =	shalt  }
0x76: {  	_ =	shalt  }
0x77: {  	_ =	shalt  }
0x78: {  	_ =	shalt  }
0x79: {  	_ =	shalt  }
0x7a: {  	_ =	shalt  }
0x7b: {  	_ =	shalt  }
0x7c: {  	_ =	shalt  }
0x7d: {  	_ =	shalt  }
0x7e: {  	_ =	shalt  }
0x7f: {  	_ =	shalt  }
0x80: {  	_ =	shalt  }
0x81: {  	_ =	shalt  }
0x82: {  	_ =	shalt  }
0x83: {  	_ =	shalt  }
0x84: {  	_ =	shalt  }
0x85: {  	_ =	shalt  }
0x86: {  	_ =	shalt  }
0x87: {  	_ =	shalt  }
.Lfunc_end0:
.L_simem_size_0:
called_computation.3_lowered:
.L_overlay_start_0:
0x88: {  	s2 =	sld [smem:$0x3FD9]  }
0x89: {  	s3 =	sld [smem:$0x3FFE];
	_ =	sdelay $0x1  }
0x8a: {  	s1 =	srdreg.scid  }
0x8b: {  	s0 =	sand.u32 $0x1, s1  }
0x8c: {  	s16 =	sshll.u32 s0, $0xA;
	s2 =	sadd.s32 s3, s2  }
0x8d: {  	s2 =	sadd.s32 s2, s16  }
0x8e: {  	[smem:$0x3FC2] =	sst s2  }
0x8f: {  	_ = 	snop  }
0x90: {  	(tm) =	ssettm $0x1  }
0x91: {  	s17 =	sld [smem:$0x3FFB];
	_ =	sdelay $0x3  }
0x92: {  	_ =	strace s17  }
0x93: {  	s2 =	sld [smem:$0x3FFC];
	_ =	sdelay $0x3  }
0x94: {  	_ =	strace s2  }
0x95: {  	s2 =	sld [smem:$0x3FFD];
	_ =	sdelay $0x3  }
0x96: {  	_ =	strace s2  }
0x97: {  	_ =	strace $0x8FFFFFFF  }
0x98: {  	s18 =	sld [smem:$0x3FDB];
	_ =	sdelay $0x1  }
0x99: {  	s19 =	simm.s32 $_scs_section_size  }
0x9a: {  	s4 =	simm.s32 $_size__tile_overlayer_lowered;
	s5 =	simm.s32 $_tile_overlayer_lowered  }
0x9b: {  	s22 =	simm.s32 $0x1BFF;
	s21 =	sshll.u32 s5, $0x1;
	s2 =	sadd.s32 s19, s18  }
0x9c: {  	s6 =	simm.s32 $0x0;
	s20 =	sshll.u32 s4, $0x1;
	s4 =	sadd.s32 s21, s2  }
0x9d: {  	[timem:s6], [sflag:s22] =	dma.local [hbm:s4], s20  }
0x9e: {  	_ =	swait.ge [sflag:s22], s20  }
0x9f: {  	s3 =	ssub.s32 $0x0, s20;
	[sflag:s22] =	ssyncset.done $0x0  }
0xa0: {  	[sflag:s22] =	ssyncadd.s32 s3;
	_ =	sdelay $0x1  }
0xa1: {  	s23 =	simm.s32 $0x1B8B  }
0xa2: {  	_ =	swait.ge [sflag:s23], $0x1  }
0xa3: {  	[sflag:s23] =	ssyncset.done $0x0  }
0xa4: {  	s25 =	simm.s32 $0x1B8E;
	s24 =	sld [smem:$0x3FFE];
	[sflag:s23] =	ssyncadd.s32 $0xFFFFFFFF  }
0xa5: {  	s26 =	simm.s32 $execute0_lowered;
	[smem:$0x3FD2] =	sst s25  }
0xa6: {  	s4 =	sshll.u32 s26, $0x1;
	_ =	strace $0x8000004F;
	[dreg:$0x1] =	wrdreg $0xFFFFFFFF  }
0xa7: {  	s28 =	simm.s32 $_size_execute0_lowered;
	s2 =	sadd.s32 s2, s4;
	[dreg:$0x0] =	wrdreg $0x0  }
0xa8: {  	s4 =	sshll.u32 s28, $0x1;
	[dreg:$0x2] =	wrdreg s2  }
0xa9: {  	[dreg:$0x3] =	wrdreg s4  }
0xaa: {  	[dreg:$0x4] =	wrdreg $0xC0  }
0xab: {  	_ =	task [dreg:s6], $0x5FFFF  }
0xac: {  	[dreg:$0x1] =	wrdreg $0xFFFFFFFF  }
0xad: {  	[dreg:$0x0] =	wrdreg $0x60  }
0xae: {  	[dreg:$0x2] =	wrdreg s24  }
0xaf: {  	[dreg:$0x3] =	wrdreg $0x90000  }
0xb0: {  	[dreg:$0x4] =	wrdreg $0x9  }
0xb1: {  	_ =	task.clear_ibuf [dreg:s6], $0x5FFFF;
	_ =	strace $0x9000004F  }
0xb2: {  	s29 =	simm.s32 $0x9;
	_ =	strace $0x80000051  }
0xb3: {  	_ =	swait.ge [sflag:s29], $0x1  }
0xb4: {  	[sflag:s29] =	ssyncadd.s32 $0xFFFFFFFF  }
0xb5: {  	_ =	strace $0x90000051  }
0xb6: {  	_ =	sfence  }
0xb7: {  	s30 =	sld [smem:$0x0];
	_ =	sdelay $0x2  }
0xb8: {  	s31 =	sshll.u32 s1, $0xD;
	s1 =	sshrl.u32 s1, $0x2  }
0xb9: {  	s3 =	sand.u32 $0x4000, s31;
	s1 =	sadd.s32 s1, s30  }
0xba: {  	s0 =	sor.u32 s3, s0;
	s1 =	sshll.u32 s1, $0x11  }
0xbb: {  	s0 =	sor.u32 s1, s0  }
0xbc: {  	s0 =	sadd.s32 $0x8F2B, s0  }
0xbd: {  	[sflag:s0] =	ssyncadd.remote.s32 $0x1  }
0xbe: {  	_ =	sfence.sel $0xFFFF  }
0xbf: {  	[dreg:$0x0] =	wrdreg $0xFFFFFFFF;
	(pc) =	sbr.abs _section_cstart, $3  }
0xc0: {  	[dreg:$0x1] =	wrdreg $0xFFFFFFFF  }
0xc1: {  	_ =	task.clear_ibuf [dreg:s6], $0x2FFFF;
	_ =	strace $0x9FFFFFFF  }
0xc2: {  	(tm) =	ssettm $0x7FFFFFFF  }
0xc3: {  	_ =	shalt  }
tec
execute0_lowered:
.L_overlay_start_1:
0x0: {  	(tag) =	ssettag $0x1  }
0x1: {  	s6 =	rddreg [dreg:$0x0]  }
0x2: {  	s1 =	rddreg [dreg:$0x1]  }
0x3: {  	s2 =	srdreg.scid;
	s0 =	rddreg [dreg:$0x2];
	s3 =	simm.s32 $0x0  }
0x4: {  	s14 =	simm.s32 $0x5000;
	s15 =	simm.s32 $0x1;
	s16 =	simm.s32 $0x2800  }
0x5: {  	s17 =	simm.s32 $0x80;
	s20 =	simm.s32 $0x0;
	s5 =	sand.u32 $0x1, s2  }
0x6: {  	s2 =	stileid.u32;
	[smem:$0x7FF] =	sst s3;
	s4 =	sshll.u32 s5, $0x4  }
0x7: {  	s8 =	smul.u32 $0x50000, s2;
	_ =	strace $0x80000050;
	s10 =	ssub.s32 $0x2, s5  }
0x8: {  	s18 =	sshll.u32 s2, $0x6;
	s7 =	sor.u32 s2, s4;
	s4 =	sadd.s32 $0x11400, s6  }
0x9: {  	s31 =	sshrl.u32 s10, $0x1;
	s18 =	sor.u32 $0x1C01, s18;
	s9 =	smul.u32 $0x500, s7  }
0xa: {  	s7 =	smul.u32 $0x2800, s7;
	s30 =	sshrl.u32 s8, $0x2;
	s13 =	ssub.s32 s10, s31  }
0xb: {  	s5 =	sadd.s32 s30, s1;
	s13 =	smax.u32 s13, $0x1;
	s11 =	sadd.s32 s9, s6  }
0xc: {  	s12 =	sadd.s32 s7, s6;
	s6 =	sadd.s32 $0x4000, s5;
	s7 =	sadd.s32 $0x8000, s5  }
0xd: {  	s8 =	sadd.s32 $0xC000, s5;
	s9 =	sadd.s32 $0x10000, s5;
	s19 =	sshrl.u32 s5, $0x3  }
0xe: {  	v0 =	vimm.f32 $0.0e+00;
	s10 =	sadd.s32 $0x61400, s11;
	s11 =	sadd.s32 $0x7400, s11;
	s12 =	sadd.s32 $0x6CC00, s12  }
.LBB2_1:
0xf: {  	s21 =	sand.u32 $0xFE00, s3  }
0x10: {  	s22 =	sand.u32 $0x70, s3;
	s23 =	sshrl.u32 s21, $0x2  }
0x11: {  	s21 =	simm.s32 $0x40;
	s23 =	sor.u32 s22, s23;
	s22 =	simm.s32 $0x0  }
.LBB2_2:
0x12: {  	p0 =	sne.s32 s21, $0xFFC0  }
0x13: {  	[tilespmem:s23+$0x5000] =	vst v0;
	s22 =	sadd.s32 $0x10, s22;
	s23 =	smov.u32 s21;
	s21 =	sadd.s32 $0x40, s21  }
.Ltmp0:
0x14: {  	(pc) =	sbr.rel @p0 .LBB2_2-.Ltmp0, $4  }
0x15: {  	_ = 	snop  }
0x16: {  	s23 =	sand.u32 $0xFE00, s23  }
0x17: {  	s24 =	sand.u32 $0x70, s22;
	s23 =	sshrl.u32 s23, $0x2  }
0x18: {  	s23 =	sor.u32 s24, s23  }
0x19: {  	[tilespmem:s23+$0x5000] =	vst v0  }
0x1a: {  	[spmem:s5] =	stream.linear.scatter [tilespmem:s14], [sflag:$0x1], $0x4000, $0x38;
	[tilespmem:$0x1D000] =	vst v63  }
0x1b: {  	_ =	swait.ge [sflag:s15], $0x4000  }
0x1c: {  	[sflag:s15] =	ssyncset.done $0x0  }
0x1d: {  	[sflag:s15] =	ssyncadd.s32 $0xFFFFC000  }
0x1e: {  	[spmem:s6] =	stream.linear.scatter [tilespmem:s14], [sflag:$0x1], $0x4000, $0x38;
	[tilespmem:$0x1D000] =	vst v63  }
0x1f: {  	_ =	swait.ge [sflag:s15], $0x4000  }
0x20: {  	[sflag:s15] =	ssyncset.done $0x0  }
0x21: {  	[sflag:s15] =	ssyncadd.s32 $0xFFFFC000  }
0x22: {  	[spmem:s7] =	stream.linear.scatter [tilespmem:s14], [sflag:$0x1], $0x4000, $0x38;
	[tilespmem:$0x1D000] =	vst v63  }
0x23: {  	_ =	swait.ge [sflag:s15], $0x4000  }
0x24: {  	[sflag:s15] =	ssyncset.done $0x0  }
0x25: {  	[sflag:s15] =	ssyncadd.s32 $0xFFFFC000  }
0x26: {  	[spmem:s8] =	stream.linear.scatter [tilespmem:s14], [sflag:$0x1], $0x4000, $0x38;
	[tilespmem:$0x1D000] =	vst v63  }
0x27: {  	_ =	swait.ge [sflag:s15], $0x4000  }
0x28: {  	[sflag:s15] =	ssyncset.done $0x0  }
0x29: {  	[sflag:s15] =	ssyncadd.s32 $0xFFFFC000  }
0x2a: {  	[spmem:s9] =	stream.linear.scatter [tilespmem:s14], [sflag:$0x1], $0x4000, $0x38;
	[tilespmem:$0x1D000] =	vst v63  }
0x2b: {  	_ =	swait.ge [sflag:s15], $0x4000  }
0x2c: {  	[sflag:s15] =	ssyncset.done $0x0  }
0x2d: {  	[sflag:s15] =	ssyncadd.s32 $0xFFFFC000  }
0x2e: {  	s21 =	simm.s32 $0x0;
	[bflag:$0x0] =	sbarrier.arrive $0xFFFF  }
0x2f: {  	[tilespmem:s21], [sflag:$0x1] =	stream.linear.gather [hbm4b:s10+s21], $0x2780, $0x38;
	[tilespmem:$0x1D000] =	vst v63  }
0x30: {  	_ =	swait.ge [sflag:s15], $0x2780  }
0x31: {  	[sflag:s15] =	ssyncset.done $0x0  }
0x32: {  	[sflag:s15] =	ssyncadd.s32 $0xFFFFD880  }
0x33: {  	[tilespmem:s16], [sflag:$0x1] =	stream.linear.gather [hbm4b:s11+s21], $0x2780, $0x38;
	[tilespmem:$0x1D000] =	vst v63  }
0x34: {  	_ =	swait.ge [sflag:s15], $0x2780  }
0x35: {  	[sflag:s15] =	ssyncset.done $0x0  }
0x36: {  	[sflag:s15] =	ssyncadd.s32 $0xFFFFD880  }
0x37: {  	s30 =	simm.s32 $0x0;
	[bflag:$0x0] =	sbarrier.arrive $0xFFFF  }
0x38: {  	[tilespmem:s14], [sflag:$0x1] =	stream.indirect.gather [hbm4b:s4+s17], $0x80, s30, s17, $0xb8;
	[tilespmem:$0x1D000] =	vst v63  }
0x39: {  	_ =	swait.ge [sflag:s15], $0x4000  }
0x3a: {  	[sflag:s15] =	ssyncset.done $0x0  }
0x3b: {  	s31 =	simm.s32 $0x2800;
	[sflag:s15] =	ssyncadd.s32 $0xFFFFC000  }
0x3c: {  	[spmem:s1] =	stream.indirect.scatter.add.f32 [tilespmem:s14], [sflag:$0x1], $0x80, s31, s17, $0xb8;
	[tilespmem:$0x1D000] =	vst v63  }
0x3d: {  	_ =	swait.ge [sflag:s15], $0x4000  }
0x3e: {  	s22 =	simm.s32 $0x400;
	s21 =	simm.s32 $0x200;
	[sflag:s15] =	ssyncset.done $0x0  }
.LBB2_4:
0x3f: {  	s23 =	sshra.s32 s21, $0x2  }
0x40: {  	[sflag:s15] =	ssyncadd.s32 $0xFFFFC000;
	s21 =	smov.u32 s22;
	s24 =	sadd.s32 $0x200, s22  }
0x41: {  	[tilespmem:s14], [sflag:$0x1] =	stream.indirect.gather [hbm4b:s4+s17], $0x80, s23, s17, $0xb8;
	[tilespmem:$0x1D000] =	vst v63  }
0x42: {  	p0 =	sne.s32 s22, $0x9C00;
	_ =	swait.ge [sflag:s15], $0x4000  }
.Ltmp1:
0x43: {  	[sflag:s15] =	ssyncset.done $0x0;
	(pc) =	sbr.rel @p0 .LBB2_4-.Ltmp1, $4  }
0x44: {  	s22 =	sadd.s32 $0x2800, s23;
	[sflag:s15] =	ssyncadd.s32 $0xFFFFC000  }
0x45: {  	[spmem:s1] =	stream.indirect.scatter.add.f32 [tilespmem:s14], [sflag:$0x1], $0x80, s22, s17, $0xb8;
	[tilespmem:$0x1D000] =	vst v63  }
0x46: {  	_ =	swait.ge [sflag:s15], $0x4000  }
0x47: {  	s22 =	smov.u32 s24;
	[sflag:s15] =	ssyncset.done $0x0  }
0x48: {  	s21 =	sshra.s32 s21, $0x2;
	[sflag:s15] =	ssyncadd.s32 $0xFFFFC000  }
0x49: {  	[tilespmem:s14], [sflag:$0x1] =	stream.indirect.gather [hbm4b:s4+s17], $0x80, s21, s17, $0xb8;
	[tilespmem:$0x1D000] =	vst v63  }
0x4a: {  	_ =	swait.ge [sflag:s15], $0x4000  }
0x4b: {  	[sflag:s15] =	ssyncset.done $0x0  }
0x4c: {  	s21 =	sadd.s32 $0x2800, s21;
	[sflag:s15] =	ssyncadd.s32 $0xFFFFC000  }
0x4d: {  	[spmem:s1] =	stream.indirect.scatter.add.f32 [tilespmem:s14], [sflag:$0x1], $0x80, s21, s17, $0xb8;
	[tilespmem:$0x1D000] =	vst v63  }
0x4e: {  	_ =	swait.ge [sflag:s15], $0x4000  }
0x4f: {  	s20 =	sadd.s32 $0x1, s20;
	[sflag:s15] =	ssyncset.done $0x0  }
0x50: {  	p0 =	sne.s32 s20, s13;
	[sflag:s15] =	ssyncadd.s32 $0xFFFFC000  }
.Ltmp2:
0x51: {  	[bflag:$0x0] =	sbarrier.arrive $0xFFFF;
	(pc) =	sbr.rel @p0 .LBB2_1-.Ltmp2, $4  }
0x52: {  	[hbm:s12], [sflag:s18] =	dma.local [spmem:s19], $0x2800  }
0x53: {  	_ =	swait.ge [sflag:s15], $0x2800  }
0x54: {  	[sflag:s15] =	ssyncset.done $0x0  }
0x55: {  	[sflag:s15] =	ssyncadd.s32 $0xFFFFD800  }
0x56: {  	_ =	sfence.sel $0x180000  }
0x57: {  	[bflag:$0x0] =	sbarrier.arrive $0xFFFF  }
0x58: {  	p0 =	sne.s32 s2, $0x0;
	_ =	strace $0x90000050  }
0x59: {  	s0 =	sadd.s32 @!p0 $0x100000, s0;
	[bflag:$0x2] =	sbarrier.arrive $0xFFFF  }
0x5a: {  	[sflag:s0] =	ssyncadd.tile.s32 @!p0 $0x1;
	_ =	shalt  }
.Lfunc_end2:
_tile_overlayer_lowered:
.L_overlay_start_2:
0x5b: {  	(tag) =	ssettag $0x2  }
0x5c: {  	s0 =	rddreg [dreg:$0x0];
	s2 =	stileid.u32  }
0x5d: {  	s1 =	rddreg [dreg:$0x1];
	p0 =	sne.s32 s2, $0x0  }
0x5e: {  	s3 =	rddreg [dreg:$0x2];
	[bflag:$0x3] =	sbarrier.arrive $0xFFFF;
	s2 =	simm.s32 @!p0 $0x1C01  }
0x5f: {  	[timem:s3], [sflag:s2] =	dma.local @!p0 [hbm:s0], s1  }
0x60: {  	s0 =	simm.s32 @!p0 $0x1  }
0x61: {  	_ =	swait.ge @!p0 [sflag:s0], s1  }
0x62: {  	s1 =	ssub.s32 @!p0 $0x0, s1;
	[sflag:s0] =	ssyncset.done @!p0 $0x0  }
0x63: {  	[sflag:s0] =	ssyncadd.s32 @!p0 s1  }
0x64: {  	[bflag:$0x3] =	sbarrier.arrive $0xFFFF  }
0x65: {  	_ =	shalt  }

// kernel: kernel.34.cloned.1.call-start
scs
__scs_entry_jumppad:
0x0: {  	(pc) =	sbr.rel $0x88, $3  }
0x1: {  	(tag) =	ssettag $0x0;
	lr =	simm.s32 $0x1  }
0x2: {  	[smem:$0x3F9B] =	sst lr;
	_ =	strace $0xD0000000  }
0x3: {  	_ = 	snop  }
0x4: {  	_ = 	snop  }
0x5: {  	_ = 	snop  }
0x6: {  	_ = 	snop  }
0x7: {  	_ = 	snop  }
__scs_overlays_trampoline_lowered:
0x8: {  	[smem:$0x3FAA] =	sst s0  }
0x9: {  	[smem:$0x3FAB] =	sst s1  }
0xa: {  	[smem:$0x3FAC] =	sst s2  }
0xb: {  	[smem:$0x3FAD] =	sst s3  }
0xc: {  	[smem:$0x3FAE] =	sst s4  }
0xd: {  	[smem:$0x3FAF] =	sst s5  }
0xe: {  	[smem:$0x3FB0] =	sst s6  }
0xf: {  	[smem:$0x3FB1] =	sst s7  }
0x10: {  	[smem:$0x3FB2] =	sst s8  }
0x11: {  	[smem:$0x3FB3] =	sst s9;
	s0 =	simm.s32 @!p0 $0x0  }
0x12: {  	s1 =	sld [smem:$0x3F99];
	s0 =	simm.s32 @p0 $0x1  }
0x13: {  	[smem:$0x3FB4] =	sst s0;
	s0 =	simm.s32 @!p1 $0x0  }
0x14: {  	s2 =	sld [smem:$0x3F98];
	s0 =	simm.s32 @p1 $0x1  }
0x15: {  	[smem:$0x3FB5] =	sst s0;
	s0 =	simm.s32 @!p2 $0x0  }
0x16: {  	s3 =	sld [smem:$0x3FDB];
	s0 =	simm.s32 @p2 $0x1  }
0x17: {  	s4 =	simm.s32 $0x1BF5;
	[smem:$0x3FB7] =	sst s0  }
0x18: {  	s0 =	sld [smem:$0x3F9A];
	_ =	swait.ge [sflag:s4], $0x0  }
0x19: {  	s7 =	sld [smem:$0x3F9B]  }
0x1a: {  	s8 =	sadd.s32 $0xFFFFE003, lr  }
0x1b: {  	s9 =	sadd.s32 $0xFFFFFEF7, lr;
	s5 =	simm.s32 $0xFFFFFFFF;
	p2 =	slt.u32 s8, $0xFFFFF086  }
0x1c: {  	p1 =	slt.u32 s9, $0xF7A;
	s5 =	simm.s32 @!p2 $0x0  }
0x1d: {  	s5 =	simm.s32 @p1 $0x1;
	p0 =	seq.s32 s7, s2  }
0x1e: {  	s7 =	smul.u32 @!p0 $0xF7A, s2;
	p2 =	seq.s32 @!p0 s5, $0x0  }
0x1f: {  	s9 =	smul.u32 $0xF7A, s1;
	s8 =	simm.s32 @!p0 $0x1BF5;
	p2 =	por !p2, p0  }
0x20: {  	[sflag:s8] =	ssyncset.s32 @!p0 $0xFFFFF086;
	s6 =	sadd.s32 @!p0 s3, s7;
	s7 =	simm.s32 @!p0 $0x108  }
0x21: {  	s3 =	sadd.s32 s3, s9;
	s6 =	sadd.s32 @!p0 $0x88, s6;
	s7 =	simm.s32 @p2 $0x1082  }
0x22: {  	[simem:s7], [sflag:s8] =	dma.local @!p0 [hbm:s6], $0xF7A  }
0x23: {  	s9 =	sor.u32 $0xD0000000, s2;
	s6 =	simm.s32 $0x108;
	_ =	swait.ge @!p0 [sflag:s8], $0x0  }
0x24: {  	s3 =	sadd.s32 $0x88, s3;
	s6 =	simm.s32 @!p1 $0x1082;
	[sflag:s4] =	ssyncset.s32 $0xFFFFF086  }
0x25: {  	[simem:s6], [sflag:s4] =	dma.local [hbm:s3], $0xF7A  }
0x26: {  	[smem:$0x3F9B] =	sst s1;
	(tag) =	ssettag s2;
	_ =	strace s9  }
0x27: {  	s1 =	sld [smem:$0x3FAB]  }
0x28: {  	s2 =	sld [smem:$0x3FAC]  }
0x29: {  	s4 =	sld [smem:$0x3FAE]  }
0x2a: {  	p0 =	seq.s32 s5, $0x0;
	s5 =	sld [smem:$0x3FAF]  }
0x2b: {  	s6 =	sld [smem:$0x3FB0]  }
0x2c: {  	s7 =	sld [smem:$0x3FB1]  }
0x2d: {  	s3 =	simm.s32 $0x108;
	s8 =	sld [smem:$0x3FB2]  }
0x2e: {  	s3 =	simm.s32 @!p0 $0x1082;
	s9 =	sld [smem:$0x3FB3]  }
0x2f: {  	lr =	sadd.s32 s0, s3;
	s0 =	sld [smem:$0x3FAA]  }
0x30: {  	s3 =	sld [smem:$0x3FAD]  }
0x31: {  	[smem:$0x3FB6] =	sst s10  }
0x32: {  	s10 =	sld [smem:$0x3FB4];
	_ =	sdelay $0x3  }
0x33: {  	p0 =	seq.s32 s10, $0x1;
	s10 =	sld [smem:$0x3FB6];
	_ =	sdelay $0x3  }
0x34: {  	[smem:$0x3FB6] =	sst s10  }
0x35: {  	s10 =	sld [smem:$0x3FB5];
	_ =	sdelay $0x3  }
0x36: {  	p1 =	seq.s32 s10, $0x1;
	s10 =	sld [smem:$0x3FB6];
	_ =	sdelay $0x3  }
0x37: {  	[smem:$0x3FB6] =	sst s10  }
0x38: {  	s10 =	sld [smem:$0x3FB7]  }
0x39: {  	_ = 	snop;
	(pc) =	sbr.ind lr, $3  }
0x3a: {  	_ = 	snop  }
0x3b: {  	_ = 	snop  }
0x3c: {  	p2 =	seq.s32 s10, $0x1;
	s10 =	sld [smem:$0x3FB6]  }
0x3d: {  	_ =	shalt  }
0x3e: {  	_ =	shalt  }
0x3f: {  	_ =	shalt  }
0x40: {  	_ =	shalt  }
0x41: {  	_ =	shalt  }
0x42: {  	_ =	shalt  }
0x43: {  	_ =	shalt  }
0x44: {  	_ =	shalt  }
0x45: {  	_ =	shalt  }
0x46: {  	_ =	shalt  }
0x47: {  	_ =	shalt  }
0x48: {  	_ =	shalt  }
0x49: {  	_ =	shalt  }
0x4a: {  	_ =	shalt  }
0x4b: {  	_ =	shalt  }
0x4c: {  	_ =	shalt  }
0x4d: {  	_ =	shalt  }
0x4e: {  	_ =	shalt  }
0x4f: {  	_ =	shalt  }
0x50: {  	_ =	shalt  }
0x51: {  	_ =	shalt  }
0x52: {  	_ =	shalt  }
0x53: {  	_ =	shalt  }
0x54: {  	_ =	shalt  }
0x55: {  	_ =	shalt  }
0x56: {  	_ =	shalt  }
0x57: {  	_ =	shalt  }
0x58: {  	_ =	shalt  }
0x59: {  	_ =	shalt  }
0x5a: {  	_ =	shalt  }
0x5b: {  	_ =	shalt  }
0x5c: {  	_ =	shalt  }
0x5d: {  	_ =	shalt  }
0x5e: {  	_ =	shalt  }
0x5f: {  	_ =	shalt  }
0x60: {  	_ =	shalt  }
0x61: {  	_ =	shalt  }
0x62: {  	_ =	shalt  }
0x63: {  	_ =	shalt  }
0x64: {  	_ =	shalt  }
0x65: {  	_ =	shalt  }
0x66: {  	_ =	shalt  }
0x67: {  	_ =	shalt  }
0x68: {  	_ =	shalt  }
0x69: {  	_ =	shalt  }
0x6a: {  	_ =	shalt  }
0x6b: {  	_ =	shalt  }
0x6c: {  	_ =	shalt  }
0x6d: {  	_ =	shalt  }
0x6e: {  	_ =	shalt  }
0x6f: {  	_ =	shalt  }
0x70: {  	_ =	shalt  }
0x71: {  	_ =	shalt  }
0x72: {  	_ =	shalt  }
0x73: {  	_ =	shalt  }
0x74: {  	_ =	shalt  }
0x75: {  	_ =	shalt  }
0x76: {  	_ =	shalt  }
0x77: {  	_ =	shalt  }
0x78: {  	_ =	shalt  }
0x79: {  	_ =	shalt  }
0x7a: {  	_ =	shalt  }
0x7b: {  	_ =	shalt  }
0x7c: {  	_ =	shalt  }
0x7d: {  	_ =	shalt  }
0x7e: {  	_ =	shalt  }
0x7f: {  	_ =	shalt  }
0x80: {  	_ =	shalt  }
0x81: {  	_ =	shalt  }
0x82: {  	_ =	shalt  }
0x83: {  	_ =	shalt  }
0x84: {  	_ =	shalt  }
0x85: {  	_ =	shalt  }
0x86: {  	_ =	shalt  }
0x87: {  	_ =	shalt  }
.Lfunc_end0:
.L_simem_size_0:
called_computation.4_lowered:
.L_overlay_start_0:
0x88: {  	s2 =	sld [smem:$0x3FD9]  }
0x89: {  	s3 =	sld [smem:$0x3FFE];
	_ =	sdelay $0x1  }
0x8a: {  	s1 =	srdreg.scid  }
0x8b: {  	s0 =	sand.u32 $0x1, s1  }
0x8c: {  	s16 =	sshll.u32 s0, $0xA;
	s2 =	sadd.s32 s3, s2  }
0x8d: {  	s2 =	sadd.s32 s2, s16  }
0x8e: {  	[smem:$0x3FC2] =	sst s2  }
0x8f: {  	_ = 	snop  }
0x90: {  	(tm) =	ssettm $0x1  }
0x91: {  	s17 =	sld [smem:$0x3FFB];
	_ =	sdelay $0x3  }
0x92: {  	_ =	strace s17  }
0x93: {  	s2 =	sld [smem:$0x3FFC];
	_ =	sdelay $0x3  }
0x94: {  	_ =	strace s2  }
0x95: {  	s2 =	sld [smem:$0x3FFD];
	_ =	sdelay $0x3  }
0x96: {  	_ =	strace s2  }
0x97: {  	_ =	strace $0x8FFFFFFF  }
0x98: {  	s18 =	sld [smem:$0x3FDB];
	_ =	sdelay $0x1  }
0x99: {  	s19 =	simm.s32 $_scs_section_size  }
0x9a: {  	s4 =	simm.s32 $_size__tile_overlayer_lowered;
	s5 =	simm.s32 $_tile_overlayer_lowered  }
0x9b: {  	s22 =	simm.s32 $0x1BFF;
	s21 =	sshll.u32 s5, $0x1;
	s2 =	sadd.s32 s19, s18  }
0x9c: {  	s6 =	simm.s32 $0x0;
	s20 =	sshll.u32 s4, $0x1;
	s4 =	sadd.s32 s21, s2  }
0x9d: {  	[timem:s6], [sflag:s22] =	dma.local [hbm:s4], s20  }
0x9e: {  	_ =	swait.ge [sflag:s22], s20  }
0x9f: {  	s3 =	ssub.s32 $0x0, s20;
	[sflag:s22] =	ssyncset.done $0x0  }
0xa0: {  	[sflag:s22] =	ssyncadd.s32 s3;
	_ =	sdelay $0x1  }
0xa1: {  	s23 =	simm.s32 $0x1B8B  }
0xa2: {  	_ =	swait.ge [sflag:s23], $0x1  }
0xa3: {  	[sflag:s23] =	ssyncset.done $0x0  }
0xa4: {  	s25 =	simm.s32 $0x1B8E;
	s24 =	sld [smem:$0x3FFE];
	[sflag:s23] =	ssyncadd.s32 $0xFFFFFFFF  }
0xa5: {  	s26 =	simm.s32 $execute0_lowered;
	[smem:$0x3FD2] =	sst s25  }
0xa6: {  	s4 =	sshll.u32 s26, $0x1;
	_ =	strace $0x80000052;
	[dreg:$0x1] =	wrdreg $0xFFFFFFFF  }
0xa7: {  	s28 =	simm.s32 $_size_execute0_lowered;
	s2 =	sadd.s32 s2, s4;
	[dreg:$0x0] =	wrdreg $0x0  }
0xa8: {  	s4 =	sshll.u32 s28, $0x1;
	[dreg:$0x2] =	wrdreg s2  }
0xa9: {  	[dreg:$0x3] =	wrdreg s4  }
0xaa: {  	[dreg:$0x4] =	wrdreg $0xC0  }
0xab: {  	_ =	task [dreg:s6], $0x5FFFF  }
0xac: {  	[dreg:$0x1] =	wrdreg $0xFFFFFFFF  }
0xad: {  	[dreg:$0x0] =	wrdreg $0x60  }
0xae: {  	[dreg:$0x2] =	wrdreg s24  }
0xaf: {  	[dreg:$0x3] =	wrdreg $0x90000  }
0xb0: {  	[dreg:$0x4] =	wrdreg $0x9  }
0xb1: {  	_ =	task.clear_ibuf [dreg:s6], $0x5FFFF;
	_ =	strace $0x90000052  }
0xb2: {  	s29 =	simm.s32 $0x9;
	_ =	strace $0x80000054  }
0xb3: {  	_ =	swait.ge [sflag:s29], $0x1  }
0xb4: {  	[sflag:s29] =	ssyncadd.s32 $0xFFFFFFFF  }
0xb5: {  	_ =	strace $0x90000054  }
0xb6: {  	_ =	sfence  }
0xb7: {  	s30 =	sld [smem:$0x0];
	_ =	sdelay $0x2  }
0xb8: {  	s31 =	sshll.u32 s1, $0xD;
	s1 =	sshrl.u32 s1, $0x2  }
0xb9: {  	s3 =	sand.u32 $0x4000, s31;
	s1 =	sadd.s32 s1, s30  }
0xba: {  	s0 =	sor.u32 s3, s0;
	s1 =	sshll.u32 s1, $0x11  }
0xbb: {  	s0 =	sor.u32 s1, s0  }
0xbc: {  	s0 =	sadd.s32 $0x8F2B, s0  }
0xbd: {  	[sflag:s0] =	ssyncadd.remote.s32 $0x1  }
0xbe: {  	_ =	sfence.sel $0xFFFF  }
0xbf: {  	[dreg:$0x0] =	wrdreg $0xFFFFFFFF;
	(pc) =	sbr.abs _section_cstart, $3  }
0xc0: {  	[dreg:$0x1] =	wrdreg $0xFFFFFFFF  }
0xc1: {  	_ =	task.clear_ibuf [dreg:s6], $0x2FFFF;
	_ =	strace $0x9FFFFFFF  }
0xc2: {  	(tm) =	ssettm $0x7FFFFFFF  }
0xc3: {  	_ =	shalt  }
tec
execute0_lowered:
.L_overlay_start_1:
0x0: {  	(tag) =	ssettag $0x1  }
0x1: {  	s6 =	rddreg [dreg:$0x0]  }
0x2: {  	s1 =	rddreg [dreg:$0x1]  }
0x3: {  	s2 =	srdreg.scid;
	s0 =	rddreg [dreg:$0x2];
	s3 =	simm.s32 $0x0  }
0x4: {  	s14 =	simm.s32 $0x5000;
	s15 =	simm.s32 $0x1;
	s16 =	simm.s32 $0x2800  }
0x5: {  	s17 =	simm.s32 $0x80;
	s20 =	simm.s32 $0x0;
	s5 =	sand.u32 $0x1, s2  }
0x6: {  	s2 =	stileid.u32;
	[smem:$0x7FF] =	sst s3;
	s4 =	sshll.u32 s5, $0x4  }
0x7: {  	s8 =	smul.u32 $0x50000, s2;
	_ =	strace $0x80000053;
	s10 =	ssub.s32 $0x2, s5  }
0x8: {  	s18 =	sshll.u32 s2, $0x6;
	s7 =	sor.u32 s2, s4;
	s4 =	sadd.s32 $0x11400, s6  }
0x9: {  	s31 =	sshrl.u32 s10, $0x1;
	s18 =	sor.u32 $0x1C01, s18;
	s9 =	smul.u32 $0x500, s7  }
0xa: {  	s7 =	smul.u32 $0x2800, s7;
	s30 =	sshrl.u32 s8, $0x2;
	s13 =	ssub.s32 s10, s31  }
0xb: {  	s5 =	sadd.s32 s30, s1;
	s13 =	smax.u32 s13, $0x1;
	s11 =	sadd.s32 s9, s6  }
0xc: {  	s12 =	sadd.s32 s7, s6;
	s6 =	sadd.s32 $0x4000, s5;
	s7 =	sadd.s32 $0x8000, s5  }
0xd: {  	s8 =	sadd.s32 $0xC000, s5;
	s9 =	sadd.s32 $0x10000, s5;
	s19 =	sshrl.u32 s5, $0x3  }
0xe: {  	v0 =	vimm.f32 $0.0e+00;
	s10 =	sadd.s32 $0x61400, s11;
	s11 =	sadd.s32 $0x7400, s11;
	s12 =	sadd.s32 $0x6CC00, s12  }
.LBB2_1:
0xf: {  	s21 =	sand.u32 $0xFE00, s3  }
0x10: {  	s22 =	sand.u32 $0x70, s3;
	s23 =	sshrl.u32 s21, $0x2  }
0x11: {  	s21 =	simm.s32 $0x40;
	s23 =	sor.u32 s22, s23;
	s22 =	simm.s32 $0x0  }
.LBB2_2:
0x12: {  	p0 =	sne.s32 s21, $0xFFC0  }
0x13: {  	[tilespmem:s23+$0x5000] =	vst v0;
	s22 =	sadd.s32 $0x10, s22;
	s23 =	smov.u32 s21;
	s21 =	sadd.s32 $0x40, s21  }
.Ltmp0:
0x14: {  	(pc) =	sbr.rel @p0 .LBB2_2-.Ltmp0, $4  }
0x15: {  	_ = 	snop  }
0x16: {  	s23 =	sand.u32 $0xFE00, s23  }
0x17: {  	s24 =	sand.u32 $0x70, s22;
	s23 =	sshrl.u32 s23, $0x2  }
0x18: {  	s23 =	sor.u32 s24, s23  }
0x19: {  	[tilespmem:s23+$0x5000] =	vst v0  }
0x1a: {  	[spmem:s5] =	stream.linear.scatter [tilespmem:s14], [sflag:$0x1], $0x4000, $0x38;
	[tilespmem:$0x1D000] =	vst v63  }
0x1b: {  	_ =	swait.ge [sflag:s15], $0x4000  }
0x1c: {  	[sflag:s15] =	ssyncset.done $0x0  }
0x1d: {  	[sflag:s15] =	ssyncadd.s32 $0xFFFFC000  }
0x1e: {  	[spmem:s6] =	stream.linear.scatter [tilespmem:s14], [sflag:$0x1], $0x4000, $0x38;
	[tilespmem:$0x1D000] =	vst v63  }
0x1f: {  	_ =	swait.ge [sflag:s15], $0x4000  }
0x20: {  	[sflag:s15] =	ssyncset.done $0x0  }
0x21: {  	[sflag:s15] =	ssyncadd.s32 $0xFFFFC000  }
0x22: {  	[spmem:s7] =	stream.linear.scatter [tilespmem:s14], [sflag:$0x1], $0x4000, $0x38;
	[tilespmem:$0x1D000] =	vst v63  }
0x23: {  	_ =	swait.ge [sflag:s15], $0x4000  }
0x24: {  	[sflag:s15] =	ssyncset.done $0x0  }
0x25: {  	[sflag:s15] =	ssyncadd.s32 $0xFFFFC000  }
0x26: {  	[spmem:s8] =	stream.linear.scatter [tilespmem:s14], [sflag:$0x1], $0x4000, $0x38;
	[tilespmem:$0x1D000] =	vst v63  }
0x27: {  	_ =	swait.ge [sflag:s15], $0x4000  }
0x28: {  	[sflag:s15] =	ssyncset.done $0x0  }
0x29: {  	[sflag:s15] =	ssyncadd.s32 $0xFFFFC000  }
0x2a: {  	[spmem:s9] =	stream.linear.scatter [tilespmem:s14], [sflag:$0x1], $0x4000, $0x38;
	[tilespmem:$0x1D000] =	vst v63  }
0x2b: {  	_ =	swait.ge [sflag:s15], $0x4000  }
0x2c: {  	[sflag:s15] =	ssyncset.done $0x0  }
0x2d: {  	[sflag:s15] =	ssyncadd.s32 $0xFFFFC000  }
0x2e: {  	s21 =	simm.s32 $0x0;
	[bflag:$0x0] =	sbarrier.arrive $0xFFFF  }
0x2f: {  	[tilespmem:s21], [sflag:$0x1] =	stream.linear.gather [hbm4b:s10+s21], $0x2780, $0x38;
	[tilespmem:$0x1D000] =	vst v63  }
0x30: {  	_ =	swait.ge [sflag:s15], $0x2780  }
0x31: {  	[sflag:s15] =	ssyncset.done $0x0  }
0x32: {  	[sflag:s15] =	ssyncadd.s32 $0xFFFFD880  }
0x33: {  	[tilespmem:s16], [sflag:$0x1] =	stream.linear.gather [hbm4b:s11+s21], $0x2780, $0x38;
	[tilespmem:$0x1D000] =	vst v63  }
0x34: {  	_ =	swait.ge [sflag:s15], $0x2780  }
0x35: {  	[sflag:s15] =	ssyncset.done $0x0  }
0x36: {  	[sflag:s15] =	ssyncadd.s32 $0xFFFFD880  }
0x37: {  	s30 =	simm.s32 $0x0;
	[bflag:$0x0] =	sbarrier.arrive $0xFFFF  }
0x38: {  	[tilespmem:s14], [sflag:$0x1] =	stream.indirect.gather [hbm4b:s4+s17], $0x80, s30, s17, $0xb8;
	[tilespmem:$0x1D000] =	vst v63  }
0x39: {  	_ =	swait.ge [sflag:s15], $0x4000  }
0x3a: {  	[sflag:s15] =	ssyncset.done $0x0  }
0x3b: {  	s31 =	simm.s32 $0x2800;
	[sflag:s15] =	ssyncadd.s32 $0xFFFFC000  }
0x3c: {  	[spmem:s1] =	stream.indirect.scatter.add.f32 [tilespmem:s14], [sflag:$0x1], $0x80, s31, s17, $0xb8;
	[tilespmem:$0x1D000] =	vst v63  }
0x3d: {  	_ =	swait.ge [sflag:s15], $0x4000  }
0x3e: {  	s22 =	simm.s32 $0x400;
	s21 =	simm.s32 $0x200;
	[sflag:s15] =	ssyncset.done $0x0  }
.LBB2_4:
0x3f: {  	s23 =	sshra.s32 s21, $0x2  }
0x40: {  	[sflag:s15] =	ssyncadd.s32 $0xFFFFC000;
	s21 =	smov.u32 s22;
	s24 =	sadd.s32 $0x200, s22  }
0x41: {  	[tilespmem:s14], [sflag:$0x1] =	stream.indirect.gather [hbm4b:s4+s17], $0x80, s23, s17, $0xb8;
	[tilespmem:$0x1D000] =	vst v63  }
0x42: {  	p0 =	sne.s32 s22, $0x9C00;
	_ =	swait.ge [sflag:s15], $0x4000  }
.Ltmp1:
0x43: {  	[sflag:s15] =	ssyncset.done $0x0;
	(pc) =	sbr.rel @p0 .LBB2_4-.Ltmp1, $4  }
0x44: {  	s22 =	sadd.s32 $0x2800, s23;
	[sflag:s15] =	ssyncadd.s32 $0xFFFFC000  }
0x45: {  	[spmem:s1] =	stream.indirect.scatter.add.f32 [tilespmem:s14], [sflag:$0x1], $0x80, s22, s17, $0xb8;
	[tilespmem:$0x1D000] =	vst v63  }
0x46: {  	_ =	swait.ge [sflag:s15], $0x4000  }
0x47: {  	s22 =	smov.u32 s24;
	[sflag:s15] =	ssyncset.done $0x0  }
0x48: {  	s21 =	sshra.s32 s21, $0x2;
	[sflag:s15] =	ssyncadd.s32 $0xFFFFC000  }
0x49: {  	[tilespmem:s14], [sflag:$0x1] =	stream.indirect.gather [hbm4b:s4+s17], $0x80, s21, s17, $0xb8;
	[tilespmem:$0x1D000] =	vst v63  }
0x4a: {  	_ =	swait.ge [sflag:s15], $0x4000  }
0x4b: {  	[sflag:s15] =	ssyncset.done $0x0  }
0x4c: {  	s21 =	sadd.s32 $0x2800, s21;
	[sflag:s15] =	ssyncadd.s32 $0xFFFFC000  }
0x4d: {  	[spmem:s1] =	stream.indirect.scatter.add.f32 [tilespmem:s14], [sflag:$0x1], $0x80, s21, s17, $0xb8;
	[tilespmem:$0x1D000] =	vst v63  }
0x4e: {  	_ =	swait.ge [sflag:s15], $0x4000  }
0x4f: {  	s20 =	sadd.s32 $0x1, s20;
	[sflag:s15] =	ssyncset.done $0x0  }
0x50: {  	p0 =	sne.s32 s20, s13;
	[sflag:s15] =	ssyncadd.s32 $0xFFFFC000  }
.Ltmp2:
0x51: {  	[bflag:$0x0] =	sbarrier.arrive $0xFFFF;
	(pc) =	sbr.rel @p0 .LBB2_1-.Ltmp2, $4  }
0x52: {  	[hbm:s12], [sflag:s18] =	dma.local [spmem:s19], $0x2800  }
0x53: {  	_ =	swait.ge [sflag:s15], $0x2800  }
0x54: {  	[sflag:s15] =	ssyncset.done $0x0  }
0x55: {  	[sflag:s15] =	ssyncadd.s32 $0xFFFFD800  }
0x56: {  	_ =	sfence.sel $0x180000  }
0x57: {  	[bflag:$0x0] =	sbarrier.arrive $0xFFFF  }
0x58: {  	p0 =	sne.s32 s2, $0x0;
	_ =	strace $0x90000053  }
0x59: {  	s0 =	sadd.s32 @!p0 $0x100000, s0;
	[bflag:$0x2] =	sbarrier.arrive $0xFFFF  }
0x5a: {  	[sflag:s0] =	ssyncadd.tile.s32 @!p0 $0x1;
	_ =	shalt  }
.Lfunc_end2:
_tile_overlayer_lowered:
.L_overlay_start_2:
0x5b: {  	(tag) =	ssettag $0x2  }
0x5c: {  	s0 =	rddreg [dreg:$0x0];
	s2 =	stileid.u32  }
0x5d: {  	s1 =	rddreg [dreg:$0x1];
	p0 =	sne.s32 s2, $0x0  }
0x5e: {  	s3 =	rddreg [dreg:$0x2];
	[bflag:$0x3] =	sbarrier.arrive $0xFFFF;
	s2 =	simm.s32 @!p0 $0x1C01  }
0x5f: {  	[timem:s3], [sflag:s2] =	dma.local @!p0 [hbm:s0], s1  }
0x60: {  	s0 =	simm.s32 @!p0 $0x1  }
0x61: {  	_ =	swait.ge @!p0 [sflag:s0], s1  }
0x62: {  	s1 =	ssub.s32 @!p0 $0x0, s1;
	[sflag:s0] =	ssyncset.done @!p0 $0x0  }
0x63: {  	[sflag:s0] =	ssyncadd.s32 @!p0 s1  }
0x64: {  	[bflag:$0x3] =	sbarrier.arrive $0xFFFF  }
0x65: {  	_ =	shalt  }

// kernel: kernel.37.cloned.1.call-start
scs
__scs_entry_jumppad:
0x0: {  	(pc) =	sbr.rel $0x88, $3  }
0x1: {  	(tag) =	ssettag $0x0;
	lr =	simm.s32 $0x1  }
0x2: {  	[smem:$0x3F9B] =	sst lr;
	_ =	strace $0xD0000000  }
0x3: {  	_ = 	snop  }
0x4: {  	_ = 	snop  }
0x5: {  	_ = 	snop  }
0x6: {  	_ = 	snop  }
0x7: {  	_ = 	snop  }
__scs_overlays_trampoline_lowered:
0x8: {  	[smem:$0x3FAA] =	sst s0  }
0x9: {  	[smem:$0x3FAB] =	sst s1  }
0xa: {  	[smem:$0x3FAC] =	sst s2  }
0xb: {  	[smem:$0x3FAD] =	sst s3  }
0xc: {  	[smem:$0x3FAE] =	sst s4  }
0xd: {  	[smem:$0x3FAF] =	sst s5  }
0xe: {  	[smem:$0x3FB0] =	sst s6  }
0xf: {  	[smem:$0x3FB1] =	sst s7  }
0x10: {  	[smem:$0x3FB2] =	sst s8  }
0x11: {  	[smem:$0x3FB3] =	sst s9;
	s0 =	simm.s32 @!p0 $0x0  }
0x12: {  	s1 =	sld [smem:$0x3F99];
	s0 =	simm.s32 @p0 $0x1  }
0x13: {  	[smem:$0x3FB4] =	sst s0;
	s0 =	simm.s32 @!p1 $0x0  }
0x14: {  	s2 =	sld [smem:$0x3F98];
	s0 =	simm.s32 @p1 $0x1  }
0x15: {  	[smem:$0x3FB5] =	sst s0;
	s0 =	simm.s32 @!p2 $0x0  }
0x16: {  	s3 =	sld [smem:$0x3FDB];
	s0 =	simm.s32 @p2 $0x1  }
0x17: {  	s4 =	simm.s32 $0x1BF5;
	[smem:$0x3FB7] =	sst s0  }
0x18: {  	s0 =	sld [smem:$0x3F9A];
	_ =	swait.ge [sflag:s4], $0x0  }
0x19: {  	s7 =	sld [smem:$0x3F9B]  }
0x1a: {  	s8 =	sadd.s32 $0xFFFFE003, lr  }
0x1b: {  	s9 =	sadd.s32 $0xFFFFFEF7, lr;
	s5 =	simm.s32 $0xFFFFFFFF;
	p2 =	slt.u32 s8, $0xFFFFF086  }
0x1c: {  	p1 =	slt.u32 s9, $0xF7A;
	s5 =	simm.s32 @!p2 $0x0  }
0x1d: {  	s5 =	simm.s32 @p1 $0x1;
	p0 =	seq.s32 s7, s2  }
0x1e: {  	s7 =	smul.u32 @!p0 $0xF7A, s2;
	p2 =	seq.s32 @!p0 s5, $0x0  }
0x1f: {  	s9 =	smul.u32 $0xF7A, s1;
	s8 =	simm.s32 @!p0 $0x1BF5;
	p2 =	por !p2, p0  }
0x20: {  	[sflag:s8] =	ssyncset.s32 @!p0 $0xFFFFF086;
	s6 =	sadd.s32 @!p0 s3, s7;
	s7 =	simm.s32 @!p0 $0x108  }
0x21: {  	s3 =	sadd.s32 s3, s9;
	s6 =	sadd.s32 @!p0 $0x88, s6;
	s7 =	simm.s32 @p2 $0x1082  }
0x22: {  	[simem:s7], [sflag:s8] =	dma.local @!p0 [hbm:s6], $0xF7A  }
0x23: {  	s9 =	sor.u32 $0xD0000000, s2;
	s6 =	simm.s32 $0x108;
	_ =	swait.ge @!p0 [sflag:s8], $0x0  }
0x24: {  	s3 =	sadd.s32 $0x88, s3;
	s6 =	simm.s32 @!p1 $0x1082;
	[sflag:s4] =	ssyncset.s32 $0xFFFFF086  }
0x25: {  	[simem:s6], [sflag:s4] =	dma.local [hbm:s3], $0xF7A  }
0x26: {  	[smem:$0x3F9B] =	sst s1;
	(tag) =	ssettag s2;
	_ =	strace s9  }
0x27: {  	s1 =	sld [smem:$0x3FAB]  }
0x28: {  	s2 =	sld [smem:$0x3FAC]  }
0x29: {  	s4 =	sld [smem:$0x3FAE]  }
0x2a: {  	p0 =	seq.s32 s5, $0x0;
	s5 =	sld [smem:$0x3FAF]  }
0x2b: {  	s6 =	sld [smem:$0x3FB0]  }
0x2c: {  	s7 =	sld [smem:$0x3FB1]  }
0x2d: {  	s3 =	simm.s32 $0x108;
	s8 =	sld [smem:$0x3FB2]  }
0x2e: {  	s3 =	simm.s32 @!p0 $0x1082;
	s9 =	sld [smem:$0x3FB3]  }
0x2f: {  	lr =	sadd.s32 s0, s3;
	s0 =	sld [smem:$0x3FAA]  }
0x30: {  	s3 =	sld [smem:$0x3FAD]  }
0x31: {  	[smem:$0x3FB6] =	sst s10  }
0x32: {  	s10 =	sld [smem:$0x3FB4];
	_ =	sdelay $0x3  }
0x33: {  	p0 =	seq.s32 s10, $0x1;
	s10 =	sld [smem:$0x3FB6];
	_ =	sdelay $0x3  }
0x34: {  	[smem:$0x3FB6] =	sst s10  }
0x35: {  	s10 =	sld [smem:$0x3FB5];
	_ =	sdelay $0x3  }
0x36: {  	p1 =	seq.s32 s10, $0x1;
	s10 =	sld [smem:$0x3FB6];
	_ =	sdelay $0x3  }
0x37: {  	[smem:$0x3FB6] =	sst s10  }
0x38: {  	s10 =	sld [smem:$0x3FB7]  }
0x39: {  	_ = 	snop;
	(pc) =	sbr.ind lr, $3  }
0x3a: {  	_ = 	snop  }
0x3b: {  	_ = 	snop  }
0x3c: {  	p2 =	seq.s32 s10, $0x1;
	s10 =	sld [smem:$0x3FB6]  }
0x3d: {  	_ =	shalt  }
0x3e: {  	_ =	shalt  }
0x3f: {  	_ =	shalt  }
0x40: {  	_ =	shalt  }
0x41: {  	_ =	shalt  }
0x42: {  	_ =	shalt  }
0x43: {  	_ =	shalt  }
0x44: {  	_ =	shalt  }
0x45: {  	_ =	shalt  }
0x46: {  	_ =	shalt  }
0x47: {  	_ =	shalt  }
0x48: {  	_ =	shalt  }
0x49: {  	_ =	shalt  }
0x4a: {  	_ =	shalt  }
0x4b: {  	_ =	shalt  }
0x4c: {  	_ =	shalt  }
0x4d: {  	_ =	shalt  }
0x4e: {  	_ =	shalt  }
0x4f: {  	_ =	shalt  }
0x50: {  	_ =	shalt  }
0x51: {  	_ =	shalt  }
0x52: {  	_ =	shalt  }
0x53: {  	_ =	shalt  }
0x54: {  	_ =	shalt  }
0x55: {  	_ =	shalt  }
0x56: {  	_ =	shalt  }
0x57: {  	_ =	shalt  }
0x58: {  	_ =	shalt  }
0x59: {  	_ =	shalt  }
0x5a: {  	_ =	shalt  }
0x5b: {  	_ =	shalt  }
0x5c: {  	_ =	shalt  }
0x5d: {  	_ =	shalt  }
0x5e: {  	_ =	shalt  }
0x5f: {  	_ =	shalt  }
0x60: {  	_ =	shalt  }
0x61: {  	_ =	shalt  }
0x62: {  	_ =	shalt  }
0x63: {  	_ =	shalt  }
0x64: {  	_ =	shalt  }
0x65: {  	_ =	shalt  }
0x66: {  	_ =	shalt  }
0x67: {  	_ =	shalt  }
0x68: {  	_ =	shalt  }
0x69: {  	_ =	shalt  }
0x6a: {  	_ =	shalt  }
0x6b: {  	_ =	shalt  }
0x6c: {  	_ =	shalt  }
0x6d: {  	_ =	shalt  }
0x6e: {  	_ =	shalt  }
0x6f: {  	_ =	shalt  }
0x70: {  	_ =	shalt  }
0x71: {  	_ =	shalt  }
0x72: {  	_ =	shalt  }
0x73: {  	_ =	shalt  }
0x74: {  	_ =	shalt  }
0x75: {  	_ =	shalt  }
0x76: {  	_ =	shalt  }
0x77: {  	_ =	shalt  }
0x78: {  	_ =	shalt  }
0x79: {  	_ =	shalt  }
0x7a: {  	_ =	shalt  }
0x7b: {  	_ =	shalt  }
0x7c: {  	_ =	shalt  }
0x7d: {  	_ =	shalt  }
0x7e: {  	_ =	shalt  }
0x7f: {  	_ =	shalt  }
0x80: {  	_ =	shalt  }
0x81: {  	_ =	shalt  }
0x82: {  	_ =	shalt  }
0x83: {  	_ =	shalt  }
0x84: {  	_ =	shalt  }
0x85: {  	_ =	shalt  }
0x86: {  	_ =	shalt  }
0x87: {  	_ =	shalt  }
.Lfunc_end0:
.L_simem_size_0:
called_computation.5_lowered:
.L_overlay_start_0:
0x88: {  	s2 =	sld [smem:$0x3FD9]  }
0x89: {  	s3 =	sld [smem:$0x3FFE];
	_ =	sdelay $0x1  }
0x8a: {  	s1 =	srdreg.scid  }
0x8b: {  	s0 =	sand.u32 $0x1, s1  }
0x8c: {  	s16 =	sshll.u32 s0, $0xA;
	s2 =	sadd.s32 s3, s2  }
0x8d: {  	s2 =	sadd.s32 s2, s16  }
0x8e: {  	[smem:$0x3FC2] =	sst s2  }
0x8f: {  	_ = 	snop  }
0x90: {  	(tm) =	ssettm $0x1  }
0x91: {  	s17 =	sld [smem:$0x3FFB];
	_ =	sdelay $0x3  }
0x92: {  	_ =	strace s17  }
0x93: {  	s2 =	sld [smem:$0x3FFC];
	_ =	sdelay $0x3  }
0x94: {  	_ =	strace s2  }
0x95: {  	s2 =	sld [smem:$0x3FFD];
	_ =	sdelay $0x3  }
0x96: {  	_ =	strace s2  }
0x97: {  	_ =	strace $0x8FFFFFFF  }
0x98: {  	s18 =	sld [smem:$0x3FDB];
	_ =	sdelay $0x1  }
0x99: {  	s19 =	simm.s32 $_scs_section_size  }
0x9a: {  	s4 =	simm.s32 $_size__tile_overlayer_lowered;
	s5 =	simm.s32 $_tile_overlayer_lowered  }
0x9b: {  	s22 =	simm.s32 $0x1BFF;
	s21 =	sshll.u32 s5, $0x1;
	s2 =	sadd.s32 s19, s18  }
0x9c: {  	s6 =	simm.s32 $0x0;
	s20 =	sshll.u32 s4, $0x1;
	s4 =	sadd.s32 s21, s2  }
0x9d: {  	[timem:s6], [sflag:s22] =	dma.local [hbm:s4], s20  }
0x9e: {  	_ =	swait.ge [sflag:s22], s20  }
0x9f: {  	s3 =	ssub.s32 $0x0, s20;
	[sflag:s22] =	ssyncset.done $0x0  }
0xa0: {  	[sflag:s22] =	ssyncadd.s32 s3;
	_ =	sdelay $0x1  }
0xa1: {  	s23 =	simm.s32 $0x1B8B  }
0xa2: {  	_ =	swait.ge [sflag:s23], $0x1  }
0xa3: {  	[sflag:s23] =	ssyncset.done $0x0  }
0xa4: {  	s25 =	simm.s32 $0x1B8E;
	s24 =	sld [smem:$0x3FFE];
	[sflag:s23] =	ssyncadd.s32 $0xFFFFFFFF  }
0xa5: {  	s26 =	simm.s32 $execute0_lowered;
	[smem:$0x3FD2] =	sst s25  }
0xa6: {  	s4 =	sshll.u32 s26, $0x1;
	_ =	strace $0x80000055;
	[dreg:$0x1] =	wrdreg $0xFFFFFFFF  }
0xa7: {  	s28 =	simm.s32 $_size_execute0_lowered;
	s2 =	sadd.s32 s2, s4;
	[dreg:$0x0] =	wrdreg $0x0  }
0xa8: {  	s4 =	sshll.u32 s28, $0x1;
	[dreg:$0x2] =	wrdreg s2  }
0xa9: {  	[dreg:$0x3] =	wrdreg s4  }
0xaa: {  	[dreg:$0x4] =	wrdreg $0xC0  }
0xab: {  	_ =	task [dreg:s6], $0x5FFFF  }
0xac: {  	[dreg:$0x1] =	wrdreg $0xFFFFFFFF  }
0xad: {  	[dreg:$0x0] =	wrdreg $0x60  }
0xae: {  	[dreg:$0x2] =	wrdreg s24  }
0xaf: {  	[dreg:$0x3] =	wrdreg $0x90000  }
0xb0: {  	[dreg:$0x4] =	wrdreg $0x9  }
0xb1: {  	_ =	task.clear_ibuf [dreg:s6], $0x5FFFF;
	_ =	strace $0x90000055  }
0xb2: {  	s29 =	simm.s32 $0x9;
	_ =	strace $0x80000057  }
0xb3: {  	_ =	swait.ge [sflag:s29], $0x1  }
0xb4: {  	[sflag:s29] =	ssyncadd.s32 $0xFFFFFFFF  }
0xb5: {  	_ =	strace $0x90000057  }
0xb6: {  	_ =	sfence  }
0xb7: {  	s30 =	sld [smem:$0x0];
	_ =	sdelay $0x2  }
0xb8: {  	s31 =	sshll.u32 s1, $0xD;
	s1 =	sshrl.u32 s1, $0x2  }
0xb9: {  	s3 =	sand.u32 $0x4000, s31;
	s1 =	sadd.s32 s1, s30  }
0xba: {  	s0 =	sor.u32 s3, s0;
	s1 =	sshll.u32 s1, $0x11  }
0xbb: {  	s0 =	sor.u32 s1, s0  }
0xbc: {  	s0 =	sadd.s32 $0x8F2B, s0  }
0xbd: {  	[sflag:s0] =	ssyncadd.remote.s32 $0x1  }
0xbe: {  	_ =	sfence.sel $0xFFFF  }
0xbf: {  	[dreg:$0x0] =	wrdreg $0xFFFFFFFF;
	(pc) =	sbr.abs _section_cstart, $3  }
0xc0: {  	[dreg:$0x1] =	wrdreg $0xFFFFFFFF  }
0xc1: {  	_ =	task.clear_ibuf [dreg:s6], $0x2FFFF;
	_ =	strace $0x9FFFFFFF  }
0xc2: {  	(tm) =	ssettm $0x7FFFFFFF  }
0xc3: {  	_ =	shalt  }
tec
execute0_lowered:
.L_overlay_start_1:
0x0: {  	(tag) =	ssettag $0x1  }
0x1: {  	s6 =	rddreg [dreg:$0x0]  }
0x2: {  	s1 =	rddreg [dreg:$0x1]  }
0x3: {  	s2 =	srdreg.scid;
	s0 =	rddreg [dreg:$0x2];
	s3 =	simm.s32 $0x0  }
0x4: {  	s14 =	simm.s32 $0x5000;
	s15 =	simm.s32 $0x1;
	s16 =	simm.s32 $0x2800  }
0x5: {  	s17 =	simm.s32 $0x80;
	s20 =	simm.s32 $0x0;
	s5 =	sand.u32 $0x1, s2  }
0x6: {  	s2 =	stileid.u32;
	[smem:$0x7FF] =	sst s3;
	s4 =	sshll.u32 s5, $0x4  }
0x7: {  	s8 =	smul.u32 $0x50000, s2;
	_ =	strace $0x80000056;
	s10 =	ssub.s32 $0x2, s5  }
0x8: {  	s18 =	sshll.u32 s2, $0x6;
	s7 =	sor.u32 s2, s4;
	s4 =	sadd.s32 $0x11400, s6  }
0x9: {  	s31 =	sshrl.u32 s10, $0x1;
	s18 =	sor.u32 $0x1C01, s18;
	s9 =	smul.u32 $0x500, s7  }
0xa: {  	s7 =	smul.u32 $0x2800, s7;
	s30 =	sshrl.u32 s8, $0x2;
	s13 =	ssub.s32 s10, s31  }
0xb: {  	s5 =	sadd.s32 s30, s1;
	s13 =	smax.u32 s13, $0x1;
	s11 =	sadd.s32 s9, s6  }
0xc: {  	s12 =	sadd.s32 s7, s6;
	s6 =	sadd.s32 $0x4000, s5;
	s7 =	sadd.s32 $0x8000, s5  }
0xd: {  	s8 =	sadd.s32 $0xC000, s5;
	s9 =	sadd.s32 $0x10000, s5;
	s19 =	sshrl.u32 s5, $0x3  }
0xe: {  	v0 =	vimm.f32 $0.0e+00;
	s10 =	sadd.s32 $0x61400, s11;
	s11 =	sadd.s32 $0x7400, s11;
	s12 =	sadd.s32 $0x6CC00, s12  }
.LBB2_1:
0xf: {  	s21 =	sand.u32 $0xFE00, s3  }
0x10: {  	s22 =	sand.u32 $0x70, s3;
	s23 =	sshrl.u32 s21, $0x2  }
0x11: {  	s21 =	simm.s32 $0x40;
	s23 =	sor.u32 s22, s23;
	s22 =	simm.s32 $0x0  }
.LBB2_2:
0x12: {  	p0 =	sne.s32 s21, $0xFFC0  }
0x13: {  	[tilespmem:s23+$0x5000] =	vst v0;
	s22 =	sadd.s32 $0x10, s22;
	s23 =	smov.u32 s21;
	s21 =	sadd.s32 $0x40, s21  }
.Ltmp0:
0x14: {  	(pc) =	sbr.rel @p0 .LBB2_2-.Ltmp0, $4  }
0x15: {  	_ = 	snop  }
0x16: {  	s23 =	sand.u32 $0xFE00, s23  }
0x17: {  	s24 =	sand.u32 $0x70, s22;
	s23 =	sshrl.u32 s23, $0x2  }
0x18: {  	s23 =	sor.u32 s24, s23  }
0x19: {  	[tilespmem:s23+$0x5000] =	vst v0  }
0x1a: {  	[spmem:s5] =	stream.linear.scatter [tilespmem:s14], [sflag:$0x1], $0x4000, $0x38;
	[tilespmem:$0x1D000] =	vst v63  }
0x1b: {  	_ =	swait.ge [sflag:s15], $0x4000  }
0x1c: {  	[sflag:s15] =	ssyncset.done $0x0  }
0x1d: {  	[sflag:s15] =	ssyncadd.s32 $0xFFFFC000  }
0x1e: {  	[spmem:s6] =	stream.linear.scatter [tilespmem:s14], [sflag:$0x1], $0x4000, $0x38;
	[tilespmem:$0x1D000] =	vst v63  }
0x1f: {  	_ =	swait.ge [sflag:s15], $0x4000  }
0x20: {  	[sflag:s15] =	ssyncset.done $0x0  }
0x21: {  	[sflag:s15] =	ssyncadd.s32 $0xFFFFC000  }
0x22: {  	[spmem:s7] =	stream.linear.scatter [tilespmem:s14], [sflag:$0x1], $0x4000, $0x38;
	[tilespmem:$0x1D000] =	vst v63  }
0x23: {  	_ =	swait.ge [sflag:s15], $0x4000  }
0x24: {  	[sflag:s15] =	ssyncset.done $0x0  }
0x25: {  	[sflag:s15] =	ssyncadd.s32 $0xFFFFC000  }
0x26: {  	[spmem:s8] =	stream.linear.scatter [tilespmem:s14], [sflag:$0x1], $0x4000, $0x38;
	[tilespmem:$0x1D000] =	vst v63  }
0x27: {  	_ =	swait.ge [sflag:s15], $0x4000  }
0x28: {  	[sflag:s15] =	ssyncset.done $0x0  }
0x29: {  	[sflag:s15] =	ssyncadd.s32 $0xFFFFC000  }
0x2a: {  	[spmem:s9] =	stream.linear.scatter [tilespmem:s14], [sflag:$0x1], $0x4000, $0x38;
	[tilespmem:$0x1D000] =	vst v63  }
0x2b: {  	_ =	swait.ge [sflag:s15], $0x4000  }
0x2c: {  	[sflag:s15] =	ssyncset.done $0x0  }
0x2d: {  	[sflag:s15] =	ssyncadd.s32 $0xFFFFC000  }
0x2e: {  	s21 =	simm.s32 $0x0;
	[bflag:$0x0] =	sbarrier.arrive $0xFFFF  }
0x2f: {  	[tilespmem:s21], [sflag:$0x1] =	stream.linear.gather [hbm4b:s10+s21], $0x2780, $0x38;
	[tilespmem:$0x1D000] =	vst v63  }
0x30: {  	_ =	swait.ge [sflag:s15], $0x2780  }
0x31: {  	[sflag:s15] =	ssyncset.done $0x0  }
0x32: {  	[sflag:s15] =	ssyncadd.s32 $0xFFFFD880  }
0x33: {  	[tilespmem:s16], [sflag:$0x1] =	stream.linear.gather [hbm4b:s11+s21], $0x2780, $0x38;
	[tilespmem:$0x1D000] =	vst v63  }
0x34: {  	_ =	swait.ge [sflag:s15], $0x2780  }
0x35: {  	[sflag:s15] =	ssyncset.done $0x0  }
0x36: {  	[sflag:s15] =	ssyncadd.s32 $0xFFFFD880  }
0x37: {  	s30 =	simm.s32 $0x0;
	[bflag:$0x0] =	sbarrier.arrive $0xFFFF  }
0x38: {  	[tilespmem:s14], [sflag:$0x1] =	stream.indirect.gather [hbm4b:s4+s17], $0x80, s30, s17, $0xb8;
	[tilespmem:$0x1D000] =	vst v63  }
0x39: {  	_ =	swait.ge [sflag:s15], $0x4000  }
0x3a: {  	[sflag:s15] =	ssyncset.done $0x0  }
0x3b: {  	s31 =	simm.s32 $0x2800;
	[sflag:s15] =	ssyncadd.s32 $0xFFFFC000  }
0x3c: {  	[spmem:s1] =	stream.indirect.scatter.add.f32 [tilespmem:s14], [sflag:$0x1], $0x80, s31, s17, $0xb8;
	[tilespmem:$0x1D000] =	vst v63  }
0x3d: {  	_ =	swait.ge [sflag:s15], $0x4000  }
0x3e: {  	s22 =	simm.s32 $0x400;
	s21 =	simm.s32 $0x200;
	[sflag:s15] =	ssyncset.done $0x0  }
.LBB2_4:
0x3f: {  	s23 =	sshra.s32 s21, $0x2  }
0x40: {  	[sflag:s15] =	ssyncadd.s32 $0xFFFFC000;
	s21 =	smov.u32 s22;
	s24 =	sadd.s32 $0x200, s22  }
0x41: {  	[tilespmem:s14], [sflag:$0x1] =	stream.indirect.gather [hbm4b:s4+s17], $0x80, s23, s17, $0xb8;
	[tilespmem:$0x1D000] =	vst v63  }
0x42: {  	p0 =	sne.s32 s22, $0x9C00;
	_ =	swait.ge [sflag:s15], $0x4000  }
.Ltmp1:
0x43: {  	[sflag:s15] =	ssyncset.done $0x0;
	(pc) =	sbr.rel @p0 .LBB2_4-.Ltmp1, $4  }
0x44: {  	s22 =	sadd.s32 $0x2800, s23;
	[sflag:s15] =	ssyncadd.s32 $0xFFFFC000  }
0x45: {  	[spmem:s1] =	stream.indirect.scatter.add.f32 [tilespmem:s14], [sflag:$0x1], $0x80, s22, s17, $0xb8;
	[tilespmem:$0x1D000] =	vst v63  }
0x46: {  	_ =	swait.ge [sflag:s15], $0x4000  }
0x47: {  	s22 =	smov.u32 s24;
	[sflag:s15] =	ssyncset.done $0x0  }
0x48: {  	s21 =	sshra.s32 s21, $0x2;
	[sflag:s15] =	ssyncadd.s32 $0xFFFFC000  }
0x49: {  	[tilespmem:s14], [sflag:$0x1] =	stream.indirect.gather [hbm4b:s4+s17], $0x80, s21, s17, $0xb8;
	[tilespmem:$0x1D000] =	vst v63  }
0x4a: {  	_ =	swait.ge [sflag:s15], $0x4000  }
0x4b: {  	[sflag:s15] =	ssyncset.done $0x0  }
0x4c: {  	s21 =	sadd.s32 $0x2800, s21;
	[sflag:s15] =	ssyncadd.s32 $0xFFFFC000  }
0x4d: {  	[spmem:s1] =	stream.indirect.scatter.add.f32 [tilespmem:s14], [sflag:$0x1], $0x80, s21, s17, $0xb8;
	[tilespmem:$0x1D000] =	vst v63  }
0x4e: {  	_ =	swait.ge [sflag:s15], $0x4000  }
0x4f: {  	s20 =	sadd.s32 $0x1, s20;
	[sflag:s15] =	ssyncset.done $0x0  }
0x50: {  	p0 =	sne.s32 s20, s13;
	[sflag:s15] =	ssyncadd.s32 $0xFFFFC000  }
.Ltmp2:
0x51: {  	[bflag:$0x0] =	sbarrier.arrive $0xFFFF;
	(pc) =	sbr.rel @p0 .LBB2_1-.Ltmp2, $4  }
0x52: {  	[hbm:s12], [sflag:s18] =	dma.local [spmem:s19], $0x2800  }
0x53: {  	_ =	swait.ge [sflag:s15], $0x2800  }
0x54: {  	[sflag:s15] =	ssyncset.done $0x0  }
0x55: {  	[sflag:s15] =	ssyncadd.s32 $0xFFFFD800  }
0x56: {  	_ =	sfence.sel $0x180000  }
0x57: {  	[bflag:$0x0] =	sbarrier.arrive $0xFFFF  }
0x58: {  	p0 =	sne.s32 s2, $0x0;
	_ =	strace $0x90000056  }
0x59: {  	s0 =	sadd.s32 @!p0 $0x100000, s0;
	[bflag:$0x2] =	sbarrier.arrive $0xFFFF  }
0x5a: {  	[sflag:s0] =	ssyncadd.tile.s32 @!p0 $0x1;
	_ =	shalt  }
.Lfunc_end2:
_tile_overlayer_lowered:
.L_overlay_start_2:
0x5b: {  	(tag) =	ssettag $0x2  }
0x5c: {  	s0 =	rddreg [dreg:$0x0];
	s2 =	stileid.u32  }
0x5d: {  	s1 =	rddreg [dreg:$0x1];
	p0 =	sne.s32 s2, $0x0  }
0x5e: {  	s3 =	rddreg [dreg:$0x2];
	[bflag:$0x3] =	sbarrier.arrive $0xFFFF;
	s2 =	simm.s32 @!p0 $0x1C01  }
0x5f: {  	[timem:s3], [sflag:s2] =	dma.local @!p0 [hbm:s0], s1  }
0x60: {  	s0 =	simm.s32 @!p0 $0x1  }
0x61: {  	_ =	swait.ge @!p0 [sflag:s0], s1  }
0x62: {  	s1 =	ssub.s32 @!p0 $0x0, s1;
	[sflag:s0] =	ssyncset.done @!p0 $0x0  }
0x63: {  	[sflag:s0] =	ssyncadd.s32 @!p0 s1  }
0x64: {  	[bflag:$0x3] =	sbarrier.arrive $0xFFFF  }
0x65: {  	_ =	shalt  }

// kernel: kernel.40.cloned.1.call-start
scs
__scs_entry_jumppad:
0x0: {  	(pc) =	sbr.rel $0x88, $3  }
0x1: {  	(tag) =	ssettag $0x0;
	lr =	simm.s32 $0x1  }
0x2: {  	[smem:$0x3F9B] =	sst lr;
	_ =	strace $0xD0000000  }
0x3: {  	_ = 	snop  }
0x4: {  	_ = 	snop  }
0x5: {  	_ = 	snop  }
0x6: {  	_ = 	snop  }
0x7: {  	_ = 	snop  }
__scs_overlays_trampoline_lowered:
0x8: {  	[smem:$0x3FAA] =	sst s0  }
0x9: {  	[smem:$0x3FAB] =	sst s1  }
0xa: {  	[smem:$0x3FAC] =	sst s2  }
0xb: {  	[smem:$0x3FAD] =	sst s3  }
0xc: {  	[smem:$0x3FAE] =	sst s4  }
0xd: {  	[smem:$0x3FAF] =	sst s5  }
0xe: {  	[smem:$0x3FB0] =	sst s6  }
0xf: {  	[smem:$0x3FB1] =	sst s7  }
0x10: {  	[smem:$0x3FB2] =	sst s8  }
0x11: {  	[smem:$0x3FB3] =	sst s9;
	s0 =	simm.s32 @!p0 $0x0  }
0x12: {  	s1 =	sld [smem:$0x3F99];
	s0 =	simm.s32 @p0 $0x1  }
0x13: {  	[smem:$0x3FB4] =	sst s0;
	s0 =	simm.s32 @!p1 $0x0  }
0x14: {  	s2 =	sld [smem:$0x3F98];
	s0 =	simm.s32 @p1 $0x1  }
0x15: {  	[smem:$0x3FB5] =	sst s0;
	s0 =	simm.s32 @!p2 $0x0  }
0x16: {  	s3 =	sld [smem:$0x3FDB];
	s0 =	simm.s32 @p2 $0x1  }
0x17: {  	s4 =	simm.s32 $0x1BF5;
	[smem:$0x3FB7] =	sst s0  }
0x18: {  	s0 =	sld [smem:$0x3F9A];
	_ =	swait.ge [sflag:s4], $0x0  }
0x19: {  	s7 =	sld [smem:$0x3F9B]  }
0x1a: {  	s8 =	sadd.s32 $0xFFFFE003, lr  }
0x1b: {  	s9 =	sadd.s32 $0xFFFFFEF7, lr;
	s5 =	simm.s32 $0xFFFFFFFF;
	p2 =	slt.u32 s8, $0xFFFFF086  }
0x1c: {  	p1 =	slt.u32 s9, $0xF7A;
	s5 =	simm.s32 @!p2 $0x0  }
0x1d: {  	s5 =	simm.s32 @p1 $0x1;
	p0 =	seq.s32 s7, s2  }
0x1e: {  	s7 =	smul.u32 @!p0 $0xF7A, s2;
	p2 =	seq.s32 @!p0 s5, $0x0  }
0x1f: {  	s9 =	smul.u32 $0xF7A, s1;
	s8 =	simm.s32 @!p0 $0x1BF5;
	p2 =	por !p2, p0  }
0x20: {  	[sflag:s8] =	ssyncset.s32 @!p0 $0xFFFFF086;
	s6 =	sadd.s32 @!p0 s3, s7;
	s7 =	simm.s32 @!p0 $0x108  }
0x21: {  	s3 =	sadd.s32 s3, s9;
	s6 =	sadd.s32 @!p0 $0x88, s6;
	s7 =	simm.s32 @p2 $0x1082  }
0x22: {  	[simem:s7], [sflag:s8] =	dma.local @!p0 [hbm:s6], $0xF7A  }
0x23: {  	s9 =	sor.u32 $0xD0000000, s2;
	s6 =	simm.s32 $0x108;
	_ =	swait.ge @!p0 [sflag:s8], $0x0  }
0x24: {  	s3 =	sadd.s32 $0x88, s3;
	s6 =	simm.s32 @!p1 $0x1082;
	[sflag:s4] =	ssyncset.s32 $0xFFFFF086  }
0x25: {  	[simem:s6], [sflag:s4] =	dma.local [hbm:s3], $0xF7A  }
0x26: {  	[smem:$0x3F9B] =	sst s1;
	(tag) =	ssettag s2;
	_ =	strace s9  }
0x27: {  	s1 =	sld [smem:$0x3FAB]  }
0x28: {  	s2 =	sld [smem:$0x3FAC]  }
0x29: {  	s4 =	sld [smem:$0x3FAE]  }
0x2a: {  	p0 =	seq.s32 s5, $0x0;
	s5 =	sld [smem:$0x3FAF]  }
0x2b: {  	s6 =	sld [smem:$0x3FB0]  }
0x2c: {  	s7 =	sld [smem:$0x3FB1]  }
0x2d: {  	s3 =	simm.s32 $0x108;
	s8 =	sld [smem:$0x3FB2]  }
0x2e: {  	s3 =	simm.s32 @!p0 $0x1082;
	s9 =	sld [smem:$0x3FB3]  }
0x2f: {  	lr =	sadd.s32 s0, s3;
	s0 =	sld [smem:$0x3FAA]  }
0x30: {  	s3 =	sld [smem:$0x3FAD]  }
0x31: {  	[smem:$0x3FB6] =	sst s10  }
0x32: {  	s10 =	sld [smem:$0x3FB4];
	_ =	sdelay $0x3  }
0x33: {  	p0 =	seq.s32 s10, $0x1;
	s10 =	sld [smem:$0x3FB6];
	_ =	sdelay $0x3  }
0x34: {  	[smem:$0x3FB6] =	sst s10  }
0x35: {  	s10 =	sld [smem:$0x3FB5];
	_ =	sdelay $0x3  }
0x36: {  	p1 =	seq.s32 s10, $0x1;
	s10 =	sld [smem:$0x3FB6];
	_ =	sdelay $0x3  }
0x37: {  	[smem:$0x3FB6] =	sst s10  }
0x38: {  	s10 =	sld [smem:$0x3FB7]  }
0x39: {  	_ = 	snop;
	(pc) =	sbr.ind lr, $3  }
0x3a: {  	_ = 	snop  }
0x3b: {  	_ = 	snop  }
0x3c: {  	p2 =	seq.s32 s10, $0x1;
	s10 =	sld [smem:$0x3FB6]  }
0x3d: {  	_ =	shalt  }
0x3e: {  	_ =	shalt  }
0x3f: {  	_ =	shalt  }
0x40: {  	_ =	shalt  }
0x41: {  	_ =	shalt  }
0x42: {  	_ =	shalt  }
0x43: {  	_ =	shalt  }
0x44: {  	_ =	shalt  }
0x45: {  	_ =	shalt  }
0x46: {  	_ =	shalt  }
0x47: {  	_ =	shalt  }
0x48: {  	_ =	shalt  }
0x49: {  	_ =	shalt  }
0x4a: {  	_ =	shalt  }
0x4b: {  	_ =	shalt  }
0x4c: {  	_ =	shalt  }
0x4d: {  	_ =	shalt  }
0x4e: {  	_ =	shalt  }
0x4f: {  	_ =	shalt  }
0x50: {  	_ =	shalt  }
0x51: {  	_ =	shalt  }
0x52: {  	_ =	shalt  }
0x53: {  	_ =	shalt  }
0x54: {  	_ =	shalt  }
0x55: {  	_ =	shalt  }
0x56: {  	_ =	shalt  }
0x57: {  	_ =	shalt  }
0x58: {  	_ =	shalt  }
0x59: {  	_ =	shalt  }
0x5a: {  	_ =	shalt  }
0x5b: {  	_ =	shalt  }
0x5c: {  	_ =	shalt  }
0x5d: {  	_ =	shalt  }
0x5e: {  	_ =	shalt  }
0x5f: {  	_ =	shalt  }
0x60: {  	_ =	shalt  }
0x61: {  	_ =	shalt  }
0x62: {  	_ =	shalt  }
0x63: {  	_ =	shalt  }
0x64: {  	_ =	shalt  }
0x65: {  	_ =	shalt  }
0x66: {  	_ =	shalt  }
0x67: {  	_ =	shalt  }
0x68: {  	_ =	shalt  }
0x69: {  	_ =	shalt  }
0x6a: {  	_ =	shalt  }
0x6b: {  	_ =	shalt  }
0x6c: {  	_ =	shalt  }
0x6d: {  	_ =	shalt  }
0x6e: {  	_ =	shalt  }
0x6f: {  	_ =	shalt  }
0x70: {  	_ =	shalt  }
0x71: {  	_ =	shalt  }
0x72: {  	_ =	shalt  }
0x73: {  	_ =	shalt  }
0x74: {  	_ =	shalt  }
0x75: {  	_ =	shalt  }
0x76: {  	_ =	shalt  }
0x77: {  	_ =	shalt  }
0x78: {  	_ =	shalt  }
0x79: {  	_ =	shalt  }
0x7a: {  	_ =	shalt  }
0x7b: {  	_ =	shalt  }
0x7c: {  	_ =	shalt  }
0x7d: {  	_ =	shalt  }
0x7e: {  	_ =	shalt  }
0x7f: {  	_ =	shalt  }
0x80: {  	_ =	shalt  }
0x81: {  	_ =	shalt  }
0x82: {  	_ =	shalt  }
0x83: {  	_ =	shalt  }
0x84: {  	_ =	shalt  }
0x85: {  	_ =	shalt  }
0x86: {  	_ =	shalt  }
0x87: {  	_ =	shalt  }
.Lfunc_end0:
.L_simem_size_0:
called_computation.6_lowered:
.L_overlay_start_0:
0x88: {  	s2 =	sld [smem:$0x3FD9]  }
0x89: {  	s3 =	sld [smem:$0x3FFE];
	_ =	sdelay $0x1  }
0x8a: {  	s1 =	srdreg.scid  }
0x8b: {  	s0 =	sand.u32 $0x1, s1  }
0x8c: {  	s16 =	sshll.u32 s0, $0xA;
	s2 =	sadd.s32 s3, s2  }
0x8d: {  	s2 =	sadd.s32 s2, s16  }
0x8e: {  	[smem:$0x3FC2] =	sst s2  }
0x8f: {  	_ = 	snop  }
0x90: {  	(tm) =	ssettm $0x1  }
0x91: {  	s17 =	sld [smem:$0x3FFB];
	_ =	sdelay $0x3  }
0x92: {  	_ =	strace s17  }
0x93: {  	s2 =	sld [smem:$0x3FFC];
	_ =	sdelay $0x3  }
0x94: {  	_ =	strace s2  }
0x95: {  	s2 =	sld [smem:$0x3FFD];
	_ =	sdelay $0x3  }
0x96: {  	_ =	strace s2  }
0x97: {  	_ =	strace $0x8FFFFFFF  }
0x98: {  	s18 =	sld [smem:$0x3FDB];
	_ =	sdelay $0x1  }
0x99: {  	s19 =	simm.s32 $_scs_section_size  }
0x9a: {  	s4 =	simm.s32 $_size__tile_overlayer_lowered;
	s5 =	simm.s32 $_tile_overlayer_lowered  }
0x9b: {  	s22 =	simm.s32 $0x1BFF;
	s21 =	sshll.u32 s5, $0x1;
	s2 =	sadd.s32 s19, s18  }
0x9c: {  	s6 =	simm.s32 $0x0;
	s20 =	sshll.u32 s4, $0x1;
	s4 =	sadd.s32 s21, s2  }
0x9d: {  	[timem:s6], [sflag:s22] =	dma.local [hbm:s4], s20  }
0x9e: {  	_ =	swait.ge [sflag:s22], s20  }
0x9f: {  	s3 =	ssub.s32 $0x0, s20;
	[sflag:s22] =	ssyncset.done $0x0  }
0xa0: {  	[sflag:s22] =	ssyncadd.s32 s3;
	_ =	sdelay $0x1  }
0xa1: {  	s23 =	simm.s32 $0x1B8B  }
0xa2: {  	_ =	swait.ge [sflag:s23], $0x1  }
0xa3: {  	[sflag:s23] =	ssyncset.done $0x0  }
0xa4: {  	s25 =	simm.s32 $0x1B8E;
	s24 =	sld [smem:$0x3FFE];
	[sflag:s23] =	ssyncadd.s32 $0xFFFFFFFF  }
0xa5: {  	s26 =	simm.s32 $execute0_lowered;
	[smem:$0x3FD2] =	sst s25  }
0xa6: {  	s4 =	sshll.u32 s26, $0x1;
	_ =	strace $0x80000058;
	[dreg:$0x1] =	wrdreg $0xFFFFFFFF  }
0xa7: {  	s28 =	simm.s32 $_size_execute0_lowered;
	s2 =	sadd.s32 s2, s4;
	[dreg:$0x0] =	wrdreg $0x0  }
0xa8: {  	s4 =	sshll.u32 s28, $0x1;
	[dreg:$0x2] =	wrdreg s2  }
0xa9: {  	[dreg:$0x3] =	wrdreg s4  }
0xaa: {  	[dreg:$0x4] =	wrdreg $0xC0  }
0xab: {  	_ =	task [dreg:s6], $0x5FFFF  }
0xac: {  	[dreg:$0x1] =	wrdreg $0xFFFFFFFF  }
0xad: {  	[dreg:$0x0] =	wrdreg $0x60  }
0xae: {  	[dreg:$0x2] =	wrdreg s24  }
0xaf: {  	[dreg:$0x3] =	wrdreg $0x90000  }
0xb0: {  	[dreg:$0x4] =	wrdreg $0x9  }
0xb1: {  	_ =	task.clear_ibuf [dreg:s6], $0x5FFFF;
	_ =	strace $0x90000058  }
0xb2: {  	s29 =	simm.s32 $0x9;
	_ =	strace $0x8000005A  }
0xb3: {  	_ =	swait.ge [sflag:s29], $0x1  }
0xb4: {  	[sflag:s29] =	ssyncadd.s32 $0xFFFFFFFF  }
0xb5: {  	_ =	strace $0x9000005A  }
0xb6: {  	_ =	sfence  }
0xb7: {  	s30 =	sld [smem:$0x0];
	_ =	sdelay $0x2  }
0xb8: {  	s31 =	sshll.u32 s1, $0xD;
	s1 =	sshrl.u32 s1, $0x2  }
0xb9: {  	s3 =	sand.u32 $0x4000, s31;
	s1 =	sadd.s32 s1, s30  }
0xba: {  	s0 =	sor.u32 s3, s0;
	s1 =	sshll.u32 s1, $0x11  }
0xbb: {  	s0 =	sor.u32 s1, s0  }
0xbc: {  	s0 =	sadd.s32 $0x8F2B, s0  }
0xbd: {  	[sflag:s0] =	ssyncadd.remote.s32 $0x1  }
0xbe: {  	_ =	sfence.sel $0xFFFF  }
0xbf: {  	[dreg:$0x0] =	wrdreg $0xFFFFFFFF;
	(pc) =	sbr.abs _section_cstart, $3  }
0xc0: {  	[dreg:$0x1] =	wrdreg $0xFFFFFFFF  }
0xc1: {  	_ =	task.clear_ibuf [dreg:s6], $0x2FFFF;
	_ =	strace $0x9FFFFFFF  }
0xc2: {  	(tm) =	ssettm $0x7FFFFFFF  }
0xc3: {  	_ =	shalt  }
tec
execute0_lowered:
.L_overlay_start_1:
0x0: {  	(tag) =	ssettag $0x1  }
0x1: {  	s6 =	rddreg [dreg:$0x0]  }
0x2: {  	s1 =	rddreg [dreg:$0x1]  }
0x3: {  	s2 =	srdreg.scid;
	s0 =	rddreg [dreg:$0x2];
	s3 =	simm.s32 $0x0  }
0x4: {  	s14 =	simm.s32 $0x5000;
	s15 =	simm.s32 $0x1;
	s16 =	simm.s32 $0x2800  }
0x5: {  	s17 =	simm.s32 $0x80;
	s20 =	simm.s32 $0x0;
	s5 =	sand.u32 $0x1, s2  }
0x6: {  	s2 =	stileid.u32;
	[smem:$0x7FF] =	sst s3;
	s4 =	sshll.u32 s5, $0x4  }
0x7: {  	s8 =	smul.u32 $0x50000, s2;
	_ =	strace $0x80000059;
	s10 =	ssub.s32 $0x2, s5  }
0x8: {  	s18 =	sshll.u32 s2, $0x6;
	s7 =	sor.u32 s2, s4;
	s4 =	sadd.s32 $0x11400, s6  }
0x9: {  	s31 =	sshrl.u32 s10, $0x1;
	s18 =	sor.u32 $0x1C01, s18;
	s9 =	smul.u32 $0x500, s7  }
0xa: {  	s7 =	smul.u32 $0x2800, s7;
	s30 =	sshrl.u32 s8, $0x2;
	s13 =	ssub.s32 s10, s31  }
0xb: {  	s5 =	sadd.s32 s30, s1;
	s13 =	smax.u32 s13, $0x1;
	s11 =	sadd.s32 s9, s6  }
0xc: {  	s12 =	sadd.s32 s7, s6;
	s6 =	sadd.s32 $0x4000, s5;
	s7 =	sadd.s32 $0x8000, s5  }
0xd: {  	s8 =	sadd.s32 $0xC000, s5;
	s9 =	sadd.s32 $0x10000, s5;
	s19 =	sshrl.u32 s5, $0x3  }
0xe: {  	v0 =	vimm.f32 $0.0e+00;
	s10 =	sadd.s32 $0x61400, s11;
	s11 =	sadd.s32 $0x7400, s11;
	s12 =	sadd.s32 $0x6CC00, s12  }
.LBB2_1:
0xf: {  	s21 =	sand.u32 $0xFE00, s3  }
0x10: {  	s22 =	sand.u32 $0x70, s3;
	s23 =	sshrl.u32 s21, $0x2  }
0x11: {  	s21 =	simm.s32 $0x40;
	s23 =	sor.u32 s22, s23;
	s22 =	simm.s32 $0x0  }
.LBB2_2:
0x12: {  	p0 =	sne.s32 s21, $0xFFC0  }
0x13: {  	[tilespmem:s23+$0x5000] =	vst v0;
	s22 =	sadd.s32 $0x10, s22;
	s23 =	smov.u32 s21;
	s21 =	sadd.s32 $0x40, s21  }
.Ltmp0:
0x14: {  	(pc) =	sbr.rel @p0 .LBB2_2-.Ltmp0, $4  }
0x15: {  	_ = 	snop  }
0x16: {  	s23 =	sand.u32 $0xFE00, s23  }
0x17: {  	s24 =	sand.u32 $0x70, s22;
	s23 =	sshrl.u32 s23, $0x2  }
0x18: {  	s23 =	sor.u32 s24, s23  }
0x19: {  	[tilespmem:s23+$0x5000] =	vst v0  }
0x1a: {  	[spmem:s5] =	stream.linear.scatter [tilespmem:s14], [sflag:$0x1], $0x4000, $0x38;
	[tilespmem:$0x1D000] =	vst v63  }
0x1b: {  	_ =	swait.ge [sflag:s15], $0x4000  }
0x1c: {  	[sflag:s15] =	ssyncset.done $0x0  }
0x1d: {  	[sflag:s15] =	ssyncadd.s32 $0xFFFFC000  }
0x1e: {  	[spmem:s6] =	stream.linear.scatter [tilespmem:s14], [sflag:$0x1], $0x4000, $0x38;
	[tilespmem:$0x1D000] =	vst v63  }
0x1f: {  	_ =	swait.ge [sflag:s15], $0x4000  }
0x20: {  	[sflag:s15] =	ssyncset.done $0x0  }
0x21: {  	[sflag:s15] =	ssyncadd.s32 $0xFFFFC000  }
0x22: {  	[spmem:s7] =	stream.linear.scatter [tilespmem:s14], [sflag:$0x1], $0x4000, $0x38;
	[tilespmem:$0x1D000] =	vst v63  }
0x23: {  	_ =	swait.ge [sflag:s15], $0x4000  }
0x24: {  	[sflag:s15] =	ssyncset.done $0x0  }
0x25: {  	[sflag:s15] =	ssyncadd.s32 $0xFFFFC000  }
0x26: {  	[spmem:s8] =	stream.linear.scatter [tilespmem:s14], [sflag:$0x1], $0x4000, $0x38;
	[tilespmem:$0x1D000] =	vst v63  }
0x27: {  	_ =	swait.ge [sflag:s15], $0x4000  }
0x28: {  	[sflag:s15] =	ssyncset.done $0x0  }
0x29: {  	[sflag:s15] =	ssyncadd.s32 $0xFFFFC000  }
0x2a: {  	[spmem:s9] =	stream.linear.scatter [tilespmem:s14], [sflag:$0x1], $0x4000, $0x38;
	[tilespmem:$0x1D000] =	vst v63  }
0x2b: {  	_ =	swait.ge [sflag:s15], $0x4000  }
0x2c: {  	[sflag:s15] =	ssyncset.done $0x0  }
0x2d: {  	[sflag:s15] =	ssyncadd.s32 $0xFFFFC000  }
0x2e: {  	s21 =	simm.s32 $0x0;
	[bflag:$0x0] =	sbarrier.arrive $0xFFFF  }
0x2f: {  	[tilespmem:s21], [sflag:$0x1] =	stream.linear.gather [hbm4b:s10+s21], $0x2780, $0x38;
	[tilespmem:$0x1D000] =	vst v63  }
0x30: {  	_ =	swait.ge [sflag:s15], $0x2780  }
0x31: {  	[sflag:s15] =	ssyncset.done $0x0  }
0x32: {  	[sflag:s15] =	ssyncadd.s32 $0xFFFFD880  }
0x33: {  	[tilespmem:s16], [sflag:$0x1] =	stream.linear.gather [hbm4b:s11+s21], $0x2780, $0x38;
	[tilespmem:$0x1D000] =	vst v63  }
0x34: {  	_ =	swait.ge [sflag:s15], $0x2780  }
0x35: {  	[sflag:s15] =	ssyncset.done $0x0  }
0x36: {  	[sflag:s15] =	ssyncadd.s32 $0xFFFFD880  }
0x37: {  	s30 =	simm.s32 $0x0;
	[bflag:$0x0] =	sbarrier.arrive $0xFFFF  }
0x38: {  	[tilespmem:s14], [sflag:$0x1] =	stream.indirect.gather [hbm4b:s4+s17], $0x80, s30, s17, $0xb8;
	[tilespmem:$0x1D000] =	vst v63  }
0x39: {  	_ =	swait.ge [sflag:s15], $0x4000  }
0x3a: {  	[sflag:s15] =	ssyncset.done $0x0  }
0x3b: {  	s31 =	simm.s32 $0x2800;
	[sflag:s15] =	ssyncadd.s32 $0xFFFFC000  }
0x3c: {  	[spmem:s1] =	stream.indirect.scatter.add.f32 [tilespmem:s14], [sflag:$0x1], $0x80, s31, s17, $0xb8;
	[tilespmem:$0x1D000] =	vst v63  }
0x3d: {  	_ =	swait.ge [sflag:s15], $0x4000  }
0x3e: {  	s22 =	simm.s32 $0x400;
	s21 =	simm.s32 $0x200;
	[sflag:s15] =	ssyncset.done $0x0  }
.LBB2_4:
0x3f: {  	s23 =	sshra.s32 s21, $0x2  }
0x40: {  	[sflag:s15] =	ssyncadd.s32 $0xFFFFC000;
	s21 =	smov.u32 s22;
	s24 =	sadd.s32 $0x200, s22  }
0x41: {  	[tilespmem:s14], [sflag:$0x1] =	stream.indirect.gather [hbm4b:s4+s17], $0x80, s23, s17, $0xb8;
	[tilespmem:$0x1D000] =	vst v63  }
0x42: {  	p0 =	sne.s32 s22, $0x9C00;
	_ =	swait.ge [sflag:s15], $0x4000  }
.Ltmp1:
0x43: {  	[sflag:s15] =	ssyncset.done $0x0;
	(pc) =	sbr.rel @p0 .LBB2_4-.Ltmp1, $4  }
0x44: {  	s22 =	sadd.s32 $0x2800, s23;
	[sflag:s15] =	ssyncadd.s32 $0xFFFFC000  }
0x45: {  	[spmem:s1] =	stream.indirect.scatter.add.f32 [tilespmem:s14], [sflag:$0x1], $0x80, s22, s17, $0xb8;
	[tilespmem:$0x1D000] =	vst v63  }
0x46: {  	_ =	swait.ge [sflag:s15], $0x4000  }
0x47: {  	s22 =	smov.u32 s24;
	[sflag:s15] =	ssyncset.done $0x0  }
0x48: {  	s21 =	sshra.s32 s21, $0x2;
	[sflag:s15] =	ssyncadd.s32 $0xFFFFC000  }
0x49: {  	[tilespmem:s14], [sflag:$0x1] =	stream.indirect.gather [hbm4b:s4+s17], $0x80, s21, s17, $0xb8;
	[tilespmem:$0x1D000] =	vst v63  }
0x4a: {  	_ =	swait.ge [sflag:s15], $0x4000  }
0x4b: {  	[sflag:s15] =	ssyncset.done $0x0  }
0x4c: {  	s21 =	sadd.s32 $0x2800, s21;
	[sflag:s15] =	ssyncadd.s32 $0xFFFFC000  }
0x4d: {  	[spmem:s1] =	stream.indirect.scatter.add.f32 [tilespmem:s14], [sflag:$0x1], $0x80, s21, s17, $0xb8;
	[tilespmem:$0x1D000] =	vst v63  }
0x4e: {  	_ =	swait.ge [sflag:s15], $0x4000  }
0x4f: {  	s20 =	sadd.s32 $0x1, s20;
	[sflag:s15] =	ssyncset.done $0x0  }
0x50: {  	p0 =	sne.s32 s20, s13;
	[sflag:s15] =	ssyncadd.s32 $0xFFFFC000  }
.Ltmp2:
0x51: {  	[bflag:$0x0] =	sbarrier.arrive $0xFFFF;
	(pc) =	sbr.rel @p0 .LBB2_1-.Ltmp2, $4  }
0x52: {  	[hbm:s12], [sflag:s18] =	dma.local [spmem:s19], $0x2800  }
0x53: {  	_ =	swait.ge [sflag:s15], $0x2800  }
0x54: {  	[sflag:s15] =	ssyncset.done $0x0  }
0x55: {  	[sflag:s15] =	ssyncadd.s32 $0xFFFFD800  }
0x56: {  	_ =	sfence.sel $0x180000  }
0x57: {  	[bflag:$0x0] =	sbarrier.arrive $0xFFFF  }
0x58: {  	p0 =	sne.s32 s2, $0x0;
	_ =	strace $0x90000059  }
0x59: {  	s0 =	sadd.s32 @!p0 $0x100000, s0;
	[bflag:$0x2] =	sbarrier.arrive $0xFFFF  }
0x5a: {  	[sflag:s0] =	ssyncadd.tile.s32 @!p0 $0x1;
	_ =	shalt  }
.Lfunc_end2:
_tile_overlayer_lowered:
.L_overlay_start_2:
0x5b: {  	(tag) =	ssettag $0x2  }
0x5c: {  	s0 =	rddreg [dreg:$0x0];
	s2 =	stileid.u32  }
0x5d: {  	s1 =	rddreg [dreg:$0x1];
	p0 =	sne.s32 s2, $0x0  }
0x5e: {  	s3 =	rddreg [dreg:$0x2];
	[bflag:$0x3] =	sbarrier.arrive $0xFFFF;
	s2 =	simm.s32 @!p0 $0x1C01  }
0x5f: {  	[timem:s3], [sflag:s2] =	dma.local @!p0 [hbm:s0], s1  }
0x60: {  	s0 =	simm.s32 @!p0 $0x1  }
0x61: {  	_ =	swait.ge @!p0 [sflag:s0], s1  }
0x62: {  	s1 =	ssub.s32 @!p0 $0x0, s1;
	[sflag:s0] =	ssyncset.done @!p0 $0x0  }
0x63: {  	[sflag:s0] =	ssyncadd.s32 @!p0 s1  }
0x64: {  	[bflag:$0x3] =	sbarrier.arrive $0xFFFF  }
0x65: {  	_ =	shalt  }

// kernel: kernel.43.cloned.1.call-start
scs
__scs_entry_jumppad:
0x0: {  	(pc) =	sbr.rel $0x88, $3  }
0x1: {  	(tag) =	ssettag $0x0;
	lr =	simm.s32 $0x1  }
0x2: {  	[smem:$0x3F9B] =	sst lr;
	_ =	strace $0xD0000000  }
0x3: {  	_ = 	snop  }
0x4: {  	_ = 	snop  }
0x5: {  	_ = 	snop  }
0x6: {  	_ = 	snop  }
0x7: {  	_ = 	snop  }
__scs_overlays_trampoline_lowered:
0x8: {  	[smem:$0x3FAA] =	sst s0  }
0x9: {  	[smem:$0x3FAB] =	sst s1  }
0xa: {  	[smem:$0x3FAC] =	sst s2  }
0xb: {  	[smem:$0x3FAD] =	sst s3  }
0xc: {  	[smem:$0x3FAE] =	sst s4  }
0xd: {  	[smem:$0x3FAF] =	sst s5  }
0xe: {  	[smem:$0x3FB0] =	sst s6  }
0xf: {  	[smem:$0x3FB1] =	sst s7  }
0x10: {  	[smem:$0x3FB2] =	sst s8  }
0x11: {  	[smem:$0x3FB3] =	sst s9;
	s0 =	simm.s32 @!p0 $0x0  }
0x12: {  	s1 =	sld [smem:$0x3F99];
	s0 =	simm.s32 @p0 $0x1  }
0x13: {  	[smem:$0x3FB4] =	sst s0;
	s0 =	simm.s32 @!p1 $0x0  }
0x14: {  	s2 =	sld [smem:$0x3F98];
	s0 =	simm.s32 @p1 $0x1  }
0x15: {  	[smem:$0x3FB5] =	sst s0;
	s0 =	simm.s32 @!p2 $0x0  }
0x16: {  	s3 =	sld [smem:$0x3FDB];
	s0 =	simm.s32 @p2 $0x1  }
0x17: {  	s4 =	simm.s32 $0x1BF5;
	[smem:$0x3FB7] =	sst s0  }
0x18: {  	s0 =	sld [smem:$0x3F9A];
	_ =	swait.ge [sflag:s4], $0x0  }
0x19: {  	s7 =	sld [smem:$0x3F9B]  }
0x1a: {  	s8 =	sadd.s32 $0xFFFFE003, lr  }
0x1b: {  	s9 =	sadd.s32 $0xFFFFFEF7, lr;
	s5 =	simm.s32 $0xFFFFFFFF;
	p2 =	slt.u32 s8, $0xFFFFF086  }
0x1c: {  	p1 =	slt.u32 s9, $0xF7A;
	s5 =	simm.s32 @!p2 $0x0  }
0x1d: {  	s5 =	simm.s32 @p1 $0x1;
	p0 =	seq.s32 s7, s2  }
0x1e: {  	s7 =	smul.u32 @!p0 $0xF7A, s2;
	p2 =	seq.s32 @!p0 s5, $0x0  }
0x1f: {  	s9 =	smul.u32 $0xF7A, s1;
	s8 =	simm.s32 @!p0 $0x1BF5;
	p2 =	por !p2, p0  }
0x20: {  	[sflag:s8] =	ssyncset.s32 @!p0 $0xFFFFF086;
	s6 =	sadd.s32 @!p0 s3, s7;
	s7 =	simm.s32 @!p0 $0x108  }
0x21: {  	s3 =	sadd.s32 s3, s9;
	s6 =	sadd.s32 @!p0 $0x88, s6;
	s7 =	simm.s32 @p2 $0x1082  }
0x22: {  	[simem:s7], [sflag:s8] =	dma.local @!p0 [hbm:s6], $0xF7A  }
0x23: {  	s9 =	sor.u32 $0xD0000000, s2;
	s6 =	simm.s32 $0x108;
	_ =	swait.ge @!p0 [sflag:s8], $0x0  }
0x24: {  	s3 =	sadd.s32 $0x88, s3;
	s6 =	simm.s32 @!p1 $0x1082;
	[sflag:s4] =	ssyncset.s32 $0xFFFFF086  }
0x25: {  	[simem:s6], [sflag:s4] =	dma.local [hbm:s3], $0xF7A  }
0x26: {  	[smem:$0x3F9B] =	sst s1;
	(tag) =	ssettag s2;
	_ =	strace s9  }
0x27: {  	s1 =	sld [smem:$0x3FAB]  }
0x28: {  	s2 =	sld [smem:$0x3FAC]  }
0x29: {  	s4 =	sld [smem:$0x3FAE]  }
0x2a: {  	p0 =	seq.s32 s5, $0x0;
	s5 =	sld [smem:$0x3FAF]  }
0x2b: {  	s6 =	sld [smem:$0x3FB0]  }
0x2c: {  	s7 =	sld [smem:$0x3FB1]  }
0x2d: {  	s3 =	simm.s32 $0x108;
	s8 =	sld [smem:$0x3FB2]  }
0x2e: {  	s3 =	simm.s32 @!p0 $0x1082;
	s9 =	sld [smem:$0x3FB3]  }
0x2f: {  	lr =	sadd.s32 s0, s3;
	s0 =	sld [smem:$0x3FAA]  }
0x30: {  	s3 =	sld [smem:$0x3FAD]  }
0x31: {  	[smem:$0x3FB6] =	sst s10  }
0x32: {  	s10 =	sld [smem:$0x3FB4];
	_ =	sdelay $0x3  }
0x33: {  	p0 =	seq.s32 s10, $0x1;
	s10 =	sld [smem:$0x3FB6];
	_ =	sdelay $0x3  }
0x34: {  	[smem:$0x3FB6] =	sst s10  }
0x35: {  	s10 =	sld [smem:$0x3FB5];
	_ =	sdelay $0x3  }
0x36: {  	p1 =	seq.s32 s10, $0x1;
	s10 =	sld [smem:$0x3FB6];
	_ =	sdelay $0x3  }
0x37: {  	[smem:$0x3FB6] =	sst s10  }
0x38: {  	s10 =	sld [smem:$0x3FB7]  }
0x39: {  	_ = 	snop;
	(pc) =	sbr.ind lr, $3  }
0x3a: {  	_ = 	snop  }
0x3b: {  	_ = 	snop  }
0x3c: {  	p2 =	seq.s32 s10, $0x1;
	s10 =	sld [smem:$0x3FB6]  }
0x3d: {  	_ =	shalt  }
0x3e: {  	_ =	shalt  }
0x3f: {  	_ =	shalt  }
0x40: {  	_ =	shalt  }
0x41: {  	_ =	shalt  }
0x42: {  	_ =	shalt  }
0x43: {  	_ =	shalt  }
0x44: {  	_ =	shalt  }
0x45: {  	_ =	shalt  }
0x46: {  	_ =	shalt  }
0x47: {  	_ =	shalt  }
0x48: {  	_ =	shalt  }
0x49: {  	_ =	shalt  }
0x4a: {  	_ =	shalt  }
0x4b: {  	_ =	shalt  }
0x4c: {  	_ =	shalt  }
0x4d: {  	_ =	shalt  }
0x4e: {  	_ =	shalt  }
0x4f: {  	_ =	shalt  }
0x50: {  	_ =	shalt  }
0x51: {  	_ =	shalt  }
0x52: {  	_ =	shalt  }
0x53: {  	_ =	shalt  }
0x54: {  	_ =	shalt  }
0x55: {  	_ =	shalt  }
0x56: {  	_ =	shalt  }
0x57: {  	_ =	shalt  }
0x58: {  	_ =	shalt  }
0x59: {  	_ =	shalt  }
0x5a: {  	_ =	shalt  }
0x5b: {  	_ =	shalt  }
0x5c: {  	_ =	shalt  }
0x5d: {  	_ =	shalt  }
0x5e: {  	_ =	shalt  }
0x5f: {  	_ =	shalt  }
0x60: {  	_ =	shalt  }
0x61: {  	_ =	shalt  }
0x62: {  	_ =	shalt  }
0x63: {  	_ =	shalt  }
0x64: {  	_ =	shalt  }
0x65: {  	_ =	shalt  }
0x66: {  	_ =	shalt  }
0x67: {  	_ =	shalt  }
0x68: {  	_ =	shalt  }
0x69: {  	_ =	shalt  }
0x6a: {  	_ =	shalt  }
0x6b: {  	_ =	shalt  }
0x6c: {  	_ =	shalt  }
0x6d: {  	_ =	shalt  }
0x6e: {  	_ =	shalt  }
0x6f: {  	_ =	shalt  }
0x70: {  	_ =	shalt  }
0x71: {  	_ =	shalt  }
0x72: {  	_ =	shalt  }
0x73: {  	_ =	shalt  }
0x74: {  	_ =	shalt  }
0x75: {  	_ =	shalt  }
0x76: {  	_ =	shalt  }
0x77: {  	_ =	shalt  }
0x78: {  	_ =	shalt  }
0x79: {  	_ =	shalt  }
0x7a: {  	_ =	shalt  }
0x7b: {  	_ =	shalt  }
0x7c: {  	_ =	shalt  }
0x7d: {  	_ =	shalt  }
0x7e: {  	_ =	shalt  }
0x7f: {  	_ =	shalt  }
0x80: {  	_ =	shalt  }
0x81: {  	_ =	shalt  }
0x82: {  	_ =	shalt  }
0x83: {  	_ =	shalt  }
0x84: {  	_ =	shalt  }
0x85: {  	_ =	shalt  }
0x86: {  	_ =	shalt  }
0x87: {  	_ =	shalt  }
.Lfunc_end0:
.L_simem_size_0:
called_computation.7_lowered:
.L_overlay_start_0:
0x88: {  	s2 =	sld [smem:$0x3FD9]  }
0x89: {  	s3 =	sld [smem:$0x3FFE];
	_ =	sdelay $0x1  }
0x8a: {  	s1 =	srdreg.scid  }
0x8b: {  	s0 =	sand.u32 $0x1, s1  }
0x8c: {  	s16 =	sshll.u32 s0, $0xA;
	s2 =	sadd.s32 s3, s2  }
0x8d: {  	s2 =	sadd.s32 s2, s16  }
0x8e: {  	[smem:$0x3FC2] =	sst s2  }
0x8f: {  	_ = 	snop  }
0x90: {  	(tm) =	ssettm $0x1  }
0x91: {  	s17 =	sld [smem:$0x3FFB];
	_ =	sdelay $0x3  }
0x92: {  	_ =	strace s17  }
0x93: {  	s2 =	sld [smem:$0x3FFC];
	_ =	sdelay $0x3  }
0x94: {  	_ =	strace s2  }
0x95: {  	s2 =	sld [smem:$0x3FFD];
	_ =	sdelay $0x3  }
0x96: {  	_ =	strace s2  }
0x97: {  	_ =	strace $0x8FFFFFFF  }
0x98: {  	s18 =	sld [smem:$0x3FDB];
	_ =	sdelay $0x1  }
0x99: {  	s19 =	simm.s32 $_scs_section_size  }
0x9a: {  	s4 =	simm.s32 $_size__tile_overlayer_lowered;
	s5 =	simm.s32 $_tile_overlayer_lowered  }
0x9b: {  	s22 =	simm.s32 $0x1BFF;
	s21 =	sshll.u32 s5, $0x1;
	s2 =	sadd.s32 s19, s18  }
0x9c: {  	s6 =	simm.s32 $0x0;
	s20 =	sshll.u32 s4, $0x1;
	s4 =	sadd.s32 s21, s2  }
0x9d: {  	[timem:s6], [sflag:s22] =	dma.local [hbm:s4], s20  }
0x9e: {  	_ =	swait.ge [sflag:s22], s20  }
0x9f: {  	s3 =	ssub.s32 $0x0, s20;
	[sflag:s22] =	ssyncset.done $0x0  }
0xa0: {  	[sflag:s22] =	ssyncadd.s32 s3;
	_ =	sdelay $0x1  }
0xa1: {  	s23 =	simm.s32 $0x1B8B  }
0xa2: {  	_ =	swait.ge [sflag:s23], $0x1  }
0xa3: {  	[sflag:s23] =	ssyncset.done $0x0  }
0xa4: {  	s25 =	simm.s32 $0x1B8E;
	s24 =	sld [smem:$0x3FFE];
	[sflag:s23] =	ssyncadd.s32 $0xFFFFFFFF  }
0xa5: {  	s26 =	simm.s32 $execute0_lowered;
	[smem:$0x3FD2] =	sst s25  }
0xa6: {  	s4 =	sshll.u32 s26, $0x1;
	_ =	strace $0x8000005B;
	[dreg:$0x1] =	wrdreg $0xFFFFFFFF  }
0xa7: {  	s28 =	simm.s32 $_size_execute0_lowered;
	s2 =	sadd.s32 s2, s4;
	[dreg:$0x0] =	wrdreg $0x0  }
0xa8: {  	s4 =	sshll.u32 s28, $0x1;
	[dreg:$0x2] =	wrdreg s2  }
0xa9: {  	[dreg:$0x3] =	wrdreg s4  }
0xaa: {  	[dreg:$0x4] =	wrdreg $0xC0  }
0xab: {  	_ =	task [dreg:s6], $0x5FFFF  }
0xac: {  	[dreg:$0x1] =	wrdreg $0xFFFFFFFF  }
0xad: {  	[dreg:$0x0] =	wrdreg $0x60  }
0xae: {  	[dreg:$0x2] =	wrdreg s24  }
0xaf: {  	[dreg:$0x3] =	wrdreg $0x90000  }
0xb0: {  	[dreg:$0x4] =	wrdreg $0x9  }
0xb1: {  	_ =	task.clear_ibuf [dreg:s6], $0x5FFFF;
	_ =	strace $0x9000005B  }
0xb2: {  	s29 =	simm.s32 $0x9;
	_ =	strace $0x8000005D  }
0xb3: {  	_ =	swait.ge [sflag:s29], $0x1  }
0xb4: {  	[sflag:s29] =	ssyncadd.s32 $0xFFFFFFFF  }
0xb5: {  	_ =	strace $0x9000005D  }
0xb6: {  	_ =	sfence  }
0xb7: {  	s30 =	sld [smem:$0x0];
	_ =	sdelay $0x2  }
0xb8: {  	s31 =	sshll.u32 s1, $0xD;
	s1 =	sshrl.u32 s1, $0x2  }
0xb9: {  	s3 =	sand.u32 $0x4000, s31;
	s1 =	sadd.s32 s1, s30  }
0xba: {  	s0 =	sor.u32 s3, s0;
	s1 =	sshll.u32 s1, $0x11  }
0xbb: {  	s0 =	sor.u32 s1, s0  }
0xbc: {  	s0 =	sadd.s32 $0x8F2B, s0  }
0xbd: {  	[sflag:s0] =	ssyncadd.remote.s32 $0x1  }
0xbe: {  	_ =	sfence.sel $0xFFFF  }
0xbf: {  	[dreg:$0x0] =	wrdreg $0xFFFFFFFF;
	(pc) =	sbr.abs _section_cstart, $3  }
0xc0: {  	[dreg:$0x1] =	wrdreg $0xFFFFFFFF  }
0xc1: {  	_ =	task.clear_ibuf [dreg:s6], $0x2FFFF;
	_ =	strace $0x9FFFFFFF  }
0xc2: {  	(tm) =	ssettm $0x7FFFFFFF  }
0xc3: {  	_ =	shalt  }
tec
execute0_lowered:
.L_overlay_start_1:
0x0: {  	(tag) =	ssettag $0x1  }
0x1: {  	s6 =	rddreg [dreg:$0x0]  }
0x2: {  	s1 =	rddreg [dreg:$0x1]  }
0x3: {  	s2 =	srdreg.scid;
	s0 =	rddreg [dreg:$0x2];
	s3 =	simm.s32 $0x0  }
0x4: {  	s14 =	simm.s32 $0x5000;
	s15 =	simm.s32 $0x1;
	s16 =	simm.s32 $0x2800  }
0x5: {  	s17 =	simm.s32 $0x80;
	s20 =	simm.s32 $0x0;
	s5 =	sand.u32 $0x1, s2  }
0x6: {  	s2 =	stileid.u32;
	[smem:$0x7FF] =	sst s3;
	s4 =	sshll.u32 s5, $0x4  }
0x7: {  	s8 =	smul.u32 $0x50000, s2;
	_ =	strace $0x8000005C;
	s10 =	ssub.s32 $0x2, s5  }
0x8: {  	s18 =	sshll.u32 s2, $0x6;
	s7 =	sor.u32 s2, s4;
	s4 =	sadd.s32 $0x11400, s6  }
0x9: {  	s31 =	sshrl.u32 s10, $0x1;
	s18 =	sor.u32 $0x1C01, s18;
	s9 =	smul.u32 $0x500, s7  }
0xa: {  	s7 =	smul.u32 $0x2800, s7;
	s30 =	sshrl.u32 s8, $0x2;
	s13 =	ssub.s32 s10, s31  }
0xb: {  	s5 =	sadd.s32 s30, s1;
	s13 =	smax.u32 s13, $0x1;
	s11 =	sadd.s32 s9, s6  }
0xc: {  	s12 =	sadd.s32 s7, s6;
	s6 =	sadd.s32 $0x4000, s5;
	s7 =	sadd.s32 $0x8000, s5  }
0xd: {  	s8 =	sadd.s32 $0xC000, s5;
	s9 =	sadd.s32 $0x10000, s5;
	s19 =	sshrl.u32 s5, $0x3  }
0xe: {  	v0 =	vimm.f32 $0.0e+00;
	s10 =	sadd.s32 $0x61400, s11;
	s11 =	sadd.s32 $0x7400, s11;
	s12 =	sadd.s32 $0x6CC00, s12  }
.LBB2_1:
0xf: {  	s21 =	sand.u32 $0xFE00, s3  }
0x10: {  	s22 =	sand.u32 $0x70, s3;
	s23 =	sshrl.u32 s21, $0x2  }
0x11: {  	s21 =	simm.s32 $0x40;
	s23 =	sor.u32 s22, s23;
	s22 =	simm.s32 $0x0  }
.LBB2_2:
0x12: {  	p0 =	sne.s32 s21, $0xFFC0  }
0x13: {  	[tilespmem:s23+$0x5000] =	vst v0;
	s22 =	sadd.s32 $0x10, s22;
	s23 =	smov.u32 s21;
	s21 =	sadd.s32 $0x40, s21  }
.Ltmp0:
0x14: {  	(pc) =	sbr.rel @p0 .LBB2_2-.Ltmp0, $4  }
0x15: {  	_ = 	snop  }
0x16: {  	s23 =	sand.u32 $0xFE00, s23  }
0x17: {  	s24 =	sand.u32 $0x70, s22;
	s23 =	sshrl.u32 s23, $0x2  }
0x18: {  	s23 =	sor.u32 s24, s23  }
0x19: {  	[tilespmem:s23+$0x5000] =	vst v0  }
0x1a: {  	[spmem:s5] =	stream.linear.scatter [tilespmem:s14], [sflag:$0x1], $0x4000, $0x38;
	[tilespmem:$0x1D000] =	vst v63  }
0x1b: {  	_ =	swait.ge [sflag:s15], $0x4000  }
0x1c: {  	[sflag:s15] =	ssyncset.done $0x0  }
0x1d: {  	[sflag:s15] =	ssyncadd.s32 $0xFFFFC000  }
0x1e: {  	[spmem:s6] =	stream.linear.scatter [tilespmem:s14], [sflag:$0x1], $0x4000, $0x38;
	[tilespmem:$0x1D000] =	vst v63  }
0x1f: {  	_ =	swait.ge [sflag:s15], $0x4000  }
0x20: {  	[sflag:s15] =	ssyncset.done $0x0  }
0x21: {  	[sflag:s15] =	ssyncadd.s32 $0xFFFFC000  }
0x22: {  	[spmem:s7] =	stream.linear.scatter [tilespmem:s14], [sflag:$0x1], $0x4000, $0x38;
	[tilespmem:$0x1D000] =	vst v63  }
0x23: {  	_ =	swait.ge [sflag:s15], $0x4000  }
0x24: {  	[sflag:s15] =	ssyncset.done $0x0  }
0x25: {  	[sflag:s15] =	ssyncadd.s32 $0xFFFFC000  }
0x26: {  	[spmem:s8] =	stream.linear.scatter [tilespmem:s14], [sflag:$0x1], $0x4000, $0x38;
	[tilespmem:$0x1D000] =	vst v63  }
0x27: {  	_ =	swait.ge [sflag:s15], $0x4000  }
0x28: {  	[sflag:s15] =	ssyncset.done $0x0  }
0x29: {  	[sflag:s15] =	ssyncadd.s32 $0xFFFFC000  }
0x2a: {  	[spmem:s9] =	stream.linear.scatter [tilespmem:s14], [sflag:$0x1], $0x4000, $0x38;
	[tilespmem:$0x1D000] =	vst v63  }
0x2b: {  	_ =	swait.ge [sflag:s15], $0x4000  }
0x2c: {  	[sflag:s15] =	ssyncset.done $0x0  }
0x2d: {  	[sflag:s15] =	ssyncadd.s32 $0xFFFFC000  }
0x2e: {  	s21 =	simm.s32 $0x0;
	[bflag:$0x0] =	sbarrier.arrive $0xFFFF  }
0x2f: {  	[tilespmem:s21], [sflag:$0x1] =	stream.linear.gather [hbm4b:s10+s21], $0x2780, $0x38;
	[tilespmem:$0x1D000] =	vst v63  }
0x30: {  	_ =	swait.ge [sflag:s15], $0x2780  }
0x31: {  	[sflag:s15] =	ssyncset.done $0x0  }
0x32: {  	[sflag:s15] =	ssyncadd.s32 $0xFFFFD880  }
0x33: {  	[tilespmem:s16], [sflag:$0x1] =	stream.linear.gather [hbm4b:s11+s21], $0x2780, $0x38;
	[tilespmem:$0x1D000] =	vst v63  }
0x34: {  	_ =	swait.ge [sflag:s15], $0x2780  }
0x35: {  	[sflag:s15] =	ssyncset.done $0x0  }
0x36: {  	[sflag:s15] =	ssyncadd.s32 $0xFFFFD880  }
0x37: {  	s30 =	simm.s32 $0x0;
	[bflag:$0x0] =	sbarrier.arrive $0xFFFF  }
0x38: {  	[tilespmem:s14], [sflag:$0x1] =	stream.indirect.gather [hbm4b:s4+s17], $0x80, s30, s17, $0xb8;
	[tilespmem:$0x1D000] =	vst v63  }
0x39: {  	_ =	swait.ge [sflag:s15], $0x4000  }
0x3a: {  	[sflag:s15] =	ssyncset.done $0x0  }
0x3b: {  	s31 =	simm.s32 $0x2800;
	[sflag:s15] =	ssyncadd.s32 $0xFFFFC000  }
0x3c: {  	[spmem:s1] =	stream.indirect.scatter.add.f32 [tilespmem:s14], [sflag:$0x1], $0x80, s31, s17, $0xb8;
	[tilespmem:$0x1D000] =	vst v63  }
0x3d: {  	_ =	swait.ge [sflag:s15], $0x4000  }
0x3e: {  	s22 =	simm.s32 $0x400;
	s21 =	simm.s32 $0x200;
	[sflag:s15] =	ssyncset.done $0x0  }
.LBB2_4:
0x3f: {  	s23 =	sshra.s32 s21, $0x2  }
0x40: {  	[sflag:s15] =	ssyncadd.s32 $0xFFFFC000;
	s21 =	smov.u32 s22;
	s24 =	sadd.s32 $0x200, s22  }
0x41: {  	[tilespmem:s14], [sflag:$0x1] =	stream.indirect.gather [hbm4b:s4+s17], $0x80, s23, s17, $0xb8;
	[tilespmem:$0x1D000] =	vst v63  }
0x42: {  	p0 =	sne.s32 s22, $0x9C00;
	_ =	swait.ge [sflag:s15], $0x4000  }
.Ltmp1:
0x43: {  	[sflag:s15] =	ssyncset.done $0x0;
	(pc) =	sbr.rel @p0 .LBB2_4-.Ltmp1, $4  }
0x44: {  	s22 =	sadd.s32 $0x2800, s23;
	[sflag:s15] =	ssyncadd.s32 $0xFFFFC000  }
0x45: {  	[spmem:s1] =	stream.indirect.scatter.add.f32 [tilespmem:s14], [sflag:$0x1], $0x80, s22, s17, $0xb8;
	[tilespmem:$0x1D000] =	vst v63  }
0x46: {  	_ =	swait.ge [sflag:s15], $0x4000  }
0x47: {  	s22 =	smov.u32 s24;
	[sflag:s15] =	ssyncset.done $0x0  }
0x48: {  	s21 =	sshra.s32 s21, $0x2;
	[sflag:s15] =	ssyncadd.s32 $0xFFFFC000  }
0x49: {  	[tilespmem:s14], [sflag:$0x1] =	stream.indirect.gather [hbm4b:s4+s17], $0x80, s21, s17, $0xb8;
	[tilespmem:$0x1D000] =	vst v63  }
0x4a: {  	_ =	swait.ge [sflag:s15], $0x4000  }
0x4b: {  	[sflag:s15] =	ssyncset.done $0x0  }
0x4c: {  	s21 =	sadd.s32 $0x2800, s21;
	[sflag:s15] =	ssyncadd.s32 $0xFFFFC000  }
0x4d: {  	[spmem:s1] =	stream.indirect.scatter.add.f32 [tilespmem:s14], [sflag:$0x1], $0x80, s21, s17, $0xb8;
	[tilespmem:$0x1D000] =	vst v63  }
0x4e: {  	_ =	swait.ge [sflag:s15], $0x4000  }
0x4f: {  	s20 =	sadd.s32 $0x1, s20;
	[sflag:s15] =	ssyncset.done $0x0  }
0x50: {  	p0 =	sne.s32 s20, s13;
	[sflag:s15] =	ssyncadd.s32 $0xFFFFC000  }
.Ltmp2:
0x51: {  	[bflag:$0x0] =	sbarrier.arrive $0xFFFF;
	(pc) =	sbr.rel @p0 .LBB2_1-.Ltmp2, $4  }
0x52: {  	[hbm:s12], [sflag:s18] =	dma.local [spmem:s19], $0x2800  }
0x53: {  	_ =	swait.ge [sflag:s15], $0x2800  }
0x54: {  	[sflag:s15] =	ssyncset.done $0x0  }
0x55: {  	[sflag:s15] =	ssyncadd.s32 $0xFFFFD800  }
0x56: {  	_ =	sfence.sel $0x180000  }
0x57: {  	[bflag:$0x0] =	sbarrier.arrive $0xFFFF  }
0x58: {  	p0 =	sne.s32 s2, $0x0;
	_ =	strace $0x9000005C  }
0x59: {  	s0 =	sadd.s32 @!p0 $0x100000, s0;
	[bflag:$0x2] =	sbarrier.arrive $0xFFFF  }
0x5a: {  	[sflag:s0] =	ssyncadd.tile.s32 @!p0 $0x1;
	_ =	shalt  }
.Lfunc_end2:
_tile_overlayer_lowered:
.L_overlay_start_2:
0x5b: {  	(tag) =	ssettag $0x2  }
0x5c: {  	s0 =	rddreg [dreg:$0x0];
	s2 =	stileid.u32  }
0x5d: {  	s1 =	rddreg [dreg:$0x1];
	p0 =	sne.s32 s2, $0x0  }
0x5e: {  	s3 =	rddreg [dreg:$0x2];
	[bflag:$0x3] =	sbarrier.arrive $0xFFFF;
	s2 =	simm.s32 @!p0 $0x1C01  }
0x5f: {  	[timem:s3], [sflag:s2] =	dma.local @!p0 [hbm:s0], s1  }
0x60: {  	s0 =	simm.s32 @!p0 $0x1  }
0x61: {  	_ =	swait.ge @!p0 [sflag:s0], s1  }
0x62: {  	s1 =	ssub.s32 @!p0 $0x0, s1;
	[sflag:s0] =	ssyncset.done @!p0 $0x0  }
0x63: {  	[sflag:s0] =	ssyncadd.s32 @!p0 s1  }
0x64: {  	[bflag:$0x3] =	sbarrier.arrive $0xFFFF  }
0x65: {  	_ =	shalt  }

// kernel: kernel.46.cloned.1.call-start
scs
__scs_entry_jumppad:
0x0: {  	(pc) =	sbr.rel $0x88, $3  }
0x1: {  	(tag) =	ssettag $0x0;
	lr =	simm.s32 $0x1  }
0x2: {  	[smem:$0x3F9B] =	sst lr;
	_ =	strace $0xD0000000  }
0x3: {  	_ = 	snop  }
0x4: {  	_ = 	snop  }
0x5: {  	_ = 	snop  }
0x6: {  	_ = 	snop  }
0x7: {  	_ = 	snop  }
__scs_overlays_trampoline_lowered:
0x8: {  	[smem:$0x3FAA] =	sst s0  }
0x9: {  	[smem:$0x3FAB] =	sst s1  }
0xa: {  	[smem:$0x3FAC] =	sst s2  }
0xb: {  	[smem:$0x3FAD] =	sst s3  }
0xc: {  	[smem:$0x3FAE] =	sst s4  }
0xd: {  	[smem:$0x3FAF] =	sst s5  }
0xe: {  	[smem:$0x3FB0] =	sst s6  }
0xf: {  	[smem:$0x3FB1] =	sst s7  }
0x10: {  	[smem:$0x3FB2] =	sst s8  }
0x11: {  	[smem:$0x3FB3] =	sst s9;
	s0 =	simm.s32 @!p0 $0x0  }
0x12: {  	s1 =	sld [smem:$0x3F99];
	s0 =	simm.s32 @p0 $0x1  }
0x13: {  	[smem:$0x3FB4] =	sst s0;
	s0 =	simm.s32 @!p1 $0x0  }
0x14: {  	s2 =	sld [smem:$0x3F98];
	s0 =	simm.s32 @p1 $0x1  }
0x15: {  	[smem:$0x3FB5] =	sst s0;
	s0 =	simm.s32 @!p2 $0x0  }
0x16: {  	s3 =	sld [smem:$0x3FDB];
	s0 =	simm.s32 @p2 $0x1  }
0x17: {  	s4 =	simm.s32 $0x1BF5;
	[smem:$0x3FB7] =	sst s0  }
0x18: {  	s0 =	sld [smem:$0x3F9A];
	_ =	swait.ge [sflag:s4], $0x0  }
0x19: {  	s7 =	sld [smem:$0x3F9B]  }
0x1a: {  	s8 =	sadd.s32 $0xFFFFE003, lr  }
0x1b: {  	s9 =	sadd.s32 $0xFFFFFEF7, lr;
	s5 =	simm.s32 $0xFFFFFFFF;
	p2 =	slt.u32 s8, $0xFFFFF086  }
0x1c: {  	p1 =	slt.u32 s9, $0xF7A;
	s5 =	simm.s32 @!p2 $0x0  }
0x1d: {  	s5 =	simm.s32 @p1 $0x1;
	p0 =	seq.s32 s7, s2  }
0x1e: {  	s7 =	smul.u32 @!p0 $0xF7A, s2;
	p2 =	seq.s32 @!p0 s5, $0x0  }
0x1f: {  	s9 =	smul.u32 $0xF7A, s1;
	s8 =	simm.s32 @!p0 $0x1BF5;
	p2 =	por !p2, p0  }
0x20: {  	[sflag:s8] =	ssyncset.s32 @!p0 $0xFFFFF086;
	s6 =	sadd.s32 @!p0 s3, s7;
	s7 =	simm.s32 @!p0 $0x108  }
0x21: {  	s3 =	sadd.s32 s3, s9;
	s6 =	sadd.s32 @!p0 $0x88, s6;
	s7 =	simm.s32 @p2 $0x1082  }
0x22: {  	[simem:s7], [sflag:s8] =	dma.local @!p0 [hbm:s6], $0xF7A  }
0x23: {  	s9 =	sor.u32 $0xD0000000, s2;
	s6 =	simm.s32 $0x108;
	_ =	swait.ge @!p0 [sflag:s8], $0x0  }
0x24: {  	s3 =	sadd.s32 $0x88, s3;
	s6 =	simm.s32 @!p1 $0x1082;
	[sflag:s4] =	ssyncset.s32 $0xFFFFF086  }
0x25: {  	[simem:s6], [sflag:s4] =	dma.local [hbm:s3], $0xF7A  }
0x26: {  	[smem:$0x3F9B] =	sst s1;
	(tag) =	ssettag s2;
	_ =	strace s9  }
0x27: {  	s1 =	sld [smem:$0x3FAB]  }
0x28: {  	s2 =	sld [smem:$0x3FAC]  }
0x29: {  	s4 =	sld [smem:$0x3FAE]  }
0x2a: {  	p0 =	seq.s32 s5, $0x0;
	s5 =	sld [smem:$0x3FAF]  }
0x2b: {  	s6 =	sld [smem:$0x3FB0]  }
0x2c: {  	s7 =	sld [smem:$0x3FB1]  }
0x2d: {  	s3 =	simm.s32 $0x108;
	s8 =	sld [smem:$0x3FB2]  }
0x2e: {  	s3 =	simm.s32 @!p0 $0x1082;
	s9 =	sld [smem:$0x3FB3]  }
0x2f: {  	lr =	sadd.s32 s0, s3;
	s0 =	sld [smem:$0x3FAA]  }
0x30: {  	s3 =	sld [smem:$0x3FAD]  }
0x31: {  	[smem:$0x3FB6] =	sst s10  }
0x32: {  	s10 =	sld [smem:$0x3FB4];
	_ =	sdelay $0x3  }
0x33: {  	p0 =	seq.s32 s10, $0x1;
	s10 =	sld [smem:$0x3FB6];
	_ =	sdelay $0x3  }
0x34: {  	[smem:$0x3FB6] =	sst s10  }
0x35: {  	s10 =	sld [smem:$0x3FB5];
	_ =	sdelay $0x3  }
0x36: {  	p1 =	seq.s32 s10, $0x1;
	s10 =	sld [smem:$0x3FB6];
	_ =	sdelay $0x3  }
0x37: {  	[smem:$0x3FB6] =	sst s10  }
0x38: {  	s10 =	sld [smem:$0x3FB7]  }
0x39: {  	_ = 	snop;
	(pc) =	sbr.ind lr, $3  }
0x3a: {  	_ = 	snop  }
0x3b: {  	_ = 	snop  }
0x3c: {  	p2 =	seq.s32 s10, $0x1;
	s10 =	sld [smem:$0x3FB6]  }
0x3d: {  	_ =	shalt  }
0x3e: {  	_ =	shalt  }
0x3f: {  	_ =	shalt  }
0x40: {  	_ =	shalt  }
0x41: {  	_ =	shalt  }
0x42: {  	_ =	shalt  }
0x43: {  	_ =	shalt  }
0x44: {  	_ =	shalt  }
0x45: {  	_ =	shalt  }
0x46: {  	_ =	shalt  }
0x47: {  	_ =	shalt  }
0x48: {  	_ =	shalt  }
0x49: {  	_ =	shalt  }
0x4a: {  	_ =	shalt  }
0x4b: {  	_ =	shalt  }
0x4c: {  	_ =	shalt  }
0x4d: {  	_ =	shalt  }
0x4e: {  	_ =	shalt  }
0x4f: {  	_ =	shalt  }
0x50: {  	_ =	shalt  }
0x51: {  	_ =	shalt  }
0x52: {  	_ =	shalt  }
0x53: {  	_ =	shalt  }
0x54: {  	_ =	shalt  }
0x55: {  	_ =	shalt  }
0x56: {  	_ =	shalt  }
0x57: {  	_ =	shalt  }
0x58: {  	_ =	shalt  }
0x59: {  	_ =	shalt  }
0x5a: {  	_ =	shalt  }
0x5b: {  	_ =	shalt  }
0x5c: {  	_ =	shalt  }
0x5d: {  	_ =	shalt  }
0x5e: {  	_ =	shalt  }
0x5f: {  	_ =	shalt  }
0x60: {  	_ =	shalt  }
0x61: {  	_ =	shalt  }
0x62: {  	_ =	shalt  }
0x63: {  	_ =	shalt  }
0x64: {  	_ =	shalt  }
0x65: {  	_ =	shalt  }
0x66: {  	_ =	shalt  }
0x67: {  	_ =	shalt  }
0x68: {  	_ =	shalt  }
0x69: {  	_ =	shalt  }
0x6a: {  	_ =	shalt  }
0x6b: {  	_ =	shalt  }
0x6c: {  	_ =	shalt  }
0x6d: {  	_ =	shalt  }
0x6e: {  	_ =	shalt  }
0x6f: {  	_ =	shalt  }
0x70: {  	_ =	shalt  }
0x71: {  	_ =	shalt  }
0x72: {  	_ =	shalt  }
0x73: {  	_ =	shalt  }
0x74: {  	_ =	shalt  }
0x75: {  	_ =	shalt  }
0x76: {  	_ =	shalt  }
0x77: {  	_ =	shalt  }
0x78: {  	_ =	shalt  }
0x79: {  	_ =	shalt  }
0x7a: {  	_ =	shalt  }
0x7b: {  	_ =	shalt  }
0x7c: {  	_ =	shalt  }
0x7d: {  	_ =	shalt  }
0x7e: {  	_ =	shalt  }
0x7f: {  	_ =	shalt  }
0x80: {  	_ =	shalt  }
0x81: {  	_ =	shalt  }
0x82: {  	_ =	shalt  }
0x83: {  	_ =	shalt  }
0x84: {  	_ =	shalt  }
0x85: {  	_ =	shalt  }
0x86: {  	_ =	shalt  }
0x87: {  	_ =	shalt  }
.Lfunc_end0:
.L_simem_size_0:
called_computation.8_lowered:
.L_overlay_start_0:
0x88: {  	s2 =	sld [smem:$0x3FD9]  }
0x89: {  	s3 =	sld [smem:$0x3FFE];
	_ =	sdelay $0x1  }
0x8a: {  	s1 =	srdreg.scid  }
0x8b: {  	s0 =	sand.u32 $0x1, s1  }
0x8c: {  	s16 =	sshll.u32 s0, $0xA;
	s2 =	sadd.s32 s3, s2  }
0x8d: {  	s2 =	sadd.s32 s2, s16  }
0x8e: {  	[smem:$0x3FC2] =	sst s2  }
0x8f: {  	_ = 	snop  }
0x90: {  	(tm) =	ssettm $0x1  }
0x91: {  	s17 =	sld [smem:$0x3FFB];
	_ =	sdelay $0x3  }
0x92: {  	_ =	strace s17  }
0x93: {  	s2 =	sld [smem:$0x3FFC];
	_ =	sdelay $0x3  }
0x94: {  	_ =	strace s2  }
0x95: {  	s2 =	sld [smem:$0x3FFD];
	_ =	sdelay $0x3  }
0x96: {  	_ =	strace s2  }
0x97: {  	_ =	strace $0x8FFFFFFF  }
0x98: {  	s18 =	sld [smem:$0x3FDB];
	_ =	sdelay $0x1  }
0x99: {  	s19 =	simm.s32 $_scs_section_size  }
0x9a: {  	s4 =	simm.s32 $_size__tile_overlayer_lowered;
	s5 =	simm.s32 $_tile_overlayer_lowered  }
0x9b: {  	s22 =	simm.s32 $0x1BFF;
	s21 =	sshll.u32 s5, $0x1;
	s2 =	sadd.s32 s19, s18  }
0x9c: {  	s6 =	simm.s32 $0x0;
	s20 =	sshll.u32 s4, $0x1;
	s4 =	sadd.s32 s21, s2  }
0x9d: {  	[timem:s6], [sflag:s22] =	dma.local [hbm:s4], s20  }
0x9e: {  	_ =	swait.ge [sflag:s22], s20  }
0x9f: {  	s3 =	ssub.s32 $0x0, s20;
	[sflag:s22] =	ssyncset.done $0x0  }
0xa0: {  	[sflag:s22] =	ssyncadd.s32 s3;
	_ =	sdelay $0x1  }
0xa1: {  	s23 =	simm.s32 $0x1B8B  }
0xa2: {  	_ =	swait.ge [sflag:s23], $0x1  }
0xa3: {  	[sflag:s23] =	ssyncset.done $0x0  }
0xa4: {  	s25 =	simm.s32 $0x1B8E;
	s24 =	sld [smem:$0x3FFE];
	[sflag:s23] =	ssyncadd.s32 $0xFFFFFFFF  }
0xa5: {  	s26 =	simm.s32 $execute0_lowered;
	[smem:$0x3FD2] =	sst s25  }
0xa6: {  	s4 =	sshll.u32 s26, $0x1;
	_ =	strace $0x8000005E;
	[dreg:$0x1] =	wrdreg $0xFFFFFFFF  }
0xa7: {  	s28 =	simm.s32 $_size_execute0_lowered;
	s2 =	sadd.s32 s2, s4;
	[dreg:$0x0] =	wrdreg $0x0  }
0xa8: {  	s4 =	sshll.u32 s28, $0x1;
	[dreg:$0x2] =	wrdreg s2  }
0xa9: {  	[dreg:$0x3] =	wrdreg s4  }
0xaa: {  	[dreg:$0x4] =	wrdreg $0xC0  }
0xab: {  	_ =	task [dreg:s6], $0x5FFFF  }
0xac: {  	[dreg:$0x1] =	wrdreg $0xFFFFFFFF  }
0xad: {  	[dreg:$0x0] =	wrdreg $0x60  }
0xae: {  	[dreg:$0x2] =	wrdreg s24  }
0xaf: {  	[dreg:$0x3] =	wrdreg $0x90000  }
0xb0: {  	[dreg:$0x4] =	wrdreg $0x9  }
0xb1: {  	_ =	task.clear_ibuf [dreg:s6], $0x5FFFF;
	_ =	strace $0x9000005E  }
0xb2: {  	s29 =	simm.s32 $0x9;
	_ =	strace $0x80000060  }
0xb3: {  	_ =	swait.ge [sflag:s29], $0x1  }
0xb4: {  	[sflag:s29] =	ssyncadd.s32 $0xFFFFFFFF  }
0xb5: {  	_ =	strace $0x90000060  }
0xb6: {  	_ =	sfence  }
0xb7: {  	s30 =	sld [smem:$0x0];
	_ =	sdelay $0x2  }
0xb8: {  	s31 =	sshll.u32 s1, $0xD;
	s1 =	sshrl.u32 s1, $0x2  }
0xb9: {  	s3 =	sand.u32 $0x4000, s31;
	s1 =	sadd.s32 s1, s30  }
0xba: {  	s0 =	sor.u32 s3, s0;
	s1 =	sshll.u32 s1, $0x11  }
0xbb: {  	s0 =	sor.u32 s1, s0  }
0xbc: {  	s0 =	sadd.s32 $0x8F2B, s0  }
0xbd: {  	[sflag:s0] =	ssyncadd.remote.s32 $0x1  }
0xbe: {  	_ =	sfence.sel $0xFFFF  }
0xbf: {  	[dreg:$0x0] =	wrdreg $0xFFFFFFFF;
	(pc) =	sbr.abs _section_cstart, $3  }
0xc0: {  	[dreg:$0x1] =	wrdreg $0xFFFFFFFF  }
0xc1: {  	_ =	task.clear_ibuf [dreg:s6], $0x2FFFF;
	_ =	strace $0x9FFFFFFF  }
0xc2: {  	(tm) =	ssettm $0x7FFFFFFF  }
0xc3: {  	_ =	shalt  }
tec
execute0_lowered:
.L_overlay_start_1:
0x0: {  	(tag) =	ssettag $0x1  }
0x1: {  	s6 =	rddreg [dreg:$0x0]  }
0x2: {  	s1 =	rddreg [dreg:$0x1]  }
0x3: {  	s2 =	srdreg.scid;
	s0 =	rddreg [dreg:$0x2];
	s3 =	simm.s32 $0x0  }
0x4: {  	s14 =	simm.s32 $0x5000;
	s15 =	simm.s32 $0x1;
	s16 =	simm.s32 $0x2800  }
0x5: {  	s17 =	simm.s32 $0x80;
	s20 =	simm.s32 $0x0;
	s5 =	sand.u32 $0x1, s2  }
0x6: {  	s2 =	stileid.u32;
	[smem:$0x7FF] =	sst s3;
	s4 =	sshll.u32 s5, $0x4  }
0x7: {  	s8 =	smul.u32 $0x50000, s2;
	_ =	strace $0x8000005F;
	s10 =	ssub.s32 $0x2, s5  }
0x8: {  	s18 =	sshll.u32 s2, $0x6;
	s7 =	sor.u32 s2, s4;
	s4 =	sadd.s32 $0x11400, s6  }
0x9: {  	s31 =	sshrl.u32 s10, $0x1;
	s18 =	sor.u32 $0x1C01, s18;
	s9 =	smul.u32 $0x500, s7  }
0xa: {  	s7 =	smul.u32 $0x2800, s7;
	s30 =	sshrl.u32 s8, $0x2;
	s13 =	ssub.s32 s10, s31  }
0xb: {  	s5 =	sadd.s32 s30, s1;
	s13 =	smax.u32 s13, $0x1;
	s11 =	sadd.s32 s9, s6  }
0xc: {  	s12 =	sadd.s32 s7, s6;
	s6 =	sadd.s32 $0x4000, s5;
	s7 =	sadd.s32 $0x8000, s5  }
0xd: {  	s8 =	sadd.s32 $0xC000, s5;
	s9 =	sadd.s32 $0x10000, s5;
	s19 =	sshrl.u32 s5, $0x3  }
0xe: {  	v0 =	vimm.f32 $0.0e+00;
	s10 =	sadd.s32 $0x61400, s11;
	s11 =	sadd.s32 $0x7400, s11;
	s12 =	sadd.s32 $0x6B400, s12  }
.LBB2_1:
0xf: {  	s21 =	sand.u32 $0xFE00, s3  }
0x10: {  	s22 =	sand.u32 $0x70, s3;
	s23 =	sshrl.u32 s21, $0x2  }
0x11: {  	s21 =	simm.s32 $0x40;
	s23 =	sor.u32 s22, s23;
	s22 =	simm.s32 $0x0  }
.LBB2_2:
0x12: {  	p0 =	sne.s32 s21, $0xFFC0  }
0x13: {  	[tilespmem:s23+$0x5000] =	vst v0;
	s22 =	sadd.s32 $0x10, s22;
	s23 =	smov.u32 s21;
	s21 =	sadd.s32 $0x40, s21  }
.Ltmp0:
0x14: {  	(pc) =	sbr.rel @p0 .LBB2_2-.Ltmp0, $4  }
0x15: {  	_ = 	snop  }
0x16: {  	s23 =	sand.u32 $0xFE00, s23  }
0x17: {  	s24 =	sand.u32 $0x70, s22;
	s23 =	sshrl.u32 s23, $0x2  }
0x18: {  	s23 =	sor.u32 s24, s23  }
0x19: {  	[tilespmem:s23+$0x5000] =	vst v0  }
0x1a: {  	[spmem:s5] =	stream.linear.scatter [tilespmem:s14], [sflag:$0x1], $0x4000, $0x38;
	[tilespmem:$0x1D000] =	vst v63  }
0x1b: {  	_ =	swait.ge [sflag:s15], $0x4000  }
0x1c: {  	[sflag:s15] =	ssyncset.done $0x0  }
0x1d: {  	[sflag:s15] =	ssyncadd.s32 $0xFFFFC000  }
0x1e: {  	[spmem:s6] =	stream.linear.scatter [tilespmem:s14], [sflag:$0x1], $0x4000, $0x38;
	[tilespmem:$0x1D000] =	vst v63  }
0x1f: {  	_ =	swait.ge [sflag:s15], $0x4000  }
0x20: {  	[sflag:s15] =	ssyncset.done $0x0  }
0x21: {  	[sflag:s15] =	ssyncadd.s32 $0xFFFFC000  }
0x22: {  	[spmem:s7] =	stream.linear.scatter [tilespmem:s14], [sflag:$0x1], $0x4000, $0x38;
	[tilespmem:$0x1D000] =	vst v63  }
0x23: {  	_ =	swait.ge [sflag:s15], $0x4000  }
0x24: {  	[sflag:s15] =	ssyncset.done $0x0  }
0x25: {  	[sflag:s15] =	ssyncadd.s32 $0xFFFFC000  }
0x26: {  	[spmem:s8] =	stream.linear.scatter [tilespmem:s14], [sflag:$0x1], $0x4000, $0x38;
	[tilespmem:$0x1D000] =	vst v63  }
0x27: {  	_ =	swait.ge [sflag:s15], $0x4000  }
0x28: {  	[sflag:s15] =	ssyncset.done $0x0  }
0x29: {  	[sflag:s15] =	ssyncadd.s32 $0xFFFFC000  }
0x2a: {  	[spmem:s9] =	stream.linear.scatter [tilespmem:s14], [sflag:$0x1], $0x4000, $0x38;
	[tilespmem:$0x1D000] =	vst v63  }
0x2b: {  	_ =	swait.ge [sflag:s15], $0x4000  }
0x2c: {  	[sflag:s15] =	ssyncset.done $0x0  }
0x2d: {  	[sflag:s15] =	ssyncadd.s32 $0xFFFFC000  }
0x2e: {  	s21 =	simm.s32 $0x0;
	[bflag:$0x0] =	sbarrier.arrive $0xFFFF  }
0x2f: {  	[tilespmem:s21], [sflag:$0x1] =	stream.linear.gather [hbm4b:s10+s21], $0x2780, $0x38;
	[tilespmem:$0x1D000] =	vst v63  }
0x30: {  	_ =	swait.ge [sflag:s15], $0x2780  }
0x31: {  	[sflag:s15] =	ssyncset.done $0x0  }
0x32: {  	[sflag:s15] =	ssyncadd.s32 $0xFFFFD880  }
0x33: {  	[tilespmem:s16], [sflag:$0x1] =	stream.linear.gather [hbm4b:s11+s21], $0x2780, $0x38;
	[tilespmem:$0x1D000] =	vst v63  }
0x34: {  	_ =	swait.ge [sflag:s15], $0x2780  }
0x35: {  	[sflag:s15] =	ssyncset.done $0x0  }
0x36: {  	[sflag:s15] =	ssyncadd.s32 $0xFFFFD880  }
0x37: {  	s30 =	simm.s32 $0x0;
	[bflag:$0x0] =	sbarrier.arrive $0xFFFF  }
0x38: {  	[tilespmem:s14], [sflag:$0x1] =	stream.indirect.gather [hbm4b:s4+s17], $0x80, s30, s17, $0xb8;
	[tilespmem:$0x1D000] =	vst v63  }
0x39: {  	_ =	swait.ge [sflag:s15], $0x4000  }
0x3a: {  	[sflag:s15] =	ssyncset.done $0x0  }
0x3b: {  	s31 =	simm.s32 $0x2800;
	[sflag:s15] =	ssyncadd.s32 $0xFFFFC000  }
0x3c: {  	[spmem:s1] =	stream.indirect.scatter.add.f32 [tilespmem:s14], [sflag:$0x1], $0x80, s31, s17, $0xb8;
	[tilespmem:$0x1D000] =	vst v63  }
0x3d: {  	_ =	swait.ge [sflag:s15], $0x4000  }
0x3e: {  	s22 =	simm.s32 $0x400;
	s21 =	simm.s32 $0x200;
	[sflag:s15] =	ssyncset.done $0x0  }
.LBB2_4:
0x3f: {  	s23 =	sshra.s32 s21, $0x2  }
0x40: {  	[sflag:s15] =	ssyncadd.s32 $0xFFFFC000;
	s21 =	smov.u32 s22;
	s24 =	sadd.s32 $0x200, s22  }
0x41: {  	[tilespmem:s14], [sflag:$0x1] =	stream.indirect.gather [hbm4b:s4+s17], $0x80, s23, s17, $0xb8;
	[tilespmem:$0x1D000] =	vst v63  }
0x42: {  	p0 =	sne.s32 s22, $0x9C00;
	_ =	swait.ge [sflag:s15], $0x4000  }
.Ltmp1:
0x43: {  	[sflag:s15] =	ssyncset.done $0x0;
	(pc) =	sbr.rel @p0 .LBB2_4-.Ltmp1, $4  }
0x44: {  	s22 =	sadd.s32 $0x2800, s23;
	[sflag:s15] =	ssyncadd.s32 $0xFFFFC000  }
0x45: {  	[spmem:s1] =	stream.indirect.scatter.add.f32 [tilespmem:s14], [sflag:$0x1], $0x80, s22, s17, $0xb8;
	[tilespmem:$0x1D000] =	vst v63  }
0x46: {  	_ =	swait.ge [sflag:s15], $0x4000  }
0x47: {  	s22 =	smov.u32 s24;
	[sflag:s15] =	ssyncset.done $0x0  }
0x48: {  	s21 =	sshra.s32 s21, $0x2;
	[sflag:s15] =	ssyncadd.s32 $0xFFFFC000  }
0x49: {  	[tilespmem:s14], [sflag:$0x1] =	stream.indirect.gather [hbm4b:s4+s17], $0x80, s21, s17, $0xb8;
	[tilespmem:$0x1D000] =	vst v63  }
0x4a: {  	_ =	swait.ge [sflag:s15], $0x4000  }
0x4b: {  	[sflag:s15] =	ssyncset.done $0x0  }
0x4c: {  	s21 =	sadd.s32 $0x2800, s21;
	[sflag:s15] =	ssyncadd.s32 $0xFFFFC000  }
0x4d: {  	[spmem:s1] =	stream.indirect.scatter.add.f32 [tilespmem:s14], [sflag:$0x1], $0x80, s21, s17, $0xb8;
	[tilespmem:$0x1D000] =	vst v63  }
0x4e: {  	_ =	swait.ge [sflag:s15], $0x4000  }
0x4f: {  	s20 =	sadd.s32 $0x1, s20;
	[sflag:s15] =	ssyncset.done $0x0  }
0x50: {  	p0 =	sne.s32 s20, s13;
	[sflag:s15] =	ssyncadd.s32 $0xFFFFC000  }
.Ltmp2:
0x51: {  	[bflag:$0x0] =	sbarrier.arrive $0xFFFF;
	(pc) =	sbr.rel @p0 .LBB2_1-.Ltmp2, $4  }
0x52: {  	[hbm:s12], [sflag:s18] =	dma.local [spmem:s19], $0x2800  }
0x53: {  	_ =	swait.ge [sflag:s15], $0x2800  }
0x54: {  	[sflag:s15] =	ssyncset.done $0x0  }
0x55: {  	[sflag:s15] =	ssyncadd.s32 $0xFFFFD800  }
0x56: {  	_ =	sfence.sel $0x180000  }
0x57: {  	[bflag:$0x0] =	sbarrier.arrive $0xFFFF  }
0x58: {  	p0 =	sne.s32 s2, $0x0;
	_ =	strace $0x9000005F  }
0x59: {  	s0 =	sadd.s32 @!p0 $0x100000, s0;
	[bflag:$0x2] =	sbarrier.arrive $0xFFFF  }
0x5a: {  	[sflag:s0] =	ssyncadd.tile.s32 @!p0 $0x1;
	_ =	shalt  }
.Lfunc_end2:
_tile_overlayer_lowered:
.L_overlay_start_2:
0x5b: {  	(tag) =	ssettag $0x2  }
0x5c: {  	s0 =	rddreg [dreg:$0x0];
	s2 =	stileid.u32  }
0x5d: {  	s1 =	rddreg [dreg:$0x1];
	p0 =	sne.s32 s2, $0x0  }
0x5e: {  	s3 =	rddreg [dreg:$0x2];
	[bflag:$0x3] =	sbarrier.arrive $0xFFFF;
	s2 =	simm.s32 @!p0 $0x1C01  }
0x5f: {  	[timem:s3], [sflag:s2] =	dma.local @!p0 [hbm:s0], s1  }
0x60: {  	s0 =	simm.s32 @!p0 $0x1  }
0x61: {  	_ =	swait.ge @!p0 [sflag:s0], s1  }
0x62: {  	s1 =	ssub.s32 @!p0 $0x0, s1;
	[sflag:s0] =	ssyncset.done @!p0 $0x0  }
0x63: {  	[sflag:s0] =	ssyncadd.s32 @!p0 s1  }
0x64: {  	[bflag:$0x3] =	sbarrier.arrive $0xFFFF  }
0x65: {  	_ =	shalt  }

// kernel: kernel.49.cloned.1.call-start
scs
__scs_entry_jumppad:
0x0: {  	(pc) =	sbr.rel $0x88, $3  }
0x1: {  	(tag) =	ssettag $0x0;
	lr =	simm.s32 $0x1  }
0x2: {  	[smem:$0x3F9B] =	sst lr;
	_ =	strace $0xD0000000  }
0x3: {  	_ = 	snop  }
0x4: {  	_ = 	snop  }
0x5: {  	_ = 	snop  }
0x6: {  	_ = 	snop  }
0x7: {  	_ = 	snop  }
__scs_overlays_trampoline_lowered:
0x8: {  	[smem:$0x3FAA] =	sst s0  }
0x9: {  	[smem:$0x3FAB] =	sst s1  }
0xa: {  	[smem:$0x3FAC] =	sst s2  }
0xb: {  	[smem:$0x3FAD] =	sst s3  }
0xc: {  	[smem:$0x3FAE] =	sst s4  }
0xd: {  	[smem:$0x3FAF] =	sst s5  }
0xe: {  	[smem:$0x3FB0] =	sst s6  }
0xf: {  	[smem:$0x3FB1] =	sst s7  }
0x10: {  	[smem:$0x3FB2] =	sst s8  }
0x11: {  	[smem:$0x3FB3] =	sst s9;
	s0 =	simm.s32 @!p0 $0x0  }
0x12: {  	s1 =	sld [smem:$0x3F99];
	s0 =	simm.s32 @p0 $0x1  }
0x13: {  	[smem:$0x3FB4] =	sst s0;
	s0 =	simm.s32 @!p1 $0x0  }
0x14: {  	s2 =	sld [smem:$0x3F98];
	s0 =	simm.s32 @p1 $0x1  }
0x15: {  	[smem:$0x3FB5] =	sst s0;
	s0 =	simm.s32 @!p2 $0x0  }
0x16: {  	s3 =	sld [smem:$0x3FDB];
	s0 =	simm.s32 @p2 $0x1  }
0x17: {  	s4 =	simm.s32 $0x1BF5;
	[smem:$0x3FB7] =	sst s0  }
0x18: {  	s0 =	sld [smem:$0x3F9A];
	_ =	swait.ge [sflag:s4], $0x0  }
0x19: {  	s7 =	sld [smem:$0x3F9B]  }
0x1a: {  	s8 =	sadd.s32 $0xFFFFE003, lr  }
0x1b: {  	s9 =	sadd.s32 $0xFFFFFEF7, lr;
	s5 =	simm.s32 $0xFFFFFFFF;
	p2 =	slt.u32 s8, $0xFFFFF086  }
0x1c: {  	p1 =	slt.u32 s9, $0xF7A;
	s5 =	simm.s32 @!p2 $0x0  }
0x1d: {  	s5 =	simm.s32 @p1 $0x1;
	p0 =	seq.s32 s7, s2  }
0x1e: {  	s7 =	smul.u32 @!p0 $0xF7A, s2;
	p2 =	seq.s32 @!p0 s5, $0x0  }
0x1f: {  	s9 =	smul.u32 $0xF7A, s1;
	s8 =	simm.s32 @!p0 $0x1BF5;
	p2 =	por !p2, p0  }
0x20: {  	[sflag:s8] =	ssyncset.s32 @!p0 $0xFFFFF086;
	s6 =	sadd.s32 @!p0 s3, s7;
	s7 =	simm.s32 @!p0 $0x108  }
0x21: {  	s3 =	sadd.s32 s3, s9;
	s6 =	sadd.s32 @!p0 $0x88, s6;
	s7 =	simm.s32 @p2 $0x1082  }
0x22: {  	[simem:s7], [sflag:s8] =	dma.local @!p0 [hbm:s6], $0xF7A  }
0x23: {  	s9 =	sor.u32 $0xD0000000, s2;
	s6 =	simm.s32 $0x108;
	_ =	swait.ge @!p0 [sflag:s8], $0x0  }
0x24: {  	s3 =	sadd.s32 $0x88, s3;
	s6 =	simm.s32 @!p1 $0x1082;
	[sflag:s4] =	ssyncset.s32 $0xFFFFF086  }
0x25: {  	[simem:s6], [sflag:s4] =	dma.local [hbm:s3], $0xF7A  }
0x26: {  	[smem:$0x3F9B] =	sst s1;
	(tag) =	ssettag s2;
	_ =	strace s9  }
0x27: {  	s1 =	sld [smem:$0x3FAB]  }
0x28: {  	s2 =	sld [smem:$0x3FAC]  }
0x29: {  	s4 =	sld [smem:$0x3FAE]  }
0x2a: {  	p0 =	seq.s32 s5, $0x0;
	s5 =	sld [smem:$0x3FAF]  }
0x2b: {  	s6 =	sld [smem:$0x3FB0]  }
0x2c: {  	s7 =	sld [smem:$0x3FB1]  }
0x2d: {  	s3 =	simm.s32 $0x108;
	s8 =	sld [smem:$0x3FB2]  }
0x2e: {  	s3 =	simm.s32 @!p0 $0x1082;
	s9 =	sld [smem:$0x3FB3]  }
0x2f: {  	lr =	sadd.s32 s0, s3;
	s0 =	sld [smem:$0x3FAA]  }
0x30: {  	s3 =	sld [smem:$0x3FAD]  }
0x31: {  	[smem:$0x3FB6] =	sst s10  }
0x32: {  	s10 =	sld [smem:$0x3FB4];
	_ =	sdelay $0x3  }
0x33: {  	p0 =	seq.s32 s10, $0x1;
	s10 =	sld [smem:$0x3FB6];
	_ =	sdelay $0x3  }
0x34: {  	[smem:$0x3FB6] =	sst s10  }
0x35: {  	s10 =	sld [smem:$0x3FB5];
	_ =	sdelay $0x3  }
0x36: {  	p1 =	seq.s32 s10, $0x1;
	s10 =	sld [smem:$0x3FB6];
	_ =	sdelay $0x3  }
0x37: {  	[smem:$0x3FB6] =	sst s10  }
0x38: {  	s10 =	sld [smem:$0x3FB7]  }
0x39: {  	_ = 	snop;
	(pc) =	sbr.ind lr, $3  }
0x3a: {  	_ = 	snop  }
0x3b: {  	_ = 	snop  }
0x3c: {  	p2 =	seq.s32 s10, $0x1;
	s10 =	sld [smem:$0x3FB6]  }
0x3d: {  	_ =	shalt  }
0x3e: {  	_ =	shalt  }
0x3f: {  	_ =	shalt  }
0x40: {  	_ =	shalt  }
0x41: {  	_ =	shalt  }
0x42: {  	_ =	shalt  }
0x43: {  	_ =	shalt  }
0x44: {  	_ =	shalt  }
0x45: {  	_ =	shalt  }
0x46: {  	_ =	shalt  }
0x47: {  	_ =	shalt  }
0x48: {  	_ =	shalt  }
0x49: {  	_ =	shalt  }
0x4a: {  	_ =	shalt  }
0x4b: {  	_ =	shalt  }
0x4c: {  	_ =	shalt  }
0x4d: {  	_ =	shalt  }
0x4e: {  	_ =	shalt  }
0x4f: {  	_ =	shalt  }
0x50: {  	_ =	shalt  }
0x51: {  	_ =	shalt  }
0x52: {  	_ =	shalt  }
0x53: {  	_ =	shalt  }
0x54: {  	_ =	shalt  }
0x55: {  	_ =	shalt  }
0x56: {  	_ =	shalt  }
0x57: {  	_ =	shalt  }
0x58: {  	_ =	shalt  }
0x59: {  	_ =	shalt  }
0x5a: {  	_ =	shalt  }
0x5b: {  	_ =	shalt  }
0x5c: {  	_ =	shalt  }
0x5d: {  	_ =	shalt  }
0x5e: {  	_ =	shalt  }
0x5f: {  	_ =	shalt  }
0x60: {  	_ =	shalt  }
0x61: {  	_ =	shalt  }
0x62: {  	_ =	shalt  }
0x63: {  	_ =	shalt  }
0x64: {  	_ =	shalt  }
0x65: {  	_ =	shalt  }
0x66: {  	_ =	shalt  }
0x67: {  	_ =	shalt  }
0x68: {  	_ =	shalt  }
0x69: {  	_ =	shalt  }
0x6a: {  	_ =	shalt  }
0x6b: {  	_ =	shalt  }
0x6c: {  	_ =	shalt  }
0x6d: {  	_ =	shalt  }
0x6e: {  	_ =	shalt  }
0x6f: {  	_ =	shalt  }
0x70: {  	_ =	shalt  }
0x71: {  	_ =	shalt  }
0x72: {  	_ =	shalt  }
0x73: {  	_ =	shalt  }
0x74: {  	_ =	shalt  }
0x75: {  	_ =	shalt  }
0x76: {  	_ =	shalt  }
0x77: {  	_ =	shalt  }
0x78: {  	_ =	shalt  }
0x79: {  	_ =	shalt  }
0x7a: {  	_ =	shalt  }
0x7b: {  	_ =	shalt  }
0x7c: {  	_ =	shalt  }
0x7d: {  	_ =	shalt  }
0x7e: {  	_ =	shalt  }
0x7f: {  	_ =	shalt  }
0x80: {  	_ =	shalt  }
0x81: {  	_ =	shalt  }
0x82: {  	_ =	shalt  }
0x83: {  	_ =	shalt  }
0x84: {  	_ =	shalt  }
0x85: {  	_ =	shalt  }
0x86: {  	_ =	shalt  }
0x87: {  	_ =	shalt  }
.Lfunc_end0:
.L_simem_size_0:
called_computation.9_lowered:
.L_overlay_start_0:
0x88: {  	s2 =	sld [smem:$0x3FD9]  }
0x89: {  	s3 =	sld [smem:$0x3FFE];
	_ =	sdelay $0x1  }
0x8a: {  	s1 =	srdreg.scid  }
0x8b: {  	s0 =	sand.u32 $0x1, s1  }
0x8c: {  	s16 =	sshll.u32 s0, $0xA;
	s2 =	sadd.s32 s3, s2  }
0x8d: {  	s2 =	sadd.s32 s2, s16  }
0x8e: {  	[smem:$0x3FC2] =	sst s2  }
0x8f: {  	_ = 	snop  }
0x90: {  	(tm) =	ssettm $0x1  }
0x91: {  	s17 =	sld [smem:$0x3FFB];
	_ =	sdelay $0x3  }
0x92: {  	_ =	strace s17  }
0x93: {  	s2 =	sld [smem:$0x3FFC];
	_ =	sdelay $0x3  }
0x94: {  	_ =	strace s2  }
0x95: {  	s2 =	sld [smem:$0x3FFD];
	_ =	sdelay $0x3  }
0x96: {  	_ =	strace s2  }
0x97: {  	_ =	strace $0x8FFFFFFF  }
0x98: {  	s18 =	sld [smem:$0x3FDB];
	_ =	sdelay $0x1  }
0x99: {  	s19 =	simm.s32 $_scs_section_size  }
0x9a: {  	s4 =	simm.s32 $_size__tile_overlayer_lowered;
	s5 =	simm.s32 $_tile_overlayer_lowered  }
0x9b: {  	s22 =	simm.s32 $0x1BFF;
	s21 =	sshll.u32 s5, $0x1;
	s2 =	sadd.s32 s19, s18  }
0x9c: {  	s6 =	simm.s32 $0x0;
	s20 =	sshll.u32 s4, $0x1;
	s4 =	sadd.s32 s21, s2  }
0x9d: {  	[timem:s6], [sflag:s22] =	dma.local [hbm:s4], s20  }
0x9e: {  	_ =	swait.ge [sflag:s22], s20  }
0x9f: {  	s3 =	ssub.s32 $0x0, s20;
	[sflag:s22] =	ssyncset.done $0x0  }
0xa0: {  	[sflag:s22] =	ssyncadd.s32 s3;
	_ =	sdelay $0x1  }
0xa1: {  	s23 =	simm.s32 $0x1B8B  }
0xa2: {  	_ =	swait.ge [sflag:s23], $0x1  }
0xa3: {  	[sflag:s23] =	ssyncset.done $0x0  }
0xa4: {  	s25 =	simm.s32 $0x1B8E;
	s24 =	sld [smem:$0x3FFE];
	[sflag:s23] =	ssyncadd.s32 $0xFFFFFFFF  }
0xa5: {  	s26 =	simm.s32 $execute0_lowered;
	[smem:$0x3FD2] =	sst s25  }
0xa6: {  	s4 =	sshll.u32 s26, $0x1;
	_ =	strace $0x80000061;
	[dreg:$0x1] =	wrdreg $0xFFFFFFFF  }
0xa7: {  	s28 =	simm.s32 $_size_execute0_lowered;
	s2 =	sadd.s32 s2, s4;
	[dreg:$0x0] =	wrdreg $0x0  }
0xa8: {  	s4 =	sshll.u32 s28, $0x1;
	[dreg:$0x2] =	wrdreg s2  }
0xa9: {  	[dreg:$0x3] =	wrdreg s4  }
0xaa: {  	[dreg:$0x4] =	wrdreg $0xC0  }
0xab: {  	_ =	task [dreg:s6], $0x5FFFF  }
0xac: {  	[dreg:$0x1] =	wrdreg $0xFFFFFFFF  }
0xad: {  	[dreg:$0x0] =	wrdreg $0x60  }
0xae: {  	[dreg:$0x2] =	wrdreg s24  }
0xaf: {  	[dreg:$0x3] =	wrdreg $0x90000  }
0xb0: {  	[dreg:$0x4] =	wrdreg $0x9  }
0xb1: {  	_ =	task.clear_ibuf [dreg:s6], $0x5FFFF;
	_ =	strace $0x90000061  }
0xb2: {  	s29 =	simm.s32 $0x9;
	_ =	strace $0x80000063  }
0xb3: {  	_ =	swait.ge [sflag:s29], $0x1  }
0xb4: {  	[sflag:s29] =	ssyncadd.s32 $0xFFFFFFFF  }
0xb5: {  	_ =	strace $0x90000063  }
0xb6: {  	_ =	sfence  }
0xb7: {  	s30 =	sld [smem:$0x0];
	_ =	sdelay $0x2  }
0xb8: {  	s31 =	sshll.u32 s1, $0xD;
	s1 =	sshrl.u32 s1, $0x2  }
0xb9: {  	s3 =	sand.u32 $0x4000, s31;
	s1 =	sadd.s32 s1, s30  }
0xba: {  	s0 =	sor.u32 s3, s0;
	s1 =	sshll.u32 s1, $0x11  }
0xbb: {  	s0 =	sor.u32 s1, s0  }
0xbc: {  	s0 =	sadd.s32 $0x8F2B, s0  }
0xbd: {  	[sflag:s0] =	ssyncadd.remote.s32 $0x1  }
0xbe: {  	_ =	sfence.sel $0xFFFF  }
0xbf: {  	[dreg:$0x0] =	wrdreg $0xFFFFFFFF;
	(pc) =	sbr.abs _section_cstart, $3  }
0xc0: {  	[dreg:$0x1] =	wrdreg $0xFFFFFFFF  }
0xc1: {  	_ =	task.clear_ibuf [dreg:s6], $0x2FFFF;
	_ =	strace $0x9FFFFFFF  }
0xc2: {  	(tm) =	ssettm $0x7FFFFFFF  }
0xc3: {  	_ =	shalt  }
tec
execute0_lowered:
.L_overlay_start_1:
0x0: {  	(tag) =	ssettag $0x1  }
0x1: {  	s6 =	rddreg [dreg:$0x0]  }
0x2: {  	s1 =	rddreg [dreg:$0x1]  }
0x3: {  	s2 =	srdreg.scid;
	s0 =	rddreg [dreg:$0x2];
	s3 =	simm.s32 $0x0  }
0x4: {  	s14 =	simm.s32 $0x5000;
	s15 =	simm.s32 $0x1;
	s16 =	simm.s32 $0x2800  }
0x5: {  	s17 =	simm.s32 $0x80;
	s20 =	simm.s32 $0x0;
	s5 =	sand.u32 $0x1, s2  }
0x6: {  	s2 =	stileid.u32;
	[smem:$0x7FF] =	sst s3;
	s4 =	sshll.u32 s5, $0x4  }
0x7: {  	s8 =	smul.u32 $0x50000, s2;
	_ =	strace $0x80000062;
	s10 =	ssub.s32 $0x2, s5  }
0x8: {  	s18 =	sshll.u32 s2, $0x6;
	s7 =	sor.u32 s2, s4;
	s4 =	sadd.s32 $0x11400, s6  }
0x9: {  	s31 =	sshrl.u32 s10, $0x1;
	s18 =	sor.u32 $0x1C01, s18;
	s9 =	smul.u32 $0x500, s7  }
0xa: {  	s7 =	smul.u32 $0x2800, s7;
	s30 =	sshrl.u32 s8, $0x2;
	s13 =	ssub.s32 s10, s31  }
0xb: {  	s5 =	sadd.s32 s30, s1;
	s13 =	smax.u32 s13, $0x1;
	s11 =	sadd.s32 s9, s6  }
0xc: {  	s12 =	sadd.s32 s7, s6;
	s6 =	sadd.s32 $0x4000, s5;
	s7 =	sadd.s32 $0x8000, s5  }
0xd: {  	s8 =	sadd.s32 $0xC000, s5;
	s9 =	sadd.s32 $0x10000, s5;
	s19 =	sshrl.u32 s5, $0x3  }
0xe: {  	v0 =	vimm.f32 $0.0e+00;
	s10 =	sadd.s32 $0x61400, s11;
	s11 =	sadd.s32 $0x7400, s11;
	s12 =	sadd.s32 $0x6B400, s12  }
.LBB2_1:
0xf: {  	s21 =	sand.u32 $0xFE00, s3  }
0x10: {  	s22 =	sand.u32 $0x70, s3;
	s23 =	sshrl.u32 s21, $0x2  }
0x11: {  	s21 =	simm.s32 $0x40;
	s23 =	sor.u32 s22, s23;
	s22 =	simm.s32 $0x0  }
.LBB2_2:
0x12: {  	p0 =	sne.s32 s21, $0xFFC0  }
0x13: {  	[tilespmem:s23+$0x5000] =	vst v0;
	s22 =	sadd.s32 $0x10, s22;
	s23 =	smov.u32 s21;
	s21 =	sadd.s32 $0x40, s21  }
.Ltmp0:
0x14: {  	(pc) =	sbr.rel @p0 .LBB2_2-.Ltmp0, $4  }
0x15: {  	_ = 	snop  }
0x16: {  	s23 =	sand.u32 $0xFE00, s23  }
0x17: {  	s24 =	sand.u32 $0x70, s22;
	s23 =	sshrl.u32 s23, $0x2  }
0x18: {  	s23 =	sor.u32 s24, s23  }
0x19: {  	[tilespmem:s23+$0x5000] =	vst v0  }
0x1a: {  	[spmem:s5] =	stream.linear.scatter [tilespmem:s14], [sflag:$0x1], $0x4000, $0x38;
	[tilespmem:$0x1D000] =	vst v63  }
0x1b: {  	_ =	swait.ge [sflag:s15], $0x4000  }
0x1c: {  	[sflag:s15] =	ssyncset.done $0x0  }
0x1d: {  	[sflag:s15] =	ssyncadd.s32 $0xFFFFC000  }
0x1e: {  	[spmem:s6] =	stream.linear.scatter [tilespmem:s14], [sflag:$0x1], $0x4000, $0x38;
	[tilespmem:$0x1D000] =	vst v63  }
0x1f: {  	_ =	swait.ge [sflag:s15], $0x4000  }
0x20: {  	[sflag:s15] =	ssyncset.done $0x0  }
0x21: {  	[sflag:s15] =	ssyncadd.s32 $0xFFFFC000  }
0x22: {  	[spmem:s7] =	stream.linear.scatter [tilespmem:s14], [sflag:$0x1], $0x4000, $0x38;
	[tilespmem:$0x1D000] =	vst v63  }
0x23: {  	_ =	swait.ge [sflag:s15], $0x4000  }
0x24: {  	[sflag:s15] =	ssyncset.done $0x0  }
0x25: {  	[sflag:s15] =	ssyncadd.s32 $0xFFFFC000  }
0x26: {  	[spmem:s8] =	stream.linear.scatter [tilespmem:s14], [sflag:$0x1], $0x4000, $0x38;
	[tilespmem:$0x1D000] =	vst v63  }
0x27: {  	_ =	swait.ge [sflag:s15], $0x4000  }
0x28: {  	[sflag:s15] =	ssyncset.done $0x0  }
0x29: {  	[sflag:s15] =	ssyncadd.s32 $0xFFFFC000  }
0x2a: {  	[spmem:s9] =	stream.linear.scatter [tilespmem:s14], [sflag:$0x1], $0x4000, $0x38;
	[tilespmem:$0x1D000] =	vst v63  }
0x2b: {  	_ =	swait.ge [sflag:s15], $0x4000  }
0x2c: {  	[sflag:s15] =	ssyncset.done $0x0  }
0x2d: {  	[sflag:s15] =	ssyncadd.s32 $0xFFFFC000  }
0x2e: {  	s21 =	simm.s32 $0x0;
	[bflag:$0x0] =	sbarrier.arrive $0xFFFF  }
0x2f: {  	[tilespmem:s21], [sflag:$0x1] =	stream.linear.gather [hbm4b:s10+s21], $0x2780, $0x38;
	[tilespmem:$0x1D000] =	vst v63  }
0x30: {  	_ =	swait.ge [sflag:s15], $0x2780  }
0x31: {  	[sflag:s15] =	ssyncset.done $0x0  }
0x32: {  	[sflag:s15] =	ssyncadd.s32 $0xFFFFD880  }
0x33: {  	[tilespmem:s16], [sflag:$0x1] =	stream.linear.gather [hbm4b:s11+s21], $0x2780, $0x38;
	[tilespmem:$0x1D000] =	vst v63  }
0x34: {  	_ =	swait.ge [sflag:s15], $0x2780  }
0x35: {  	[sflag:s15] =	ssyncset.done $0x0  }
0x36: {  	[sflag:s15] =	ssyncadd.s32 $0xFFFFD880  }
0x37: {  	s30 =	simm.s32 $0x0;
	[bflag:$0x0] =	sbarrier.arrive $0xFFFF  }
0x38: {  	[tilespmem:s14], [sflag:$0x1] =	stream.indirect.gather [hbm4b:s4+s17], $0x80, s30, s17, $0xb8;
	[tilespmem:$0x1D000] =	vst v63  }
0x39: {  	_ =	swait.ge [sflag:s15], $0x4000  }
0x3a: {  	[sflag:s15] =	ssyncset.done $0x0  }
0x3b: {  	s31 =	simm.s32 $0x2800;
	[sflag:s15] =	ssyncadd.s32 $0xFFFFC000  }
0x3c: {  	[spmem:s1] =	stream.indirect.scatter.add.f32 [tilespmem:s14], [sflag:$0x1], $0x80, s31, s17, $0xb8;
	[tilespmem:$0x1D000] =	vst v63  }
0x3d: {  	_ =	swait.ge [sflag:s15], $0x4000  }
0x3e: {  	s22 =	simm.s32 $0x400;
	s21 =	simm.s32 $0x200;
	[sflag:s15] =	ssyncset.done $0x0  }
.LBB2_4:
0x3f: {  	s23 =	sshra.s32 s21, $0x2  }
0x40: {  	[sflag:s15] =	ssyncadd.s32 $0xFFFFC000;
	s21 =	smov.u32 s22;
	s24 =	sadd.s32 $0x200, s22  }
0x41: {  	[tilespmem:s14], [sflag:$0x1] =	stream.indirect.gather [hbm4b:s4+s17], $0x80, s23, s17, $0xb8;
	[tilespmem:$0x1D000] =	vst v63  }
0x42: {  	p0 =	sne.s32 s22, $0x9C00;
	_ =	swait.ge [sflag:s15], $0x4000  }
.Ltmp1:
0x43: {  	[sflag:s15] =	ssyncset.done $0x0;
	(pc) =	sbr.rel @p0 .LBB2_4-.Ltmp1, $4  }
0x44: {  	s22 =	sadd.s32 $0x2800, s23;
	[sflag:s15] =	ssyncadd.s32 $0xFFFFC000  }
0x45: {  	[spmem:s1] =	stream.indirect.scatter.add.f32 [tilespmem:s14], [sflag:$0x1], $0x80, s22, s17, $0xb8;
	[tilespmem:$0x1D000] =	vst v63  }
0x46: {  	_ =	swait.ge [sflag:s15], $0x4000  }
0x47: {  	s22 =	smov.u32 s24;
	[sflag:s15] =	ssyncset.done $0x0  }
0x48: {  	s21 =	sshra.s32 s21, $0x2;
	[sflag:s15] =	ssyncadd.s32 $0xFFFFC000  }
0x49: {  	[tilespmem:s14], [sflag:$0x1] =	stream.indirect.gather [hbm4b:s4+s17], $0x80, s21, s17, $0xb8;
	[tilespmem:$0x1D000] =	vst v63  }
0x4a: {  	_ =	swait.ge [sflag:s15], $0x4000  }
0x4b: {  	[sflag:s15] =	ssyncset.done $0x0  }
0x4c: {  	s21 =	sadd.s32 $0x2800, s21;
	[sflag:s15] =	ssyncadd.s32 $0xFFFFC000  }
0x4d: {  	[spmem:s1] =	stream.indirect.scatter.add.f32 [tilespmem:s14], [sflag:$0x1], $0x80, s21, s17, $0xb8;
	[tilespmem:$0x1D000] =	vst v63  }
0x4e: {  	_ =	swait.ge [sflag:s15], $0x4000  }
0x4f: {  	s20 =	sadd.s32 $0x1, s20;
	[sflag:s15] =	ssyncset.done $0x0  }
0x50: {  	p0 =	sne.s32 s20, s13;
	[sflag:s15] =	ssyncadd.s32 $0xFFFFC000  }
.Ltmp2:
0x51: {  	[bflag:$0x0] =	sbarrier.arrive $0xFFFF;
	(pc) =	sbr.rel @p0 .LBB2_1-.Ltmp2, $4  }
0x52: {  	[hbm:s12], [sflag:s18] =	dma.local [spmem:s19], $0x2800  }
0x53: {  	_ =	swait.ge [sflag:s15], $0x2800  }
0x54: {  	[sflag:s15] =	ssyncset.done $0x0  }
0x55: {  	[sflag:s15] =	ssyncadd.s32 $0xFFFFD800  }
0x56: {  	_ =	sfence.sel $0x180000  }
0x57: {  	[bflag:$0x0] =	sbarrier.arrive $0xFFFF  }
0x58: {  	p0 =	sne.s32 s2, $0x0;
	_ =	strace $0x90000062  }
0x59: {  	s0 =	sadd.s32 @!p0 $0x100000, s0;
	[bflag:$0x2] =	sbarrier.arrive $0xFFFF  }
0x5a: {  	[sflag:s0] =	ssyncadd.tile.s32 @!p0 $0x1;
	_ =	shalt  }
.Lfunc_end2:
_tile_overlayer_lowered:
.L_overlay_start_2:
0x5b: {  	(tag) =	ssettag $0x2  }
0x5c: {  	s0 =	rddreg [dreg:$0x0];
	s2 =	stileid.u32  }
0x5d: {  	s1 =	rddreg [dreg:$0x1];
	p0 =	sne.s32 s2, $0x0  }
0x5e: {  	s3 =	rddreg [dreg:$0x2];
	[bflag:$0x3] =	sbarrier.arrive $0xFFFF;
	s2 =	simm.s32 @!p0 $0x1C01  }
0x5f: {  	[timem:s3], [sflag:s2] =	dma.local @!p0 [hbm:s0], s1  }
0x60: {  	s0 =	simm.s32 @!p0 $0x1  }
0x61: {  	_ =	swait.ge @!p0 [sflag:s0], s1  }
0x62: {  	s1 =	ssub.s32 @!p0 $0x0, s1;
	[sflag:s0] =	ssyncset.done @!p0 $0x0  }
0x63: {  	[sflag:s0] =	ssyncadd.s32 @!p0 s1  }
0x64: {  	[bflag:$0x3] =	sbarrier.arrive $0xFFFF  }
0x65: {  	_ =	shalt  }

</sc_bundles>
